<compile_context>
chip_gen: v7x
topology: tpu7x:2x2x1
jax: 0.10.2.dev20260603
libtpu: 0.0.44.dev20260713+nightly
codegen_flags: <defaults>
</compile_context>

<pallas_src>
import functools
import math

import jax
import jax.numpy as jnp
from jax import lax
from jax.experimental import pallas as pl
from jax.experimental.pallas import tpu as pltpu
from jax.experimental.pallas import tpu_sc as plsc

N_NODES = 50000
N_EDGES = 800000
MEM_DIM = 16
T_DIM = 16
EV_DIM = 32
OUT_DIM = 32
D = 32

NP = 50176
EP = 802816
NBLK = 512
EBLK = 4096
CHUNK = 64
CPW = EP // 32 // CHUNK
STRIPE = NP // 16
ZCH = 112
INV_SQRT_D = 1.0 / math.sqrt(float(D))



def _lane_xor(t, sh, ix):
    return t + lax.gather(
        t, (ix ^ sh)[:, None],
        lax.GatherDimensionNumbers(
            offset_dims=(), collapsed_slice_dims=(0,), start_index_map=(0,)),
        (1,), mode=lax.GatherScatterMode.PROMISE_IN_BOUNDS)


def _conv_sc_entry(src_hbm, dst_hbm, e_hbm, q_hbm, k_hbm, v_hbm, z_hbm,
                   out_hbm, den_hbm,
                   idx_s, idx_d, qr, kr, vr, er, val, sv, zb, zbd,
                   shared_out, shared_den, sem, semk, semv, seme,
                   semso, semsd):
    c = lax.axis_index("c")
    s = lax.axis_index("s")
    wid = c * 16 + s
    z16 = jnp.zeros((16,), jnp.float32)

    pltpu.sync_copy(z_hbm, zb)
    for i in range(ZCH // 16):
        zbd[pl.ds(i * 16, 16)] = z16

    def _zsh(j, _):
        off = s * STRIPE + j * ZCH
        pltpu.sync_copy(zb, shared_out.at[pl.ds(off, ZCH)])
        pltpu.sync_copy(zbd, shared_den.at[pl.ds(off, ZCH)])
        return _
    lax.fori_loop(0, STRIPE // ZCH, _zsh, 0)
    plsc.subcore_barrier()

    ix = lax.iota(jnp.int32, 16)
    lane0 = ix == 0
    base0 = wid * (CPW * CHUNK)

    def _prefetch(j, b):
        bn = base0 + j * CHUNK
        pltpu.sync_copy(src_hbm.at[pl.ds(bn, CHUNK)], idx_s.at[b])
        pltpu.sync_copy(dst_hbm.at[pl.ds(bn, CHUNK)], idx_d.at[b])
        pltpu.async_copy(q_hbm.at[idx_d.at[b]], qr.at[b], sem)
        pltpu.async_copy(k_hbm.at[idx_s.at[b]], kr.at[b], semk)
        pltpu.async_copy(v_hbm.at[idx_s.at[b]], vr.at[b], semv)
        pltpu.async_copy(e_hbm.at[pl.ds(bn, CHUNK)], er.at[b], seme)

    _prefetch(0, 0)

    def _edge_one(qb, kb, vb, eb, i):
        q0 = qb[i, pl.ds(0, 16)]
        q1 = qb[i, pl.ds(16, 16)]
        k0 = kb[i, pl.ds(0, 16)]
        k1 = kb[i, pl.ds(16, 16)]
        e0 = eb[i, pl.ds(0, 16)]
        e1 = eb[i, pl.ds(16, 16)]
        t = q0 * (k0 + e0) + q1 * (k1 + e1)
        t = _lane_xor(t, 8, ix)
        t = _lane_xor(t, 4, ix)
        t = _lane_xor(t, 2, ix)
        t = _lane_xor(t, 1, ix)
        sexp = jnp.exp(t * INV_SQRT_D)
        v0 = vb[i, pl.ds(0, 16)]
        v1 = vb[i, pl.ds(16, 16)]
        val[i, pl.ds(0, 16)] = (v0 + e0) * sexp
        val[i, pl.ds(16, 16)] = (v1 + e1) * sexp
        plsc.store_scatter(
            sv, [jnp.full((16,), i, jnp.int32)], sexp, mask=lane0)

    def _chunk(j, carry):
        b = lax.rem(j, 2)
        nb = 1 - b

        @pl.when(j > 0)
        def _ws():
            pltpu.make_async_copy(
                val, shared_out.at[idx_d.at[nb]], semso).wait()
            pltpu.make_async_copy(
                sv, shared_den.at[idx_d.at[nb]], semsd).wait()

        @pl.when(j + 1 < CPW)
        def _pf():
            _prefetch(j + 1, nb)

        pltpu.make_async_copy(q_hbm.at[idx_d.at[b]], qr.at[b], sem).wait()
        pltpu.make_async_copy(k_hbm.at[idx_s.at[b]], kr.at[b], semk).wait()
        pltpu.make_async_copy(v_hbm.at[idx_s.at[b]], vr.at[b], semv).wait()
        pltpu.make_async_copy(
            e_hbm.at[pl.ds(base0, CHUNK)], er.at[b], seme).wait()
        qb, kb, vb, eb = qr.at[b], kr.at[b], vr.at[b], er.at[b]

        def _edge(i, _):
            _edge_one(qb, kb, vb, eb, i * 2)
            _edge_one(qb, kb, vb, eb, i * 2 + 1)
            return _
        lax.fori_loop(0, CHUNK // 2, _edge, 0)

        pltpu.async_copy(val, shared_out.at[idx_d.at[b]], semso, add=True)
        pltpu.async_copy(sv, shared_den.at[idx_d.at[b]], semsd, add=True)
        return carry
    lax.fori_loop(0, CPW, _chunk, 0)
    pltpu.make_async_copy(val, shared_out.at[idx_d.at[1]], semso).wait()
    pltpu.make_async_copy(sv, shared_den.at[idx_d.at[1]], semsd).wait()
    plsc.subcore_barrier()

    def _flush(j, _):
        off = s * STRIPE + j * ZCH
        pltpu.sync_copy(shared_out.at[pl.ds(off, ZCH)], zb)
        pltpu.sync_copy(zb, out_hbm.at[c, pl.ds(off, ZCH)])
        pltpu.sync_copy(shared_den.at[pl.ds(off, ZCH)], zbd)
        pltpu.sync_copy(zbd, den_hbm.at[pl.ds(c * NP + off, ZCH)])
        return _
    lax.fori_loop(0, STRIPE // ZCH, _flush, 0)


def _conv_sc(src_pad, dst_pad, e_pad, q_tab, k_tab, v_tab):
    mesh = plsc.VectorSubcoreMesh(core_axis_name="c", subcore_axis_name="s")
    f = pl.kernel(
        _conv_sc_entry,
        out_type=[
            jax.ShapeDtypeStruct((2, NP, D), jnp.float32),
            jax.ShapeDtypeStruct((2 * NP,), jnp.float32),
        ],
        mesh=mesh,
        compiler_params=pltpu.CompilerParams(
            needs_layout_passes=False, use_tc_tiling_on_sc=False),
        scratch_types=[
            pltpu.VMEM((2, CHUNK), jnp.int32),
            pltpu.VMEM((2, CHUNK), jnp.int32),
            pltpu.VMEM((2, CHUNK, D), jnp.float32),
            pltpu.VMEM((2, CHUNK, D), jnp.float32),
            pltpu.VMEM((2, CHUNK, D), jnp.float32),
            pltpu.VMEM((2, CHUNK, D), jnp.float32),
            pltpu.VMEM((CHUNK, D), jnp.float32),
            pltpu.VMEM((CHUNK,), jnp.float32),
            pltpu.VMEM((ZCH, D), jnp.float32),
            pltpu.VMEM((ZCH,), jnp.float32),
            pltpu.VMEM_SHARED((NP, D), jnp.float32),
            pltpu.VMEM_SHARED((NP,), jnp.float32),
            pltpu.SemaphoreType.DMA,
            pltpu.SemaphoreType.DMA,
            pltpu.SemaphoreType.DMA,
            pltpu.SemaphoreType.DMA,
            pltpu.SemaphoreType.DMA,
            pltpu.SemaphoreType.DMA,
        ],
    )
    zeros = jnp.zeros((ZCH, D), jnp.float32)
    return f(src_pad, dst_pad, e_pad, q_tab, k_tab, v_tab, zeros)



def _eprep_kernel(ets_ref, elu_ref, ef_ref, tw_ref, tb_ref, w1_ref, w2_ref,
                  e1_ref, e2_ref):
    rel = ets_ref[...] - elu_ref[...]
    re = jnp.cos(rel * tw_ref[...] + tb_ref[...])
    ea = jnp.concatenate([re, ef_ref[...]], axis=1)
    e1_ref[...] = ea @ w1_ref[...].T
    e2_ref[...] = ea @ w2_ref[...].T


def _eprep(ets_p, elu_p, ef_p, tw, tb, w1, w2):
    grid = (EP // EBLK,)
    return pl.pallas_call(
        _eprep_kernel,
        grid=grid,
        in_specs=[
            pl.BlockSpec((EBLK, 1), lambda i: (i, 0)),
            pl.BlockSpec((EBLK, 1), lambda i: (i, 0)),
            pl.BlockSpec((EBLK, EV_DIM), lambda i: (i, 0)),
            pl.BlockSpec((1, T_DIM), lambda i: (0, 0)),
            pl.BlockSpec((1, T_DIM), lambda i: (0, 0)),
            pl.BlockSpec((D, T_DIM + EV_DIM), lambda i: (0, 0)),
            pl.BlockSpec((D, T_DIM + EV_DIM), lambda i: (0, 0)),
        ],
        out_specs=[
            pl.BlockSpec((EBLK, D), lambda i: (i, 0)),
            pl.BlockSpec((EBLK, D), lambda i: (i, 0)),
        ],
        out_shape=[
            jax.ShapeDtypeStruct((EP, D), jnp.float32),
            jax.ShapeDtypeStruct((EP, D), jnp.float32),
        ],
    )(ets_p, elu_p, ef_p, tw, tb, w1, w2)



def _gru_proj_kernel(agg_ref, mem_ref, hv_ref, nf_ref,
                     wih_ref, whh_ref, bih_ref, bhh_ref,
                     wq_ref, bq_ref, wk_ref, bk_ref, wv_ref, bv_ref,
                     ws_ref, bs_ref,
                     x_ref, q_ref, k_ref, v_ref, sk_ref):
    mem = mem_ref[...]
    gi = agg_ref[...] @ wih_ref[...].T + bih_ref[...]
    gh = mem @ whh_ref[...].T + bhh_ref[...]
    r = jax.nn.sigmoid(gi[:, 0:16] + gh[:, 0:16])
    z = jax.nn.sigmoid(gi[:, 16:32] + gh[:, 16:32])
    n = jnp.tanh(gi[:, 32:48] + r * gh[:, 32:48])
    newm = (1.0 - z) * n + z * mem
    mem2 = jnp.where(hv_ref[...] > 0, newm, mem)
    x = jnp.concatenate([nf_ref[...], mem2], axis=1)
    x_ref[...] = x
    q_ref[...] = x @ wq_ref[...].T + bq_ref[...]
    k_ref[...] = x @ wk_ref[...].T + bk_ref[...]
    v_ref[...] = x @ wv_ref[...].T + bv_ref[...]
    sk_ref[...] = x @ ws_ref[...].T + bs_ref[...]


def _gru_proj(agg_p, mem_p, hv_p, nf_p, wih, whh, bih, bhh,
              wq, bq, wk, bk, wv, bv, ws, bs):
    grid = (NP // NBLK,)
    GIN = EV_DIM + MEM_DIM
    row = lambda i: (i, 0)
    fixed = lambda i: (0, 0)
    return pl.pallas_call(
        _gru_proj_kernel,
        grid=grid,
        in_specs=[
            pl.BlockSpec((NBLK, 88), row),
            pl.BlockSpec((NBLK, MEM_DIM), row),
            pl.BlockSpec((NBLK, 1), row),
            pl.BlockSpec((NBLK, EV_DIM), row),
            pl.BlockSpec((48, 88), fixed),
            pl.BlockSpec((48, MEM_DIM), fixed),
            pl.BlockSpec((1, 48), fixed),
            pl.BlockSpec((1, 48), fixed),
            pl.BlockSpec((D, GIN), fixed),
            pl.BlockSpec((1, D), fixed),
            pl.BlockSpec((D, GIN), fixed),
            pl.BlockSpec((1, D), fixed),
            pl.BlockSpec((D, GIN), fixed),
            pl.BlockSpec((1, D), fixed),
            pl.BlockSpec((D, GIN), fixed),
            pl.BlockSpec((1, D), fixed),
        ],
        out_specs=[
            pl.BlockSpec((NBLK, GIN), row),
            pl.BlockSpec((NBLK, D), row),
            pl.BlockSpec((NBLK, D), row),
            pl.BlockSpec((NBLK, D), row),
            pl.BlockSpec((NBLK, D), row),
        ],
        out_shape=[
            jax.ShapeDtypeStruct((NP, GIN), jnp.float32),
            jax.ShapeDtypeStruct((NP, D), jnp.float32),
            jax.ShapeDtypeStruct((NP, D), jnp.float32),
            jax.ShapeDtypeStruct((NP, D), jnp.float32),
            jax.ShapeDtypeStruct((NP, D), jnp.float32),
        ],
    )(agg_p, mem_p, hv_p, nf_p, wih, whh, bih, bhh,
      wq, bq, wk, bk, wv, bv, ws, bs)



def _norm_proj2_kernel(o0_ref, o1_ref, d0_ref, d1_ref, sk_ref, x_ref,
                       wq_ref, bq_ref, wk_ref, bk_ref, wv_ref, bv_ref,
                       ws_ref, bs_ref,
                       q_ref, k_ref, v_ref, sk2_ref):
    den = jnp.maximum(d0_ref[...] + d1_ref[...], 1e-16)
    h1 = (o0_ref[...] + o1_ref[...]) / den + sk_ref[...]
    x2 = jnp.concatenate([h1, x_ref[...]], axis=1)
    q_ref[...] = x2 @ wq_ref[...].T + bq_ref[...]
    k_ref[...] = x2 @ wk_ref[...].T + bk_ref[...]
    v_ref[...] = x2 @ wv_ref[...].T + bv_ref[...]
    sk2_ref[...] = x2 @ ws_ref[...].T + bs_ref[...]


def _norm_proj2(o0, o1, d0, d1, sk, x, wq, bq, wk, bk, wv, bv, ws, bs):
    grid = (NP // NBLK,)
    D2 = D + EV_DIM + MEM_DIM
    row = lambda i: (i, 0)
    fixed = lambda i: (0, 0)
    return pl.pallas_call(
        _norm_proj2_kernel,
        grid=grid,
        in_specs=[
            pl.BlockSpec((NBLK, D), row),
            pl.BlockSpec((NBLK, D), row),
            pl.BlockSpec((NBLK, 1), row),
            pl.BlockSpec((NBLK, 1), row),
            pl.BlockSpec((NBLK, D), row),
            pl.BlockSpec((NBLK, EV_DIM + MEM_DIM), row),
            pl.BlockSpec((D, D2), fixed),
            pl.BlockSpec((1, D), fixed),
            pl.BlockSpec((D, D2), fixed),
            pl.BlockSpec((1, D), fixed),
            pl.BlockSpec((D, D2), fixed),
            pl.BlockSpec((1, D), fixed),
            pl.BlockSpec((D, D2), fixed),
            pl.BlockSpec((1, D), fixed),
        ],
        out_specs=[
            pl.BlockSpec((NBLK, D), row),
            pl.BlockSpec((NBLK, D), row),
            pl.BlockSpec((NBLK, D), row),
            pl.BlockSpec((NBLK, D), row),
        ],
        out_shape=[
            jax.ShapeDtypeStruct((NP, D), jnp.float32),
            jax.ShapeDtypeStruct((NP, D), jnp.float32),
            jax.ShapeDtypeStruct((NP, D), jnp.float32),
            jax.ShapeDtypeStruct((NP, D), jnp.float32),
        ],
    )(o0, o1, d0, d1, sk, x, wq, bq, wk, bk, wv, bv, ws, bs)



def _norm_final_kernel(o0_ref, o1_ref, d0_ref, d1_ref, sk_ref,
                       w_ref, b_ref, out_ref):
    den = jnp.maximum(d0_ref[...] + d1_ref[...], 1e-16)
    h2 = (o0_ref[...] + o1_ref[...]) / den + sk_ref[...]
    out_ref[...] = h2 @ w_ref[...].T + b_ref[...]


def _norm_final(o0, o1, d0, d1, sk, w, b):
    grid = (NP // NBLK,)
    row = lambda i: (i, 0)
    fixed = lambda i: (0, 0)
    return pl.pallas_call(
        _norm_final_kernel,
        grid=grid,
        in_specs=[
            pl.BlockSpec((NBLK, D), row),
            pl.BlockSpec((NBLK, D), row),
            pl.BlockSpec((NBLK, 1), row),
            pl.BlockSpec((NBLK, 1), row),
            pl.BlockSpec((NBLK, D), row),
            pl.BlockSpec((OUT_DIM, D), fixed),
            pl.BlockSpec((1, OUT_DIM), fixed),
        ],
        out_specs=pl.BlockSpec((NBLK, OUT_DIM), row),
        out_shape=jax.ShapeDtypeStruct((NP, OUT_DIM), jnp.float32),
    )(o0, o1, d0, d1, sk, w, b)



def kernel(node_event_type_ids, node_event_node_ids, node_event_embeddings,
           node_event_timestamps, node_event_mask, edge_event_type_ids,
           edge_event_src_ids, edge_event_dst_ids, edge_event_edge_ids,
           edge_event_embeddings, edge_event_timestamps, edge_event_mask,
           memory, node_features, edge_index, edge_features, edge_timestamps,
           edge_last_update, type_emb, time_w, time_b, gru_w_ih, gru_w_hh,
           gru_b_ih, gru_b_hh, b1_wq, b1_bq, b1_wk, b1_bk, b1_wv, b1_bv,
           b1_we, b1_wskip, b1_bskip, b2_wq, b2_bq, b2_wk, b2_bk, b2_wv,
           b2_bv, b2_we, b2_wskip, b2_bskip, lin_w, lin_b):
    tw, tb = time_w, time_b
    mem = memory

    nte = type_emb[node_event_type_ids]
    nmem = mem[node_event_node_ids]
    nt = jnp.cos(node_event_timestamps[:, None] * tw + tb)
    node_msgs = jnp.concatenate(
        [nte, nmem, jnp.zeros_like(nmem), nt, node_event_embeddings],
        axis=-1) * node_event_mask[:, None]
    ete = type_emb[edge_event_type_ids]
    smem = mem[edge_event_src_ids]
    dmem = mem[edge_event_dst_ids]
    rel = edge_event_timestamps - edge_last_update[edge_event_edge_ids]
    rt = jnp.cos(rel[:, None] * tw + tb)
    src_msgs = jnp.concatenate(
        [ete, smem, dmem, rt, edge_event_embeddings],
        axis=-1) * edge_event_mask[:, None]
    dst_msgs = jnp.concatenate(
        [ete, dmem, smem, rt, edge_event_embeddings],
        axis=-1) * edge_event_mask[:, None]
    ev_ids = jnp.concatenate(
        [node_event_node_ids, edge_event_src_ids, edge_event_dst_ids])
    msgs = jnp.concatenate([node_msgs, src_msgs, dst_msgs], axis=0)
    agg = jax.ops.segment_sum(msgs, ev_ids, num_segments=N_NODES)
    has_ev = jnp.zeros((N_NODES,), dtype=jnp.float32).at[ev_ids].set(1.0)

    padn = ((0, NP - N_NODES), (0, 0))
    agg_p = jnp.pad(agg, padn)
    mem_p = jnp.pad(mem, padn)
    hv_p = jnp.pad(has_ev[:, None], padn)
    nf_p = jnp.pad(node_features, padn)

    pade = (0, EP - N_EDGES)
    ets_p = jnp.pad(edge_timestamps, pade)[:, None]
    elu_p = jnp.pad(edge_last_update, pade)[:, None]
    ef_p = jnp.pad(edge_features, (pade, (0, 0)))
    src_p = jnp.pad(edge_index[0].astype(jnp.int32), pade,
                    constant_values=N_NODES)
    dst_p = jnp.pad(edge_index[1].astype(jnp.int32), pade,
                    constant_values=N_NODES)

    e1_p, e2_p = _eprep(ets_p, elu_p, ef_p, tw[None, :], tb[None, :],
                        b1_we, b2_we)

    x_p, q1, k1, v1, sk1 = _gru_proj(
        agg_p, mem_p, hv_p, nf_p,
        gru_w_ih, gru_w_hh, gru_b_ih[None, :], gru_b_hh[None, :],
        b1_wq, b1_bq[None, :], b1_wk, b1_bk[None, :],
        b1_wv, b1_bv[None, :], b1_wskip, b1_bskip[None, :])

    out1, den1 = _conv_sc(src_p, dst_p, e1_p, q1, k1, v1)

    q2, k2, v2, sk2 = _norm_proj2(
        out1[0], out1[1], den1[:NP][:, None], den1[NP:][:, None], sk1, x_p,
        b2_wq, b2_bq[None, :], b2_wk, b2_bk[None, :],
        b2_wv, b2_bv[None, :], b2_wskip, b2_bskip[None, :])

    out2, den2 = _conv_sc(src_p, dst_p, e2_p, q2, k2, v2)

    res = _norm_final(out2[0], out2[1], den2[:NP][:, None], den2[NP:][:, None],
                      sk2, lin_w, lin_b[None, :])
    return res[:N_NODES]

# --- scband reference (transcript-rebuilt; emitter-appended) ---
"""Pipeline reference for scband-temporal-graph-network-51917564674486 (READ-ONLY COPY).

The authoritative reference and input builder live on the scoring server;
editing this copy changes nothing except your own understanding.
"""

import jax, jax.numpy as jnp
import numpy as np

N_NODES = 50000
N_EDGES = 800000
N_NODE_EV = 10000
N_EDGE_EV = 10000
N_ETYPES = 7
ET_DIM = 8
MEM_DIM = 16
T_DIM = 16
EV_DIM = 32
OUT_DIM = 32
HEADS = 1
HO = HEADS * OUT_DIM
MSG_DIM = ET_DIM + 2 * MEM_DIM + T_DIM + EV_DIM
GNN_IN = EV_DIM + MEM_DIM
EDGE_DIM = T_DIM + EV_DIM
PNAMES = ['wq', 'bq', 'wk', 'bk', 'wv', 'bv', 'we', 'wskip', 'bskip']

def _p(k, shape, s=0.05):
    return jax.random.normal(k, shape, jnp.float32) * s

def setup_inputs(seed: int = 0):
    key = jax.random.key(seed)
    k = [jax.random.fold_in(key, i) for i in range(64)]
    inp = {}
    inp['node_event_type_ids'] = jax.random.randint(k[0], (N_NODE_EV,), 0, N_ETYPES)
    inp['node_event_node_ids'] = jax.random.randint(k[1], (N_NODE_EV,), 0, N_NODES)
    inp['node_event_embeddings'] = jax.random.normal(k[2], (N_NODE_EV, EV_DIM), jnp.float32)
    inp['node_event_timestamps'] = jax.random.uniform(k[3], (N_NODE_EV,), jnp.float32)
    inp['node_event_mask'] = jax.random.uniform(k[4], (N_NODE_EV,), jnp.float32)
    inp['edge_event_type_ids'] = jax.random.randint(k[5], (N_EDGE_EV,), 0, N_ETYPES)
    inp['edge_event_src_ids'] = jax.random.randint(k[6], (N_EDGE_EV,), 0, N_NODES)
    inp['edge_event_dst_ids'] = jax.random.randint(k[7], (N_EDGE_EV,), 0, N_NODES)
    inp['edge_event_edge_ids'] = jax.random.randint(k[8], (N_EDGE_EV,), 0, N_EDGES)
    inp['edge_event_embeddings'] = jax.random.normal(k[9], (N_EDGE_EV, EV_DIM), jnp.float32)
    inp['edge_event_timestamps'] = jax.random.uniform(k[10], (N_EDGE_EV,), jnp.float32)
    inp['edge_event_mask'] = jax.random.uniform(k[11], (N_EDGE_EV,), jnp.float32)
    inp['memory'] = jax.random.normal(k[12], (N_NODES, MEM_DIM), jnp.float32)
    inp['node_features'] = jax.random.normal(k[13], (N_NODES, EV_DIM), jnp.float32)
    inp['edge_index'] = jax.random.randint(k[14], (2, N_EDGES), 0, N_NODES)
    inp['edge_features'] = jax.random.normal(k[15], (N_EDGES, EV_DIM), jnp.float32)
    inp['edge_timestamps'] = jax.random.uniform(k[16], (N_EDGES,), jnp.float32)
    inp['edge_last_update'] = jax.random.uniform(k[17], (N_EDGES,), jnp.float32)
    inp['type_emb'] = _p(k[18], (N_ETYPES, ET_DIM), 1.0)
    inp['time_w'] = _p(k[19], (T_DIM,), 1.0)
    inp['time_b'] = _p(k[20], (T_DIM,), 1.0)
    inp['gru_w_ih'] = _p(k[21], (3 * MEM_DIM, MSG_DIM))
    inp['gru_w_hh'] = _p(k[22], (3 * MEM_DIM, MEM_DIM))
    inp['gru_b_ih'] = _p(k[23], (3 * MEM_DIM,))
    inp['gru_b_hh'] = _p(k[24], (3 * MEM_DIM,))
    d1 = GNN_IN
    dims1 = [(HO, d1), (HO,), (HO, d1), (HO,), (HO, d1), (HO,), (HO, EDGE_DIM), (HO, d1), (HO,)]
    for i, (n, s) in enumerate(zip(PNAMES, dims1)):
        inp['b1_' + n] = _p(k[25 + i], s)
    d2 = GNN_IN + HO
    dims2 = [(HO, d2), (HO,), (HO, d2), (HO,), (HO, d2), (HO,), (HO, EDGE_DIM), (HO, d2), (HO,)]
    for i, (n, s) in enumerate(zip(PNAMES, dims2)):
        inp['b2_' + n] = _p(k[40 + i], s)
    inp['lin_w'] = _p(k[60], (OUT_DIM, HO))
    inp['lin_b'] = _p(k[61], (OUT_DIM,))
    return inp

def _gru(x, h, w_ih, w_hh, b_ih, b_hh):
    gi = x @ w_ih.T + b_ih
    gh = h @ w_hh.T + b_hh
    ir, iz, inn = jnp.split(gi, 3, axis=-1)
    hr, hz, hn = jnp.split(gh, 3, axis=-1)
    r = jax.nn.sigmoid(ir + hr)
    z = jax.nn.sigmoid(iz + hz)
    nn_ = jnp.tanh(inn + r * hn)
    return (1.0 - z) * nn_ + z * h

def _tconv(x, src, dst, edge_attr, wq, bq, wk, bk, wv, bv, we, wskip, bskip):
    n = x.shape[0]
    H, C = HEADS, OUT_DIM
    q = (x @ wq.T + bq)[dst].reshape(-1, H, C)
    kk = (x @ wk.T + bk)[src].reshape(-1, H, C)
    vv = (x @ wv.T + bv)[src].reshape(-1, H, C)
    e = (edge_attr @ we.T).reshape(-1, H, C)
    kk = kk + e
    vv = vv + e
    logits = (q * kk).sum(-1) / jnp.sqrt(float(C))
    m = jax.ops.segment_max(logits, dst, num_segments=n)
    m = jnp.where(jnp.isfinite(m), m, 0.0)
    ex = jnp.exp(logits - m[dst])
    den = jax.ops.segment_sum(ex, dst, num_segments=n)
    alpha = ex / jnp.maximum(den[dst], 1e-16)
    out = jax.ops.segment_sum(vv * alpha[:, :, None], dst, num_segments=n)
    return out.reshape(n, H * C) + x @ wskip.T + bskip

def _forward(d):
    tw, tb = d['time_w'], d['time_b']
    mem = d['memory']
    nte = d['type_emb'][d['node_event_type_ids']]
    nmem = mem[d['node_event_node_ids']]
    nt = jnp.cos(d['node_event_timestamps'][:, None] * tw + tb)
    node_msgs = jnp.concatenate([nte, nmem, jnp.zeros_like(nmem), nt, d['node_event_embeddings']], axis=-1) * d['node_event_mask'][:, None]
    ete = d['type_emb'][d['edge_event_type_ids']]
    smem = mem[d['edge_event_src_ids']]
    dmem = mem[d['edge_event_dst_ids']]
    rel = d['edge_event_timestamps'] - d['edge_last_update'][d['edge_event_edge_ids']]
    rt = jnp.cos(rel[:, None] * tw + tb)
    src_msgs = jnp.concatenate([ete, smem, dmem, rt, d['edge_event_embeddings']], axis=-1) * d['edge_event_mask'][:, None]
    dst_msgs = jnp.concatenate([ete, dmem, smem, rt, d['edge_event_embeddings']], axis=-1) * d['edge_event_mask'][:, None]
    ev_ids = jnp.concatenate([d['node_event_node_ids'], d['edge_event_src_ids'], d['edge_event_dst_ids']])
    msgs = jnp.concatenate([node_msgs, src_msgs, dst_msgs], axis=0)
    agg = jax.ops.segment_sum(msgs, ev_ids, num_segments=N_NODES)
    has_ev = jnp.zeros((N_NODES,), dtype=bool).at[ev_ids].set(True)
    new_mem = _gru(agg, mem, d['gru_w_ih'], d['gru_w_hh'], d['gru_b_ih'], d['gru_b_hh'])
    mem2 = jnp.where(has_ev[:, None], new_mem, mem)
    rel_e = d['edge_timestamps'] - d['edge_last_update']
    rel_emb = jnp.cos(rel_e[:, None] * tw + tb)
    x = jnp.concatenate([d['node_features'], mem2], axis=-1)
    edge_attr = jnp.concatenate([rel_emb, d['edge_features']], axis=-1)
    src = d['edge_index'][0]
    dst = d['edge_index'][1]
    p1 = [d['b1_' + s] for s in PNAMES]
    p2 = [d['b2_' + s] for s in PNAMES]
    h = _tconv(x, src, dst, edge_attr, *p1)
    h = _tconv(jnp.concatenate([h, x], axis=-1), src, dst, edge_attr, *p2)
    return h @ d['lin_w'].T + d['lin_b']

def reference(node_event_type_ids, node_event_node_ids, node_event_embeddings,
              node_event_timestamps, node_event_mask, edge_event_type_ids,
              edge_event_src_ids, edge_event_dst_ids, edge_event_edge_ids,
              edge_event_embeddings, edge_event_timestamps, edge_event_mask,
              memory, node_features, edge_index, edge_features, edge_timestamps,
              edge_last_update, type_emb, time_w, time_b, gru_w_ih, gru_w_hh,
              gru_b_ih, gru_b_hh, b1_wq, b1_bq, b1_wk, b1_bk, b1_wv, b1_bv,
              b1_we, b1_wskip, b1_bskip, b2_wq, b2_bq, b2_wk, b2_bk, b2_wv,
              b2_bv, b2_we, b2_wskip, b2_bskip, lin_w, lin_b):
    inp = dict(locals())
    return _forward(inp)

if __name__ == "__main__":
    import jax
    _d = setup_inputs()
    print(jax.jit(kernel)(*tuple(_d.values())))

</pallas_src>

<mosaic_0001>
#map = affine_map<(d0, d1) -> (0)>
#map1 = affine_map<(d0, d1) -> (0, 0)>
#map2 = affine_map<(d0, d1) -> (0, 0, 0)>
module attributes {stable_mosaic.version = 14 : i64} {
  func.func @_conv_sc_entry(%arg0: i32, %arg1: i32, %arg2: memref<802816xi32, #tpu.memory_space<hbm>>, %arg3: memref<802816xi32, #tpu.memory_space<hbm>>, %arg4: memref<802816x32xf32, #tpu.memory_space<hbm>>, %arg5: memref<50176x32xf32, #tpu.memory_space<hbm>>, %arg6: memref<50176x32xf32, #tpu.memory_space<hbm>>, %arg7: memref<50176x32xf32, #tpu.memory_space<hbm>>, %arg8: memref<112x32xf32, #tpu.memory_space<hbm>>, %arg9: memref<2x50176x32xf32, #tpu.memory_space<hbm>>, %arg10: memref<100352xf32, #tpu.memory_space<hbm>>, %arg11: memref<2x64xi32, #tpu.memory_space<vmem>>, %arg12: memref<2x64xi32, #tpu.memory_space<vmem>>, %arg13: memref<2x64x32xf32, #tpu.memory_space<vmem>>, %arg14: memref<2x64x32xf32, #tpu.memory_space<vmem>>, %arg15: memref<2x64x32xf32, #tpu.memory_space<vmem>>, %arg16: memref<2x64x32xf32, #tpu.memory_space<vmem>>, %arg17: memref<64x32xf32, #tpu.memory_space<vmem>>, %arg18: memref<64xf32, #tpu.memory_space<vmem>>, %arg19: memref<112x32xf32, #tpu.memory_space<vmem>>, %arg20: memref<112xf32, #tpu.memory_space<vmem>>, %arg21: memref<50176x32xf32, #tpu.memory_space<vmem_shared>>, %arg22: memref<50176xf32, #tpu.memory_space<vmem_shared>>, %arg23: memref<!tpu.dma_semaphore, #tpu.memory_space<semaphore_mem>>, %arg24: memref<!tpu.dma_semaphore, #tpu.memory_space<semaphore_mem>>, %arg25: memref<!tpu.dma_semaphore, #tpu.memory_space<semaphore_mem>>, %arg26: memref<!tpu.dma_semaphore, #tpu.memory_space<semaphore_mem>>, %arg27: memref<!tpu.dma_semaphore, #tpu.memory_space<semaphore_mem>>, %arg28: memref<!tpu.dma_semaphore, #tpu.memory_space<semaphore_mem>>) attributes {dimension_semantics = [#tpu.dimension_semantics<core_parallel>, #tpu.dimension_semantics<subcore_parallel>], iteration_bounds = array<i64: 2, 16>, scalar_prefetch = 0 : i64, scratch_operands = 18 : i64, tpu.core_type = #tpu.core_type<sc_vector_subcore>, window_params = [{transform_indices = #map}, {transform_indices = #map}, {transform_indices = #map1}, {transform_indices = #map1}, {transform_indices = #map1}, {transform_indices = #map1}, {transform_indices = #map1}, {transform_indices = #map2}, {transform_indices = #map}]} {
    %mul3A = arith.constant 16 : i32
    %mul3A_0 = arith.muli %arg0, %mul3A : i32
    %add3A = arith.addi %mul3A_0, %arg1 : i32
    %broadcast_in_dim3A = arith.constant 0.000000e+00 : f32
    %broadcast_in_dim3A_1 = vector.broadcast %broadcast_in_dim3A : f32 to vector<16xf32>
    "tpu.region"() ({
      %run_scoped3A_100 = tpu.sem_alloc : memref<!tpu.dma_semaphore, #tpu.memory_space<semaphore_mem>>
      tpu.enqueue_dma source(%arg8 : memref<112x32xf32, #tpu.memory_space<hbm>>) target(%arg19 : memref<112x32xf32, #tpu.memory_space<vmem>>) target_semaphore(%run_scoped3A_100 : memref<!tpu.dma_semaphore, #tpu.memory_space<semaphore_mem>>)
      tpu.wait_dma2 semaphore(%run_scoped3A_100 : memref<!tpu.dma_semaphore, #tpu.memory_space<semaphore_mem>>) src(%arg8 : memref<112x32xf32, #tpu.memory_space<hbm>>) dst(%arg19 : memref<112x32xf32, #tpu.memory_space<vmem>>)
      tpu.yield
    }) : () -> ()
    %swap3A = arith.constant 0 : index
    %swap3A_2 = tpu.vector_load %arg20[%swap3A] {strides = array<i32>} : memref<112xf32, #tpu.memory_space<vmem>>, vector<16xf32>,
    tpu.vector_store %arg20[%swap3A], %broadcast_in_dim3A_1 {strides = array<i32>} : memref<112xf32, #tpu.memory_space<vmem>>, vector<16xf32>,
    %swap3A_3 = arith.constant 16 : index
    %swap3A_4 = tpu.vector_load %arg20[%swap3A_3] {strides = array<i32>} : memref<112xf32, #tpu.memory_space<vmem>>, vector<16xf32>,
    tpu.vector_store %arg20[%swap3A_3], %broadcast_in_dim3A_1 {strides = array<i32>} : memref<112xf32, #tpu.memory_space<vmem>>, vector<16xf32>,
    %swap3A_5 = arith.constant 32 : index
    %swap3A_6 = tpu.vector_load %arg20[%swap3A_5] {strides = array<i32>} : memref<112xf32, #tpu.memory_space<vmem>>, vector<16xf32>,
    tpu.vector_store %arg20[%swap3A_5], %broadcast_in_dim3A_1 {strides = array<i32>} : memref<112xf32, #tpu.memory_space<vmem>>, vector<16xf32>,
    %swap3A_7 = arith.constant 48 : index
    %swap3A_8 = tpu.vector_load %arg20[%swap3A_7] {strides = array<i32>} : memref<112xf32, #tpu.memory_space<vmem>>, vector<16xf32>,
    tpu.vector_store %arg20[%swap3A_7], %broadcast_in_dim3A_1 {strides = array<i32>} : memref<112xf32, #tpu.memory_space<vmem>>, vector<16xf32>,
    %swap3A_9 = arith.constant 64 : index
    %swap3A_10 = tpu.vector_load %arg20[%swap3A_9] {strides = array<i32>} : memref<112xf32, #tpu.memory_space<vmem>>, vector<16xf32>,
    tpu.vector_store %arg20[%swap3A_9], %broadcast_in_dim3A_1 {strides = array<i32>} : memref<112xf32, #tpu.memory_space<vmem>>, vector<16xf32>,
    %swap3A_11 = arith.constant 80 : index
    %swap3A_12 = tpu.vector_load %arg20[%swap3A_11] {strides = array<i32>} : memref<112xf32, #tpu.memory_space<vmem>>, vector<16xf32>,
    tpu.vector_store %arg20[%swap3A_11], %broadcast_in_dim3A_1 {strides = array<i32>} : memref<112xf32, #tpu.memory_space<vmem>>, vector<16xf32>,
    %swap3A_13 = arith.constant 96 : index
    %swap3A_14 = tpu.vector_load %arg20[%swap3A_13] {strides = array<i32>} : memref<112xf32, #tpu.memory_space<vmem>>, vector<16xf32>,
    tpu.vector_store %arg20[%swap3A_13], %broadcast_in_dim3A_1 {strides = array<i32>} : memref<112xf32, #tpu.memory_space<vmem>>, vector<16xf32>,
    %scan3A = arith.constant 0 : i32
    %scan3A_15 = arith.constant 0 : i32
    %scan3A_16 = arith.constant 28 : i32
    %scan3A_17 = arith.addi %scan3A_15, %scan3A_16 : i32
    %scan3A_18 = arith.constant 1 : i32
    scf.for %scan3A_100 = %scan3A_15 to %scan3A_17 step %scan3A_18  : i32 {
      %mul3A_101 = arith.constant 3136 : i32
      %mul3A_102 = arith.muli %arg1, %mul3A_101 : i32
      %mul3A_103 = arith.constant 112 : i32
      %mul3A_104 = arith.muli %scan3A_100, %mul3A_103 : i32
      %add3A_105 = arith.addi %mul3A_102, %mul3A_104 : i32
      "tpu.region"() ({
        %run_scoped3A_106 = tpu.sem_alloc : memref<!tpu.dma_semaphore, #tpu.memory_space<semaphore_mem>>
        %dma_start3A_107 = arith.constant 0 : i32
        %dma_start3A_108 = tpu.memref_slice %arg21[%add3A_105, %dma_start3A_107] : memref<50176x32xf32, #tpu.memory_space<vmem_shared>> -> memref<112x32xf32, #tpu.memory_space<vmem_shared>>
        %dma_start3A_109 = arith.constant 0 : i32
        %dma_start3A_110 = tpu.memref_slice %arg21[%add3A_105, %dma_start3A_109] : memref<50176x32xf32, #tpu.memory_space<vmem_shared>> -> memref<112x32xf32, #tpu.memory_space<vmem_shared>>
        tpu.enqueue_dma source(%arg19 : memref<112x32xf32, #tpu.memory_space<vmem>>) target(%dma_start3A_110 : memref<112x32xf32, #tpu.memory_space<vmem_shared>>) target_semaphore(%run_scoped3A_106 : memref<!tpu.dma_semaphore, #tpu.memory_space<semaphore_mem>>)
        %dma_wait3A_111 = arith.constant 0 : i32
        %dma_wait3A_112 = tpu.memref_slice %arg21[%add3A_105, %dma_wait3A_111] : memref<50176x32xf32, #tpu.memory_space<vmem_shared>> -> memref<112x32xf32, #tpu.memory_space<vmem_shared>>
        %dma_wait3A_113 = arith.constant 0 : i32
        %dma_wait3A_114 = tpu.memref_slice %arg21[%add3A_105, %dma_wait3A_113] : memref<50176x32xf32, #tpu.memory_space<vmem_shared>> -> memref<112x32xf32, #tpu.memory_space<vmem_shared>>
        tpu.wait_dma2 semaphore(%run_scoped3A_106 : memref<!tpu.dma_semaphore, #tpu.memory_space<semaphore_mem>>) src(%arg19 : memref<112x32xf32, #tpu.memory_space<vmem>>) dst(%dma_wait3A_114 : memref<112x32xf32, #tpu.memory_space<vmem_shared>>)
        tpu.yield
      }) : () -> ()
      "tpu.region"() ({
        %run_scoped3A_106 = tpu.sem_alloc : memref<!tpu.dma_semaphore, #tpu.memory_space<semaphore_mem>>
        %dma_start3A_107 = tpu.memref_slice %arg22[%add3A_105] : memref<50176xf32, #tpu.memory_space<vmem_shared>> -> memref<112xf32, #tpu.memory_space<vmem_shared>>
        %dma_start3A_108 = tpu.memref_slice %arg22[%add3A_105] : memref<50176xf32, #tpu.memory_space<vmem_shared>> -> memref<112xf32, #tpu.memory_space<vmem_shared>>
        tpu.enqueue_dma source(%arg20 : memref<112xf32, #tpu.memory_space<vmem>>) target(%dma_start3A_108 : memref<112xf32, #tpu.memory_space<vmem_shared>>) target_semaphore(%run_scoped3A_106 : memref<!tpu.dma_semaphore, #tpu.memory_space<semaphore_mem>>)
        %dma_wait3A_109 = tpu.memref_slice %arg22[%add3A_105] : memref<50176xf32, #tpu.memory_space<vmem_shared>> -> memref<112xf32, #tpu.memory_space<vmem_shared>>
        %dma_wait3A_110 = tpu.memref_slice %arg22[%add3A_105] : memref<50176xf32, #tpu.memory_space<vmem_shared>> -> memref<112xf32, #tpu.memory_space<vmem_shared>>
        tpu.wait_dma2 semaphore(%run_scoped3A_106 : memref<!tpu.dma_semaphore, #tpu.memory_space<semaphore_mem>>) src(%arg20 : memref<112xf32, #tpu.memory_space<vmem>>) dst(%dma_wait3A_110 : memref<112xf32, #tpu.memory_space<vmem_shared>>)
        tpu.yield
      }) : () -> ()
    }
    %scan3A_19 = arith.constant 28 : i32
    %barrier3A = arith.constant 0 : index
    tpu.barrier barrier_id(%barrier3A)
    %iota3A = tpu.iota {dimensions = array<i32: 0>} : vector<16xi32>
    %eq3A = arith.constant 0 : i32
    %eq3A_20 = vector.broadcast %eq3A : i32 to vector<16xi32>
    %eq3A_21 = arith.cmpi eq, %iota3A, %eq3A_20 : vector<16xi32>
    %mul3A_22 = arith.constant 25088 : i32
    %mul3A_23 = arith.muli %add3A, %mul3A_22 : i32
    %add3A_24 = arith.constant 0 : i32
    %add3A_25 = arith.addi %mul3A_23, %add3A_24 : i32
    %run_scoped3A = arith.constant 0 : i32
    "tpu.region"() ({
      %run_scoped3A_100 = tpu.sem_alloc : memref<!tpu.dma_semaphore, #tpu.memory_space<semaphore_mem>>
      %dma_start3A_101 = arith.constant 0 : i32
      %dma_start3A_102 = tpu.memref_slice %arg11[%run_scoped3A, %dma_start3A_101] : memref<2x64xi32, #tpu.memory_space<vmem>> -> memref<1x64xi32, #tpu.memory_space<vmem>>
      %dma_start3A_103 = tpu.memref_squeeze %dma_start3A_102 : memref<1x64xi32, #tpu.memory_space<vmem>> -> memref<64xi32, #tpu.memory_space<vmem>>
      %dma_start3A_104 = tpu.memref_slice %arg2[%add3A_25] : memref<802816xi32, #tpu.memory_space<hbm>> -> memref<64xi32, #tpu.memory_space<hbm>>
      %dma_start3A_105 = arith.constant 0 : i32
      %dma_start3A_106 = tpu.memref_slice %arg11[%run_scoped3A, %dma_start3A_105] : memref<2x64xi32, #tpu.memory_space<vmem>> -> memref<1x64xi32, #tpu.memory_space<vmem>>
      %dma_start3A_107 = tpu.memref_squeeze %dma_start3A_106 : memref<1x64xi32, #tpu.memory_space<vmem>> -> memref<64xi32, #tpu.memory_space<vmem>>
      %dma_start3A_108 = tpu.memref_slice %arg2[%add3A_25] : memref<802816xi32, #tpu.memory_space<hbm>> -> memref<64xi32, #tpu.memory_space<hbm>>
      tpu.enqueue_dma source(%dma_start3A_108 : memref<64xi32, #tpu.memory_space<hbm>>) target(%dma_start3A_107 : memref<64xi32, #tpu.memory_space<vmem>>) target_semaphore(%run_scoped3A_100 : memref<!tpu.dma_semaphore, #tpu.memory_space<semaphore_mem>>)
      %dma_wait3A_109 = arith.constant 0 : i32
      %dma_wait3A_110 = tpu.memref_slice %arg11[%run_scoped3A, %dma_wait3A_109] : memref<2x64xi32, #tpu.memory_space<vmem>> -> memref<1x64xi32, #tpu.memory_space<vmem>>
      %dma_wait3A_111 = tpu.memref_squeeze %dma_wait3A_110 : memref<1x64xi32, #tpu.memory_space<vmem>> -> memref<64xi32, #tpu.memory_space<vmem>>
      %dma_wait3A_112 = tpu.memref_slice %arg2[%add3A_25] : memref<802816xi32, #tpu.memory_space<hbm>> -> memref<64xi32, #tpu.memory_space<hbm>>
      %dma_wait3A_113 = arith.constant 0 : i32
      %dma_wait3A_114 = tpu.memref_slice %arg11[%run_scoped3A, %dma_wait3A_113] : memref<2x64xi32, #tpu.memory_space<vmem>> -> memref<1x64xi32, #tpu.memory_space<vmem>>
      %dma_wait3A_115 = tpu.memref_squeeze %dma_wait3A_114 : memref<1x64xi32, #tpu.memory_space<vmem>> -> memref<64xi32, #tpu.memory_space<vmem>>
      %dma_wait3A_116 = tpu.memref_slice %arg2[%add3A_25] : memref<802816xi32, #tpu.memory_space<hbm>> -> memref<64xi32, #tpu.memory_space<hbm>>
      tpu.wait_dma2 semaphore(%run_scoped3A_100 : memref<!tpu.dma_semaphore, #tpu.memory_space<semaphore_mem>>) src(%dma_wait3A_116 : memref<64xi32, #tpu.memory_space<hbm>>) dst(%dma_wait3A_115 : memref<64xi32, #tpu.memory_space<vmem>>)
      tpu.yield
    }) : () -> ()
    %run_scoped3A_26 = arith.constant 0 : i32
    "tpu.region"() ({
      %run_scoped3A_100 = tpu.sem_alloc : memref<!tpu.dma_semaphore, #tpu.memory_space<semaphore_mem>>
      %dma_start3A_101 = arith.constant 0 : i32
      %dma_start3A_102 = tpu.memref_slice %arg12[%run_scoped3A_26, %dma_start3A_101] : memref<2x64xi32, #tpu.memory_space<vmem>> -> memref<1x64xi32, #tpu.memory_space<vmem>>
      %dma_start3A_103 = tpu.memref_squeeze %dma_start3A_102 : memref<1x64xi32, #tpu.memory_space<vmem>> -> memref<64xi32, #tpu.memory_space<vmem>>
      %dma_start3A_104 = tpu.memref_slice %arg3[%add3A_25] : memref<802816xi32, #tpu.memory_space<hbm>> -> memref<64xi32, #tpu.memory_space<hbm>>
      %dma_start3A_105 = arith.constant 0 : i32
      %dma_start3A_106 = tpu.memref_slice %arg12[%run_scoped3A_26, %dma_start3A_105] : memref<2x64xi32, #tpu.memory_space<vmem>> -> memref<1x64xi32, #tpu.memory_space<vmem>>
      %dma_start3A_107 = tpu.memref_squeeze %dma_start3A_106 : memref<1x64xi32, #tpu.memory_space<vmem>> -> memref<64xi32, #tpu.memory_space<vmem>>
      %dma_start3A_108 = tpu.memref_slice %arg3[%add3A_25] : memref<802816xi32, #tpu.memory_space<hbm>> -> memref<64xi32, #tpu.memory_space<hbm>>
      tpu.enqueue_dma source(%dma_start3A_108 : memref<64xi32, #tpu.memory_space<hbm>>) target(%dma_start3A_107 : memref<64xi32, #tpu.memory_space<vmem>>) target_semaphore(%run_scoped3A_100 : memref<!tpu.dma_semaphore, #tpu.memory_space<semaphore_mem>>)
      %dma_wait3A_109 = arith.constant 0 : i32
      %dma_wait3A_110 = tpu.memref_slice %arg12[%run_scoped3A_26, %dma_wait3A_109] : memref<2x64xi32, #tpu.memory_space<vmem>> -> memref<1x64xi32, #tpu.memory_space<vmem>>
      %dma_wait3A_111 = tpu.memref_squeeze %dma_wait3A_110 : memref<1x64xi32, #tpu.memory_space<vmem>> -> memref<64xi32, #tpu.memory_space<vmem>>
      %dma_wait3A_112 = tpu.memref_slice %arg3[%add3A_25] : memref<802816xi32, #tpu.memory_space<hbm>> -> memref<64xi32, #tpu.memory_space<hbm>>
      %dma_wait3A_113 = arith.constant 0 : i32
      %dma_wait3A_114 = tpu.memref_slice %arg12[%run_scoped3A_26, %dma_wait3A_113] : memref<2x64xi32, #tpu.memory_space<vmem>> -> memref<1x64xi32, #tpu.memory_space<vmem>>
      %dma_wait3A_115 = tpu.memref_squeeze %dma_wait3A_114 : memref<1x64xi32, #tpu.memory_space<vmem>> -> memref<64xi32, #tpu.memory_space<vmem>>
      %dma_wait3A_116 = tpu.memref_slice %arg3[%add3A_25] : memref<802816xi32, #tpu.memory_space<hbm>> -> memref<64xi32, #tpu.memory_space<hbm>>
      tpu.wait_dma2 semaphore(%run_scoped3A_100 : memref<!tpu.dma_semaphore, #tpu.memory_space<semaphore_mem>>) src(%dma_wait3A_116 : memref<64xi32, #tpu.memory_space<hbm>>) dst(%dma_wait3A_115 : memref<64xi32, #tpu.memory_space<vmem>>)
      tpu.yield
    }) : () -> ()
    %dma_start3A = arith.constant 0 : i32
    %dma_start3A_27 = arith.constant 0 : i32
    %dma_start3A_28 = arith.constant 0 : i32
    %dma_start3A_29 = arith.constant 0 : i32
    %dma_start3A_30 = tpu.memref_slice %arg13[%dma_start3A_27, %dma_start3A_28, %dma_start3A_29] : memref<2x64x32xf32, #tpu.memory_space<vmem>> -> memref<1x64x32xf32, #tpu.memory_space<vmem>>
    %dma_start3A_31 = tpu.memref_squeeze %dma_start3A_30 : memref<1x64x32xf32, #tpu.memory_space<vmem>> -> memref<64x32xf32, #tpu.memory_space<vmem>>
    %dma_start3A_32 = arith.constant 0 : i32
    %dma_start3A_33 = tpu.memref_slice %arg12[%dma_start3A, %dma_start3A_32] : memref<2x64xi32, #tpu.memory_space<vmem>> -> memref<1x64xi32, #tpu.memory_space<vmem>>
    %dma_start3A_34 = tpu.memref_squeeze %dma_start3A_33 : memref<1x64xi32, #tpu.memory_space<vmem>> -> memref<64xi32, #tpu.memory_space<vmem>>
    %dma_start3A_35 = arith.constant 0 : i32
    %dma_start3A_36 = arith.constant 0 : i32
    %dma_start3A_37 = tpu.memref_slice %arg5[%dma_start3A_35, %dma_start3A_36] : memref<50176x32xf32, #tpu.memory_space<hbm>> -> memref<50176x32xf32, #tpu.memory_space<hbm>>
    tpu.enqueue_indirect_dma source(%dma_start3A_37 : memref<50176x32xf32, #tpu.memory_space<hbm>>) target(%dma_start3A_31 : memref<64x32xf32, #tpu.memory_space<vmem>>) offsets(%dma_start3A_34 : memref<64xi32, #tpu.memory_space<vmem>>) semaphore(%arg23 : memref<!tpu.dma_semaphore, #tpu.memory_space<semaphore_mem>>)
    %dma_start3A_38 = arith.constant 0 : i32
    %dma_start3A_39 = arith.constant 0 : i32
    %dma_start3A_40 = arith.constant 0 : i32
    %dma_start3A_41 = arith.constant 0 : i32
    %dma_start3A_42 = tpu.memref_slice %arg14[%dma_start3A_39, %dma_start3A_40, %dma_start3A_41] : memref<2x64x32xf32, #tpu.memory_space<vmem>> -> memref<1x64x32xf32, #tpu.memory_space<vmem>>
    %dma_start3A_43 = tpu.memref_squeeze %dma_start3A_42 : memref<1x64x32xf32, #tpu.memory_space<vmem>> -> memref<64x32xf32, #tpu.memory_space<vmem>>
    %dma_start3A_44 = arith.constant 0 : i32
    %dma_start3A_45 = tpu.memref_slice %arg11[%dma_start3A_38, %dma_start3A_44] : memref<2x64xi32, #tpu.memory_space<vmem>> -> memref<1x64xi32, #tpu.memory_space<vmem>>
    %dma_start3A_46 = tpu.memref_squeeze %dma_start3A_45 : memref<1x64xi32, #tpu.memory_space<vmem>> -> memref<64xi32, #tpu.memory_space<vmem>>
    %dma_start3A_47 = arith.constant 0 : i32
    %dma_start3A_48 = arith.constant 0 : i32
    %dma_start3A_49 = tpu.memref_slice %arg6[%dma_start3A_47, %dma_start3A_48] : memref<50176x32xf32, #tpu.memory_space<hbm>> -> memref<50176x32xf32, #tpu.memory_space<hbm>>
    tpu.enqueue_indirect_dma source(%dma_start3A_49 : memref<50176x32xf32, #tpu.memory_space<hbm>>) target(%dma_start3A_43 : memref<64x32xf32, #tpu.memory_space<vmem>>) offsets(%dma_start3A_46 : memref<64xi32, #tpu.memory_space<vmem>>) semaphore(%arg24 : memref<!tpu.dma_semaphore, #tpu.memory_space<semaphore_mem>>)
    %dma_start3A_50 = arith.constant 0 : i32
    %dma_start3A_51 = arith.constant 0 : i32
    %dma_start3A_52 = arith.constant 0 : i32
    %dma_start3A_53 = arith.constant 0 : i32
    %dma_start3A_54 = tpu.memref_slice %arg15[%dma_start3A_51, %dma_start3A_52, %dma_start3A_53] : memref<2x64x32xf32, #tpu.memory_space<vmem>> -> memref<1x64x32xf32, #tpu.memory_space<vmem>>
    %dma_start3A_55 = tpu.memref_squeeze %dma_start3A_54 : memref<1x64x32xf32, #tpu.memory_space<vmem>> -> memref<64x32xf32, #tpu.memory_space<vmem>>
    %dma_start3A_56 = arith.constant 0 : i32
    %dma_start3A_57 = tpu.memref_slice %arg11[%dma_start3A_50, %dma_start3A_56] : memref<2x64xi32, #tpu.memory_space<vmem>> -> memref<1x64xi32, #tpu.memory_space<vmem>>
    %dma_start3A_58 = tpu.memref_squeeze %dma_start3A_57 : memref<1x64xi32, #tpu.memory_space<vmem>> -> memref<64xi32, #tpu.memory_space<vmem>>
    %dma_start3A_59 = arith.constant 0 : i32
    %dma_start3A_60 = arith.constant 0 : i32
    %dma_start3A_61 = tpu.memref_slice %arg7[%dma_start3A_59, %dma_start3A_60] : memref<50176x32xf32, #tpu.memory_space<hbm>> -> memref<50176x32xf32, #tpu.memory_space<hbm>>
    tpu.enqueue_indirect_dma source(%dma_start3A_61 : memref<50176x32xf32, #tpu.memory_space<hbm>>) target(%dma_start3A_55 : memref<64x32xf32, #tpu.memory_space<vmem>>) offsets(%dma_start3A_58 : memref<64xi32, #tpu.memory_space<vmem>>) semaphore(%arg25 : memref<!tpu.dma_semaphore, #tpu.memory_space<semaphore_mem>>)
    %dma_start3A_62 = arith.constant 0 : i32
    %dma_start3A_63 = arith.constant 0 : i32
    %dma_start3A_64 = arith.constant 0 : i32
    %dma_start3A_65 = tpu.memref_slice %arg16[%dma_start3A_62, %dma_start3A_63, %dma_start3A_64] : memref<2x64x32xf32, #tpu.memory_space<vmem>> -> memref<1x64x32xf32, #tpu.memory_space<vmem>>
    %dma_start3A_66 = tpu.memref_squeeze %dma_start3A_65 : memref<1x64x32xf32, #tpu.memory_space<vmem>> -> memref<64x32xf32, #tpu.memory_space<vmem>>
    %dma_start3A_67 = arith.constant 0 : i32
    %dma_start3A_68 = tpu.memref_slice %arg4[%add3A_25, %dma_start3A_67] : memref<802816x32xf32, #tpu.memory_space<hbm>> -> memref<64x32xf32, #tpu.memory_space<hbm>>
    %dma_start3A_69 = arith.constant 0 : i32
    %dma_start3A_70 = arith.constant 0 : i32
    %dma_start3A_71 = tpu.memref_slice %arg16[%dma_start3A_62, %dma_start3A_69, %dma_start3A_70] : memref<2x64x32xf32, #tpu.memory_space<vmem>> -> memref<1x64x32xf32, #tpu.memory_space<vmem>>
    %dma_start3A_72 = tpu.memref_squeeze %dma_start3A_71 : memref<1x64x32xf32, #tpu.memory_space<vmem>> -> memref<64x32xf32, #tpu.memory_space<vmem>>
    %dma_start3A_73 = arith.constant 0 : i32
    %dma_start3A_74 = tpu.memref_slice %arg4[%add3A_25, %dma_start3A_73] : memref<802816x32xf32, #tpu.memory_space<hbm>> -> memref<64x32xf32, #tpu.memory_space<hbm>>
    tpu.enqueue_dma source(%dma_start3A_74 : memref<64x32xf32, #tpu.memory_space<hbm>>) target(%dma_start3A_72 : memref<64x32xf32, #tpu.memory_space<vmem>>) target_semaphore(%arg26 : memref<!tpu.dma_semaphore, #tpu.memory_space<semaphore_mem>>)
    %scan3A_75 = arith.constant 0 : i32
    %scan3A_76 = arith.constant 0 : i32
    %scan3A_77 = arith.constant 392 : i32
    %scan3A_78 = arith.addi %scan3A_76, %scan3A_77 : i32
    %scan3A_79 = arith.constant 1 : i32
    scf.for %scan3A_100 = %scan3A_76 to %scan3A_78 step %scan3A_79  : i32 {
      %rem3A = arith.constant 2 : i32
      %rem3A_101 = arith.remsi %scan3A_100, %rem3A : i32
      %sub3A = arith.constant 1 : i32
      %sub3A_102 = arith.subi %sub3A, %rem3A_101 : i32
      %gt3A = arith.constant 0 : i32
      %gt3A_103 = arith.cmpi sgt, %scan3A_100, %gt3A : i32
      %convert_element_type3A = arith.extui %gt3A_103 : i1 to i32
      %cond3A = arith.constant 0 : i32
      %cond3A_104 = arith.cmpi ne, %convert_element_type3A, %cond3A : i32
      scf.if %cond3A_104 {
        %dma_wait3A_170 = arith.constant 0 : i32
        %dma_wait3A_171 = tpu.memref_slice %arg12[%sub3A_102, %dma_wait3A_170] : memref<2x64xi32, #tpu.memory_space<vmem>> -> memref<1x64xi32, #tpu.memory_space<vmem>>
        %dma_wait3A_172 = tpu.memref_squeeze %dma_wait3A_171 : memref<1x64xi32, #tpu.memory_space<vmem>> -> memref<64xi32, #tpu.memory_space<vmem>>
        %dma_wait3A_173 = arith.constant 0 : i32
        %dma_wait3A_174 = arith.constant 0 : i32
        %dma_wait3A_175 = tpu.memref_slice %arg21[%dma_wait3A_173, %dma_wait3A_174] : memref<50176x32xf32, #tpu.memory_space<vmem_shared>> -> memref<50176x32xf32, #tpu.memory_space<vmem_shared>>
        tpu.wait_indirect_dma semaphore(%arg27 : memref<!tpu.dma_semaphore, #tpu.memory_space<semaphore_mem>>) src(%arg17 : memref<64x32xf32, #tpu.memory_space<vmem>>) dst(%dma_wait3A_175 : memref<50176x32xf32, #tpu.memory_space<vmem_shared>>)
        %dma_wait3A_176 = arith.constant 0 : i32
        %dma_wait3A_177 = tpu.memref_slice %arg12[%sub3A_102, %dma_wait3A_176] : memref<2x64xi32, #tpu.memory_space<vmem>> -> memref<1x64xi32, #tpu.memory_space<vmem>>
        %dma_wait3A_178 = tpu.memref_squeeze %dma_wait3A_177 : memref<1x64xi32, #tpu.memory_space<vmem>> -> memref<64xi32, #tpu.memory_space<vmem>>
        %dma_wait3A_179 = arith.constant 0 : i32
        %dma_wait3A_180 = tpu.memref_slice %arg22[%dma_wait3A_179] : memref<50176xf32, #tpu.memory_space<vmem_shared>> -> memref<50176xf32, #tpu.memory_space<vmem_shared>>
        tpu.wait_indirect_dma semaphore(%arg28 : memref<!tpu.dma_semaphore, #tpu.memory_space<semaphore_mem>>) src(%arg18 : memref<64xf32, #tpu.memory_space<vmem>>) dst(%dma_wait3A_180 : memref<50176xf32, #tpu.memory_space<vmem_shared>>)
      } else {
      }
      %add3A_105 = arith.constant 1 : i32
      %add3A_106 = arith.addi %scan3A_100, %add3A_105 : i32
      %lt3A = arith.constant 392 : i32
      %lt3A_107 = arith.cmpi slt, %add3A_106, %lt3A : i32
      %convert_element_type3A_108 = arith.extui %lt3A_107 : i1 to i32
      %cond3A_109 = arith.constant 0 : i32
      %cond3A_110 = arith.cmpi ne, %convert_element_type3A_108, %cond3A_109 : i32
      scf.if %cond3A_110 {
        %add3A_170 = arith.constant 1 : i32
        %add3A_171 = arith.addi %scan3A_100, %add3A_170 : i32
        %mul3A_172 = arith.constant 64 : i32
        %mul3A_173 = arith.muli %add3A_171, %mul3A_172 : i32
        %add3A_174 = arith.addi %mul3A_23, %mul3A_173 : i32
        "tpu.region"() ({
          %run_scoped3A_217 = tpu.sem_alloc : memref<!tpu.dma_semaphore, #tpu.memory_space<semaphore_mem>>
          %dma_start3A_218 = arith.constant 0 : i32
          %dma_start3A_219 = tpu.memref_slice %arg11[%sub3A_102, %dma_start3A_218] : memref<2x64xi32, #tpu.memory_space<vmem>> -> memref<1x64xi32, #tpu.memory_space<vmem>>
          %dma_start3A_220 = tpu.memref_squeeze %dma_start3A_219 : memref<1x64xi32, #tpu.memory_space<vmem>> -> memref<64xi32, #tpu.memory_space<vmem>>
          %dma_start3A_221 = tpu.memref_slice %arg2[%add3A_174] : memref<802816xi32, #tpu.memory_space<hbm>> -> memref<64xi32, #tpu.memory_space<hbm>>
          %dma_start3A_222 = arith.constant 0 : i32
          %dma_start3A_223 = tpu.memref_slice %arg11[%sub3A_102, %dma_start3A_222] : memref<2x64xi32, #tpu.memory_space<vmem>> -> memref<1x64xi32, #tpu.memory_space<vmem>>
          %dma_start3A_224 = tpu.memref_squeeze %dma_start3A_223 : memref<1x64xi32, #tpu.memory_space<vmem>> -> memref<64xi32, #tpu.memory_space<vmem>>
          %dma_start3A_225 = tpu.memref_slice %arg2[%add3A_174] : memref<802816xi32, #tpu.memory_space<hbm>> -> memref<64xi32, #tpu.memory_space<hbm>>
          tpu.enqueue_dma source(%dma_start3A_225 : memref<64xi32, #tpu.memory_space<hbm>>) target(%dma_start3A_224 : memref<64xi32, #tpu.memory_space<vmem>>) target_semaphore(%run_scoped3A_217 : memref<!tpu.dma_semaphore, #tpu.memory_space<semaphore_mem>>)
          %dma_wait3A_226 = arith.constant 0 : i32
          %dma_wait3A_227 = tpu.memref_slice %arg11[%sub3A_102, %dma_wait3A_226] : memref<2x64xi32, #tpu.memory_space<vmem>> -> memref<1x64xi32, #tpu.memory_space<vmem>>
          %dma_wait3A_228 = tpu.memref_squeeze %dma_wait3A_227 : memref<1x64xi32, #tpu.memory_space<vmem>> -> memref<64xi32, #tpu.memory_space<vmem>>
          %dma_wait3A_229 = tpu.memref_slice %arg2[%add3A_174] : memref<802816xi32, #tpu.memory_space<hbm>> -> memref<64xi32, #tpu.memory_space<hbm>>
          %dma_wait3A_230 = arith.constant 0 : i32
          %dma_wait3A_231 = tpu.memref_slice %arg11[%sub3A_102, %dma_wait3A_230] : memref<2x64xi32, #tpu.memory_space<vmem>> -> memref<1x64xi32, #tpu.memory_space<vmem>>
          %dma_wait3A_232 = tpu.memref_squeeze %dma_wait3A_231 : memref<1x64xi32, #tpu.memory_space<vmem>> -> memref<64xi32, #tpu.memory_space<vmem>>
          %dma_wait3A_233 = tpu.memref_slice %arg2[%add3A_174] : memref<802816xi32, #tpu.memory_space<hbm>> -> memref<64xi32, #tpu.memory_space<hbm>>
          tpu.wait_dma2 semaphore(%run_scoped3A_217 : memref<!tpu.dma_semaphore, #tpu.memory_space<semaphore_mem>>) src(%dma_wait3A_233 : memref<64xi32, #tpu.memory_space<hbm>>) dst(%dma_wait3A_232 : memref<64xi32, #tpu.memory_space<vmem>>)
          tpu.yield
        }) : () -> ()
        "tpu.region"() ({
          %run_scoped3A_217 = tpu.sem_alloc : memref<!tpu.dma_semaphore, #tpu.memory_space<semaphore_mem>>
          %dma_start3A_218 = arith.constant 0 : i32
          %dma_start3A_219 = tpu.memref_slice %arg12[%sub3A_102, %dma_start3A_218] : memref<2x64xi32, #tpu.memory_space<vmem>> -> memref<1x64xi32, #tpu.memory_space<vmem>>
          %dma_start3A_220 = tpu.memref_squeeze %dma_start3A_219 : memref<1x64xi32, #tpu.memory_space<vmem>> -> memref<64xi32, #tpu.memory_space<vmem>>
          %dma_start3A_221 = tpu.memref_slice %arg3[%add3A_174] : memref<802816xi32, #tpu.memory_space<hbm>> -> memref<64xi32, #tpu.memory_space<hbm>>
          %dma_start3A_222 = arith.constant 0 : i32
          %dma_start3A_223 = tpu.memref_slice %arg12[%sub3A_102, %dma_start3A_222] : memref<2x64xi32, #tpu.memory_space<vmem>> -> memref<1x64xi32, #tpu.memory_space<vmem>>
          %dma_start3A_224 = tpu.memref_squeeze %dma_start3A_223 : memref<1x64xi32, #tpu.memory_space<vmem>> -> memref<64xi32, #tpu.memory_space<vmem>>
          %dma_start3A_225 = tpu.memref_slice %arg3[%add3A_174] : memref<802816xi32, #tpu.memory_space<hbm>> -> memref<64xi32, #tpu.memory_space<hbm>>
          tpu.enqueue_dma source(%dma_start3A_225 : memref<64xi32, #tpu.memory_space<hbm>>) target(%dma_start3A_224 : memref<64xi32, #tpu.memory_space<vmem>>) target_semaphore(%run_scoped3A_217 : memref<!tpu.dma_semaphore, #tpu.memory_space<semaphore_mem>>)
          %dma_wait3A_226 = arith.constant 0 : i32
          %dma_wait3A_227 = tpu.memref_slice %arg12[%sub3A_102, %dma_wait3A_226] : memref<2x64xi32, #tpu.memory_space<vmem>> -> memref<1x64xi32, #tpu.memory_space<vmem>>
          %dma_wait3A_228 = tpu.memref_squeeze %dma_wait3A_227 : memref<1x64xi32, #tpu.memory_space<vmem>> -> memref<64xi32, #tpu.memory_space<vmem>>
          %dma_wait3A_229 = tpu.memref_slice %arg3[%add3A_174] : memref<802816xi32, #tpu.memory_space<hbm>> -> memref<64xi32, #tpu.memory_space<hbm>>
          %dma_wait3A_230 = arith.constant 0 : i32
          %dma_wait3A_231 = tpu.memref_slice %arg12[%sub3A_102, %dma_wait3A_230] : memref<2x64xi32, #tpu.memory_space<vmem>> -> memref<1x64xi32, #tpu.memory_space<vmem>>
          %dma_wait3A_232 = tpu.memref_squeeze %dma_wait3A_231 : memref<1x64xi32, #tpu.memory_space<vmem>> -> memref<64xi32, #tpu.memory_space<vmem>>
          %dma_wait3A_233 = tpu.memref_slice %arg3[%add3A_174] : memref<802816xi32, #tpu.memory_space<hbm>> -> memref<64xi32, #tpu.memory_space<hbm>>
          tpu.wait_dma2 semaphore(%run_scoped3A_217 : memref<!tpu.dma_semaphore, #tpu.memory_space<semaphore_mem>>) src(%dma_wait3A_233 : memref<64xi32, #tpu.memory_space<hbm>>) dst(%dma_wait3A_232 : memref<64xi32, #tpu.memory_space<vmem>>)
          tpu.yield
        }) : () -> ()
        %dma_start3A_175 = arith.constant 0 : i32
        %dma_start3A_176 = arith.constant 0 : i32
        %dma_start3A_177 = tpu.memref_slice %arg13[%sub3A_102, %dma_start3A_175, %dma_start3A_176] : memref<2x64x32xf32, #tpu.memory_space<vmem>> -> memref<1x64x32xf32, #tpu.memory_space<vmem>>
        %dma_start3A_178 = tpu.memref_squeeze %dma_start3A_177 : memref<1x64x32xf32, #tpu.memory_space<vmem>> -> memref<64x32xf32, #tpu.memory_space<vmem>>
        %dma_start3A_179 = arith.constant 0 : i32
        %dma_start3A_180 = tpu.memref_slice %arg12[%sub3A_102, %dma_start3A_179] : memref<2x64xi32, #tpu.memory_space<vmem>> -> memref<1x64xi32, #tpu.memory_space<vmem>>
        %dma_start3A_181 = tpu.memref_squeeze %dma_start3A_180 : memref<1x64xi32, #tpu.memory_space<vmem>> -> memref<64xi32, #tpu.memory_space<vmem>>
        %dma_start3A_182 = arith.constant 0 : i32
        %dma_start3A_183 = arith.constant 0 : i32
        %dma_start3A_184 = tpu.memref_slice %arg5[%dma_start3A_182, %dma_start3A_183] : memref<50176x32xf32, #tpu.memory_space<hbm>> -> memref<50176x32xf32, #tpu.memory_space<hbm>>
        tpu.enqueue_indirect_dma source(%dma_start3A_184 : memref<50176x32xf32, #tpu.memory_space<hbm>>) target(%dma_start3A_178 : memref<64x32xf32, #tpu.memory_space<vmem>>) offsets(%dma_start3A_181 : memref<64xi32, #tpu.memory_space<vmem>>) semaphore(%arg23 : memref<!tpu.dma_semaphore, #tpu.memory_space<semaphore_mem>>)
        %dma_start3A_185 = arith.constant 0 : i32
        %dma_start3A_186 = arith.constant 0 : i32
        %dma_start3A_187 = tpu.memref_slice %arg14[%sub3A_102, %dma_start3A_185, %dma_start3A_186] : memref<2x64x32xf32, #tpu.memory_space<vmem>> -> memref<1x64x32xf32, #tpu.memory_space<vmem>>
        %dma_start3A_188 = tpu.memref_squeeze %dma_start3A_187 : memref<1x64x32xf32, #tpu.memory_space<vmem>> -> memref<64x32xf32, #tpu.memory_space<vmem>>
        %dma_start3A_189 = arith.constant 0 : i32
        %dma_start3A_190 = tpu.memref_slice %arg11[%sub3A_102, %dma_start3A_189] : memref<2x64xi32, #tpu.memory_space<vmem>> -> memref<1x64xi32, #tpu.memory_space<vmem>>
        %dma_start3A_191 = tpu.memref_squeeze %dma_start3A_190 : memref<1x64xi32, #tpu.memory_space<vmem>> -> memref<64xi32, #tpu.memory_space<vmem>>
        %dma_start3A_192 = arith.constant 0 : i32
        %dma_start3A_193 = arith.constant 0 : i32
        %dma_start3A_194 = tpu.memref_slice %arg6[%dma_start3A_192, %dma_start3A_193] : memref<50176x32xf32, #tpu.memory_space<hbm>> -> memref<50176x32xf32, #tpu.memory_space<hbm>>
        tpu.enqueue_indirect_dma source(%dma_start3A_194 : memref<50176x32xf32, #tpu.memory_space<hbm>>) target(%dma_start3A_188 : memref<64x32xf32, #tpu.memory_space<vmem>>) offsets(%dma_start3A_191 : memref<64xi32, #tpu.memory_space<vmem>>) semaphore(%arg24 : memref<!tpu.dma_semaphore, #tpu.memory_space<semaphore_mem>>)
        %dma_start3A_195 = arith.constant 0 : i32
        %dma_start3A_196 = arith.constant 0 : i32
        %dma_start3A_197 = tpu.memref_slice %arg15[%sub3A_102, %dma_start3A_195, %dma_start3A_196] : memref<2x64x32xf32, #tpu.memory_space<vmem>> -> memref<1x64x32xf32, #tpu.memory_space<vmem>>
        %dma_start3A_198 = tpu.memref_squeeze %dma_start3A_197 : memref<1x64x32xf32, #tpu.memory_space<vmem>> -> memref<64x32xf32, #tpu.memory_space<vmem>>
        %dma_start3A_199 = arith.constant 0 : i32
        %dma_start3A_200 = tpu.memref_slice %arg11[%sub3A_102, %dma_start3A_199] : memref<2x64xi32, #tpu.memory_space<vmem>> -> memref<1x64xi32, #tpu.memory_space<vmem>>
        %dma_start3A_201 = tpu.memref_squeeze %dma_start3A_200 : memref<1x64xi32, #tpu.memory_space<vmem>> -> memref<64xi32, #tpu.memory_space<vmem>>
        %dma_start3A_202 = arith.constant 0 : i32
        %dma_start3A_203 = arith.constant 0 : i32
        %dma_start3A_204 = tpu.memref_slice %arg7[%dma_start3A_202, %dma_start3A_203] : memref<50176x32xf32, #tpu.memory_space<hbm>> -> memref<50176x32xf32, #tpu.memory_space<hbm>>
        tpu.enqueue_indirect_dma source(%dma_start3A_204 : memref<50176x32xf32, #tpu.memory_space<hbm>>) target(%dma_start3A_198 : memref<64x32xf32, #tpu.memory_space<vmem>>) offsets(%dma_start3A_201 : memref<64xi32, #tpu.memory_space<vmem>>) semaphore(%arg25 : memref<!tpu.dma_semaphore, #tpu.memory_space<semaphore_mem>>)
        %dma_start3A_205 = arith.constant 0 : i32
        %dma_start3A_206 = arith.constant 0 : i32
        %dma_start3A_207 = tpu.memref_slice %arg16[%sub3A_102, %dma_start3A_205, %dma_start3A_206] : memref<2x64x32xf32, #tpu.memory_space<vmem>> -> memref<1x64x32xf32, #tpu.memory_space<vmem>>
        %dma_start3A_208 = tpu.memref_squeeze %dma_start3A_207 : memref<1x64x32xf32, #tpu.memory_space<vmem>> -> memref<64x32xf32, #tpu.memory_space<vmem>>
        %dma_start3A_209 = arith.constant 0 : i32
        %dma_start3A_210 = tpu.memref_slice %arg4[%add3A_174, %dma_start3A_209] : memref<802816x32xf32, #tpu.memory_space<hbm>> -> memref<64x32xf32, #tpu.memory_space<hbm>>
        %dma_start3A_211 = arith.constant 0 : i32
        %dma_start3A_212 = arith.constant 0 : i32
        %dma_start3A_213 = tpu.memref_slice %arg16[%sub3A_102, %dma_start3A_211, %dma_start3A_212] : memref<2x64x32xf32, #tpu.memory_space<vmem>> -> memref<1x64x32xf32, #tpu.memory_space<vmem>>
        %dma_start3A_214 = tpu.memref_squeeze %dma_start3A_213 : memref<1x64x32xf32, #tpu.memory_space<vmem>> -> memref<64x32xf32, #tpu.memory_space<vmem>>
        %dma_start3A_215 = arith.constant 0 : i32
        %dma_start3A_216 = tpu.memref_slice %arg4[%add3A_174, %dma_start3A_215] : memref<802816x32xf32, #tpu.memory_space<hbm>> -> memref<64x32xf32, #tpu.memory_space<hbm>>
        tpu.enqueue_dma source(%dma_start3A_216 : memref<64x32xf32, #tpu.memory_space<hbm>>) target(%dma_start3A_214 : memref<64x32xf32, #tpu.memory_space<vmem>>) target_semaphore(%arg26 : memref<!tpu.dma_semaphore, #tpu.memory_space<semaphore_mem>>)
      } else {
      }
      %dma_wait3A_111 = arith.constant 0 : i32
      %dma_wait3A_112 = arith.constant 0 : i32
      %dma_wait3A_113 = tpu.memref_slice %arg13[%rem3A_101, %dma_wait3A_111, %dma_wait3A_112] : memref<2x64x32xf32, #tpu.memory_space<vmem>> -> memref<1x64x32xf32, #tpu.memory_space<vmem>>
      %dma_wait3A_114 = tpu.memref_squeeze %dma_wait3A_113 : memref<1x64x32xf32, #tpu.memory_space<vmem>> -> memref<64x32xf32, #tpu.memory_space<vmem>>
      %dma_wait3A_115 = arith.constant 0 : i32
      %dma_wait3A_116 = tpu.memref_slice %arg12[%rem3A_101, %dma_wait3A_115] : memref<2x64xi32, #tpu.memory_space<vmem>> -> memref<1x64xi32, #tpu.memory_space<vmem>>
      %dma_wait3A_117 = tpu.memref_squeeze %dma_wait3A_116 : memref<1x64xi32, #tpu.memory_space<vmem>> -> memref<64xi32, #tpu.memory_space<vmem>>
      %dma_wait3A_118 = arith.constant 0 : i32
      %dma_wait3A_119 = arith.constant 0 : i32
      %dma_wait3A_120 = tpu.memref_slice %arg5[%dma_wait3A_118, %dma_wait3A_119] : memref<50176x32xf32, #tpu.memory_space<hbm>> -> memref<50176x32xf32, #tpu.memory_space<hbm>>
      tpu.wait_indirect_dma semaphore(%arg23 : memref<!tpu.dma_semaphore, #tpu.memory_space<semaphore_mem>>) src(%dma_wait3A_120 : memref<50176x32xf32, #tpu.memory_space<hbm>>) dst(%dma_wait3A_114 : memref<64x32xf32, #tpu.memory_space<vmem>>)
      %dma_wait3A_121 = arith.constant 0 : i32
      %dma_wait3A_122 = arith.constant 0 : i32
      %dma_wait3A_123 = tpu.memref_slice %arg14[%rem3A_101, %dma_wait3A_121, %dma_wait3A_122] : memref<2x64x32xf32, #tpu.memory_space<vmem>> -> memref<1x64x32xf32, #tpu.memory_space<vmem>>
      %dma_wait3A_124 = tpu.memref_squeeze %dma_wait3A_123 : memref<1x64x32xf32, #tpu.memory_space<vmem>> -> memref<64x32xf32, #tpu.memory_space<vmem>>
      %dma_wait3A_125 = arith.constant 0 : i32
      %dma_wait3A_126 = tpu.memref_slice %arg11[%rem3A_101, %dma_wait3A_125] : memref<2x64xi32, #tpu.memory_space<vmem>> -> memref<1x64xi32, #tpu.memory_space<vmem>>
      %dma_wait3A_127 = tpu.memref_squeeze %dma_wait3A_126 : memref<1x64xi32, #tpu.memory_space<vmem>> -> memref<64xi32, #tpu.memory_space<vmem>>
      %dma_wait3A_128 = arith.constant 0 : i32
      %dma_wait3A_129 = arith.constant 0 : i32
      %dma_wait3A_130 = tpu.memref_slice %arg6[%dma_wait3A_128, %dma_wait3A_129] : memref<50176x32xf32, #tpu.memory_space<hbm>> -> memref<50176x32xf32, #tpu.memory_space<hbm>>
      tpu.wait_indirect_dma semaphore(%arg24 : memref<!tpu.dma_semaphore, #tpu.memory_space<semaphore_mem>>) src(%dma_wait3A_130 : memref<50176x32xf32, #tpu.memory_space<hbm>>) dst(%dma_wait3A_124 : memref<64x32xf32, #tpu.memory_space<vmem>>)
      %dma_wait3A_131 = arith.constant 0 : i32
      %dma_wait3A_132 = arith.constant 0 : i32
      %dma_wait3A_133 = tpu.memref_slice %arg15[%rem3A_101, %dma_wait3A_131, %dma_wait3A_132] : memref<2x64x32xf32, #tpu.memory_space<vmem>> -> memref<1x64x32xf32, #tpu.memory_space<vmem>>
      %dma_wait3A_134 = tpu.memref_squeeze %dma_wait3A_133 : memref<1x64x32xf32, #tpu.memory_space<vmem>> -> memref<64x32xf32, #tpu.memory_space<vmem>>
      %dma_wait3A_135 = arith.constant 0 : i32
      %dma_wait3A_136 = tpu.memref_slice %arg11[%rem3A_101, %dma_wait3A_135] : memref<2x64xi32, #tpu.memory_space<vmem>> -> memref<1x64xi32, #tpu.memory_space<vmem>>
      %dma_wait3A_137 = tpu.memref_squeeze %dma_wait3A_136 : memref<1x64xi32, #tpu.memory_space<vmem>> -> memref<64xi32, #tpu.memory_space<vmem>>
      %dma_wait3A_138 = arith.constant 0 : i32
      %dma_wait3A_139 = arith.constant 0 : i32
      %dma_wait3A_140 = tpu.memref_slice %arg7[%dma_wait3A_138, %dma_wait3A_139] : memref<50176x32xf32, #tpu.memory_space<hbm>> -> memref<50176x32xf32, #tpu.memory_space<hbm>>
      tpu.wait_indirect_dma semaphore(%arg25 : memref<!tpu.dma_semaphore, #tpu.memory_space<semaphore_mem>>) src(%dma_wait3A_140 : memref<50176x32xf32, #tpu.memory_space<hbm>>) dst(%dma_wait3A_134 : memref<64x32xf32, #tpu.memory_space<vmem>>)
      %dma_wait3A_141 = arith.constant 0 : i32
      %dma_wait3A_142 = arith.constant 0 : i32
      %dma_wait3A_143 = tpu.memref_slice %arg16[%rem3A_101, %dma_wait3A_141, %dma_wait3A_142] : memref<2x64x32xf32, #tpu.memory_space<vmem>> -> memref<1x64x32xf32, #tpu.memory_space<vmem>>
      %dma_wait3A_144 = tpu.memref_squeeze %dma_wait3A_143 : memref<1x64x32xf32, #tpu.memory_space<vmem>> -> memref<64x32xf32, #tpu.memory_space<vmem>>
      %dma_wait3A_145 = arith.constant 0 : i32
      %dma_wait3A_146 = tpu.memref_slice %arg4[%mul3A_23, %dma_wait3A_145] : memref<802816x32xf32, #tpu.memory_space<hbm>> -> memref<64x32xf32, #tpu.memory_space<hbm>>
      %dma_wait3A_147 = arith.constant 0 : i32
      %dma_wait3A_148 = arith.constant 0 : i32
      %dma_wait3A_149 = tpu.memref_slice %arg16[%rem3A_101, %dma_wait3A_147, %dma_wait3A_148] : memref<2x64x32xf32, #tpu.memory_space<vmem>> -> memref<1x64x32xf32, #tpu.memory_space<vmem>>
      %dma_wait3A_150 = tpu.memref_squeeze %dma_wait3A_149 : memref<1x64x32xf32, #tpu.memory_space<vmem>> -> memref<64x32xf32, #tpu.memory_space<vmem>>
      %dma_wait3A_151 = arith.constant 0 : i32
      %dma_wait3A_152 = tpu.memref_slice %arg4[%mul3A_23, %dma_wait3A_151] : memref<802816x32xf32, #tpu.memory_space<hbm>> -> memref<64x32xf32, #tpu.memory_space<hbm>>
      tpu.wait_dma2 semaphore(%arg26 : memref<!tpu.dma_semaphore, #tpu.memory_space<semaphore_mem>>) src(%dma_wait3A_152 : memref<64x32xf32, #tpu.memory_space<hbm>>) dst(%dma_wait3A_150 : memref<64x32xf32, #tpu.memory_space<vmem>>)
      %scan3A_153 = arith.constant 0 : i32
      %scan3A_154 = arith.constant 0 : i32
      %scan3A_155 = arith.constant 32 : i32
      %scan3A_156 = arith.addi %scan3A_154, %scan3A_155 : i32
      %scan3A_157 = arith.constant 1 : i32
      scf.for %scan3A_170 = %scan3A_154 to %scan3A_156 step %scan3A_157  : i32 {
        %mul3A_171 = arith.constant 2 : i32
        %mul3A_172 = arith.muli %scan3A_170, %mul3A_171 : i32
        %get3A = arith.constant 0 : i32
        %get3A_173 = arith.constant 0 : i32
        %get3A_174 = tpu.memref_slice %arg13[%rem3A_101, %get3A, %get3A_173] : memref<2x64x32xf32, #tpu.memory_space<vmem>> -> memref<1x64x32xf32, #tpu.memory_space<vmem>>
        %get3A_175 = tpu.memref_squeeze %get3A_174 : memref<1x64x32xf32, #tpu.memory_space<vmem>> -> memref<64x32xf32, #tpu.memory_space<vmem>>
        %get3A_176 = arith.index_cast %mul3A_172 : i32 to index
        %get3A_177 = arith.constant 0 : index
        %get3A_178 = tpu.vector_load %get3A_175[%get3A_176, %get3A_177] {strides = array<i32>} : memref<64x32xf32, #tpu.memory_space<vmem>>, vector<16xf32>,
        %get3A_179 = arith.constant 0 : i32
        %get3A_180 = arith.constant 0 : i32
        %get3A_181 = tpu.memref_slice %arg13[%rem3A_101, %get3A_179, %get3A_180] : memref<2x64x32xf32, #tpu.memory_space<vmem>> -> memref<1x64x32xf32, #tpu.memory_space<vmem>>
        %get3A_182 = tpu.memref_squeeze %get3A_181 : memref<1x64x32xf32, #tpu.memory_space<vmem>> -> memref<64x32xf32, #tpu.memory_space<vmem>>
        %get3A_183 = arith.index_cast %mul3A_172 : i32 to index
        %get3A_184 = arith.constant 16 : index
        %get3A_185 = tpu.vector_load %get3A_182[%get3A_183, %get3A_184] {strides = array<i32>} : memref<64x32xf32, #tpu.memory_space<vmem>>, vector<16xf32>,
        %get3A_186 = arith.constant 0 : i32
        %get3A_187 = arith.constant 0 : i32
        %get3A_188 = tpu.memref_slice %arg14[%rem3A_101, %get3A_186, %get3A_187] : memref<2x64x32xf32, #tpu.memory_space<vmem>> -> memref<1x64x32xf32, #tpu.memory_space<vmem>>
        %get3A_189 = tpu.memref_squeeze %get3A_188 : memref<1x64x32xf32, #tpu.memory_space<vmem>> -> memref<64x32xf32, #tpu.memory_space<vmem>>
        %get3A_190 = arith.index_cast %mul3A_172 : i32 to index
        %get3A_191 = arith.constant 0 : index
        %get3A_192 = tpu.vector_load %get3A_189[%get3A_190, %get3A_191] {strides = array<i32>} : memref<64x32xf32, #tpu.memory_space<vmem>>, vector<16xf32>,
        %get3A_193 = arith.constant 0 : i32
        %get3A_194 = arith.constant 0 : i32
        %get3A_195 = tpu.memref_slice %arg14[%rem3A_101, %get3A_193, %get3A_194] : memref<2x64x32xf32, #tpu.memory_space<vmem>> -> memref<1x64x32xf32, #tpu.memory_space<vmem>>
        %get3A_196 = tpu.memref_squeeze %get3A_195 : memref<1x64x32xf32, #tpu.memory_space<vmem>> -> memref<64x32xf32, #tpu.memory_space<vmem>>
        %get3A_197 = arith.index_cast %mul3A_172 : i32 to index
        %get3A_198 = arith.constant 16 : index
        %get3A_199 = tpu.vector_load %get3A_196[%get3A_197, %get3A_198] {strides = array<i32>} : memref<64x32xf32, #tpu.memory_space<vmem>>, vector<16xf32>,
        %get3A_200 = arith.constant 0 : i32
        %get3A_201 = arith.constant 0 : i32
        %get3A_202 = tpu.memref_slice %arg16[%rem3A_101, %get3A_200, %get3A_201] : memref<2x64x32xf32, #tpu.memory_space<vmem>> -> memref<1x64x32xf32, #tpu.memory_space<vmem>>
        %get3A_203 = tpu.memref_squeeze %get3A_202 : memref<1x64x32xf32, #tpu.memory_space<vmem>> -> memref<64x32xf32, #tpu.memory_space<vmem>>
        %get3A_204 = arith.index_cast %mul3A_172 : i32 to index
        %get3A_205 = arith.constant 0 : index
        %get3A_206 = tpu.vector_load %get3A_203[%get3A_204, %get3A_205] {strides = array<i32>} : memref<64x32xf32, #tpu.memory_space<vmem>>, vector<16xf32>,
        %get3A_207 = arith.constant 0 : i32
        %get3A_208 = arith.constant 0 : i32
        %get3A_209 = tpu.memref_slice %arg16[%rem3A_101, %get3A_207, %get3A_208] : memref<2x64x32xf32, #tpu.memory_space<vmem>> -> memref<1x64x32xf32, #tpu.memory_space<vmem>>
        %get3A_210 = tpu.memref_squeeze %get3A_209 : memref<1x64x32xf32, #tpu.memory_space<vmem>> -> memref<64x32xf32, #tpu.memory_space<vmem>>
        %get3A_211 = arith.index_cast %mul3A_172 : i32 to index
        %get3A_212 = arith.constant 16 : index
        %get3A_213 = tpu.vector_load %get3A_210[%get3A_211, %get3A_212] {strides = array<i32>} : memref<64x32xf32, #tpu.memory_space<vmem>>, vector<16xf32>,
        %add3A_214 = arith.addf %get3A_192, %get3A_206 : vector<16xf32>
        %mul3A_215 = arith.mulf %get3A_178, %add3A_214 : vector<16xf32>
        %add3A_216 = arith.addf %get3A_199, %get3A_213 : vector<16xf32>
        %mul3A_217 = arith.mulf %get3A_185, %add3A_216 : vector<16xf32>
        %add3A_218 = arith.addf %mul3A_215, %mul3A_217 : vector<16xf32>
        %xor3A = arith.constant 8 : i32
        %xor3A_219 = vector.broadcast %xor3A : i32 to vector<16xi32>
        %xor3A_220 = arith.xori %iota3A, %xor3A_219 : vector<16xi32>
        %broadcast_in_dim3A_221 = vector.shape_cast %xor3A_220 : vector<16xi32> to vector<16x1xi32>
        %gather3A = vector.shape_cast %broadcast_in_dim3A_221 : vector<16x1xi32> to vector<16xi32>
        %gather3A_222 = tpu.dynamic_gather %add3A_218[%gather3A] in [0] : vector<16xf32>, vector<16xi32> -> vector<16xf32>
        %add3A_223 = arith.addf %add3A_218, %gather3A_222 : vector<16xf32>
        %xor3A_224 = arith.constant 4 : i32
        %xor3A_225 = vector.broadcast %xor3A_224 : i32 to vector<16xi32>
        %xor3A_226 = arith.xori %iota3A, %xor3A_225 : vector<16xi32>
        %broadcast_in_dim3A_227 = vector.shape_cast %xor3A_226 : vector<16xi32> to vector<16x1xi32>
        %gather3A_228 = vector.shape_cast %broadcast_in_dim3A_227 : vector<16x1xi32> to vector<16xi32>
        %gather3A_229 = tpu.dynamic_gather %add3A_223[%gather3A_228] in [0] : vector<16xf32>, vector<16xi32> -> vector<16xf32>
        %add3A_230 = arith.addf %add3A_223, %gather3A_229 : vector<16xf32>
        %xor3A_231 = arith.constant 2 : i32
        %xor3A_232 = vector.broadcast %xor3A_231 : i32 to vector<16xi32>
        %xor3A_233 = arith.xori %iota3A, %xor3A_232 : vector<16xi32>
        %broadcast_in_dim3A_234 = vector.shape_cast %xor3A_233 : vector<16xi32> to vector<16x1xi32>
        %gather3A_235 = vector.shape_cast %broadcast_in_dim3A_234 : vector<16x1xi32> to vector<16xi32>
        %gather3A_236 = tpu.dynamic_gather %add3A_230[%gather3A_235] in [0] : vector<16xf32>, vector<16xi32> -> vector<16xf32>
        %add3A_237 = arith.addf %add3A_230, %gather3A_236 : vector<16xf32>
        %xor3A_238 = arith.constant 1 : i32
        %xor3A_239 = vector.broadcast %xor3A_238 : i32 to vector<16xi32>
        %xor3A_240 = arith.xori %iota3A, %xor3A_239 : vector<16xi32>
        %broadcast_in_dim3A_241 = vector.shape_cast %xor3A_240 : vector<16xi32> to vector<16x1xi32>
        %gather3A_242 = vector.shape_cast %broadcast_in_dim3A_241 : vector<16x1xi32> to vector<16xi32>
        %gather3A_243 = tpu.dynamic_gather %add3A_237[%gather3A_242] in [0] : vector<16xf32>, vector<16xi32> -> vector<16xf32>
        %add3A_244 = arith.addf %add3A_237, %gather3A_243 : vector<16xf32>
        %mul3A_245 = arith.constant 0.176776692 : f32
        %mul3A_246 = vector.broadcast %mul3A_245 : f32 to vector<16xf32>
        %mul3A_247 = arith.mulf %add3A_244, %mul3A_246 : vector<16xf32>
        %exp3A = math.exp %mul3A_247 : vector<16xf32>
        %get3A_248 = arith.constant 0 : i32
        %get3A_249 = arith.constant 0 : i32
        %get3A_250 = tpu.memref_slice %arg15[%rem3A_101, %get3A_248, %get3A_249] : memref<2x64x32xf32, #tpu.memory_space<vmem>> -> memref<1x64x32xf32, #tpu.memory_space<vmem>>
        %get3A_251 = tpu.memref_squeeze %get3A_250 : memref<1x64x32xf32, #tpu.memory_space<vmem>> -> memref<64x32xf32, #tpu.memory_space<vmem>>
        %get3A_252 = arith.index_cast %mul3A_172 : i32 to index
        %get3A_253 = arith.constant 0 : index
        %get3A_254 = tpu.vector_load %get3A_251[%get3A_252, %get3A_253] {strides = array<i32>} : memref<64x32xf32, #tpu.memory_space<vmem>>, vector<16xf32>,
        %get3A_255 = arith.constant 0 : i32
        %get3A_256 = arith.constant 0 : i32
        %get3A_257 = tpu.memref_slice %arg15[%rem3A_101, %get3A_255, %get3A_256] : memref<2x64x32xf32, #tpu.memory_space<vmem>> -> memref<1x64x32xf32, #tpu.memory_space<vmem>>
        %get3A_258 = tpu.memref_squeeze %get3A_257 : memref<1x64x32xf32, #tpu.memory_space<vmem>> -> memref<64x32xf32, #tpu.memory_space<vmem>>
        %get3A_259 = arith.index_cast %mul3A_172 : i32 to index
        %get3A_260 = arith.constant 16 : index
        %get3A_261 = tpu.vector_load %get3A_258[%get3A_259, %get3A_260] {strides = array<i32>} : memref<64x32xf32, #tpu.memory_space<vmem>>, vector<16xf32>,
        %add3A_262 = arith.addf %get3A_254, %get3A_206 : vector<16xf32>
        %mul3A_263 = arith.mulf %add3A_262, %exp3A : vector<16xf32>
        %swap3A_264 = arith.index_cast %mul3A_172 : i32 to index
        %swap3A_265 = arith.constant 0 : index
        %swap3A_266 = tpu.vector_load %arg17[%swap3A_264, %swap3A_265] {strides = array<i32>} : memref<64x32xf32, #tpu.memory_space<vmem>>, vector<16xf32>,
        tpu.vector_store %arg17[%swap3A_264, %swap3A_265], %mul3A_263 {strides = array<i32>} : memref<64x32xf32, #tpu.memory_space<vmem>>, vector<16xf32>,
        %add3A_267 = arith.addf %get3A_261, %get3A_213 : vector<16xf32>
        %mul3A_268 = arith.mulf %add3A_267, %exp3A : vector<16xf32>
        %swap3A_269 = arith.index_cast %mul3A_172 : i32 to index
        %swap3A_270 = arith.constant 16 : index
        %swap3A_271 = tpu.vector_load %arg17[%swap3A_269, %swap3A_270] {strides = array<i32>} : memref<64x32xf32, #tpu.memory_space<vmem>>, vector<16xf32>,
        tpu.vector_store %arg17[%swap3A_269, %swap3A_270], %mul3A_268 {strides = array<i32>} : memref<64x32xf32, #tpu.memory_space<vmem>>, vector<16xf32>,
        %broadcast_in_dim3A_272 = vector.broadcast %mul3A_172 : i32 to vector<16xi32>
        tpu.vector_store_idx %arg18[%broadcast_in_dim3A_272], %exp3A masked %eq3A_21 : memref<64xf32, #tpu.memory_space<vmem>>[vector<16xi32>], vector<16xf32>, vector<16xi1>
        %mul3A_273 = arith.constant 2 : i32
        %mul3A_274 = arith.muli %scan3A_170, %mul3A_273 : i32
        %add3A_275 = arith.constant 1 : i32
        %add3A_276 = arith.addi %mul3A_274, %add3A_275 : i32
        %get3A_277 = arith.constant 0 : i32
        %get3A_278 = arith.constant 0 : i32
        %get3A_279 = tpu.memref_slice %arg13[%rem3A_101, %get3A_277, %get3A_278] : memref<2x64x32xf32, #tpu.memory_space<vmem>> -> memref<1x64x32xf32, #tpu.memory_space<vmem>>
        %get3A_280 = tpu.memref_squeeze %get3A_279 : memref<1x64x32xf32, #tpu.memory_space<vmem>> -> memref<64x32xf32, #tpu.memory_space<vmem>>
        %get3A_281 = arith.index_cast %add3A_276 : i32 to index
        %get3A_282 = arith.constant 0 : index
        %get3A_283 = tpu.vector_load %get3A_280[%get3A_281, %get3A_282] {strides = array<i32>} : memref<64x32xf32, #tpu.memory_space<vmem>>, vector<16xf32>,
        %get3A_284 = arith.constant 0 : i32
        %get3A_285 = arith.constant 0 : i32
        %get3A_286 = tpu.memref_slice %arg13[%rem3A_101, %get3A_284, %get3A_285] : memref<2x64x32xf32, #tpu.memory_space<vmem>> -> memref<1x64x32xf32, #tpu.memory_space<vmem>>
        %get3A_287 = tpu.memref_squeeze %get3A_286 : memref<1x64x32xf32, #tpu.memory_space<vmem>> -> memref<64x32xf32, #tpu.memory_space<vmem>>
        %get3A_288 = arith.index_cast %add3A_276 : i32 to index
        %get3A_289 = arith.constant 16 : index
        %get3A_290 = tpu.vector_load %get3A_287[%get3A_288, %get3A_289] {strides = array<i32>} : memref<64x32xf32, #tpu.memory_space<vmem>>, vector<16xf32>,
        %get3A_291 = arith.constant 0 : i32
        %get3A_292 = arith.constant 0 : i32
        %get3A_293 = tpu.memref_slice %arg14[%rem3A_101, %get3A_291, %get3A_292] : memref<2x64x32xf32, #tpu.memory_space<vmem>> -> memref<1x64x32xf32, #tpu.memory_space<vmem>>
        %get3A_294 = tpu.memref_squeeze %get3A_293 : memref<1x64x32xf32, #tpu.memory_space<vmem>> -> memref<64x32xf32, #tpu.memory_space<vmem>>
        %get3A_295 = arith.index_cast %add3A_276 : i32 to index
        %get3A_296 = arith.constant 0 : index
        %get3A_297 = tpu.vector_load %get3A_294[%get3A_295, %get3A_296] {strides = array<i32>} : memref<64x32xf32, #tpu.memory_space<vmem>>, vector<16xf32>,
        %get3A_298 = arith.constant 0 : i32
        %get3A_299 = arith.constant 0 : i32
        %get3A_300 = tpu.memref_slice %arg14[%rem3A_101, %get3A_298, %get3A_299] : memref<2x64x32xf32, #tpu.memory_space<vmem>> -> memref<1x64x32xf32, #tpu.memory_space<vmem>>
        %get3A_301 = tpu.memref_squeeze %get3A_300 : memref<1x64x32xf32, #tpu.memory_space<vmem>> -> memref<64x32xf32, #tpu.memory_space<vmem>>
        %get3A_302 = arith.index_cast %add3A_276 : i32 to index
        %get3A_303 = arith.constant 16 : index
        %get3A_304 = tpu.vector_load %get3A_301[%get3A_302, %get3A_303] {strides = array<i32>} : memref<64x32xf32, #tpu.memory_space<vmem>>, vector<16xf32>,
        %get3A_305 = arith.constant 0 : i32
        %get3A_306 = arith.constant 0 : i32
        %get3A_307 = tpu.memref_slice %arg16[%rem3A_101, %get3A_305, %get3A_306] : memref<2x64x32xf32, #tpu.memory_space<vmem>> -> memref<1x64x32xf32, #tpu.memory_space<vmem>>
        %get3A_308 = tpu.memref_squeeze %get3A_307 : memref<1x64x32xf32, #tpu.memory_space<vmem>> -> memref<64x32xf32, #tpu.memory_space<vmem>>
        %get3A_309 = arith.index_cast %add3A_276 : i32 to index
        %get3A_310 = arith.constant 0 : index
        %get3A_311 = tpu.vector_load %get3A_308[%get3A_309, %get3A_310] {strides = array<i32>} : memref<64x32xf32, #tpu.memory_space<vmem>>, vector<16xf32>,
        %get3A_312 = arith.constant 0 : i32
        %get3A_313 = arith.constant 0 : i32
        %get3A_314 = tpu.memref_slice %arg16[%rem3A_101, %get3A_312, %get3A_313] : memref<2x64x32xf32, #tpu.memory_space<vmem>> -> memref<1x64x32xf32, #tpu.memory_space<vmem>>
        %get3A_315 = tpu.memref_squeeze %get3A_314 : memref<1x64x32xf32, #tpu.memory_space<vmem>> -> memref<64x32xf32, #tpu.memory_space<vmem>>
        %get3A_316 = arith.index_cast %add3A_276 : i32 to index
        %get3A_317 = arith.constant 16 : index
        %get3A_318 = tpu.vector_load %get3A_315[%get3A_316, %get3A_317] {strides = array<i32>} : memref<64x32xf32, #tpu.memory_space<vmem>>, vector<16xf32>,
        %add3A_319 = arith.addf %get3A_297, %get3A_311 : vector<16xf32>
        %mul3A_320 = arith.mulf %get3A_283, %add3A_319 : vector<16xf32>
        %add3A_321 = arith.addf %get3A_304, %get3A_318 : vector<16xf32>
        %mul3A_322 = arith.mulf %get3A_290, %add3A_321 : vector<16xf32>
        %add3A_323 = arith.addf %mul3A_320, %mul3A_322 : vector<16xf32>
        %xor3A_324 = arith.constant 8 : i32
        %xor3A_325 = vector.broadcast %xor3A_324 : i32 to vector<16xi32>
        %xor3A_326 = arith.xori %iota3A, %xor3A_325 : vector<16xi32>
        %broadcast_in_dim3A_327 = vector.shape_cast %xor3A_326 : vector<16xi32> to vector<16x1xi32>
        %gather3A_328 = vector.shape_cast %broadcast_in_dim3A_327 : vector<16x1xi32> to vector<16xi32>
        %gather3A_329 = tpu.dynamic_gather %add3A_323[%gather3A_328] in [0] : vector<16xf32>, vector<16xi32> -> vector<16xf32>
        %add3A_330 = arith.addf %add3A_323, %gather3A_329 : vector<16xf32>
        %xor3A_331 = arith.constant 4 : i32
        %xor3A_332 = vector.broadcast %xor3A_331 : i32 to vector<16xi32>
        %xor3A_333 = arith.xori %iota3A, %xor3A_332 : vector<16xi32>
        %broadcast_in_dim3A_334 = vector.shape_cast %xor3A_333 : vector<16xi32> to vector<16x1xi32>
        %gather3A_335 = vector.shape_cast %broadcast_in_dim3A_334 : vector<16x1xi32> to vector<16xi32>
        %gather3A_336 = tpu.dynamic_gather %add3A_330[%gather3A_335] in [0] : vector<16xf32>, vector<16xi32> -> vector<16xf32>
        %add3A_337 = arith.addf %add3A_330, %gather3A_336 : vector<16xf32>
        %xor3A_338 = arith.constant 2 : i32
        %xor3A_339 = vector.broadcast %xor3A_338 : i32 to vector<16xi32>
        %xor3A_340 = arith.xori %iota3A, %xor3A_339 : vector<16xi32>
        %broadcast_in_dim3A_341 = vector.shape_cast %xor3A_340 : vector<16xi32> to vector<16x1xi32>
        %gather3A_342 = vector.shape_cast %broadcast_in_dim3A_341 : vector<16x1xi32> to vector<16xi32>
        %gather3A_343 = tpu.dynamic_gather %add3A_337[%gather3A_342] in [0] : vector<16xf32>, vector<16xi32> -> vector<16xf32>
        %add3A_344 = arith.addf %add3A_337, %gather3A_343 : vector<16xf32>
        %xor3A_345 = arith.constant 1 : i32
        %xor3A_346 = vector.broadcast %xor3A_345 : i32 to vector<16xi32>
        %xor3A_347 = arith.xori %iota3A, %xor3A_346 : vector<16xi32>
        %broadcast_in_dim3A_348 = vector.shape_cast %xor3A_347 : vector<16xi32> to vector<16x1xi32>
        %gather3A_349 = vector.shape_cast %broadcast_in_dim3A_348 : vector<16x1xi32> to vector<16xi32>
        %gather3A_350 = tpu.dynamic_gather %add3A_344[%gather3A_349] in [0] : vector<16xf32>, vector<16xi32> -> vector<16xf32>
        %add3A_351 = arith.addf %add3A_344, %gather3A_350 : vector<16xf32>
        %mul3A_352 = arith.constant 0.176776692 : f32
        %mul3A_353 = vector.broadcast %mul3A_352 : f32 to vector<16xf32>
        %mul3A_354 = arith.mulf %add3A_351, %mul3A_353 : vector<16xf32>
        %exp3A_355 = math.exp %mul3A_354 : vector<16xf32>
        %get3A_356 = arith.constant 0 : i32
        %get3A_357 = arith.constant 0 : i32
        %get3A_358 = tpu.memref_slice %arg15[%rem3A_101, %get3A_356, %get3A_357] : memref<2x64x32xf32, #tpu.memory_space<vmem>> -> memref<1x64x32xf32, #tpu.memory_space<vmem>>
        %get3A_359 = tpu.memref_squeeze %get3A_358 : memref<1x64x32xf32, #tpu.memory_space<vmem>> -> memref<64x32xf32, #tpu.memory_space<vmem>>
        %get3A_360 = arith.index_cast %add3A_276 : i32 to index
        %get3A_361 = arith.constant 0 : index
        %get3A_362 = tpu.vector_load %get3A_359[%get3A_360, %get3A_361] {strides = array<i32>} : memref<64x32xf32, #tpu.memory_space<vmem>>, vector<16xf32>,
        %get3A_363 = arith.constant 0 : i32
        %get3A_364 = arith.constant 0 : i32
        %get3A_365 = tpu.memref_slice %arg15[%rem3A_101, %get3A_363, %get3A_364] : memref<2x64x32xf32, #tpu.memory_space<vmem>> -> memref<1x64x32xf32, #tpu.memory_space<vmem>>
        %get3A_366 = tpu.memref_squeeze %get3A_365 : memref<1x64x32xf32, #tpu.memory_space<vmem>> -> memref<64x32xf32, #tpu.memory_space<vmem>>
        %get3A_367 = arith.index_cast %add3A_276 : i32 to index
        %get3A_368 = arith.constant 16 : index
        %get3A_369 = tpu.vector_load %get3A_366[%get3A_367, %get3A_368] {strides = array<i32>} : memref<64x32xf32, #tpu.memory_space<vmem>>, vector<16xf32>,
        %add3A_370 = arith.addf %get3A_362, %get3A_311 : vector<16xf32>
        %mul3A_371 = arith.mulf %add3A_370, %exp3A_355 : vector<16xf32>
        %swap3A_372 = arith.index_cast %add3A_276 : i32 to index
        %swap3A_373 = arith.constant 0 : index
        %swap3A_374 = tpu.vector_load %arg17[%swap3A_372, %swap3A_373] {strides = array<i32>} : memref<64x32xf32, #tpu.memory_space<vmem>>, vector<16xf32>,
        tpu.vector_store %arg17[%swap3A_372, %swap3A_373], %mul3A_371 {strides = array<i32>} : memref<64x32xf32, #tpu.memory_space<vmem>>, vector<16xf32>,
        %add3A_375 = arith.addf %get3A_369, %get3A_318 : vector<16xf32>
        %mul3A_376 = arith.mulf %add3A_375, %exp3A_355 : vector<16xf32>
        %swap3A_377 = arith.index_cast %add3A_276 : i32 to index
        %swap3A_378 = arith.constant 16 : index
        %swap3A_379 = tpu.vector_load %arg17[%swap3A_377, %swap3A_378] {strides = array<i32>} : memref<64x32xf32, #tpu.memory_space<vmem>>, vector<16xf32>,
        tpu.vector_store %arg17[%swap3A_377, %swap3A_378], %mul3A_376 {strides = array<i32>} : memref<64x32xf32, #tpu.memory_space<vmem>>, vector<16xf32>,
        %broadcast_in_dim3A_380 = vector.broadcast %add3A_276 : i32 to vector<16xi32>
        tpu.vector_store_idx %arg18[%broadcast_in_dim3A_380], %exp3A_355 masked %eq3A_21 : memref<64xf32, #tpu.memory_space<vmem>>[vector<16xi32>], vector<16xf32>, vector<16xi1>
      }
      %scan3A_158 = arith.constant 32 : i32
      %dma_start3A_159 = arith.constant 0 : i32
      %dma_start3A_160 = tpu.memref_slice %arg12[%rem3A_101, %dma_start3A_159] : memref<2x64xi32, #tpu.memory_space<vmem>> -> memref<1x64xi32, #tpu.memory_space<vmem>>
      %dma_start3A_161 = tpu.memref_squeeze %dma_start3A_160 : memref<1x64xi32, #tpu.memory_space<vmem>> -> memref<64xi32, #tpu.memory_space<vmem>>
      %dma_start3A_162 = arith.constant 0 : i32
      %dma_start3A_163 = arith.constant 0 : i32
      %dma_start3A_164 = tpu.memref_slice %arg21[%dma_start3A_162, %dma_start3A_163] : memref<50176x32xf32, #tpu.memory_space<vmem_shared>> -> memref<50176x32xf32, #tpu.memory_space<vmem_shared>>
      tpu.enqueue_indirect_dma source(%arg17 : memref<64x32xf32, #tpu.memory_space<vmem>>) target(%dma_start3A_164 : memref<50176x32xf32, #tpu.memory_space<vmem_shared>>) offsets(%dma_start3A_161 : memref<64xi32, #tpu.memory_space<vmem>>) semaphore(%arg27 : memref<!tpu.dma_semaphore, #tpu.memory_space<semaphore_mem>>) {add = true}
      %dma_start3A_165 = arith.constant 0 : i32
      %dma_start3A_166 = tpu.memref_slice %arg12[%rem3A_101, %dma_start3A_165] : memref<2x64xi32, #tpu.memory_space<vmem>> -> memref<1x64xi32, #tpu.memory_space<vmem>>
      %dma_start3A_167 = tpu.memref_squeeze %dma_start3A_166 : memref<1x64xi32, #tpu.memory_space<vmem>> -> memref<64xi32, #tpu.memory_space<vmem>>
      %dma_start3A_168 = arith.constant 0 : i32
      %dma_start3A_169 = tpu.memref_slice %arg22[%dma_start3A_168] : memref<50176xf32, #tpu.memory_space<vmem_shared>> -> memref<50176xf32, #tpu.memory_space<vmem_shared>>
      tpu.enqueue_indirect_dma source(%arg18 : memref<64xf32, #tpu.memory_space<vmem>>) target(%dma_start3A_169 : memref<50176xf32, #tpu.memory_space<vmem_shared>>) offsets(%dma_start3A_167 : memref<64xi32, #tpu.memory_space<vmem>>) semaphore(%arg28 : memref<!tpu.dma_semaphore, #tpu.memory_space<semaphore_mem>>) {add = true}
    }
    %scan3A_80 = arith.constant 392 : i32
    %dma_wait3A = arith.constant 1 : i32
    %dma_wait3A_81 = arith.constant 0 : i32
    %dma_wait3A_82 = tpu.memref_slice %arg12[%dma_wait3A, %dma_wait3A_81] : memref<2x64xi32, #tpu.memory_space<vmem>> -> memref<1x64xi32, #tpu.memory_space<vmem>>
    %dma_wait3A_83 = tpu.memref_squeeze %dma_wait3A_82 : memref<1x64xi32, #tpu.memory_space<vmem>> -> memref<64xi32, #tpu.memory_space<vmem>>
    %dma_wait3A_84 = arith.constant 0 : i32
    %dma_wait3A_85 = arith.constant 0 : i32
    %dma_wait3A_86 = tpu.memref_slice %arg21[%dma_wait3A_84, %dma_wait3A_85] : memref<50176x32xf32, #tpu.memory_space<vmem_shared>> -> memref<50176x32xf32, #tpu.memory_space<vmem_shared>>
    tpu.wait_indirect_dma semaphore(%arg27 : memref<!tpu.dma_semaphore, #tpu.memory_space<semaphore_mem>>) src(%arg17 : memref<64x32xf32, #tpu.memory_space<vmem>>) dst(%dma_wait3A_86 : memref<50176x32xf32, #tpu.memory_space<vmem_shared>>)
    %dma_wait3A_87 = arith.constant 1 : i32
    %dma_wait3A_88 = arith.constant 0 : i32
    %dma_wait3A_89 = tpu.memref_slice %arg12[%dma_wait3A_87, %dma_wait3A_88] : memref<2x64xi32, #tpu.memory_space<vmem>> -> memref<1x64xi32, #tpu.memory_space<vmem>>
    %dma_wait3A_90 = tpu.memref_squeeze %dma_wait3A_89 : memref<1x64xi32, #tpu.memory_space<vmem>> -> memref<64xi32, #tpu.memory_space<vmem>>
    %dma_wait3A_91 = arith.constant 0 : i32
    %dma_wait3A_92 = tpu.memref_slice %arg22[%dma_wait3A_91] : memref<50176xf32, #tpu.memory_space<vmem_shared>> -> memref<50176xf32, #tpu.memory_space<vmem_shared>>
    tpu.wait_indirect_dma semaphore(%arg28 : memref<!tpu.dma_semaphore, #tpu.memory_space<semaphore_mem>>) src(%arg18 : memref<64xf32, #tpu.memory_space<vmem>>) dst(%dma_wait3A_92 : memref<50176xf32, #tpu.memory_space<vmem_shared>>)
    %barrier3A_93 = arith.constant 0 : index
    tpu.barrier barrier_id(%barrier3A_93)
    %scan3A_94 = arith.constant 0 : i32
    %scan3A_95 = arith.constant 0 : i32
    %scan3A_96 = arith.constant 28 : i32
    %scan3A_97 = arith.addi %scan3A_95, %scan3A_96 : i32
    %scan3A_98 = arith.constant 1 : i32
    scf.for %scan3A_100 = %scan3A_95 to %scan3A_97 step %scan3A_98  : i32 {
      %mul3A_101 = arith.constant 3136 : i32
      %mul3A_102 = arith.muli %arg1, %mul3A_101 : i32
      %mul3A_103 = arith.constant 112 : i32
      %mul3A_104 = arith.muli %scan3A_100, %mul3A_103 : i32
      %add3A_105 = arith.addi %mul3A_102, %mul3A_104 : i32
      "tpu.region"() ({
        %run_scoped3A_109 = tpu.sem_alloc : memref<!tpu.dma_semaphore, #tpu.memory_space<semaphore_mem>>
        %dma_start3A_110 = arith.constant 0 : i32
        %dma_start3A_111 = tpu.memref_slice %arg21[%add3A_105, %dma_start3A_110] : memref<50176x32xf32, #tpu.memory_space<vmem_shared>> -> memref<112x32xf32, #tpu.memory_space<vmem_shared>>
        %dma_start3A_112 = arith.constant 0 : i32
        %dma_start3A_113 = tpu.memref_slice %arg21[%add3A_105, %dma_start3A_112] : memref<50176x32xf32, #tpu.memory_space<vmem_shared>> -> memref<112x32xf32, #tpu.memory_space<vmem_shared>>
        tpu.enqueue_dma source(%dma_start3A_113 : memref<112x32xf32, #tpu.memory_space<vmem_shared>>) target(%arg19 : memref<112x32xf32, #tpu.memory_space<vmem>>) target_semaphore(%run_scoped3A_109 : memref<!tpu.dma_semaphore, #tpu.memory_space<semaphore_mem>>)
        %dma_wait3A_114 = arith.constant 0 : i32
        %dma_wait3A_115 = tpu.memref_slice %arg21[%add3A_105, %dma_wait3A_114] : memref<50176x32xf32, #tpu.memory_space<vmem_shared>> -> memref<112x32xf32, #tpu.memory_space<vmem_shared>>
        %dma_wait3A_116 = arith.constant 0 : i32
        %dma_wait3A_117 = tpu.memref_slice %arg21[%add3A_105, %dma_wait3A_116] : memref<50176x32xf32, #tpu.memory_space<vmem_shared>> -> memref<112x32xf32, #tpu.memory_space<vmem_shared>>
        tpu.wait_dma2 semaphore(%run_scoped3A_109 : memref<!tpu.dma_semaphore, #tpu.memory_space<semaphore_mem>>) src(%dma_wait3A_117 : memref<112x32xf32, #tpu.memory_space<vmem_shared>>) dst(%arg19 : memref<112x32xf32, #tpu.memory_space<vmem>>)
        tpu.yield
      }) : () -> ()
      "tpu.region"() ({
        %run_scoped3A_109 = tpu.sem_alloc : memref<!tpu.dma_semaphore, #tpu.memory_space<semaphore_mem>>
        %dma_start3A_110 = arith.constant 0 : i32
        %dma_start3A_111 = tpu.memref_slice %arg9[%arg0, %add3A_105, %dma_start3A_110] : memref<2x50176x32xf32, #tpu.memory_space<hbm>> -> memref<1x112x32xf32, #tpu.memory_space<hbm>>
        %dma_start3A_112 = tpu.memref_squeeze %dma_start3A_111 : memref<1x112x32xf32, #tpu.memory_space<hbm>> -> memref<112x32xf32, #tpu.memory_space<hbm>>
        %dma_start3A_113 = arith.constant 0 : i32
        %dma_start3A_114 = tpu.memref_slice %arg9[%arg0, %add3A_105, %dma_start3A_113] : memref<2x50176x32xf32, #tpu.memory_space<hbm>> -> memref<1x112x32xf32, #tpu.memory_space<hbm>>
        %dma_start3A_115 = tpu.memref_squeeze %dma_start3A_114 : memref<1x112x32xf32, #tpu.memory_space<hbm>> -> memref<112x32xf32, #tpu.memory_space<hbm>>
        tpu.enqueue_dma source(%arg19 : memref<112x32xf32, #tpu.memory_space<vmem>>) target(%dma_start3A_115 : memref<112x32xf32, #tpu.memory_space<hbm>>) target_semaphore(%run_scoped3A_109 : memref<!tpu.dma_semaphore, #tpu.memory_space<semaphore_mem>>)
        %dma_wait3A_116 = arith.constant 0 : i32
        %dma_wait3A_117 = tpu.memref_slice %arg9[%arg0, %add3A_105, %dma_wait3A_116] : memref<2x50176x32xf32, #tpu.memory_space<hbm>> -> memref<1x112x32xf32, #tpu.memory_space<hbm>>
        %dma_wait3A_118 = tpu.memref_squeeze %dma_wait3A_117 : memref<1x112x32xf32, #tpu.memory_space<hbm>> -> memref<112x32xf32, #tpu.memory_space<hbm>>
        %dma_wait3A_119 = arith.constant 0 : i32
        %dma_wait3A_120 = tpu.memref_slice %arg9[%arg0, %add3A_105, %dma_wait3A_119] : memref<2x50176x32xf32, #tpu.memory_space<hbm>> -> memref<1x112x32xf32, #tpu.memory_space<hbm>>
        %dma_wait3A_121 = tpu.memref_squeeze %dma_wait3A_120 : memref<1x112x32xf32, #tpu.memory_space<hbm>> -> memref<112x32xf32, #tpu.memory_space<hbm>>
        tpu.wait_dma2 semaphore(%run_scoped3A_109 : memref<!tpu.dma_semaphore, #tpu.memory_space<semaphore_mem>>) src(%arg19 : memref<112x32xf32, #tpu.memory_space<vmem>>) dst(%dma_wait3A_121 : memref<112x32xf32, #tpu.memory_space<hbm>>)
        tpu.yield
      }) : () -> ()
      "tpu.region"() ({
        %run_scoped3A_109 = tpu.sem_alloc : memref<!tpu.dma_semaphore, #tpu.memory_space<semaphore_mem>>
        %dma_start3A_110 = tpu.memref_slice %arg22[%add3A_105] : memref<50176xf32, #tpu.memory_space<vmem_shared>> -> memref<112xf32, #tpu.memory_space<vmem_shared>>
        %dma_start3A_111 = tpu.memref_slice %arg22[%add3A_105] : memref<50176xf32, #tpu.memory_space<vmem_shared>> -> memref<112xf32, #tpu.memory_space<vmem_shared>>
        tpu.enqueue_dma source(%dma_start3A_111 : memref<112xf32, #tpu.memory_space<vmem_shared>>) target(%arg20 : memref<112xf32, #tpu.memory_space<vmem>>) target_semaphore(%run_scoped3A_109 : memref<!tpu.dma_semaphore, #tpu.memory_space<semaphore_mem>>)
        %dma_wait3A_112 = tpu.memref_slice %arg22[%add3A_105] : memref<50176xf32, #tpu.memory_space<vmem_shared>> -> memref<112xf32, #tpu.memory_space<vmem_shared>>
        %dma_wait3A_113 = tpu.memref_slice %arg22[%add3A_105] : memref<50176xf32, #tpu.memory_space<vmem_shared>> -> memref<112xf32, #tpu.memory_space<vmem_shared>>
        tpu.wait_dma2 semaphore(%run_scoped3A_109 : memref<!tpu.dma_semaphore, #tpu.memory_space<semaphore_mem>>) src(%dma_wait3A_113 : memref<112xf32, #tpu.memory_space<vmem_shared>>) dst(%arg20 : memref<112xf32, #tpu.memory_space<vmem>>)
        tpu.yield
      }) : () -> ()
      %mul3A_106 = arith.constant 50176 : i32
      %mul3A_107 = arith.muli %arg0, %mul3A_106 : i32
      %add3A_108 = arith.addi %mul3A_107, %add3A_105 : i32
      "tpu.region"() ({
        %run_scoped3A_109 = tpu.sem_alloc : memref<!tpu.dma_semaphore, #tpu.memory_space<semaphore_mem>>
        %dma_start3A_110 = tpu.memref_slice %arg10[%add3A_108] : memref<100352xf32, #tpu.memory_space<hbm>> -> memref<112xf32, #tpu.memory_space<hbm>>
        %dma_start3A_111 = tpu.memref_slice %arg10[%add3A_108] : memref<100352xf32, #tpu.memory_space<hbm>> -> memref<112xf32, #tpu.memory_space<hbm>>
        tpu.enqueue_dma source(%arg20 : memref<112xf32, #tpu.memory_space<vmem>>) target(%dma_start3A_111 : memref<112xf32, #tpu.memory_space<hbm>>) target_semaphore(%run_scoped3A_109 : memref<!tpu.dma_semaphore, #tpu.memory_space<semaphore_mem>>)
        %dma_wait3A_112 = tpu.memref_slice %arg10[%add3A_108] : memref<100352xf32, #tpu.memory_space<hbm>> -> memref<112xf32, #tpu.memory_space<hbm>>
        %dma_wait3A_113 = tpu.memref_slice %arg10[%add3A_108] : memref<100352xf32, #tpu.memory_space<hbm>> -> memref<112xf32, #tpu.memory_space<hbm>>
        tpu.wait_dma2 semaphore(%run_scoped3A_109 : memref<!tpu.dma_semaphore, #tpu.memory_space<semaphore_mem>>) src(%arg20 : memref<112xf32, #tpu.memory_space<vmem>>) dst(%dma_wait3A_113 : memref<112xf32, #tpu.memory_space<hbm>>)
        tpu.yield
      }) : () -> ()
    }
    %scan3A_99 = arith.constant 28 : i32
    return
  }
}

#map = affine_map<(d0, d1) -> (0)>
#map1 = affine_map<(d0, d1) -> (0, 0)>
#map2 = affine_map<(d0, d1) -> (0, 0, 0)>
module attributes {stable_mosaic.version = 14 : i64} {
  func.func @_conv_sc_entry(%arg0: i32, %arg1: i32, %arg2: memref<802816xi32, #tpu.memory_space<hbm>>, %arg3: memref<802816xi32, #tpu.memory_space<hbm>>, %arg4: memref<802816x32xf32, #tpu.memory_space<hbm>>, %arg5: memref<50176x32xf32, #tpu.memory_space<hbm>>, %arg6: memref<50176x32xf32, #tpu.memory_space<hbm>>, %arg7: memref<50176x32xf32, #tpu.memory_space<hbm>>, %arg8: memref<112x32xf32, #tpu.memory_space<hbm>>, %arg9: memref<2x50176x32xf32, #tpu.memory_space<hbm>>, %arg10: memref<100352xf32, #tpu.memory_space<hbm>>, %arg11: memref<2x64xi32, #tpu.memory_space<vmem>>, %arg12: memref<2x64xi32, #tpu.memory_space<vmem>>, %arg13: memref<2x64x32xf32, #tpu.memory_space<vmem>>, %arg14: memref<2x64x32xf32, #tpu.memory_space<vmem>>, %arg15: memref<2x64x32xf32, #tpu.memory_space<vmem>>, %arg16: memref<2x64x32xf32, #tpu.memory_space<vmem>>, %arg17: memref<64x32xf32, #tpu.memory_space<vmem>>, %arg18: memref<64xf32, #tpu.memory_space<vmem>>, %arg19: memref<112x32xf32, #tpu.memory_space<vmem>>, %arg20: memref<112xf32, #tpu.memory_space<vmem>>, %arg21: memref<50176x32xf32, #tpu.memory_space<vmem_shared>>, %arg22: memref<50176xf32, #tpu.memory_space<vmem_shared>>, %arg23: memref<!tpu.dma_semaphore, #tpu.memory_space<semaphore_mem>>, %arg24: memref<!tpu.dma_semaphore, #tpu.memory_space<semaphore_mem>>, %arg25: memref<!tpu.dma_semaphore, #tpu.memory_space<semaphore_mem>>, %arg26: memref<!tpu.dma_semaphore, #tpu.memory_space<semaphore_mem>>, %arg27: memref<!tpu.dma_semaphore, #tpu.memory_space<semaphore_mem>>, %arg28: memref<!tpu.dma_semaphore, #tpu.memory_space<semaphore_mem>>) attributes {dimension_semantics = [#tpu.dimension_semantics<core_parallel>, #tpu.dimension_semantics<subcore_parallel>], iteration_bounds = array<i64: 2, 16>, scalar_prefetch = 0 : i64, scratch_operands = 18 : i64, tpu.core_type = #tpu.core_type<sc_vector_subcore>, window_params = [{transform_indices = #map}, {transform_indices = #map}, {transform_indices = #map1}, {transform_indices = #map1}, {transform_indices = #map1}, {transform_indices = #map1}, {transform_indices = #map1}, {transform_indices = #map2}, {transform_indices = #map}]} {
    %mul3A = arith.constant 16 : i32
    %mul3A_0 = arith.muli %arg0, %mul3A : i32
    %add3A = arith.addi %mul3A_0, %arg1 : i32
    %broadcast_in_dim3A = arith.constant 0.000000e+00 : f32
    %broadcast_in_dim3A_1 = vector.broadcast %broadcast_in_dim3A : f32 to vector<16xf32>
    "tpu.region"() ({
      %run_scoped3A_100 = tpu.sem_alloc : memref<!tpu.dma_semaphore, #tpu.memory_space<semaphore_mem>>
      tpu.enqueue_dma source(%arg8 : memref<112x32xf32, #tpu.memory_space<hbm>>) target(%arg19 : memref<112x32xf32, #tpu.memory_space<vmem>>) target_semaphore(%run_scoped3A_100 : memref<!tpu.dma_semaphore, #tpu.memory_space<semaphore_mem>>)
      tpu.wait_dma2 semaphore(%run_scoped3A_100 : memref<!tpu.dma_semaphore, #tpu.memory_space<semaphore_mem>>) src(%arg8 : memref<112x32xf32, #tpu.memory_space<hbm>>) dst(%arg19 : memref<112x32xf32, #tpu.memory_space<vmem>>)
      tpu.yield
    }) : () -> ()
    %swap3A = arith.constant 0 : index
    %swap3A_2 = tpu.vector_load %arg20[%swap3A] {strides = array<i32>} : memref<112xf32, #tpu.memory_space<vmem>>, vector<16xf32>,
    tpu.vector_store %arg20[%swap3A], %broadcast_in_dim3A_1 {strides = array<i32>} : memref<112xf32, #tpu.memory_space<vmem>>, vector<16xf32>,
    %swap3A_3 = arith.constant 16 : index
    %swap3A_4 = tpu.vector_load %arg20[%swap3A_3] {strides = array<i32>} : memref<112xf32, #tpu.memory_space<vmem>>, vector<16xf32>,
    tpu.vector_store %arg20[%swap3A_3], %broadcast_in_dim3A_1 {strides = array<i32>} : memref<112xf32, #tpu.memory_space<vmem>>, vector<16xf32>,
    %swap3A_5 = arith.constant 32 : index
    %swap3A_6 = tpu.vector_load %arg20[%swap3A_5] {strides = array<i32>} : memref<112xf32, #tpu.memory_space<vmem>>, vector<16xf32>,
    tpu.vector_store %arg20[%swap3A_5], %broadcast_in_dim3A_1 {strides = array<i32>} : memref<112xf32, #tpu.memory_space<vmem>>, vector<16xf32>,
    %swap3A_7 = arith.constant 48 : index
    %swap3A_8 = tpu.vector_load %arg20[%swap3A_7] {strides = array<i32>} : memref<112xf32, #tpu.memory_space<vmem>>, vector<16xf32>,
    tpu.vector_store %arg20[%swap3A_7], %broadcast_in_dim3A_1 {strides = array<i32>} : memref<112xf32, #tpu.memory_space<vmem>>, vector<16xf32>,
    %swap3A_9 = arith.constant 64 : index
    %swap3A_10 = tpu.vector_load %arg20[%swap3A_9] {strides = array<i32>} : memref<112xf32, #tpu.memory_space<vmem>>, vector<16xf32>,
    tpu.vector_store %arg20[%swap3A_9], %broadcast_in_dim3A_1 {strides = array<i32>} : memref<112xf32, #tpu.memory_space<vmem>>, vector<16xf32>,
    %swap3A_11 = arith.constant 80 : index
    %swap3A_12 = tpu.vector_load %arg20[%swap3A_11] {strides = array<i32>} : memref<112xf32, #tpu.memory_space<vmem>>, vector<16xf32>,
    tpu.vector_store %arg20[%swap3A_11], %broadcast_in_dim3A_1 {strides = array<i32>} : memref<112xf32, #tpu.memory_space<vmem>>, vector<16xf32>,
    %swap3A_13 = arith.constant 96 : index
    %swap3A_14 = tpu.vector_load %arg20[%swap3A_13] {strides = array<i32>} : memref<112xf32, #tpu.memory_space<vmem>>, vector<16xf32>,
    tpu.vector_store %arg20[%swap3A_13], %broadcast_in_dim3A_1 {strides = array<i32>} : memref<112xf32, #tpu.memory_space<vmem>>, vector<16xf32>,
    %scan3A = arith.constant 0 : i32
    %scan3A_15 = arith.constant 0 : i32
    %scan3A_16 = arith.constant 28 : i32
    %scan3A_17 = arith.addi %scan3A_15, %scan3A_16 : i32
    %scan3A_18 = arith.constant 1 : i32
    scf.for %scan3A_100 = %scan3A_15 to %scan3A_17 step %scan3A_18  : i32 {
      %mul3A_101 = arith.constant 3136 : i32
      %mul3A_102 = arith.muli %arg1, %mul3A_101 : i32
      %mul3A_103 = arith.constant 112 : i32
      %mul3A_104 = arith.muli %scan3A_100, %mul3A_103 : i32
      %add3A_105 = arith.addi %mul3A_102, %mul3A_104 : i32
      "tpu.region"() ({
        %run_scoped3A_106 = tpu.sem_alloc : memref<!tpu.dma_semaphore, #tpu.memory_space<semaphore_mem>>
        %dma_start3A_107 = arith.constant 0 : i32
        %dma_start3A_108 = tpu.memref_slice %arg21[%add3A_105, %dma_start3A_107] : memref<50176x32xf32, #tpu.memory_space<vmem_shared>> -> memref<112x32xf32, #tpu.memory_space<vmem_shared>>
        %dma_start3A_109 = arith.constant 0 : i32
        %dma_start3A_110 = tpu.memref_slice %arg21[%add3A_105, %dma_start3A_109] : memref<50176x32xf32, #tpu.memory_space<vmem_shared>> -> memref<112x32xf32, #tpu.memory_space<vmem_shared>>
        tpu.enqueue_dma source(%arg19 : memref<112x32xf32, #tpu.memory_space<vmem>>) target(%dma_start3A_110 : memref<112x32xf32, #tpu.memory_space<vmem_shared>>) target_semaphore(%run_scoped3A_106 : memref<!tpu.dma_semaphore, #tpu.memory_space<semaphore_mem>>)
        %dma_wait3A_111 = arith.constant 0 : i32
        %dma_wait3A_112 = tpu.memref_slice %arg21[%add3A_105, %dma_wait3A_111] : memref<50176x32xf32, #tpu.memory_space<vmem_shared>> -> memref<112x32xf32, #tpu.memory_space<vmem_shared>>
        %dma_wait3A_113 = arith.constant 0 : i32
        %dma_wait3A_114 = tpu.memref_slice %arg21[%add3A_105, %dma_wait3A_113] : memref<50176x32xf32, #tpu.memory_space<vmem_shared>> -> memref<112x32xf32, #tpu.memory_space<vmem_shared>>
        tpu.wait_dma2 semaphore(%run_scoped3A_106 : memref<!tpu.dma_semaphore, #tpu.memory_space<semaphore_mem>>) src(%arg19 : memref<112x32xf32, #tpu.memory_space<vmem>>) dst(%dma_wait3A_114 : memref<112x32xf32, #tpu.memory_space<vmem_shared>>)
        tpu.yield
      }) : () -> ()
      "tpu.region"() ({
        %run_scoped3A_106 = tpu.sem_alloc : memref<!tpu.dma_semaphore, #tpu.memory_space<semaphore_mem>>
        %dma_start3A_107 = tpu.memref_slice %arg22[%add3A_105] : memref<50176xf32, #tpu.memory_space<vmem_shared>> -> memref<112xf32, #tpu.memory_space<vmem_shared>>
        %dma_start3A_108 = tpu.memref_slice %arg22[%add3A_105] : memref<50176xf32, #tpu.memory_space<vmem_shared>> -> memref<112xf32, #tpu.memory_space<vmem_shared>>
        tpu.enqueue_dma source(%arg20 : memref<112xf32, #tpu.memory_space<vmem>>) target(%dma_start3A_108 : memref<112xf32, #tpu.memory_space<vmem_shared>>) target_semaphore(%run_scoped3A_106 : memref<!tpu.dma_semaphore, #tpu.memory_space<semaphore_mem>>)
        %dma_wait3A_109 = tpu.memref_slice %arg22[%add3A_105] : memref<50176xf32, #tpu.memory_space<vmem_shared>> -> memref<112xf32, #tpu.memory_space<vmem_shared>>
        %dma_wait3A_110 = tpu.memref_slice %arg22[%add3A_105] : memref<50176xf32, #tpu.memory_space<vmem_shared>> -> memref<112xf32, #tpu.memory_space<vmem_shared>>
        tpu.wait_dma2 semaphore(%run_scoped3A_106 : memref<!tpu.dma_semaphore, #tpu.memory_space<semaphore_mem>>) src(%arg20 : memref<112xf32, #tpu.memory_space<vmem>>) dst(%dma_wait3A_110 : memref<112xf32, #tpu.memory_space<vmem_shared>>)
        tpu.yield
      }) : () -> ()
    }
    %scan3A_19 = arith.constant 28 : i32
    %barrier3A = arith.constant 0 : index
    tpu.barrier barrier_id(%barrier3A)
    %iota3A = tpu.iota {dimensions = array<i32: 0>} : vector<16xi32>
    %eq3A = arith.constant 0 : i32
    %eq3A_20 = vector.broadcast %eq3A : i32 to vector<16xi32>
    %eq3A_21 = arith.cmpi eq, %iota3A, %eq3A_20 : vector<16xi32>
    %mul3A_22 = arith.constant 25088 : i32
    %mul3A_23 = arith.muli %add3A, %mul3A_22 : i32
    %add3A_24 = arith.constant 0 : i32
    %add3A_25 = arith.addi %mul3A_23, %add3A_24 : i32
    %run_scoped3A = arith.constant 0 : i32
    "tpu.region"() ({
      %run_scoped3A_100 = tpu.sem_alloc : memref<!tpu.dma_semaphore, #tpu.memory_space<semaphore_mem>>
      %dma_start3A_101 = arith.constant 0 : i32
      %dma_start3A_102 = tpu.memref_slice %arg11[%run_scoped3A, %dma_start3A_101] : memref<2x64xi32, #tpu.memory_space<vmem>> -> memref<1x64xi32, #tpu.memory_space<vmem>>
      %dma_start3A_103 = tpu.memref_squeeze %dma_start3A_102 : memref<1x64xi32, #tpu.memory_space<vmem>> -> memref<64xi32, #tpu.memory_space<vmem>>
      %dma_start3A_104 = tpu.memref_slice %arg2[%add3A_25] : memref<802816xi32, #tpu.memory_space<hbm>> -> memref<64xi32, #tpu.memory_space<hbm>>
      %dma_start3A_105 = arith.constant 0 : i32
      %dma_start3A_106 = tpu.memref_slice %arg11[%run_scoped3A, %dma_start3A_105] : memref<2x64xi32, #tpu.memory_space<vmem>> -> memref<1x64xi32, #tpu.memory_space<vmem>>
      %dma_start3A_107 = tpu.memref_squeeze %dma_start3A_106 : memref<1x64xi32, #tpu.memory_space<vmem>> -> memref<64xi32, #tpu.memory_space<vmem>>
      %dma_start3A_108 = tpu.memref_slice %arg2[%add3A_25] : memref<802816xi32, #tpu.memory_space<hbm>> -> memref<64xi32, #tpu.memory_space<hbm>>
      tpu.enqueue_dma source(%dma_start3A_108 : memref<64xi32, #tpu.memory_space<hbm>>) target(%dma_start3A_107 : memref<64xi32, #tpu.memory_space<vmem>>) target_semaphore(%run_scoped3A_100 : memref<!tpu.dma_semaphore, #tpu.memory_space<semaphore_mem>>)
      %dma_wait3A_109 = arith.constant 0 : i32
      %dma_wait3A_110 = tpu.memref_slice %arg11[%run_scoped3A, %dma_wait3A_109] : memref<2x64xi32, #tpu.memory_space<vmem>> -> memref<1x64xi32, #tpu.memory_space<vmem>>
      %dma_wait3A_111 = tpu.memref_squeeze %dma_wait3A_110 : memref<1x64xi32, #tpu.memory_space<vmem>> -> memref<64xi32, #tpu.memory_space<vmem>>
      %dma_wait3A_112 = tpu.memref_slice %arg2[%add3A_25] : memref<802816xi32, #tpu.memory_space<hbm>> -> memref<64xi32, #tpu.memory_space<hbm>>
      %dma_wait3A_113 = arith.constant 0 : i32
      %dma_wait3A_114 = tpu.memref_slice %arg11[%run_scoped3A, %dma_wait3A_113] : memref<2x64xi32, #tpu.memory_space<vmem>> -> memref<1x64xi32, #tpu.memory_space<vmem>>
      %dma_wait3A_115 = tpu.memref_squeeze %dma_wait3A_114 : memref<1x64xi32, #tpu.memory_space<vmem>> -> memref<64xi32, #tpu.memory_space<vmem>>
      %dma_wait3A_116 = tpu.memref_slice %arg2[%add3A_25] : memref<802816xi32, #tpu.memory_space<hbm>> -> memref<64xi32, #tpu.memory_space<hbm>>
      tpu.wait_dma2 semaphore(%run_scoped3A_100 : memref<!tpu.dma_semaphore, #tpu.memory_space<semaphore_mem>>) src(%dma_wait3A_116 : memref<64xi32, #tpu.memory_space<hbm>>) dst(%dma_wait3A_115 : memref<64xi32, #tpu.memory_space<vmem>>)
      tpu.yield
    }) : () -> ()
    %run_scoped3A_26 = arith.constant 0 : i32
    "tpu.region"() ({
      %run_scoped3A_100 = tpu.sem_alloc : memref<!tpu.dma_semaphore, #tpu.memory_space<semaphore_mem>>
      %dma_start3A_101 = arith.constant 0 : i32
      %dma_start3A_102 = tpu.memref_slice %arg12[%run_scoped3A_26, %dma_start3A_101] : memref<2x64xi32, #tpu.memory_space<vmem>> -> memref<1x64xi32, #tpu.memory_space<vmem>>
      %dma_start3A_103 = tpu.memref_squeeze %dma_start3A_102 : memref<1x64xi32, #tpu.memory_space<vmem>> -> memref<64xi32, #tpu.memory_space<vmem>>
      %dma_start3A_104 = tpu.memref_slice %arg3[%add3A_25] : memref<802816xi32, #tpu.memory_space<hbm>> -> memref<64xi32, #tpu.memory_space<hbm>>
      %dma_start3A_105 = arith.constant 0 : i32
      %dma_start3A_106 = tpu.memref_slice %arg12[%run_scoped3A_26, %dma_start3A_105] : memref<2x64xi32, #tpu.memory_space<vmem>> -> memref<1x64xi32, #tpu.memory_space<vmem>>
      %dma_start3A_107 = tpu.memref_squeeze %dma_start3A_106 : memref<1x64xi32, #tpu.memory_space<vmem>> -> memref<64xi32, #tpu.memory_space<vmem>>
      %dma_start3A_108 = tpu.memref_slice %arg3[%add3A_25] : memref<802816xi32, #tpu.memory_space<hbm>> -> memref<64xi32, #tpu.memory_space<hbm>>
      tpu.enqueue_dma source(%dma_start3A_108 : memref<64xi32, #tpu.memory_space<hbm>>) target(%dma_start3A_107 : memref<64xi32, #tpu.memory_space<vmem>>) target_semaphore(%run_scoped3A_100 : memref<!tpu.dma_semaphore, #tpu.memory_space<semaphore_mem>>)
      %dma_wait3A_109 = arith.constant 0 : i32
      %dma_wait3A_110 = tpu.memref_slice %arg12[%run_scoped3A_26, %dma_wait3A_109] : memref<2x64xi32, #tpu.memory_space<vmem>> -> memref<1x64xi32, #tpu.memory_space<vmem>>
      %dma_wait3A_111 = tpu.memref_squeeze %dma_wait3A_110 : memref<1x64xi32, #tpu.memory_space<vmem>> -> memref<64xi32, #tpu.memory_space<vmem>>
      %dma_wait3A_112 = tpu.memref_slice %arg3[%add3A_25] : memref<802816xi32, #tpu.memory_space<hbm>> -> memref<64xi32, #tpu.memory_space<hbm>>
      %dma_wait3A_113 = arith.constant 0 : i32
      %dma_wait3A_114 = tpu.memref_slice %arg12[%run_scoped3A_26, %dma_wait3A_113] : memref<2x64xi32, #tpu.memory_space<vmem>> -> memref<1x64xi32, #tpu.memory_space<vmem>>
      %dma_wait3A_115 = tpu.memref_squeeze %dma_wait3A_114 : memref<1x64xi32, #tpu.memory_space<vmem>> -> memref<64xi32, #tpu.memory_space<vmem>>
      %dma_wait3A_116 = tpu.memref_slice %arg3[%add3A_25] : memref<802816xi32, #tpu.memory_space<hbm>> -> memref<64xi32, #tpu.memory_space<hbm>>
      tpu.wait_dma2 semaphore(%run_scoped3A_100 : memref<!tpu.dma_semaphore, #tpu.memory_space<semaphore_mem>>) src(%dma_wait3A_116 : memref<64xi32, #tpu.memory_space<hbm>>) dst(%dma_wait3A_115 : memref<64xi32, #tpu.memory_space<vmem>>)
      tpu.yield
    }) : () -> ()
    %dma_start3A = arith.constant 0 : i32
    %dma_start3A_27 = arith.constant 0 : i32
    %dma_start3A_28 = arith.constant 0 : i32
    %dma_start3A_29 = arith.constant 0 : i32
    %dma_start3A_30 = tpu.memref_slice %arg13[%dma_start3A_27, %dma_start3A_28, %dma_start3A_29] : memref<2x64x32xf32, #tpu.memory_space<vmem>> -> memref<1x64x32xf32, #tpu.memory_space<vmem>>
    %dma_start3A_31 = tpu.memref_squeeze %dma_start3A_30 : memref<1x64x32xf32, #tpu.memory_space<vmem>> -> memref<64x32xf32, #tpu.memory_space<vmem>>
    %dma_start3A_32 = arith.constant 0 : i32
    %dma_start3A_33 = tpu.memref_slice %arg12[%dma_start3A, %dma_start3A_32] : memref<2x64xi32, #tpu.memory_space<vmem>> -> memref<1x64xi32, #tpu.memory_space<vmem>>
    %dma_start3A_34 = tpu.memref_squeeze %dma_start3A_33 : memref<1x64xi32, #tpu.memory_space<vmem>> -> memref<64xi32, #tpu.memory_space<vmem>>
    %dma_start3A_35 = arith.constant 0 : i32
    %dma_start3A_36 = arith.constant 0 : i32
    %dma_start3A_37 = tpu.memref_slice %arg5[%dma_start3A_35, %dma_start3A_36] : memref<50176x32xf32, #tpu.memory_space<hbm>> -> memref<50176x32xf32, #tpu.memory_space<hbm>>
    tpu.enqueue_indirect_dma source(%dma_start3A_37 : memref<50176x32xf32, #tpu.memory_space<hbm>>) target(%dma_start3A_31 : memref<64x32xf32, #tpu.memory_space<vmem>>) offsets(%dma_start3A_34 : memref<64xi32, #tpu.memory_space<vmem>>) semaphore(%arg23 : memref<!tpu.dma_semaphore, #tpu.memory_space<semaphore_mem>>)
    %dma_start3A_38 = arith.constant 0 : i32
    %dma_start3A_39 = arith.constant 0 : i32
    %dma_start3A_40 = arith.constant 0 : i32
    %dma_start3A_41 = arith.constant 0 : i32
    %dma_start3A_42 = tpu.memref_slice %arg14[%dma_start3A_39, %dma_start3A_40, %dma_start3A_41] : memref<2x64x32xf32, #tpu.memory_space<vmem>> -> memref<1x64x32xf32, #tpu.memory_space<vmem>>
    %dma_start3A_43 = tpu.memref_squeeze %dma_start3A_42 : memref<1x64x32xf32, #tpu.memory_space<vmem>> -> memref<64x32xf32, #tpu.memory_space<vmem>>
    %dma_start3A_44 = arith.constant 0 : i32
    %dma_start3A_45 = tpu.memref_slice %arg11[%dma_start3A_38, %dma_start3A_44] : memref<2x64xi32, #tpu.memory_space<vmem>> -> memref<1x64xi32, #tpu.memory_space<vmem>>
    %dma_start3A_46 = tpu.memref_squeeze %dma_start3A_45 : memref<1x64xi32, #tpu.memory_space<vmem>> -> memref<64xi32, #tpu.memory_space<vmem>>
    %dma_start3A_47 = arith.constant 0 : i32
    %dma_start3A_48 = arith.constant 0 : i32
    %dma_start3A_49 = tpu.memref_slice %arg6[%dma_start3A_47, %dma_start3A_48] : memref<50176x32xf32, #tpu.memory_space<hbm>> -> memref<50176x32xf32, #tpu.memory_space<hbm>>
    tpu.enqueue_indirect_dma source(%dma_start3A_49 : memref<50176x32xf32, #tpu.memory_space<hbm>>) target(%dma_start3A_43 : memref<64x32xf32, #tpu.memory_space<vmem>>) offsets(%dma_start3A_46 : memref<64xi32, #tpu.memory_space<vmem>>) semaphore(%arg24 : memref<!tpu.dma_semaphore, #tpu.memory_space<semaphore_mem>>)
    %dma_start3A_50 = arith.constant 0 : i32
    %dma_start3A_51 = arith.constant 0 : i32
    %dma_start3A_52 = arith.constant 0 : i32
    %dma_start3A_53 = arith.constant 0 : i32
    %dma_start3A_54 = tpu.memref_slice %arg15[%dma_start3A_51, %dma_start3A_52, %dma_start3A_53] : memref<2x64x32xf32, #tpu.memory_space<vmem>> -> memref<1x64x32xf32, #tpu.memory_space<vmem>>
    %dma_start3A_55 = tpu.memref_squeeze %dma_start3A_54 : memref<1x64x32xf32, #tpu.memory_space<vmem>> -> memref<64x32xf32, #tpu.memory_space<vmem>>
    %dma_start3A_56 = arith.constant 0 : i32
    %dma_start3A_57 = tpu.memref_slice %arg11[%dma_start3A_50, %dma_start3A_56] : memref<2x64xi32, #tpu.memory_space<vmem>> -> memref<1x64xi32, #tpu.memory_space<vmem>>
    %dma_start3A_58 = tpu.memref_squeeze %dma_start3A_57 : memref<1x64xi32, #tpu.memory_space<vmem>> -> memref<64xi32, #tpu.memory_space<vmem>>
    %dma_start3A_59 = arith.constant 0 : i32
    %dma_start3A_60 = arith.constant 0 : i32
    %dma_start3A_61 = tpu.memref_slice %arg7[%dma_start3A_59, %dma_start3A_60] : memref<50176x32xf32, #tpu.memory_space<hbm>> -> memref<50176x32xf32, #tpu.memory_space<hbm>>
    tpu.enqueue_indirect_dma source(%dma_start3A_61 : memref<50176x32xf32, #tpu.memory_space<hbm>>) target(%dma_start3A_55 : memref<64x32xf32, #tpu.memory_space<vmem>>) offsets(%dma_start3A_58 : memref<64xi32, #tpu.memory_space<vmem>>) semaphore(%arg25 : memref<!tpu.dma_semaphore, #tpu.memory_space<semaphore_mem>>)
    %dma_start3A_62 = arith.constant 0 : i32
    %dma_start3A_63 = arith.constant 0 : i32
    %dma_start3A_64 = arith.constant 0 : i32
    %dma_start3A_65 = tpu.memref_slice %arg16[%dma_start3A_62, %dma_start3A_63, %dma_start3A_64] : memref<2x64x32xf32, #tpu.memory_space<vmem>> -> memref<1x64x32xf32, #tpu.memory_space<vmem>>
    %dma_start3A_66 = tpu.memref_squeeze %dma_start3A_65 : memref<1x64x32xf32, #tpu.memory_space<vmem>> -> memref<64x32xf32, #tpu.memory_space<vmem>>
    %dma_start3A_67 = arith.constant 0 : i32
    %dma_start3A_68 = tpu.memref_slice %arg4[%add3A_25, %dma_start3A_67] : memref<802816x32xf32, #tpu.memory_space<hbm>> -> memref<64x32xf32, #tpu.memory_space<hbm>>
    %dma_start3A_69 = arith.constant 0 : i32
    %dma_start3A_70 = arith.constant 0 : i32
    %dma_start3A_71 = tpu.memref_slice %arg16[%dma_start3A_62, %dma_start3A_69, %dma_start3A_70] : memref<2x64x32xf32, #tpu.memory_space<vmem>> -> memref<1x64x32xf32, #tpu.memory_space<vmem>>
    %dma_start3A_72 = tpu.memref_squeeze %dma_start3A_71 : memref<1x64x32xf32, #tpu.memory_space<vmem>> -> memref<64x32xf32, #tpu.memory_space<vmem>>
    %dma_start3A_73 = arith.constant 0 : i32
    %dma_start3A_74 = tpu.memref_slice %arg4[%add3A_25, %dma_start3A_73] : memref<802816x32xf32, #tpu.memory_space<hbm>> -> memref<64x32xf32, #tpu.memory_space<hbm>>
    tpu.enqueue_dma source(%dma_start3A_74 : memref<64x32xf32, #tpu.memory_space<hbm>>) target(%dma_start3A_72 : memref<64x32xf32, #tpu.memory_space<vmem>>) target_semaphore(%arg26 : memref<!tpu.dma_semaphore, #tpu.memory_space<semaphore_mem>>)
    %scan3A_75 = arith.constant 0 : i32
    %scan3A_76 = arith.constant 0 : i32
    %scan3A_77 = arith.constant 392 : i32
    %scan3A_78 = arith.addi %scan3A_76, %scan3A_77 : i32
    %scan3A_79 = arith.constant 1 : i32
    scf.for %scan3A_100 = %scan3A_76 to %scan3A_78 step %scan3A_79  : i32 {
      %rem3A = arith.constant 2 : i32
      %rem3A_101 = arith.remsi %scan3A_100, %rem3A : i32
      %sub3A = arith.constant 1 : i32
      %sub3A_102 = arith.subi %sub3A, %rem3A_101 : i32
      %gt3A = arith.constant 0 : i32
      %gt3A_103 = arith.cmpi sgt, %scan3A_100, %gt3A : i32
      %convert_element_type3A = arith.extui %gt3A_103 : i1 to i32
      %cond3A = arith.constant 0 : i32
      %cond3A_104 = arith.cmpi ne, %convert_element_type3A, %cond3A : i32
      scf.if %cond3A_104 {
        %dma_wait3A_170 = arith.constant 0 : i32
        %dma_wait3A_171 = tpu.memref_slice %arg12[%sub3A_102, %dma_wait3A_170] : memref<2x64xi32, #tpu.memory_space<vmem>> -> memref<1x64xi32, #tpu.memory_space<vmem>>
        %dma_wait3A_172 = tpu.memref_squeeze %dma_wait3A_171 : memref<1x64xi32, #tpu.memory_space<vmem>> -> memref<64xi32, #tpu.memory_space<vmem>>
        %dma_wait3A_173 = arith.constant 0 : i32
        %dma_wait3A_174 = arith.constant 0 : i32
        %dma_wait3A_175 = tpu.memref_slice %arg21[%dma_wait3A_173, %dma_wait3A_174] : memref<50176x32xf32, #tpu.memory_space<vmem_shared>> -> memref<50176x32xf32, #tpu.memory_space<vmem_shared>>
        tpu.wait_indirect_dma semaphore(%arg27 : memref<!tpu.dma_semaphore, #tpu.memory_space<semaphore_mem>>) src(%arg17 : memref<64x32xf32, #tpu.memory_space<vmem>>) dst(%dma_wait3A_175 : memref<50176x32xf32, #tpu.memory_space<vmem_shared>>)
        %dma_wait3A_176 = arith.constant 0 : i32
        %dma_wait3A_177 = tpu.memref_slice %arg12[%sub3A_102, %dma_wait3A_176] : memref<2x64xi32, #tpu.memory_space<vmem>> -> memref<1x64xi32, #tpu.memory_space<vmem>>
        %dma_wait3A_178 = tpu.memref_squeeze %dma_wait3A_177 : memref<1x64xi32, #tpu.memory_space<vmem>> -> memref<64xi32, #tpu.memory_space<vmem>>
        %dma_wait3A_179 = arith.constant 0 : i32
        %dma_wait3A_180 = tpu.memref_slice %arg22[%dma_wait3A_179] : memref<50176xf32, #tpu.memory_space<vmem_shared>> -> memref<50176xf32, #tpu.memory_space<vmem_shared>>
        tpu.wait_indirect_dma semaphore(%arg28 : memref<!tpu.dma_semaphore, #tpu.memory_space<semaphore_mem>>) src(%arg18 : memref<64xf32, #tpu.memory_space<vmem>>) dst(%dma_wait3A_180 : memref<50176xf32, #tpu.memory_space<vmem_shared>>)
      } else {
      }
      %add3A_105 = arith.constant 1 : i32
      %add3A_106 = arith.addi %scan3A_100, %add3A_105 : i32
      %lt3A = arith.constant 392 : i32
      %lt3A_107 = arith.cmpi slt, %add3A_106, %lt3A : i32
      %convert_element_type3A_108 = arith.extui %lt3A_107 : i1 to i32
      %cond3A_109 = arith.constant 0 : i32
      %cond3A_110 = arith.cmpi ne, %convert_element_type3A_108, %cond3A_109 : i32
      scf.if %cond3A_110 {
        %add3A_170 = arith.constant 1 : i32
        %add3A_171 = arith.addi %scan3A_100, %add3A_170 : i32
        %mul3A_172 = arith.constant 64 : i32
        %mul3A_173 = arith.muli %add3A_171, %mul3A_172 : i32
        %add3A_174 = arith.addi %mul3A_23, %mul3A_173 : i32
        "tpu.region"() ({
          %run_scoped3A_217 = tpu.sem_alloc : memref<!tpu.dma_semaphore, #tpu.memory_space<semaphore_mem>>
          %dma_start3A_218 = arith.constant 0 : i32
          %dma_start3A_219 = tpu.memref_slice %arg11[%sub3A_102, %dma_start3A_218] : memref<2x64xi32, #tpu.memory_space<vmem>> -> memref<1x64xi32, #tpu.memory_space<vmem>>
          %dma_start3A_220 = tpu.memref_squeeze %dma_start3A_219 : memref<1x64xi32, #tpu.memory_space<vmem>> -> memref<64xi32, #tpu.memory_space<vmem>>
          %dma_start3A_221 = tpu.memref_slice %arg2[%add3A_174] : memref<802816xi32, #tpu.memory_space<hbm>> -> memref<64xi32, #tpu.memory_space<hbm>>
          %dma_start3A_222 = arith.constant 0 : i32
          %dma_start3A_223 = tpu.memref_slice %arg11[%sub3A_102, %dma_start3A_222] : memref<2x64xi32, #tpu.memory_space<vmem>> -> memref<1x64xi32, #tpu.memory_space<vmem>>
          %dma_start3A_224 = tpu.memref_squeeze %dma_start3A_223 : memref<1x64xi32, #tpu.memory_space<vmem>> -> memref<64xi32, #tpu.memory_space<vmem>>
          %dma_start3A_225 = tpu.memref_slice %arg2[%add3A_174] : memref<802816xi32, #tpu.memory_space<hbm>> -> memref<64xi32, #tpu.memory_space<hbm>>
          tpu.enqueue_dma source(%dma_start3A_225 : memref<64xi32, #tpu.memory_space<hbm>>) target(%dma_start3A_224 : memref<64xi32, #tpu.memory_space<vmem>>) target_semaphore(%run_scoped3A_217 : memref<!tpu.dma_semaphore, #tpu.memory_space<semaphore_mem>>)
          %dma_wait3A_226 = arith.constant 0 : i32
          %dma_wait3A_227 = tpu.memref_slice %arg11[%sub3A_102, %dma_wait3A_226] : memref<2x64xi32, #tpu.memory_space<vmem>> -> memref<1x64xi32, #tpu.memory_space<vmem>>
          %dma_wait3A_228 = tpu.memref_squeeze %dma_wait3A_227 : memref<1x64xi32, #tpu.memory_space<vmem>> -> memref<64xi32, #tpu.memory_space<vmem>>
          %dma_wait3A_229 = tpu.memref_slice %arg2[%add3A_174] : memref<802816xi32, #tpu.memory_space<hbm>> -> memref<64xi32, #tpu.memory_space<hbm>>
          %dma_wait3A_230 = arith.constant 0 : i32
          %dma_wait3A_231 = tpu.memref_slice %arg11[%sub3A_102, %dma_wait3A_230] : memref<2x64xi32, #tpu.memory_space<vmem>> -> memref<1x64xi32, #tpu.memory_space<vmem>>
          %dma_wait3A_232 = tpu.memref_squeeze %dma_wait3A_231 : memref<1x64xi32, #tpu.memory_space<vmem>> -> memref<64xi32, #tpu.memory_space<vmem>>
          %dma_wait3A_233 = tpu.memref_slice %arg2[%add3A_174] : memref<802816xi32, #tpu.memory_space<hbm>> -> memref<64xi32, #tpu.memory_space<hbm>>
          tpu.wait_dma2 semaphore(%run_scoped3A_217 : memref<!tpu.dma_semaphore, #tpu.memory_space<semaphore_mem>>) src(%dma_wait3A_233 : memref<64xi32, #tpu.memory_space<hbm>>) dst(%dma_wait3A_232 : memref<64xi32, #tpu.memory_space<vmem>>)
          tpu.yield
        }) : () -> ()
        "tpu.region"() ({
          %run_scoped3A_217 = tpu.sem_alloc : memref<!tpu.dma_semaphore, #tpu.memory_space<semaphore_mem>>
          %dma_start3A_218 = arith.constant 0 : i32
          %dma_start3A_219 = tpu.memref_slice %arg12[%sub3A_102, %dma_start3A_218] : memref<2x64xi32, #tpu.memory_space<vmem>> -> memref<1x64xi32, #tpu.memory_space<vmem>>
          %dma_start3A_220 = tpu.memref_squeeze %dma_start3A_219 : memref<1x64xi32, #tpu.memory_space<vmem>> -> memref<64xi32, #tpu.memory_space<vmem>>
          %dma_start3A_221 = tpu.memref_slice %arg3[%add3A_174] : memref<802816xi32, #tpu.memory_space<hbm>> -> memref<64xi32, #tpu.memory_space<hbm>>
          %dma_start3A_222 = arith.constant 0 : i32
          %dma_start3A_223 = tpu.memref_slice %arg12[%sub3A_102, %dma_start3A_222] : memref<2x64xi32, #tpu.memory_space<vmem>> -> memref<1x64xi32, #tpu.memory_space<vmem>>
          %dma_start3A_224 = tpu.memref_squeeze %dma_start3A_223 : memref<1x64xi32, #tpu.memory_space<vmem>> -> memref<64xi32, #tpu.memory_space<vmem>>
          %dma_start3A_225 = tpu.memref_slice %arg3[%add3A_174] : memref<802816xi32, #tpu.memory_space<hbm>> -> memref<64xi32, #tpu.memory_space<hbm>>
          tpu.enqueue_dma source(%dma_start3A_225 : memref<64xi32, #tpu.memory_space<hbm>>) target(%dma_start3A_224 : memref<64xi32, #tpu.memory_space<vmem>>) target_semaphore(%run_scoped3A_217 : memref<!tpu.dma_semaphore, #tpu.memory_space<semaphore_mem>>)
          %dma_wait3A_226 = arith.constant 0 : i32
          %dma_wait3A_227 = tpu.memref_slice %arg12[%sub3A_102, %dma_wait3A_226] : memref<2x64xi32, #tpu.memory_space<vmem>> -> memref<1x64xi32, #tpu.memory_space<vmem>>
          %dma_wait3A_228 = tpu.memref_squeeze %dma_wait3A_227 : memref<1x64xi32, #tpu.memory_space<vmem>> -> memref<64xi32, #tpu.memory_space<vmem>>
          %dma_wait3A_229 = tpu.memref_slice %arg3[%add3A_174] : memref<802816xi32, #tpu.memory_space<hbm>> -> memref<64xi32, #tpu.memory_space<hbm>>
          %dma_wait3A_230 = arith.constant 0 : i32
          %dma_wait3A_231 = tpu.memref_slice %arg12[%sub3A_102, %dma_wait3A_230] : memref<2x64xi32, #tpu.memory_space<vmem>> -> memref<1x64xi32, #tpu.memory_space<vmem>>
          %dma_wait3A_232 = tpu.memref_squeeze %dma_wait3A_231 : memref<1x64xi32, #tpu.memory_space<vmem>> -> memref<64xi32, #tpu.memory_space<vmem>>
          %dma_wait3A_233 = tpu.memref_slice %arg3[%add3A_174] : memref<802816xi32, #tpu.memory_space<hbm>> -> memref<64xi32, #tpu.memory_space<hbm>>
          tpu.wait_dma2 semaphore(%run_scoped3A_217 : memref<!tpu.dma_semaphore, #tpu.memory_space<semaphore_mem>>) src(%dma_wait3A_233 : memref<64xi32, #tpu.memory_space<hbm>>) dst(%dma_wait3A_232 : memref<64xi32, #tpu.memory_space<vmem>>)
          tpu.yield
        }) : () -> ()
        %dma_start3A_175 = arith.constant 0 : i32
        %dma_start3A_176 = arith.constant 0 : i32
        %dma_start3A_177 = tpu.memref_slice %arg13[%sub3A_102, %dma_start3A_175, %dma_start3A_176] : memref<2x64x32xf32, #tpu.memory_space<vmem>> -> memref<1x64x32xf32, #tpu.memory_space<vmem>>
        %dma_start3A_178 = tpu.memref_squeeze %dma_start3A_177 : memref<1x64x32xf32, #tpu.memory_space<vmem>> -> memref<64x32xf32, #tpu.memory_space<vmem>>
        %dma_start3A_179 = arith.constant 0 : i32
        %dma_start3A_180 = tpu.memref_slice %arg12[%sub3A_102, %dma_start3A_179] : memref<2x64xi32, #tpu.memory_space<vmem>> -> memref<1x64xi32, #tpu.memory_space<vmem>>
        %dma_start3A_181 = tpu.memref_squeeze %dma_start3A_180 : memref<1x64xi32, #tpu.memory_space<vmem>> -> memref<64xi32, #tpu.memory_space<vmem>>
        %dma_start3A_182 = arith.constant 0 : i32
        %dma_start3A_183 = arith.constant 0 : i32
        %dma_start3A_184 = tpu.memref_slice %arg5[%dma_start3A_182, %dma_start3A_183] : memref<50176x32xf32, #tpu.memory_space<hbm>> -> memref<50176x32xf32, #tpu.memory_space<hbm>>
        tpu.enqueue_indirect_dma source(%dma_start3A_184 : memref<50176x32xf32, #tpu.memory_space<hbm>>) target(%dma_start3A_178 : memref<64x32xf32, #tpu.memory_space<vmem>>) offsets(%dma_start3A_181 : memref<64xi32, #tpu.memory_space<vmem>>) semaphore(%arg23 : memref<!tpu.dma_semaphore, #tpu.memory_space<semaphore_mem>>)
        %dma_start3A_185 = arith.constant 0 : i32
        %dma_start3A_186 = arith.constant 0 : i32
        %dma_start3A_187 = tpu.memref_slice %arg14[%sub3A_102, %dma_start3A_185, %dma_start3A_186] : memref<2x64x32xf32, #tpu.memory_space<vmem>> -> memref<1x64x32xf32, #tpu.memory_space<vmem>>
        %dma_start3A_188 = tpu.memref_squeeze %dma_start3A_187 : memref<1x64x32xf32, #tpu.memory_space<vmem>> -> memref<64x32xf32, #tpu.memory_space<vmem>>
        %dma_start3A_189 = arith.constant 0 : i32
        %dma_start3A_190 = tpu.memref_slice %arg11[%sub3A_102, %dma_start3A_189] : memref<2x64xi32, #tpu.memory_space<vmem>> -> memref<1x64xi32, #tpu.memory_space<vmem>>
        %dma_start3A_191 = tpu.memref_squeeze %dma_start3A_190 : memref<1x64xi32, #tpu.memory_space<vmem>> -> memref<64xi32, #tpu.memory_space<vmem>>
        %dma_start3A_192 = arith.constant 0 : i32
        %dma_start3A_193 = arith.constant 0 : i32
        %dma_start3A_194 = tpu.memref_slice %arg6[%dma_start3A_192, %dma_start3A_193] : memref<50176x32xf32, #tpu.memory_space<hbm>> -> memref<50176x32xf32, #tpu.memory_space<hbm>>
        tpu.enqueue_indirect_dma source(%dma_start3A_194 : memref<50176x32xf32, #tpu.memory_space<hbm>>) target(%dma_start3A_188 : memref<64x32xf32, #tpu.memory_space<vmem>>) offsets(%dma_start3A_191 : memref<64xi32, #tpu.memory_space<vmem>>) semaphore(%arg24 : memref<!tpu.dma_semaphore, #tpu.memory_space<semaphore_mem>>)
        %dma_start3A_195 = arith.constant 0 : i32
        %dma_start3A_196 = arith.constant 0 : i32
        %dma_start3A_197 = tpu.memref_slice %arg15[%sub3A_102, %dma_start3A_195, %dma_start3A_196] : memref<2x64x32xf32, #tpu.memory_space<vmem>> -> memref<1x64x32xf32, #tpu.memory_space<vmem>>
        %dma_start3A_198 = tpu.memref_squeeze %dma_start3A_197 : memref<1x64x32xf32, #tpu.memory_space<vmem>> -> memref<64x32xf32, #tpu.memory_space<vmem>>
        %dma_start3A_199 = arith.constant 0 : i32
        %dma_start3A_200 = tpu.memref_slice %arg11[%sub3A_102, %dma_start3A_199] : memref<2x64xi32, #tpu.memory_space<vmem>> -> memref<1x64xi32, #tpu.memory_space<vmem>>
        %dma_start3A_201 = tpu.memref_squeeze %dma_start3A_200 : memref<1x64xi32, #tpu.memory_space<vmem>> -> memref<64xi32, #tpu.memory_space<vmem>>
        %dma_start3A_202 = arith.constant 0 : i32
        %dma_start3A_203 = arith.constant 0 : i32
        %dma_start3A_204 = tpu.memref_slice %arg7[%dma_start3A_202, %dma_start3A_203] : memref<50176x32xf32, #tpu.memory_space<hbm>> -> memref<50176x32xf32, #tpu.memory_space<hbm>>
        tpu.enqueue_indirect_dma source(%dma_start3A_204 : memref<50176x32xf32, #tpu.memory_space<hbm>>) target(%dma_start3A_198 : memref<64x32xf32, #tpu.memory_space<vmem>>) offsets(%dma_start3A_201 : memref<64xi32, #tpu.memory_space<vmem>>) semaphore(%arg25 : memref<!tpu.dma_semaphore, #tpu.memory_space<semaphore_mem>>)
        %dma_start3A_205 = arith.constant 0 : i32
        %dma_start3A_206 = arith.constant 0 : i32
        %dma_start3A_207 = tpu.memref_slice %arg16[%sub3A_102, %dma_start3A_205, %dma_start3A_206] : memref<2x64x32xf32, #tpu.memory_space<vmem>> -> memref<1x64x32xf32, #tpu.memory_space<vmem>>
        %dma_start3A_208 = tpu.memref_squeeze %dma_start3A_207 : memref<1x64x32xf32, #tpu.memory_space<vmem>> -> memref<64x32xf32, #tpu.memory_space<vmem>>
        %dma_start3A_209 = arith.constant 0 : i32
        %dma_start3A_210 = tpu.memref_slice %arg4[%add3A_174, %dma_start3A_209] : memref<802816x32xf32, #tpu.memory_space<hbm>> -> memref<64x32xf32, #tpu.memory_space<hbm>>
        %dma_start3A_211 = arith.constant 0 : i32
        %dma_start3A_212 = arith.constant 0 : i32
        %dma_start3A_213 = tpu.memref_slice %arg16[%sub3A_102, %dma_start3A_211, %dma_start3A_212] : memref<2x64x32xf32, #tpu.memory_space<vmem>> -> memref<1x64x32xf32, #tpu.memory_space<vmem>>
        %dma_start3A_214 = tpu.memref_squeeze %dma_start3A_213 : memref<1x64x32xf32, #tpu.memory_space<vmem>> -> memref<64x32xf32, #tpu.memory_space<vmem>>
        %dma_start3A_215 = arith.constant 0 : i32
        %dma_start3A_216 = tpu.memref_slice %arg4[%add3A_174, %dma_start3A_215] : memref<802816x32xf32, #tpu.memory_space<hbm>> -> memref<64x32xf32, #tpu.memory_space<hbm>>
        tpu.enqueue_dma source(%dma_start3A_216 : memref<64x32xf32, #tpu.memory_space<hbm>>) target(%dma_start3A_214 : memref<64x32xf32, #tpu.memory_space<vmem>>) target_semaphore(%arg26 : memref<!tpu.dma_semaphore, #tpu.memory_space<semaphore_mem>>)
      } else {
      }
      %dma_wait3A_111 = arith.constant 0 : i32
      %dma_wait3A_112 = arith.constant 0 : i32
      %dma_wait3A_113 = tpu.memref_slice %arg13[%rem3A_101, %dma_wait3A_111, %dma_wait3A_112] : memref<2x64x32xf32, #tpu.memory_space<vmem>> -> memref<1x64x32xf32, #tpu.memory_space<vmem>>
      %dma_wait3A_114 = tpu.memref_squeeze %dma_wait3A_113 : memref<1x64x32xf32, #tpu.memory_space<vmem>> -> memref<64x32xf32, #tpu.memory_space<vmem>>
      %dma_wait3A_115 = arith.constant 0 : i32
      %dma_wait3A_116 = tpu.memref_slice %arg12[%rem3A_101, %dma_wait3A_115] : memref<2x64xi32, #tpu.memory_space<vmem>> -> memref<1x64xi32, #tpu.memory_space<vmem>>
      %dma_wait3A_117 = tpu.memref_squeeze %dma_wait3A_116 : memref<1x64xi32, #tpu.memory_space<vmem>> -> memref<64xi32, #tpu.memory_space<vmem>>
      %dma_wait3A_118 = arith.constant 0 : i32
      %dma_wait3A_119 = arith.constant 0 : i32
      %dma_wait3A_120 = tpu.memref_slice %arg5[%dma_wait3A_118, %dma_wait3A_119] : memref<50176x32xf32, #tpu.memory_space<hbm>> -> memref<50176x32xf32, #tpu.memory_space<hbm>>
      tpu.wait_indirect_dma semaphore(%arg23 : memref<!tpu.dma_semaphore, #tpu.memory_space<semaphore_mem>>) src(%dma_wait3A_120 : memref<50176x32xf32, #tpu.memory_space<hbm>>) dst(%dma_wait3A_114 : memref<64x32xf32, #tpu.memory_space<vmem>>)
      %dma_wait3A_121 = arith.constant 0 : i32
      %dma_wait3A_122 = arith.constant 0 : i32
      %dma_wait3A_123 = tpu.memref_slice %arg14[%rem3A_101, %dma_wait3A_121, %dma_wait3A_122] : memref<2x64x32xf32, #tpu.memory_space<vmem>> -> memref<1x64x32xf32, #tpu.memory_space<vmem>>
      %dma_wait3A_124 = tpu.memref_squeeze %dma_wait3A_123 : memref<1x64x32xf32, #tpu.memory_space<vmem>> -> memref<64x32xf32, #tpu.memory_space<vmem>>
      %dma_wait3A_125 = arith.constant 0 : i32
      %dma_wait3A_126 = tpu.memref_slice %arg11[%rem3A_101, %dma_wait3A_125] : memref<2x64xi32, #tpu.memory_space<vmem>> -> memref<1x64xi32, #tpu.memory_space<vmem>>
      %dma_wait3A_127 = tpu.memref_squeeze %dma_wait3A_126 : memref<1x64xi32, #tpu.memory_space<vmem>> -> memref<64xi32, #tpu.memory_space<vmem>>
      %dma_wait3A_128 = arith.constant 0 : i32
      %dma_wait3A_129 = arith.constant 0 : i32
      %dma_wait3A_130 = tpu.memref_slice %arg6[%dma_wait3A_128, %dma_wait3A_129] : memref<50176x32xf32, #tpu.memory_space<hbm>> -> memref<50176x32xf32, #tpu.memory_space<hbm>>
      tpu.wait_indirect_dma semaphore(%arg24 : memref<!tpu.dma_semaphore, #tpu.memory_space<semaphore_mem>>) src(%dma_wait3A_130 : memref<50176x32xf32, #tpu.memory_space<hbm>>) dst(%dma_wait3A_124 : memref<64x32xf32, #tpu.memory_space<vmem>>)
      %dma_wait3A_131 = arith.constant 0 : i32
      %dma_wait3A_132 = arith.constant 0 : i32
      %dma_wait3A_133 = tpu.memref_slice %arg15[%rem3A_101, %dma_wait3A_131, %dma_wait3A_132] : memref<2x64x32xf32, #tpu.memory_space<vmem>> -> memref<1x64x32xf32, #tpu.memory_space<vmem>>
      %dma_wait3A_134 = tpu.memref_squeeze %dma_wait3A_133 : memref<1x64x32xf32, #tpu.memory_space<vmem>> -> memref<64x32xf32, #tpu.memory_space<vmem>>
      %dma_wait3A_135 = arith.constant 0 : i32
      %dma_wait3A_136 = tpu.memref_slice %arg11[%rem3A_101, %dma_wait3A_135] : memref<2x64xi32, #tpu.memory_space<vmem>> -> memref<1x64xi32, #tpu.memory_space<vmem>>
      %dma_wait3A_137 = tpu.memref_squeeze %dma_wait3A_136 : memref<1x64xi32, #tpu.memory_space<vmem>> -> memref<64xi32, #tpu.memory_space<vmem>>
      %dma_wait3A_138 = arith.constant 0 : i32
      %dma_wait3A_139 = arith.constant 0 : i32
      %dma_wait3A_140 = tpu.memref_slice %arg7[%dma_wait3A_138, %dma_wait3A_139] : memref<50176x32xf32, #tpu.memory_space<hbm>> -> memref<50176x32xf32, #tpu.memory_space<hbm>>
      tpu.wait_indirect_dma semaphore(%arg25 : memref<!tpu.dma_semaphore, #tpu.memory_space<semaphore_mem>>) src(%dma_wait3A_140 : memref<50176x32xf32, #tpu.memory_space<hbm>>) dst(%dma_wait3A_134 : memref<64x32xf32, #tpu.memory_space<vmem>>)
      %dma_wait3A_141 = arith.constant 0 : i32
      %dma_wait3A_142 = arith.constant 0 : i32
      %dma_wait3A_143 = tpu.memref_slice %arg16[%rem3A_101, %dma_wait3A_141, %dma_wait3A_142] : memref<2x64x32xf32, #tpu.memory_space<vmem>> -> memref<1x64x32xf32, #tpu.memory_space<vmem>>
      %dma_wait3A_144 = tpu.memref_squeeze %dma_wait3A_143 : memref<1x64x32xf32, #tpu.memory_space<vmem>> -> memref<64x32xf32, #tpu.memory_space<vmem>>
      %dma_wait3A_145 = arith.constant 0 : i32
      %dma_wait3A_146 = tpu.memref_slice %arg4[%mul3A_23, %dma_wait3A_145] : memref<802816x32xf32, #tpu.memory_space<hbm>> -> memref<64x32xf32, #tpu.memory_space<hbm>>
      %dma_wait3A_147 = arith.constant 0 : i32
      %dma_wait3A_148 = arith.constant 0 : i32
      %dma_wait3A_149 = tpu.memref_slice %arg16[%rem3A_101, %dma_wait3A_147, %dma_wait3A_148] : memref<2x64x32xf32, #tpu.memory_space<vmem>> -> memref<1x64x32xf32, #tpu.memory_space<vmem>>
      %dma_wait3A_150 = tpu.memref_squeeze %dma_wait3A_149 : memref<1x64x32xf32, #tpu.memory_space<vmem>> -> memref<64x32xf32, #tpu.memory_space<vmem>>
      %dma_wait3A_151 = arith.constant 0 : i32
      %dma_wait3A_152 = tpu.memref_slice %arg4[%mul3A_23, %dma_wait3A_151] : memref<802816x32xf32, #tpu.memory_space<hbm>> -> memref<64x32xf32, #tpu.memory_space<hbm>>
      tpu.wait_dma2 semaphore(%arg26 : memref<!tpu.dma_semaphore, #tpu.memory_space<semaphore_mem>>) src(%dma_wait3A_152 : memref<64x32xf32, #tpu.memory_space<hbm>>) dst(%dma_wait3A_150 : memref<64x32xf32, #tpu.memory_space<vmem>>)
      %scan3A_153 = arith.constant 0 : i32
      %scan3A_154 = arith.constant 0 : i32
      %scan3A_155 = arith.constant 32 : i32
      %scan3A_156 = arith.addi %scan3A_154, %scan3A_155 : i32
      %scan3A_157 = arith.constant 1 : i32
      scf.for %scan3A_170 = %scan3A_154 to %scan3A_156 step %scan3A_157  : i32 {
        %mul3A_171 = arith.constant 2 : i32
        %mul3A_172 = arith.muli %scan3A_170, %mul3A_171 : i32
        %get3A = arith.constant 0 : i32
        %get3A_173 = arith.constant 0 : i32
        %get3A_174 = tpu.memref_slice %arg13[%rem3A_101, %get3A, %get3A_173] : memref<2x64x32xf32, #tpu.memory_space<vmem>> -> memref<1x64x32xf32, #tpu.memory_space<vmem>>
        %get3A_175 = tpu.memref_squeeze %get3A_174 : memref<1x64x32xf32, #tpu.memory_space<vmem>> -> memref<64x32xf32, #tpu.memory_space<vmem>>
        %get3A_176 = arith.index_cast %mul3A_172 : i32 to index
        %get3A_177 = arith.constant 0 : index
        %get3A_178 = tpu.vector_load %get3A_175[%get3A_176, %get3A_177] {strides = array<i32>} : memref<64x32xf32, #tpu.memory_space<vmem>>, vector<16xf32>,
        %get3A_179 = arith.constant 0 : i32
        %get3A_180 = arith.constant 0 : i32
        %get3A_181 = tpu.memref_slice %arg13[%rem3A_101, %get3A_179, %get3A_180] : memref<2x64x32xf32, #tpu.memory_space<vmem>> -> memref<1x64x32xf32, #tpu.memory_space<vmem>>
        %get3A_182 = tpu.memref_squeeze %get3A_181 : memref<1x64x32xf32, #tpu.memory_space<vmem>> -> memref<64x32xf32, #tpu.memory_space<vmem>>
        %get3A_183 = arith.index_cast %mul3A_172 : i32 to index
        %get3A_184 = arith.constant 16 : index
        %get3A_185 = tpu.vector_load %get3A_182[%get3A_183, %get3A_184] {strides = array<i32>} : memref<64x32xf32, #tpu.memory_space<vmem>>, vector<16xf32>,
        %get3A_186 = arith.constant 0 : i32
        %get3A_187 = arith.constant 0 : i32
        %get3A_188 = tpu.memref_slice %arg14[%rem3A_101, %get3A_186, %get3A_187] : memref<2x64x32xf32, #tpu.memory_space<vmem>> -> memref<1x64x32xf32, #tpu.memory_space<vmem>>
        %get3A_189 = tpu.memref_squeeze %get3A_188 : memref<1x64x32xf32, #tpu.memory_space<vmem>> -> memref<64x32xf32, #tpu.memory_space<vmem>>
        %get3A_190 = arith.index_cast %mul3A_172 : i32 to index
        %get3A_191 = arith.constant 0 : index
        %get3A_192 = tpu.vector_load %get3A_189[%get3A_190, %get3A_191] {strides = array<i32>} : memref<64x32xf32, #tpu.memory_space<vmem>>, vector<16xf32>,
        %get3A_193 = arith.constant 0 : i32
        %get3A_194 = arith.constant 0 : i32
        %get3A_195 = tpu.memref_slice %arg14[%rem3A_101, %get3A_193, %get3A_194] : memref<2x64x32xf32, #tpu.memory_space<vmem>> -> memref<1x64x32xf32, #tpu.memory_space<vmem>>
        %get3A_196 = tpu.memref_squeeze %get3A_195 : memref<1x64x32xf32, #tpu.memory_space<vmem>> -> memref<64x32xf32, #tpu.memory_space<vmem>>
        %get3A_197 = arith.index_cast %mul3A_172 : i32 to index
        %get3A_198 = arith.constant 16 : index
        %get3A_199 = tpu.vector_load %get3A_196[%get3A_197, %get3A_198] {strides = array<i32>} : memref<64x32xf32, #tpu.memory_space<vmem>>, vector<16xf32>,
        %get3A_200 = arith.constant 0 : i32
        %get3A_201 = arith.constant 0 : i32
        %get3A_202 = tpu.memref_slice %arg16[%rem3A_101, %get3A_200, %get3A_201] : memref<2x64x32xf32, #tpu.memory_space<vmem>> -> memref<1x64x32xf32, #tpu.memory_space<vmem>>
        %get3A_203 = tpu.memref_squeeze %get3A_202 : memref<1x64x32xf32, #tpu.memory_space<vmem>> -> memref<64x32xf32, #tpu.memory_space<vmem>>
        %get3A_204 = arith.index_cast %mul3A_172 : i32 to index
        %get3A_205 = arith.constant 0 : index
        %get3A_206 = tpu.vector_load %get3A_203[%get3A_204, %get3A_205] {strides = array<i32>} : memref<64x32xf32, #tpu.memory_space<vmem>>, vector<16xf32>,
        %get3A_207 = arith.constant 0 : i32
        %get3A_208 = arith.constant 0 : i32
        %get3A_209 = tpu.memref_slice %arg16[%rem3A_101, %get3A_207, %get3A_208] : memref<2x64x32xf32, #tpu.memory_space<vmem>> -> memref<1x64x32xf32, #tpu.memory_space<vmem>>
        %get3A_210 = tpu.memref_squeeze %get3A_209 : memref<1x64x32xf32, #tpu.memory_space<vmem>> -> memref<64x32xf32, #tpu.memory_space<vmem>>
        %get3A_211 = arith.index_cast %mul3A_172 : i32 to index
        %get3A_212 = arith.constant 16 : index
        %get3A_213 = tpu.vector_load %get3A_210[%get3A_211, %get3A_212] {strides = array<i32>} : memref<64x32xf32, #tpu.memory_space<vmem>>, vector<16xf32>,
        %add3A_214 = arith.addf %get3A_192, %get3A_206 : vector<16xf32>
        %mul3A_215 = arith.mulf %get3A_178, %add3A_214 : vector<16xf32>
        %add3A_216 = arith.addf %get3A_199, %get3A_213 : vector<16xf32>
        %mul3A_217 = arith.mulf %get3A_185, %add3A_216 : vector<16xf32>
        %add3A_218 = arith.addf %mul3A_215, %mul3A_217 : vector<16xf32>
        %xor3A = arith.constant 8 : i32
        %xor3A_219 = vector.broadcast %xor3A : i32 to vector<16xi32>
        %xor3A_220 = arith.xori %iota3A, %xor3A_219 : vector<16xi32>
        %broadcast_in_dim3A_221 = vector.shape_cast %xor3A_220 : vector<16xi32> to vector<16x1xi32>
        %gather3A = vector.shape_cast %broadcast_in_dim3A_221 : vector<16x1xi32> to vector<16xi32>
        %gather3A_222 = tpu.dynamic_gather %add3A_218[%gather3A] in [0] : vector<16xf32>, vector<16xi32> -> vector<16xf32>
        %add3A_223 = arith.addf %add3A_218, %gather3A_222 : vector<16xf32>
        %xor3A_224 = arith.constant 4 : i32
        %xor3A_225 = vector.broadcast %xor3A_224 : i32 to vector<16xi32>
        %xor3A_226 = arith.xori %iota3A, %xor3A_225 : vector<16xi32>
        %broadcast_in_dim3A_227 = vector.shape_cast %xor3A_226 : vector<16xi32> to vector<16x1xi32>
        %gather3A_228 = vector.shape_cast %broadcast_in_dim3A_227 : vector<16x1xi32> to vector<16xi32>
        %gather3A_229 = tpu.dynamic_gather %add3A_223[%gather3A_228] in [0] : vector<16xf32>, vector<16xi32> -> vector<16xf32>
        %add3A_230 = arith.addf %add3A_223, %gather3A_229 : vector<16xf32>
        %xor3A_231 = arith.constant 2 : i32
        %xor3A_232 = vector.broadcast %xor3A_231 : i32 to vector<16xi32>
        %xor3A_233 = arith.xori %iota3A, %xor3A_232 : vector<16xi32>
        %broadcast_in_dim3A_234 = vector.shape_cast %xor3A_233 : vector<16xi32> to vector<16x1xi32>
        %gather3A_235 = vector.shape_cast %broadcast_in_dim3A_234 : vector<16x1xi32> to vector<16xi32>
        %gather3A_236 = tpu.dynamic_gather %add3A_230[%gather3A_235] in [0] : vector<16xf32>, vector<16xi32> -> vector<16xf32>
        %add3A_237 = arith.addf %add3A_230, %gather3A_236 : vector<16xf32>
        %xor3A_238 = arith.constant 1 : i32
        %xor3A_239 = vector.broadcast %xor3A_238 : i32 to vector<16xi32>
        %xor3A_240 = arith.xori %iota3A, %xor3A_239 : vector<16xi32>
        %broadcast_in_dim3A_241 = vector.shape_cast %xor3A_240 : vector<16xi32> to vector<16x1xi32>
        %gather3A_242 = vector.shape_cast %broadcast_in_dim3A_241 : vector<16x1xi32> to vector<16xi32>
        %gather3A_243 = tpu.dynamic_gather %add3A_237[%gather3A_242] in [0] : vector<16xf32>, vector<16xi32> -> vector<16xf32>
        %add3A_244 = arith.addf %add3A_237, %gather3A_243 : vector<16xf32>
        %mul3A_245 = arith.constant 0.176776692 : f32
        %mul3A_246 = vector.broadcast %mul3A_245 : f32 to vector<16xf32>
        %mul3A_247 = arith.mulf %add3A_244, %mul3A_246 : vector<16xf32>
        %exp3A = math.exp %mul3A_247 : vector<16xf32>
        %get3A_248 = arith.constant 0 : i32
        %get3A_249 = arith.constant 0 : i32
        %get3A_250 = tpu.memref_slice %arg15[%rem3A_101, %get3A_248, %get3A_249] : memref<2x64x32xf32, #tpu.memory_space<vmem>> -> memref<1x64x32xf32, #tpu.memory_space<vmem>>
        %get3A_251 = tpu.memref_squeeze %get3A_250 : memref<1x64x32xf32, #tpu.memory_space<vmem>> -> memref<64x32xf32, #tpu.memory_space<vmem>>
        %get3A_252 = arith.index_cast %mul3A_172 : i32 to index
        %get3A_253 = arith.constant 0 : index
        %get3A_254 = tpu.vector_load %get3A_251[%get3A_252, %get3A_253] {strides = array<i32>} : memref<64x32xf32, #tpu.memory_space<vmem>>, vector<16xf32>,
        %get3A_255 = arith.constant 0 : i32
        %get3A_256 = arith.constant 0 : i32
        %get3A_257 = tpu.memref_slice %arg15[%rem3A_101, %get3A_255, %get3A_256] : memref<2x64x32xf32, #tpu.memory_space<vmem>> -> memref<1x64x32xf32, #tpu.memory_space<vmem>>
        %get3A_258 = tpu.memref_squeeze %get3A_257 : memref<1x64x32xf32, #tpu.memory_space<vmem>> -> memref<64x32xf32, #tpu.memory_space<vmem>>
        %get3A_259 = arith.index_cast %mul3A_172 : i32 to index
        %get3A_260 = arith.constant 16 : index
        %get3A_261 = tpu.vector_load %get3A_258[%get3A_259, %get3A_260] {strides = array<i32>} : memref<64x32xf32, #tpu.memory_space<vmem>>, vector<16xf32>,
        %add3A_262 = arith.addf %get3A_254, %get3A_206 : vector<16xf32>
        %mul3A_263 = arith.mulf %add3A_262, %exp3A : vector<16xf32>
        %swap3A_264 = arith.index_cast %mul3A_172 : i32 to index
        %swap3A_265 = arith.constant 0 : index
        %swap3A_266 = tpu.vector_load %arg17[%swap3A_264, %swap3A_265] {strides = array<i32>} : memref<64x32xf32, #tpu.memory_space<vmem>>, vector<16xf32>,
        tpu.vector_store %arg17[%swap3A_264, %swap3A_265], %mul3A_263 {strides = array<i32>} : memref<64x32xf32, #tpu.memory_space<vmem>>, vector<16xf32>,
        %add3A_267 = arith.addf %get3A_261, %get3A_213 : vector<16xf32>
        %mul3A_268 = arith.mulf %add3A_267, %exp3A : vector<16xf32>
        %swap3A_269 = arith.index_cast %mul3A_172 : i32 to index
        %swap3A_270 = arith.constant 16 : index
        %swap3A_271 = tpu.vector_load %arg17[%swap3A_269, %swap3A_270] {strides = array<i32>} : memref<64x32xf32, #tpu.memory_space<vmem>>, vector<16xf32>,
        tpu.vector_store %arg17[%swap3A_269, %swap3A_270], %mul3A_268 {strides = array<i32>} : memref<64x32xf32, #tpu.memory_space<vmem>>, vector<16xf32>,
        %broadcast_in_dim3A_272 = vector.broadcast %mul3A_172 : i32 to vector<16xi32>
        tpu.vector_store_idx %arg18[%broadcast_in_dim3A_272], %exp3A masked %eq3A_21 : memref<64xf32, #tpu.memory_space<vmem>>[vector<16xi32>], vector<16xf32>, vector<16xi1>
        %mul3A_273 = arith.constant 2 : i32
        %mul3A_274 = arith.muli %scan3A_170, %mul3A_273 : i32
        %add3A_275 = arith.constant 1 : i32
        %add3A_276 = arith.addi %mul3A_274, %add3A_275 : i32
        %get3A_277 = arith.constant 0 : i32
        %get3A_278 = arith.constant 0 : i32
        %get3A_279 = tpu.memref_slice %arg13[%rem3A_101, %get3A_277, %get3A_278] : memref<2x64x32xf32, #tpu.memory_space<vmem>> -> memref<1x64x32xf32, #tpu.memory_space<vmem>>
        %get3A_280 = tpu.memref_squeeze %get3A_279 : memref<1x64x32xf32, #tpu.memory_space<vmem>> -> memref<64x32xf32, #tpu.memory_space<vmem>>
        %get3A_281 = arith.index_cast %add3A_276 : i32 to index
        %get3A_282 = arith.constant 0 : index
        %get3A_283 = tpu.vector_load %get3A_280[%get3A_281, %get3A_282] {strides = array<i32>} : memref<64x32xf32, #tpu.memory_space<vmem>>, vector<16xf32>,
        %get3A_284 = arith.constant 0 : i32
        %get3A_285 = arith.constant 0 : i32
        %get3A_286 = tpu.memref_slice %arg13[%rem3A_101, %get3A_284, %get3A_285] : memref<2x64x32xf32, #tpu.memory_space<vmem>> -> memref<1x64x32xf32, #tpu.memory_space<vmem>>
        %get3A_287 = tpu.memref_squeeze %get3A_286 : memref<1x64x32xf32, #tpu.memory_space<vmem>> -> memref<64x32xf32, #tpu.memory_space<vmem>>
        %get3A_288 = arith.index_cast %add3A_276 : i32 to index
        %get3A_289 = arith.constant 16 : index
        %get3A_290 = tpu.vector_load %get3A_287[%get3A_288, %get3A_289] {strides = array<i32>} : memref<64x32xf32, #tpu.memory_space<vmem>>, vector<16xf32>,
        %get3A_291 = arith.constant 0 : i32
        %get3A_292 = arith.constant 0 : i32
        %get3A_293 = tpu.memref_slice %arg14[%rem3A_101, %get3A_291, %get3A_292] : memref<2x64x32xf32, #tpu.memory_space<vmem>> -> memref<1x64x32xf32, #tpu.memory_space<vmem>>
        %get3A_294 = tpu.memref_squeeze %get3A_293 : memref<1x64x32xf32, #tpu.memory_space<vmem>> -> memref<64x32xf32, #tpu.memory_space<vmem>>
        %get3A_295 = arith.index_cast %add3A_276 : i32 to index
        %get3A_296 = arith.constant 0 : index
        %get3A_297 = tpu.vector_load %get3A_294[%get3A_295, %get3A_296] {strides = array<i32>} : memref<64x32xf32, #tpu.memory_space<vmem>>, vector<16xf32>,
        %get3A_298 = arith.constant 0 : i32
        %get3A_299 = arith.constant 0 : i32
        %get3A_300 = tpu.memref_slice %arg14[%rem3A_101, %get3A_298, %get3A_299] : memref<2x64x32xf32, #tpu.memory_space<vmem>> -> memref<1x64x32xf32, #tpu.memory_space<vmem>>
        %get3A_301 = tpu.memref_squeeze %get3A_300 : memref<1x64x32xf32, #tpu.memory_space<vmem>> -> memref<64x32xf32, #tpu.memory_space<vmem>>
        %get3A_302 = arith.index_cast %add3A_276 : i32 to index
        %get3A_303 = arith.constant 16 : index
        %get3A_304 = tpu.vector_load %get3A_301[%get3A_302, %get3A_303] {strides = array<i32>} : memref<64x32xf32, #tpu.memory_space<vmem>>, vector<16xf32>,
        %get3A_305 = arith.constant 0 : i32
        %get3A_306 = arith.constant 0 : i32
        %get3A_307 = tpu.memref_slice %arg16[%rem3A_101, %get3A_305, %get3A_306] : memref<2x64x32xf32, #tpu.memory_space<vmem>> -> memref<1x64x32xf32, #tpu.memory_space<vmem>>
        %get3A_308 = tpu.memref_squeeze %get3A_307 : memref<1x64x32xf32, #tpu.memory_space<vmem>> -> memref<64x32xf32, #tpu.memory_space<vmem>>
        %get3A_309 = arith.index_cast %add3A_276 : i32 to index
        %get3A_310 = arith.constant 0 : index
        %get3A_311 = tpu.vector_load %get3A_308[%get3A_309, %get3A_310] {strides = array<i32>} : memref<64x32xf32, #tpu.memory_space<vmem>>, vector<16xf32>,
        %get3A_312 = arith.constant 0 : i32
        %get3A_313 = arith.constant 0 : i32
        %get3A_314 = tpu.memref_slice %arg16[%rem3A_101, %get3A_312, %get3A_313] : memref<2x64x32xf32, #tpu.memory_space<vmem>> -> memref<1x64x32xf32, #tpu.memory_space<vmem>>
        %get3A_315 = tpu.memref_squeeze %get3A_314 : memref<1x64x32xf32, #tpu.memory_space<vmem>> -> memref<64x32xf32, #tpu.memory_space<vmem>>
        %get3A_316 = arith.index_cast %add3A_276 : i32 to index
        %get3A_317 = arith.constant 16 : index
        %get3A_318 = tpu.vector_load %get3A_315[%get3A_316, %get3A_317] {strides = array<i32>} : memref<64x32xf32, #tpu.memory_space<vmem>>, vector<16xf32>,
        %add3A_319 = arith.addf %get3A_297, %get3A_311 : vector<16xf32>
        %mul3A_320 = arith.mulf %get3A_283, %add3A_319 : vector<16xf32>
        %add3A_321 = arith.addf %get3A_304, %get3A_318 : vector<16xf32>
        %mul3A_322 = arith.mulf %get3A_290, %add3A_321 : vector<16xf32>
        %add3A_323 = arith.addf %mul3A_320, %mul3A_322 : vector<16xf32>
        %xor3A_324 = arith.constant 8 : i32
        %xor3A_325 = vector.broadcast %xor3A_324 : i32 to vector<16xi32>
        %xor3A_326 = arith.xori %iota3A, %xor3A_325 : vector<16xi32>
        %broadcast_in_dim3A_327 = vector.shape_cast %xor3A_326 : vector<16xi32> to vector<16x1xi32>
        %gather3A_328 = vector.shape_cast %broadcast_in_dim3A_327 : vector<16x1xi32> to vector<16xi32>
        %gather3A_329 = tpu.dynamic_gather %add3A_323[%gather3A_328] in [0] : vector<16xf32>, vector<16xi32> -> vector<16xf32>
        %add3A_330 = arith.addf %add3A_323, %gather3A_329 : vector<16xf32>
        %xor3A_331 = arith.constant 4 : i32
        %xor3A_332 = vector.broadcast %xor3A_331 : i32 to vector<16xi32>
        %xor3A_333 = arith.xori %iota3A, %xor3A_332 : vector<16xi32>
        %broadcast_in_dim3A_334 = vector.shape_cast %xor3A_333 : vector<16xi32> to vector<16x1xi32>
        %gather3A_335 = vector.shape_cast %broadcast_in_dim3A_334 : vector<16x1xi32> to vector<16xi32>
        %gather3A_336 = tpu.dynamic_gather %add3A_330[%gather3A_335] in [0] : vector<16xf32>, vector<16xi32> -> vector<16xf32>
        %add3A_337 = arith.addf %add3A_330, %gather3A_336 : vector<16xf32>
        %xor3A_338 = arith.constant 2 : i32
        %xor3A_339 = vector.broadcast %xor3A_338 : i32 to vector<16xi32>
        %xor3A_340 = arith.xori %iota3A, %xor3A_339 : vector<16xi32>
        %broadcast_in_dim3A_341 = vector.shape_cast %xor3A_340 : vector<16xi32> to vector<16x1xi32>
        %gather3A_342 = vector.shape_cast %broadcast_in_dim3A_341 : vector<16x1xi32> to vector<16xi32>
        %gather3A_343 = tpu.dynamic_gather %add3A_337[%gather3A_342] in [0] : vector<16xf32>, vector<16xi32> -> vector<16xf32>
        %add3A_344 = arith.addf %add3A_337, %gather3A_343 : vector<16xf32>
        %xor3A_345 = arith.constant 1 : i32
        %xor3A_346 = vector.broadcast %xor3A_345 : i32 to vector<16xi32>
        %xor3A_347 = arith.xori %iota3A, %xor3A_346 : vector<16xi32>
        %broadcast_in_dim3A_348 = vector.shape_cast %xor3A_347 : vector<16xi32> to vector<16x1xi32>
        %gather3A_349 = vector.shape_cast %broadcast_in_dim3A_348 : vector<16x1xi32> to vector<16xi32>
        %gather3A_350 = tpu.dynamic_gather %add3A_344[%gather3A_349] in [0] : vector<16xf32>, vector<16xi32> -> vector<16xf32>
        %add3A_351 = arith.addf %add3A_344, %gather3A_350 : vector<16xf32>
        %mul3A_352 = arith.constant 0.176776692 : f32
        %mul3A_353 = vector.broadcast %mul3A_352 : f32 to vector<16xf32>
        %mul3A_354 = arith.mulf %add3A_351, %mul3A_353 : vector<16xf32>
        %exp3A_355 = math.exp %mul3A_354 : vector<16xf32>
        %get3A_356 = arith.constant 0 : i32
        %get3A_357 = arith.constant 0 : i32
        %get3A_358 = tpu.memref_slice %arg15[%rem3A_101, %get3A_356, %get3A_357] : memref<2x64x32xf32, #tpu.memory_space<vmem>> -> memref<1x64x32xf32, #tpu.memory_space<vmem>>
        %get3A_359 = tpu.memref_squeeze %get3A_358 : memref<1x64x32xf32, #tpu.memory_space<vmem>> -> memref<64x32xf32, #tpu.memory_space<vmem>>
        %get3A_360 = arith.index_cast %add3A_276 : i32 to index
        %get3A_361 = arith.constant 0 : index
        %get3A_362 = tpu.vector_load %get3A_359[%get3A_360, %get3A_361] {strides = array<i32>} : memref<64x32xf32, #tpu.memory_space<vmem>>, vector<16xf32>,
        %get3A_363 = arith.constant 0 : i32
        %get3A_364 = arith.constant 0 : i32
        %get3A_365 = tpu.memref_slice %arg15[%rem3A_101, %get3A_363, %get3A_364] : memref<2x64x32xf32, #tpu.memory_space<vmem>> -> memref<1x64x32xf32, #tpu.memory_space<vmem>>
        %get3A_366 = tpu.memref_squeeze %get3A_365 : memref<1x64x32xf32, #tpu.memory_space<vmem>> -> memref<64x32xf32, #tpu.memory_space<vmem>>
        %get3A_367 = arith.index_cast %add3A_276 : i32 to index
        %get3A_368 = arith.constant 16 : index
        %get3A_369 = tpu.vector_load %get3A_366[%get3A_367, %get3A_368] {strides = array<i32>} : memref<64x32xf32, #tpu.memory_space<vmem>>, vector<16xf32>,
        %add3A_370 = arith.addf %get3A_362, %get3A_311 : vector<16xf32>
        %mul3A_371 = arith.mulf %add3A_370, %exp3A_355 : vector<16xf32>
        %swap3A_372 = arith.index_cast %add3A_276 : i32 to index
        %swap3A_373 = arith.constant 0 : index
        %swap3A_374 = tpu.vector_load %arg17[%swap3A_372, %swap3A_373] {strides = array<i32>} : memref<64x32xf32, #tpu.memory_space<vmem>>, vector<16xf32>,
        tpu.vector_store %arg17[%swap3A_372, %swap3A_373], %mul3A_371 {strides = array<i32>} : memref<64x32xf32, #tpu.memory_space<vmem>>, vector<16xf32>,
        %add3A_375 = arith.addf %get3A_369, %get3A_318 : vector<16xf32>
        %mul3A_376 = arith.mulf %add3A_375, %exp3A_355 : vector<16xf32>
        %swap3A_377 = arith.index_cast %add3A_276 : i32 to index
        %swap3A_378 = arith.constant 16 : index
        %swap3A_379 = tpu.vector_load %arg17[%swap3A_377, %swap3A_378] {strides = array<i32>} : memref<64x32xf32, #tpu.memory_space<vmem>>, vector<16xf32>,
        tpu.vector_store %arg17[%swap3A_377, %swap3A_378], %mul3A_376 {strides = array<i32>} : memref<64x32xf32, #tpu.memory_space<vmem>>, vector<16xf32>,
        %broadcast_in_dim3A_380 = vector.broadcast %add3A_276 : i32 to vector<16xi32>
        tpu.vector_store_idx %arg18[%broadcast_in_dim3A_380], %exp3A_355 masked %eq3A_21 : memref<64xf32, #tpu.memory_space<vmem>>[vector<16xi32>], vector<16xf32>, vector<16xi1>
      }
      %scan3A_158 = arith.constant 32 : i32
      %dma_start3A_159 = arith.constant 0 : i32
      %dma_start3A_160 = tpu.memref_slice %arg12[%rem3A_101, %dma_start3A_159] : memref<2x64xi32, #tpu.memory_space<vmem>> -> memref<1x64xi32, #tpu.memory_space<vmem>>
      %dma_start3A_161 = tpu.memref_squeeze %dma_start3A_160 : memref<1x64xi32, #tpu.memory_space<vmem>> -> memref<64xi32, #tpu.memory_space<vmem>>
      %dma_start3A_162 = arith.constant 0 : i32
      %dma_start3A_163 = arith.constant 0 : i32
      %dma_start3A_164 = tpu.memref_slice %arg21[%dma_start3A_162, %dma_start3A_163] : memref<50176x32xf32, #tpu.memory_space<vmem_shared>> -> memref<50176x32xf32, #tpu.memory_space<vmem_shared>>
      tpu.enqueue_indirect_dma source(%arg17 : memref<64x32xf32, #tpu.memory_space<vmem>>) target(%dma_start3A_164 : memref<50176x32xf32, #tpu.memory_space<vmem_shared>>) offsets(%dma_start3A_161 : memref<64xi32, #tpu.memory_space<vmem>>) semaphore(%arg27 : memref<!tpu.dma_semaphore, #tpu.memory_space<semaphore_mem>>) {add = true}
      %dma_start3A_165 = arith.constant 0 : i32
      %dma_start3A_166 = tpu.memref_slice %arg12[%rem3A_101, %dma_start3A_165] : memref<2x64xi32, #tpu.memory_space<vmem>> -> memref<1x64xi32, #tpu.memory_space<vmem>>
      %dma_start3A_167 = tpu.memref_squeeze %dma_start3A_166 : memref<1x64xi32, #tpu.memory_space<vmem>> -> memref<64xi32, #tpu.memory_space<vmem>>
      %dma_start3A_168 = arith.constant 0 : i32
      %dma_start3A_169 = tpu.memref_slice %arg22[%dma_start3A_168] : memref<50176xf32, #tpu.memory_space<vmem_shared>> -> memref<50176xf32, #tpu.memory_space<vmem_shared>>
      tpu.enqueue_indirect_dma source(%arg18 : memref<64xf32, #tpu.memory_space<vmem>>) target(%dma_start3A_169 : memref<50176xf32, #tpu.memory_space<vmem_shared>>) offsets(%dma_start3A_167 : memref<64xi32, #tpu.memory_space<vmem>>) semaphore(%arg28 : memref<!tpu.dma_semaphore, #tpu.memory_space<semaphore_mem>>) {add = true}
    }
    %scan3A_80 = arith.constant 392 : i32
    %dma_wait3A = arith.constant 1 : i32
    %dma_wait3A_81 = arith.constant 0 : i32
    %dma_wait3A_82 = tpu.memref_slice %arg12[%dma_wait3A, %dma_wait3A_81] : memref<2x64xi32, #tpu.memory_space<vmem>> -> memref<1x64xi32, #tpu.memory_space<vmem>>
    %dma_wait3A_83 = tpu.memref_squeeze %dma_wait3A_82 : memref<1x64xi32, #tpu.memory_space<vmem>> -> memref<64xi32, #tpu.memory_space<vmem>>
    %dma_wait3A_84 = arith.constant 0 : i32
    %dma_wait3A_85 = arith.constant 0 : i32
    %dma_wait3A_86 = tpu.memref_slice %arg21[%dma_wait3A_84, %dma_wait3A_85] : memref<50176x32xf32, #tpu.memory_space<vmem_shared>> -> memref<50176x32xf32, #tpu.memory_space<vmem_shared>>
    tpu.wait_indirect_dma semaphore(%arg27 : memref<!tpu.dma_semaphore, #tpu.memory_space<semaphore_mem>>) src(%arg17 : memref<64x32xf32, #tpu.memory_space<vmem>>) dst(%dma_wait3A_86 : memref<50176x32xf32, #tpu.memory_space<vmem_shared>>)
    %dma_wait3A_87 = arith.constant 1 : i32
    %dma_wait3A_88 = arith.constant 0 : i32
    %dma_wait3A_89 = tpu.memref_slice %arg12[%dma_wait3A_87, %dma_wait3A_88] : memref<2x64xi32, #tpu.memory_space<vmem>> -> memref<1x64xi32, #tpu.memory_space<vmem>>
    %dma_wait3A_90 = tpu.memref_squeeze %dma_wait3A_89 : memref<1x64xi32, #tpu.memory_space<vmem>> -> memref<64xi32, #tpu.memory_space<vmem>>
    %dma_wait3A_91 = arith.constant 0 : i32
    %dma_wait3A_92 = tpu.memref_slice %arg22[%dma_wait3A_91] : memref<50176xf32, #tpu.memory_space<vmem_shared>> -> memref<50176xf32, #tpu.memory_space<vmem_shared>>
    tpu.wait_indirect_dma semaphore(%arg28 : memref<!tpu.dma_semaphore, #tpu.memory_space<semaphore_mem>>) src(%arg18 : memref<64xf32, #tpu.memory_space<vmem>>) dst(%dma_wait3A_92 : memref<50176xf32, #tpu.memory_space<vmem_shared>>)
    %barrier3A_93 = arith.constant 0 : index
    tpu.barrier barrier_id(%barrier3A_93)
    %scan3A_94 = arith.constant 0 : i32
    %scan3A_95 = arith.constant 0 : i32
    %scan3A_96 = arith.constant 28 : i32
    %scan3A_97 = arith.addi %scan3A_95, %scan3A_96 : i32
    %scan3A_98 = arith.constant 1 : i32
    scf.for %scan3A_100 = %scan3A_95 to %scan3A_97 step %scan3A_98  : i32 {
      %mul3A_101 = arith.constant 3136 : i32
      %mul3A_102 = arith.muli %arg1, %mul3A_101 : i32
      %mul3A_103 = arith.constant 112 : i32
      %mul3A_104 = arith.muli %scan3A_100, %mul3A_103 : i32
      %add3A_105 = arith.addi %mul3A_102, %mul3A_104 : i32
      "tpu.region"() ({
        %run_scoped3A_109 = tpu.sem_alloc : memref<!tpu.dma_semaphore, #tpu.memory_space<semaphore_mem>>
        %dma_start3A_110 = arith.constant 0 : i32
        %dma_start3A_111 = tpu.memref_slice %arg21[%add3A_105, %dma_start3A_110] : memref<50176x32xf32, #tpu.memory_space<vmem_shared>> -> memref<112x32xf32, #tpu.memory_space<vmem_shared>>
        %dma_start3A_112 = arith.constant 0 : i32
        %dma_start3A_113 = tpu.memref_slice %arg21[%add3A_105, %dma_start3A_112] : memref<50176x32xf32, #tpu.memory_space<vmem_shared>> -> memref<112x32xf32, #tpu.memory_space<vmem_shared>>
        tpu.enqueue_dma source(%dma_start3A_113 : memref<112x32xf32, #tpu.memory_space<vmem_shared>>) target(%arg19 : memref<112x32xf32, #tpu.memory_space<vmem>>) target_semaphore(%run_scoped3A_109 : memref<!tpu.dma_semaphore, #tpu.memory_space<semaphore_mem>>)
        %dma_wait3A_114 = arith.constant 0 : i32
        %dma_wait3A_115 = tpu.memref_slice %arg21[%add3A_105, %dma_wait3A_114] : memref<50176x32xf32, #tpu.memory_space<vmem_shared>> -> memref<112x32xf32, #tpu.memory_space<vmem_shared>>
        %dma_wait3A_116 = arith.constant 0 : i32
        %dma_wait3A_117 = tpu.memref_slice %arg21[%add3A_105, %dma_wait3A_116] : memref<50176x32xf32, #tpu.memory_space<vmem_shared>> -> memref<112x32xf32, #tpu.memory_space<vmem_shared>>
        tpu.wait_dma2 semaphore(%run_scoped3A_109 : memref<!tpu.dma_semaphore, #tpu.memory_space<semaphore_mem>>) src(%dma_wait3A_117 : memref<112x32xf32, #tpu.memory_space<vmem_shared>>) dst(%arg19 : memref<112x32xf32, #tpu.memory_space<vmem>>)
        tpu.yield
      }) : () -> ()
      "tpu.region"() ({
        %run_scoped3A_109 = tpu.sem_alloc : memref<!tpu.dma_semaphore, #tpu.memory_space<semaphore_mem>>
        %dma_start3A_110 = arith.constant 0 : i32
        %dma_start3A_111 = tpu.memref_slice %arg9[%arg0, %add3A_105, %dma_start3A_110] : memref<2x50176x32xf32, #tpu.memory_space<hbm>> -> memref<1x112x32xf32, #tpu.memory_space<hbm>>
        %dma_start3A_112 = tpu.memref_squeeze %dma_start3A_111 : memref<1x112x32xf32, #tpu.memory_space<hbm>> -> memref<112x32xf32, #tpu.memory_space<hbm>>
        %dma_start3A_113 = arith.constant 0 : i32
        %dma_start3A_114 = tpu.memref_slice %arg9[%arg0, %add3A_105, %dma_start3A_113] : memref<2x50176x32xf32, #tpu.memory_space<hbm>> -> memref<1x112x32xf32, #tpu.memory_space<hbm>>
        %dma_start3A_115 = tpu.memref_squeeze %dma_start3A_114 : memref<1x112x32xf32, #tpu.memory_space<hbm>> -> memref<112x32xf32, #tpu.memory_space<hbm>>
        tpu.enqueue_dma source(%arg19 : memref<112x32xf32, #tpu.memory_space<vmem>>) target(%dma_start3A_115 : memref<112x32xf32, #tpu.memory_space<hbm>>) target_semaphore(%run_scoped3A_109 : memref<!tpu.dma_semaphore, #tpu.memory_space<semaphore_mem>>)
        %dma_wait3A_116 = arith.constant 0 : i32
        %dma_wait3A_117 = tpu.memref_slice %arg9[%arg0, %add3A_105, %dma_wait3A_116] : memref<2x50176x32xf32, #tpu.memory_space<hbm>> -> memref<1x112x32xf32, #tpu.memory_space<hbm>>
        %dma_wait3A_118 = tpu.memref_squeeze %dma_wait3A_117 : memref<1x112x32xf32, #tpu.memory_space<hbm>> -> memref<112x32xf32, #tpu.memory_space<hbm>>
        %dma_wait3A_119 = arith.constant 0 : i32
        %dma_wait3A_120 = tpu.memref_slice %arg9[%arg0, %add3A_105, %dma_wait3A_119] : memref<2x50176x32xf32, #tpu.memory_space<hbm>> -> memref<1x112x32xf32, #tpu.memory_space<hbm>>
        %dma_wait3A_121 = tpu.memref_squeeze %dma_wait3A_120 : memref<1x112x32xf32, #tpu.memory_space<hbm>> -> memref<112x32xf32, #tpu.memory_space<hbm>>
        tpu.wait_dma2 semaphore(%run_scoped3A_109 : memref<!tpu.dma_semaphore, #tpu.memory_space<semaphore_mem>>) src(%arg19 : memref<112x32xf32, #tpu.memory_space<vmem>>) dst(%dma_wait3A_121 : memref<112x32xf32, #tpu.memory_space<hbm>>)
        tpu.yield
      }) : () -> ()
      "tpu.region"() ({
        %run_scoped3A_109 = tpu.sem_alloc : memref<!tpu.dma_semaphore, #tpu.memory_space<semaphore_mem>>
        %dma_start3A_110 = tpu.memref_slice %arg22[%add3A_105] : memref<50176xf32, #tpu.memory_space<vmem_shared>> -> memref<112xf32, #tpu.memory_space<vmem_shared>>
        %dma_start3A_111 = tpu.memref_slice %arg22[%add3A_105] : memref<50176xf32, #tpu.memory_space<vmem_shared>> -> memref<112xf32, #tpu.memory_space<vmem_shared>>
        tpu.enqueue_dma source(%dma_start3A_111 : memref<112xf32, #tpu.memory_space<vmem_shared>>) target(%arg20 : memref<112xf32, #tpu.memory_space<vmem>>) target_semaphore(%run_scoped3A_109 : memref<!tpu.dma_semaphore, #tpu.memory_space<semaphore_mem>>)
        %dma_wait3A_112 = tpu.memref_slice %arg22[%add3A_105] : memref<50176xf32, #tpu.memory_space<vmem_shared>> -> memref<112xf32, #tpu.memory_space<vmem_shared>>
        %dma_wait3A_113 = tpu.memref_slice %arg22[%add3A_105] : memref<50176xf32, #tpu.memory_space<vmem_shared>> -> memref<112xf32, #tpu.memory_space<vmem_shared>>
        tpu.wait_dma2 semaphore(%run_scoped3A_109 : memref<!tpu.dma_semaphore, #tpu.memory_space<semaphore_mem>>) src(%dma_wait3A_113 : memref<112xf32, #tpu.memory_space<vmem_shared>>) dst(%arg20 : memref<112xf32, #tpu.memory_space<vmem>>)
        tpu.yield
      }) : () -> ()
      %mul3A_106 = arith.constant 50176 : i32
      %mul3A_107 = arith.muli %arg0, %mul3A_106 : i32
      %add3A_108 = arith.addi %mul3A_107, %add3A_105 : i32
      "tpu.region"() ({
        %run_scoped3A_109 = tpu.sem_alloc : memref<!tpu.dma_semaphore, #tpu.memory_space<semaphore_mem>>
        %dma_start3A_110 = tpu.memref_slice %arg10[%add3A_108] : memref<100352xf32, #tpu.memory_space<hbm>> -> memref<112xf32, #tpu.memory_space<hbm>>
        %dma_start3A_111 = tpu.memref_slice %arg10[%add3A_108] : memref<100352xf32, #tpu.memory_space<hbm>> -> memref<112xf32, #tpu.memory_space<hbm>>
        tpu.enqueue_dma source(%arg20 : memref<112xf32, #tpu.memory_space<vmem>>) target(%dma_start3A_111 : memref<112xf32, #tpu.memory_space<hbm>>) target_semaphore(%run_scoped3A_109 : memref<!tpu.dma_semaphore, #tpu.memory_space<semaphore_mem>>)
        %dma_wait3A_112 = tpu.memref_slice %arg10[%add3A_108] : memref<100352xf32, #tpu.memory_space<hbm>> -> memref<112xf32, #tpu.memory_space<hbm>>
        %dma_wait3A_113 = tpu.memref_slice %arg10[%add3A_108] : memref<100352xf32, #tpu.memory_space<hbm>> -> memref<112xf32, #tpu.memory_space<hbm>>
        tpu.wait_dma2 semaphore(%run_scoped3A_109 : memref<!tpu.dma_semaphore, #tpu.memory_space<semaphore_mem>>) src(%arg20 : memref<112xf32, #tpu.memory_space<vmem>>) dst(%dma_wait3A_113 : memref<112xf32, #tpu.memory_space<hbm>>)
        tpu.yield
      }) : () -> ()
    }
    %scan3A_99 = arith.constant 28 : i32
    return
  }
}

module attributes {stable_mosaic.version = 14 : i64} {
  func.func @_eprep_kernel(%arg0: i32, %arg1: memref<4096x1xf32, #tpu.memory_space<vmem>>, %arg2: memref<4096x1xf32, #tpu.memory_space<vmem>>, %arg3: memref<4096x32xf32, #tpu.memory_space<vmem>>, %arg4: memref<1x16xf32, #tpu.memory_space<vmem>>, %arg5: memref<1x16xf32, #tpu.memory_space<vmem>>, %arg6: memref<32x48xf32, #tpu.memory_space<vmem>>, %arg7: memref<32x48xf32, #tpu.memory_space<vmem>>, %arg8: memref<4096x32xf32, #tpu.memory_space<vmem>>, %arg9: memref<4096x32xf32, #tpu.memory_space<vmem>>) attributes {dimension_semantics = [#tpu.dimension_semantics<arbitrary>], iteration_bounds = array<i64: 196>, scalar_prefetch = 0 : i64, scratch_operands = 0 : i64, tpu.core_type = #tpu.core_type<tc>, window_params = [{transform_indices = @transform_0, window_bounds = array<i64: 4096, 1>}, {transform_indices = @transform_1, window_bounds = array<i64: 4096, 1>}, {transform_indices = @transform_2, window_bounds = array<i64: 4096, 32>}, {pipeline_mode = #tpu.pipeline_mode<synchronous>, transform_indices = @transform_3, window_bounds = array<i64: 1, 16>}, {pipeline_mode = #tpu.pipeline_mode<synchronous>, transform_indices = @transform_4, window_bounds = array<i64: 1, 16>}, {pipeline_mode = #tpu.pipeline_mode<synchronous>, transform_indices = @transform_5, window_bounds = array<i64: 32, 48>}, {pipeline_mode = #tpu.pipeline_mode<synchronous>, transform_indices = @transform_6, window_bounds = array<i64: 32, 48>}, {transform_indices = @transform_7, window_bounds = array<i64: 4096, 32>}, {transform_indices = @transform_8, window_bounds = array<i64: 4096, 32>}]} {
    %get3A = arith.constant 0 : index
    %get3A_0 = arith.constant 0 : index
    %get3A_1 = vector.load %arg1[%get3A, %get3A_0] : memref<4096x1xf32, #tpu.memory_space<vmem>>, vector<4096x1xf32>
    %get3A_2 = arith.constant 0 : index
    %get3A_3 = arith.constant 0 : index
    %get3A_4 = vector.load %arg2[%get3A_2, %get3A_3] : memref<4096x1xf32, #tpu.memory_space<vmem>>, vector<4096x1xf32>
    %sub3A = arith.subf %get3A_1, %get3A_4 : vector<4096x1xf32>
    %get3A_5 = arith.constant 0 : index
    %get3A_6 = arith.constant 0 : index
    %get3A_7 = vector.load %arg4[%get3A_5, %get3A_6] : memref<1x16xf32, #tpu.memory_space<vmem>>, vector<1x16xf32>
    %mul3A = vector.broadcast %sub3A : vector<4096x1xf32> to vector<4096x16xf32>
    %mul3A_8 = vector.broadcast %get3A_7 : vector<1x16xf32> to vector<4096x16xf32>
    %mul3A_9 = arith.mulf %mul3A, %mul3A_8 : vector<4096x16xf32>
    %get3A_10 = arith.constant 0 : index
    %get3A_11 = arith.constant 0 : index
    %get3A_12 = vector.load %arg5[%get3A_10, %get3A_11] : memref<1x16xf32, #tpu.memory_space<vmem>>, vector<1x16xf32>
    %add3A = vector.broadcast %get3A_12 : vector<1x16xf32> to vector<4096x16xf32>
    %add3A_13 = arith.addf %mul3A_9, %add3A : vector<4096x16xf32>
    %cos3A = math.cos %add3A_13 : vector<4096x16xf32>
    %get3A_14 = arith.constant 0 : index
    %get3A_15 = arith.constant 0 : index
    %get3A_16 = vector.load %arg3[%get3A_14, %get3A_15] : memref<4096x32xf32, #tpu.memory_space<vmem>>, vector<4096x32xf32>
    %concatenate3A = tpu.concatenate %cos3A, %get3A_16 in 1 : vector<4096x16xf32>, vector<4096x32xf32> -> vector<4096x48xf32>
    %get3A_17 = arith.constant 0 : index
    %get3A_18 = arith.constant 0 : index
    %get3A_19 = vector.load %arg6[%get3A_17, %get3A_18] : memref<32x48xf32, #tpu.memory_space<vmem>>, vector<32x48xf32>
    %transpose3A = tpu.transpose %get3A_19, [1, 0] : vector<32x48xf32> -> vector<48x32xf32>
    %dot_general3A = arith.constant dense<0.000000e+00> : vector<4096x32xf32>
    %dot_general3A_20 = tpu.matmul %concatenate3A, %transpose3A, %dot_general3A {dimension_numbers = #tpu.dot_dimension_numbers<[1], [0], [0], [1], [0, 0, 1, 1], [], []>, transpose_lhs_hint = false} : vector<4096x48xf32>, vector<48x32xf32>, vector<4096x32xf32> -> vector<4096x32xf32>
    %swap3A = arith.constant 0 : index
    %swap3A_21 = arith.constant 0 : index
    %swap3A_22 = vector.load %arg8[%swap3A, %swap3A_21] : memref<4096x32xf32, #tpu.memory_space<vmem>>, vector<4096x32xf32>
    tpu.vector_store %arg8[%swap3A, %swap3A_21], %dot_general3A_20 {strides = array<i32>} : memref<4096x32xf32, #tpu.memory_space<vmem>>, vector<4096x32xf32>,
    %get3A_23 = arith.constant 0 : index
    %get3A_24 = arith.constant 0 : index
    %get3A_25 = vector.load %arg7[%get3A_23, %get3A_24] : memref<32x48xf32, #tpu.memory_space<vmem>>, vector<32x48xf32>
    %transpose3A_26 = tpu.transpose %get3A_25, [1, 0] : vector<32x48xf32> -> vector<48x32xf32>
    %dot_general3A_27 = arith.constant dense<0.000000e+00> : vector<4096x32xf32>
    %dot_general3A_28 = tpu.matmul %concatenate3A, %transpose3A_26, %dot_general3A_27 {dimension_numbers = #tpu.dot_dimension_numbers<[1], [0], [0], [1], [0, 0, 1, 1], [], []>, transpose_lhs_hint = false} : vector<4096x48xf32>, vector<48x32xf32>, vector<4096x32xf32> -> vector<4096x32xf32>
    %swap3A_29 = arith.constant 0 : index
    %swap3A_30 = arith.constant 0 : index
    %swap3A_31 = vector.load %arg9[%swap3A_29, %swap3A_30] : memref<4096x32xf32, #tpu.memory_space<vmem>>, vector<4096x32xf32>
    tpu.vector_store %arg9[%swap3A_29, %swap3A_30], %dot_general3A_28 {strides = array<i32>} : memref<4096x32xf32, #tpu.memory_space<vmem>>, vector<4096x32xf32>,
    return
  }
  func.func @transform_0(%arg0: i32) -> (i32, i32) {
    %c0_i32 = arith.constant 0 : i32
    %c0_i32_0 = arith.constant 0 : i32
    return %arg0, %c0_i32 : i32, i32
  }
  func.func @transform_1(%arg0: i32) -> (i32, i32) {
    %c0_i32 = arith.constant 0 : i32
    %c0_i32_0 = arith.constant 0 : i32
    return %arg0, %c0_i32 : i32, i32
  }
  func.func @transform_2(%arg0: i32) -> (i32, i32) {
    %c0_i32 = arith.constant 0 : i32
    %c0_i32_0 = arith.constant 0 : i32
    return %arg0, %c0_i32 : i32, i32
  }
  func.func @transform_3(%arg0: i32) -> (i32, i32) {
    %c0_i32 = arith.constant 0 : i32
    %c0_i32_0 = arith.constant 0 : i32
    %c0_i32_1 = arith.constant 0 : i32
    return %c0_i32, %c0_i32_0 : i32, i32
  }
  func.func @transform_4(%arg0: i32) -> (i32, i32) {
    %c0_i32 = arith.constant 0 : i32
    %c0_i32_0 = arith.constant 0 : i32
    %c0_i32_1 = arith.constant 0 : i32
    return %c0_i32, %c0_i32_0 : i32, i32
  }
  func.func @transform_5(%arg0: i32) -> (i32, i32) {
    %c0_i32 = arith.constant 0 : i32
    %c0_i32_0 = arith.constant 0 : i32
    %c0_i32_1 = arith.constant 0 : i32
    return %c0_i32, %c0_i32_0 : i32, i32
  }
  func.func @transform_6(%arg0: i32) -> (i32, i32) {
    %c0_i32 = arith.constant 0 : i32
    %c0_i32_0 = arith.constant 0 : i32
    %c0_i32_1 = arith.constant 0 : i32
    return %c0_i32, %c0_i32_0 : i32, i32
  }
  func.func @transform_7(%arg0: i32) -> (i32, i32) {
    %c0_i32 = arith.constant 0 : i32
    %c0_i32_0 = arith.constant 0 : i32
    return %arg0, %c0_i32 : i32, i32
  }
  func.func @transform_8(%arg0: i32) -> (i32, i32) {
    %c0_i32 = arith.constant 0 : i32
    %c0_i32_0 = arith.constant 0 : i32
    return %arg0, %c0_i32 : i32, i32
  }
}

module attributes {stable_mosaic.version = 14 : i64} {
  func.func @_gru_proj_kernel(%arg0: i32, %arg1: memref<512x88xf32, #tpu.memory_space<vmem>>, %arg2: memref<512x16xf32, #tpu.memory_space<vmem>>, %arg3: memref<512x1xf32, #tpu.memory_space<vmem>>, %arg4: memref<512x32xf32, #tpu.memory_space<vmem>>, %arg5: memref<48x88xf32, #tpu.memory_space<vmem>>, %arg6: memref<48x16xf32, #tpu.memory_space<vmem>>, %arg7: memref<1x48xf32, #tpu.memory_space<vmem>>, %arg8: memref<1x48xf32, #tpu.memory_space<vmem>>, %arg9: memref<32x48xf32, #tpu.memory_space<vmem>>, %arg10: memref<1x32xf32, #tpu.memory_space<vmem>>, %arg11: memref<32x48xf32, #tpu.memory_space<vmem>>, %arg12: memref<1x32xf32, #tpu.memory_space<vmem>>, %arg13: memref<32x48xf32, #tpu.memory_space<vmem>>, %arg14: memref<1x32xf32, #tpu.memory_space<vmem>>, %arg15: memref<32x48xf32, #tpu.memory_space<vmem>>, %arg16: memref<1x32xf32, #tpu.memory_space<vmem>>, %arg17: memref<512x48xf32, #tpu.memory_space<vmem>>, %arg18: memref<512x32xf32, #tpu.memory_space<vmem>>, %arg19: memref<512x32xf32, #tpu.memory_space<vmem>>, %arg20: memref<512x32xf32, #tpu.memory_space<vmem>>, %arg21: memref<512x32xf32, #tpu.memory_space<vmem>>) attributes {dimension_semantics = [#tpu.dimension_semantics<arbitrary>], iteration_bounds = array<i64: 98>, scalar_prefetch = 0 : i64, scratch_operands = 0 : i64, tpu.core_type = #tpu.core_type<tc>, window_params = [{transform_indices = @transform_0, window_bounds = array<i64: 512, 88>}, {transform_indices = @transform_1, window_bounds = array<i64: 512, 16>}, {transform_indices = @transform_2, window_bounds = array<i64: 512, 1>}, {transform_indices = @transform_3, window_bounds = array<i64: 512, 32>}, {pipeline_mode = #tpu.pipeline_mode<synchronous>, transform_indices = @transform_4, window_bounds = array<i64: 48, 88>}, {pipeline_mode = #tpu.pipeline_mode<synchronous>, transform_indices = @transform_5, window_bounds = array<i64: 48, 16>}, {pipeline_mode = #tpu.pipeline_mode<synchronous>, transform_indices = @transform_6, window_bounds = array<i64: 1, 48>}, {pipeline_mode = #tpu.pipeline_mode<synchronous>, transform_indices = @transform_7, window_bounds = array<i64: 1, 48>}, {pipeline_mode = #tpu.pipeline_mode<synchronous>, transform_indices = @transform_8, window_bounds = array<i64: 32, 48>}, {pipeline_mode = #tpu.pipeline_mode<synchronous>, transform_indices = @transform_9, window_bounds = array<i64: 1, 32>}, {pipeline_mode = #tpu.pipeline_mode<synchronous>, transform_indices = @transform_10, window_bounds = array<i64: 32, 48>}, {pipeline_mode = #tpu.pipeline_mode<synchronous>, transform_indices = @transform_11, window_bounds = array<i64: 1, 32>}, {pipeline_mode = #tpu.pipeline_mode<synchronous>, transform_indices = @transform_12, window_bounds = array<i64: 32, 48>}, {pipeline_mode = #tpu.pipeline_mode<synchronous>, transform_indices = @transform_13, window_bounds = array<i64: 1, 32>}, {pipeline_mode = #tpu.pipeline_mode<synchronous>, transform_indices = @transform_14, window_bounds = array<i64: 32, 48>}, {pipeline_mode = #tpu.pipeline_mode<synchronous>, transform_indices = @transform_15, window_bounds = array<i64: 1, 32>}, {transform_indices = @transform_16, window_bounds = array<i64: 512, 48>}, {transform_indices = @transform_17, window_bounds = array<i64: 512, 32>}, {transform_indices = @transform_18, window_bounds = array<i64: 512, 32>}, {transform_indices = @transform_19, window_bounds = array<i64: 512, 32>}, {transform_indices = @transform_20, window_bounds = array<i64: 512, 32>}]} {
    %get3A = arith.constant 0 : index
    %get3A_0 = arith.constant 0 : index
    %get3A_1 = vector.load %arg2[%get3A, %get3A_0] : memref<512x16xf32, #tpu.memory_space<vmem>>, vector<512x16xf32>
    %get3A_2 = arith.constant 0 : index
    %get3A_3 = arith.constant 0 : index
    %get3A_4 = vector.load %arg1[%get3A_2, %get3A_3] : memref<512x88xf32, #tpu.memory_space<vmem>>, vector<512x88xf32>
    %get3A_5 = arith.constant 0 : index
    %get3A_6 = arith.constant 0 : index
    %get3A_7 = vector.load %arg5[%get3A_5, %get3A_6] : memref<48x88xf32, #tpu.memory_space<vmem>>, vector<48x88xf32>
    %transpose3A = tpu.transpose %get3A_7, [1, 0] : vector<48x88xf32> -> vector<88x48xf32>
    %dot_general3A = arith.constant dense<0.000000e+00> : vector<512x48xf32>
    %dot_general3A_8 = tpu.matmul %get3A_4, %transpose3A, %dot_general3A {dimension_numbers = #tpu.dot_dimension_numbers<[1], [0], [0], [1], [0, 0, 1, 1], [], []>, transpose_lhs_hint = false} : vector<512x88xf32>, vector<88x48xf32>, vector<512x48xf32> -> vector<512x48xf32>
    %get3A_9 = arith.constant 0 : index
    %get3A_10 = arith.constant 0 : index
    %get3A_11 = vector.load %arg7[%get3A_9, %get3A_10] : memref<1x48xf32, #tpu.memory_space<vmem>>, vector<1x48xf32>
    %add3A = vector.broadcast %get3A_11 : vector<1x48xf32> to vector<512x48xf32>
    %add3A_12 = arith.addf %dot_general3A_8, %add3A : vector<512x48xf32>
    %get3A_13 = arith.constant 0 : index
    %get3A_14 = arith.constant 0 : index
    %get3A_15 = vector.load %arg6[%get3A_13, %get3A_14] : memref<48x16xf32, #tpu.memory_space<vmem>>, vector<48x16xf32>
    %transpose3A_16 = tpu.transpose %get3A_15, [1, 0] : vector<48x16xf32> -> vector<16x48xf32>
    %dot_general3A_17 = arith.constant dense<0.000000e+00> : vector<512x48xf32>
    %dot_general3A_18 = tpu.matmul %get3A_1, %transpose3A_16, %dot_general3A_17 {dimension_numbers = #tpu.dot_dimension_numbers<[1], [0], [0], [1], [0, 0, 1, 1], [], []>, transpose_lhs_hint = false} : vector<512x16xf32>, vector<16x48xf32>, vector<512x48xf32> -> vector<512x48xf32>
    %get3A_19 = arith.constant 0 : index
    %get3A_20 = arith.constant 0 : index
    %get3A_21 = vector.load %arg8[%get3A_19, %get3A_20] : memref<1x48xf32, #tpu.memory_space<vmem>>, vector<1x48xf32>
    %add3A_22 = vector.broadcast %get3A_21 : vector<1x48xf32> to vector<512x48xf32>
    %add3A_23 = arith.addf %dot_general3A_18, %add3A_22 : vector<512x48xf32>
    %slice3A = vector.extract_strided_slice %add3A_12 {offsets = [0, 0], sizes = [512, 16], strides = [1, 1]} : vector<512x48xf32> to vector<512x16xf32>
    %slice3A_24 = vector.extract_strided_slice %add3A_23 {offsets = [0, 0], sizes = [512, 16], strides = [1, 1]} : vector<512x48xf32> to vector<512x16xf32>
    %add3A_25 = arith.addf %slice3A, %slice3A_24 : vector<512x16xf32>
    %logistic3A = arith.negf %add3A_25 : vector<512x16xf32>
    %logistic3A_26 = math.exp %logistic3A : vector<512x16xf32>
    %logistic3A_27 = arith.constant 1.000000e+00 : f32
    %logistic3A_28 = vector.broadcast %logistic3A_27 : f32 to vector<512x16xf32>
    %logistic3A_29 = arith.addf %logistic3A_28, %logistic3A_26 : vector<512x16xf32>
    %logistic3A_30 = arith.divf %logistic3A_28, %logistic3A_29 : vector<512x16xf32>
    %slice3A_31 = vector.extract_strided_slice %add3A_12 {offsets = [0, 16], sizes = [512, 16], strides = [1, 1]} : vector<512x48xf32> to vector<512x16xf32>
    %slice3A_32 = vector.extract_strided_slice %add3A_23 {offsets = [0, 16], sizes = [512, 16], strides = [1, 1]} : vector<512x48xf32> to vector<512x16xf32>
    %add3A_33 = arith.addf %slice3A_31, %slice3A_32 : vector<512x16xf32>
    %logistic3A_34 = arith.negf %add3A_33 : vector<512x16xf32>
    %logistic3A_35 = math.exp %logistic3A_34 : vector<512x16xf32>
    %logistic3A_36 = arith.constant 1.000000e+00 : f32
    %logistic3A_37 = vector.broadcast %logistic3A_36 : f32 to vector<512x16xf32>
    %logistic3A_38 = arith.addf %logistic3A_37, %logistic3A_35 : vector<512x16xf32>
    %logistic3A_39 = arith.divf %logistic3A_37, %logistic3A_38 : vector<512x16xf32>
    %slice3A_40 = vector.extract_strided_slice %add3A_12 {offsets = [0, 32], sizes = [512, 16], strides = [1, 1]} : vector<512x48xf32> to vector<512x16xf32>
    %slice3A_41 = vector.extract_strided_slice %add3A_23 {offsets = [0, 32], sizes = [512, 16], strides = [1, 1]} : vector<512x48xf32> to vector<512x16xf32>
    %mul3A = arith.mulf %logistic3A_30, %slice3A_41 : vector<512x16xf32>
    %add3A_42 = arith.addf %slice3A_40, %mul3A : vector<512x16xf32>
    %tanh3A = math.tanh %add3A_42 : vector<512x16xf32>
    %sub3A = arith.constant 1.000000e+00 : f32
    %sub3A_43 = vector.broadcast %sub3A : f32 to vector<512x16xf32>
    %sub3A_44 = arith.subf %sub3A_43, %logistic3A_39 : vector<512x16xf32>
    %mul3A_45 = arith.mulf %sub3A_44, %tanh3A : vector<512x16xf32>
    %mul3A_46 = arith.mulf %logistic3A_39, %get3A_1 : vector<512x16xf32>
    %add3A_47 = arith.addf %mul3A_45, %mul3A_46 : vector<512x16xf32>
    %get3A_48 = arith.constant 0 : index
    %get3A_49 = arith.constant 0 : index
    %get3A_50 = vector.load %arg3[%get3A_48, %get3A_49] : memref<512x1xf32, #tpu.memory_space<vmem>>, vector<512x1xf32>
    %gt3A = arith.constant 0.000000e+00 : f32
    %gt3A_51 = vector.broadcast %gt3A : f32 to vector<512x1xf32>
    %gt3A_52 = arith.cmpf ogt, %get3A_50, %gt3A_51 : vector<512x1xf32>
    %broadcast_in_dim3A = vector.shape_cast %gt3A_52 : vector<512x1xi1> to vector<512x1xi1>
    %broadcast_in_dim3A_53 = vector.broadcast %broadcast_in_dim3A : vector<512x1xi1> to vector<512x16xi1>
    %select_n3A = arith.select %broadcast_in_dim3A_53, %add3A_47, %get3A_1 : vector<512x16xi1>, vector<512x16xf32>
    %get3A_54 = arith.constant 0 : index
    %get3A_55 = arith.constant 0 : index
    %get3A_56 = vector.load %arg4[%get3A_54, %get3A_55] : memref<512x32xf32, #tpu.memory_space<vmem>>, vector<512x32xf32>
    %concatenate3A = tpu.concatenate %get3A_56, %select_n3A in 1 : vector<512x32xf32>, vector<512x16xf32> -> vector<512x48xf32>
    %swap3A = arith.constant 0 : index
    %swap3A_57 = arith.constant 0 : index
    %swap3A_58 = vector.load %arg17[%swap3A, %swap3A_57] : memref<512x48xf32, #tpu.memory_space<vmem>>, vector<512x48xf32>
    tpu.vector_store %arg17[%swap3A, %swap3A_57], %concatenate3A {strides = array<i32>} : memref<512x48xf32, #tpu.memory_space<vmem>>, vector<512x48xf32>,
    %get3A_59 = arith.constant 0 : index
    %get3A_60 = arith.constant 0 : index
    %get3A_61 = vector.load %arg9[%get3A_59, %get3A_60] : memref<32x48xf32, #tpu.memory_space<vmem>>, vector<32x48xf32>
    %transpose3A_62 = tpu.transpose %get3A_61, [1, 0] : vector<32x48xf32> -> vector<48x32xf32>
    %dot_general3A_63 = arith.constant dense<0.000000e+00> : vector<512x32xf32>
    %dot_general3A_64 = tpu.matmul %concatenate3A, %transpose3A_62, %dot_general3A_63 {dimension_numbers = #tpu.dot_dimension_numbers<[1], [0], [0], [1], [0, 0, 1, 1], [], []>, transpose_lhs_hint = false} : vector<512x48xf32>, vector<48x32xf32>, vector<512x32xf32> -> vector<512x32xf32>
    %get3A_65 = arith.constant 0 : index
    %get3A_66 = arith.constant 0 : index
    %get3A_67 = vector.load %arg10[%get3A_65, %get3A_66] : memref<1x32xf32, #tpu.memory_space<vmem>>, vector<1x32xf32>
    %add3A_68 = vector.broadcast %get3A_67 : vector<1x32xf32> to vector<512x32xf32>
    %add3A_69 = arith.addf %dot_general3A_64, %add3A_68 : vector<512x32xf32>
    %swap3A_70 = arith.constant 0 : index
    %swap3A_71 = arith.constant 0 : index
    %swap3A_72 = vector.load %arg18[%swap3A_70, %swap3A_71] : memref<512x32xf32, #tpu.memory_space<vmem>>, vector<512x32xf32>
    tpu.vector_store %arg18[%swap3A_70, %swap3A_71], %add3A_69 {strides = array<i32>} : memref<512x32xf32, #tpu.memory_space<vmem>>, vector<512x32xf32>,
    %get3A_73 = arith.constant 0 : index
    %get3A_74 = arith.constant 0 : index
    %get3A_75 = vector.load %arg11[%get3A_73, %get3A_74] : memref<32x48xf32, #tpu.memory_space<vmem>>, vector<32x48xf32>
    %transpose3A_76 = tpu.transpose %get3A_75, [1, 0] : vector<32x48xf32> -> vector<48x32xf32>
    %dot_general3A_77 = arith.constant dense<0.000000e+00> : vector<512x32xf32>
    %dot_general3A_78 = tpu.matmul %concatenate3A, %transpose3A_76, %dot_general3A_77 {dimension_numbers = #tpu.dot_dimension_numbers<[1], [0], [0], [1], [0, 0, 1, 1], [], []>, transpose_lhs_hint = false} : vector<512x48xf32>, vector<48x32xf32>, vector<512x32xf32> -> vector<512x32xf32>
    %get3A_79 = arith.constant 0 : index
    %get3A_80 = arith.constant 0 : index
    %get3A_81 = vector.load %arg12[%get3A_79, %get3A_80] : memref<1x32xf32, #tpu.memory_space<vmem>>, vector<1x32xf32>
    %add3A_82 = vector.broadcast %get3A_81 : vector<1x32xf32> to vector<512x32xf32>
    %add3A_83 = arith.addf %dot_general3A_78, %add3A_82 : vector<512x32xf32>
    %swap3A_84 = arith.constant 0 : index
    %swap3A_85 = arith.constant 0 : index
    %swap3A_86 = vector.load %arg19[%swap3A_84, %swap3A_85] : memref<512x32xf32, #tpu.memory_space<vmem>>, vector<512x32xf32>
    tpu.vector_store %arg19[%swap3A_84, %swap3A_85], %add3A_83 {strides = array<i32>} : memref<512x32xf32, #tpu.memory_space<vmem>>, vector<512x32xf32>,
    %get3A_87 = arith.constant 0 : index
    %get3A_88 = arith.constant 0 : index
    %get3A_89 = vector.load %arg13[%get3A_87, %get3A_88] : memref<32x48xf32, #tpu.memory_space<vmem>>, vector<32x48xf32>
    %transpose3A_90 = tpu.transpose %get3A_89, [1, 0] : vector<32x48xf32> -> vector<48x32xf32>
    %dot_general3A_91 = arith.constant dense<0.000000e+00> : vector<512x32xf32>
    %dot_general3A_92 = tpu.matmul %concatenate3A, %transpose3A_90, %dot_general3A_91 {dimension_numbers = #tpu.dot_dimension_numbers<[1], [0], [0], [1], [0, 0, 1, 1], [], []>, transpose_lhs_hint = false} : vector<512x48xf32>, vector<48x32xf32>, vector<512x32xf32> -> vector<512x32xf32>
    %get3A_93 = arith.constant 0 : index
    %get3A_94 = arith.constant 0 : index
    %get3A_95 = vector.load %arg14[%get3A_93, %get3A_94] : memref<1x32xf32, #tpu.memory_space<vmem>>, vector<1x32xf32>
    %add3A_96 = vector.broadcast %get3A_95 : vector<1x32xf32> to vector<512x32xf32>
    %add3A_97 = arith.addf %dot_general3A_92, %add3A_96 : vector<512x32xf32>
    %swap3A_98 = arith.constant 0 : index
    %swap3A_99 = arith.constant 0 : index
    %swap3A_100 = vector.load %arg20[%swap3A_98, %swap3A_99] : memref<512x32xf32, #tpu.memory_space<vmem>>, vector<512x32xf32>
    tpu.vector_store %arg20[%swap3A_98, %swap3A_99], %add3A_97 {strides = array<i32>} : memref<512x32xf32, #tpu.memory_space<vmem>>, vector<512x32xf32>,
    %get3A_101 = arith.constant 0 : index
    %get3A_102 = arith.constant 0 : index
    %get3A_103 = vector.load %arg15[%get3A_101, %get3A_102] : memref<32x48xf32, #tpu.memory_space<vmem>>, vector<32x48xf32>
    %transpose3A_104 = tpu.transpose %get3A_103, [1, 0] : vector<32x48xf32> -> vector<48x32xf32>
    %dot_general3A_105 = arith.constant dense<0.000000e+00> : vector<512x32xf32>
    %dot_general3A_106 = tpu.matmul %concatenate3A, %transpose3A_104, %dot_general3A_105 {dimension_numbers = #tpu.dot_dimension_numbers<[1], [0], [0], [1], [0, 0, 1, 1], [], []>, transpose_lhs_hint = false} : vector<512x48xf32>, vector<48x32xf32>, vector<512x32xf32> -> vector<512x32xf32>
    %get3A_107 = arith.constant 0 : index
    %get3A_108 = arith.constant 0 : index
    %get3A_109 = vector.load %arg16[%get3A_107, %get3A_108] : memref<1x32xf32, #tpu.memory_space<vmem>>, vector<1x32xf32>
    %add3A_110 = vector.broadcast %get3A_109 : vector<1x32xf32> to vector<512x32xf32>
    %add3A_111 = arith.addf %dot_general3A_106, %add3A_110 : vector<512x32xf32>
    %swap3A_112 = arith.constant 0 : index
    %swap3A_113 = arith.constant 0 : index
    %swap3A_114 = vector.load %arg21[%swap3A_112, %swap3A_113] : memref<512x32xf32, #tpu.memory_space<vmem>>, vector<512x32xf32>
    tpu.vector_store %arg21[%swap3A_112, %swap3A_113], %add3A_111 {strides = array<i32>} : memref<512x32xf32, #tpu.memory_space<vmem>>, vector<512x32xf32>,
    return
  }
  func.func @transform_0(%arg0: i32) -> (i32, i32) {
    %c0_i32 = arith.constant 0 : i32
    %c0_i32_0 = arith.constant 0 : i32
    return %arg0, %c0_i32 : i32, i32
  }
  func.func @transform_1(%arg0: i32) -> (i32, i32) {
    %c0_i32 = arith.constant 0 : i32
    %c0_i32_0 = arith.constant 0 : i32
    return %arg0, %c0_i32 : i32, i32
  }
  func.func @transform_2(%arg0: i32) -> (i32, i32) {
    %c0_i32 = arith.constant 0 : i32
    %c0_i32_0 = arith.constant 0 : i32
    return %arg0, %c0_i32 : i32, i32
  }
  func.func @transform_3(%arg0: i32) -> (i32, i32) {
    %c0_i32 = arith.constant 0 : i32
    %c0_i32_0 = arith.constant 0 : i32
    return %arg0, %c0_i32 : i32, i32
  }
  func.func @transform_4(%arg0: i32) -> (i32, i32) {
    %c0_i32 = arith.constant 0 : i32
    %c0_i32_0 = arith.constant 0 : i32
    %c0_i32_1 = arith.constant 0 : i32
    return %c0_i32, %c0_i32_0 : i32, i32
  }
  func.func @transform_5(%arg0: i32) -> (i32, i32) {
    %c0_i32 = arith.constant 0 : i32
    %c0_i32_0 = arith.constant 0 : i32
    %c0_i32_1 = arith.constant 0 : i32
    return %c0_i32, %c0_i32_0 : i32, i32
  }
  func.func @transform_6(%arg0: i32) -> (i32, i32) {
    %c0_i32 = arith.constant 0 : i32
    %c0_i32_0 = arith.constant 0 : i32
    %c0_i32_1 = arith.constant 0 : i32
    return %c0_i32, %c0_i32_0 : i32, i32
  }
  func.func @transform_7(%arg0: i32) -> (i32, i32) {
    %c0_i32 = arith.constant 0 : i32
    %c0_i32_0 = arith.constant 0 : i32
    %c0_i32_1 = arith.constant 0 : i32
    return %c0_i32, %c0_i32_0 : i32, i32
  }
  func.func @transform_8(%arg0: i32) -> (i32, i32) {
    %c0_i32 = arith.constant 0 : i32
    %c0_i32_0 = arith.constant 0 : i32
    %c0_i32_1 = arith.constant 0 : i32
    return %c0_i32, %c0_i32_0 : i32, i32
  }
  func.func @transform_9(%arg0: i32) -> (i32, i32) {
    %c0_i32 = arith.constant 0 : i32
    %c0_i32_0 = arith.constant 0 : i32
    %c0_i32_1 = arith.constant 0 : i32
    return %c0_i32, %c0_i32_0 : i32, i32
  }
  func.func @transform_10(%arg0: i32) -> (i32, i32) {
    %c0_i32 = arith.constant 0 : i32
    %c0_i32_0 = arith.constant 0 : i32
    %c0_i32_1 = arith.constant 0 : i32
    return %c0_i32, %c0_i32_0 : i32, i32
  }
  func.func @transform_11(%arg0: i32) -> (i32, i32) {
    %c0_i32 = arith.constant 0 : i32
    %c0_i32_0 = arith.constant 0 : i32
    %c0_i32_1 = arith.constant 0 : i32
    return %c0_i32, %c0_i32_0 : i32, i32
  }
  func.func @transform_12(%arg0: i32) -> (i32, i32) {
    %c0_i32 = arith.constant 0 : i32
    %c0_i32_0 = arith.constant 0 : i32
    %c0_i32_1 = arith.constant 0 : i32
    return %c0_i32, %c0_i32_0 : i32, i32
  }
  func.func @transform_13(%arg0: i32) -> (i32, i32) {
    %c0_i32 = arith.constant 0 : i32
    %c0_i32_0 = arith.constant 0 : i32
    %c0_i32_1 = arith.constant 0 : i32
    return %c0_i32, %c0_i32_0 : i32, i32
  }
  func.func @transform_14(%arg0: i32) -> (i32, i32) {
    %c0_i32 = arith.constant 0 : i32
    %c0_i32_0 = arith.constant 0 : i32
    %c0_i32_1 = arith.constant 0 : i32
    return %c0_i32, %c0_i32_0 : i32, i32
  }
  func.func @transform_15(%arg0: i32) -> (i32, i32) {
    %c0_i32 = arith.constant 0 : i32
    %c0_i32_0 = arith.constant 0 : i32
    %c0_i32_1 = arith.constant 0 : i32
    return %c0_i32, %c0_i32_0 : i32, i32
  }
  func.func @transform_16(%arg0: i32) -> (i32, i32) {
    %c0_i32 = arith.constant 0 : i32
    %c0_i32_0 = arith.constant 0 : i32
    return %arg0, %c0_i32 : i32, i32
  }
  func.func @transform_17(%arg0: i32) -> (i32, i32) {
    %c0_i32 = arith.constant 0 : i32
    %c0_i32_0 = arith.constant 0 : i32
    return %arg0, %c0_i32 : i32, i32
  }
  func.func @transform_18(%arg0: i32) -> (i32, i32) {
    %c0_i32 = arith.constant 0 : i32
    %c0_i32_0 = arith.constant 0 : i32
    return %arg0, %c0_i32 : i32, i32
  }
  func.func @transform_19(%arg0: i32) -> (i32, i32) {
    %c0_i32 = arith.constant 0 : i32
    %c0_i32_0 = arith.constant 0 : i32
    return %arg0, %c0_i32 : i32, i32
  }
  func.func @transform_20(%arg0: i32) -> (i32, i32) {
    %c0_i32 = arith.constant 0 : i32
    %c0_i32_0 = arith.constant 0 : i32
    return %arg0, %c0_i32 : i32, i32
  }
}

module attributes {stable_mosaic.version = 14 : i64} {
  func.func @_norm_proj2_kernel(%arg0: i32, %arg1: memref<512x32xf32, #tpu.memory_space<vmem>>, %arg2: memref<512x32xf32, #tpu.memory_space<vmem>>, %arg3: memref<512x1xf32, #tpu.memory_space<vmem>>, %arg4: memref<512x1xf32, #tpu.memory_space<vmem>>, %arg5: memref<512x32xf32, #tpu.memory_space<vmem>>, %arg6: memref<512x48xf32, #tpu.memory_space<vmem>>, %arg7: memref<32x80xf32, #tpu.memory_space<vmem>>, %arg8: memref<1x32xf32, #tpu.memory_space<vmem>>, %arg9: memref<32x80xf32, #tpu.memory_space<vmem>>, %arg10: memref<1x32xf32, #tpu.memory_space<vmem>>, %arg11: memref<32x80xf32, #tpu.memory_space<vmem>>, %arg12: memref<1x32xf32, #tpu.memory_space<vmem>>, %arg13: memref<32x80xf32, #tpu.memory_space<vmem>>, %arg14: memref<1x32xf32, #tpu.memory_space<vmem>>, %arg15: memref<512x32xf32, #tpu.memory_space<vmem>>, %arg16: memref<512x32xf32, #tpu.memory_space<vmem>>, %arg17: memref<512x32xf32, #tpu.memory_space<vmem>>, %arg18: memref<512x32xf32, #tpu.memory_space<vmem>>) attributes {dimension_semantics = [#tpu.dimension_semantics<arbitrary>], iteration_bounds = array<i64: 98>, scalar_prefetch = 0 : i64, scratch_operands = 0 : i64, tpu.core_type = #tpu.core_type<tc>, window_params = [{transform_indices = @transform_0, window_bounds = array<i64: 512, 32>}, {transform_indices = @transform_1, window_bounds = array<i64: 512, 32>}, {transform_indices = @transform_2, window_bounds = array<i64: 512, 1>}, {transform_indices = @transform_3, window_bounds = array<i64: 512, 1>}, {transform_indices = @transform_4, window_bounds = array<i64: 512, 32>}, {transform_indices = @transform_5, window_bounds = array<i64: 512, 48>}, {pipeline_mode = #tpu.pipeline_mode<synchronous>, transform_indices = @transform_6, window_bounds = array<i64: 32, 80>}, {pipeline_mode = #tpu.pipeline_mode<synchronous>, transform_indices = @transform_7, window_bounds = array<i64: 1, 32>}, {pipeline_mode = #tpu.pipeline_mode<synchronous>, transform_indices = @transform_8, window_bounds = array<i64: 32, 80>}, {pipeline_mode = #tpu.pipeline_mode<synchronous>, transform_indices = @transform_9, window_bounds = array<i64: 1, 32>}, {pipeline_mode = #tpu.pipeline_mode<synchronous>, transform_indices = @transform_10, window_bounds = array<i64: 32, 80>}, {pipeline_mode = #tpu.pipeline_mode<synchronous>, transform_indices = @transform_11, window_bounds = array<i64: 1, 32>}, {pipeline_mode = #tpu.pipeline_mode<synchronous>, transform_indices = @transform_12, window_bounds = array<i64: 32, 80>}, {pipeline_mode = #tpu.pipeline_mode<synchronous>, transform_indices = @transform_13, window_bounds = array<i64: 1, 32>}, {transform_indices = @transform_14, window_bounds = array<i64: 512, 32>}, {transform_indices = @transform_15, window_bounds = array<i64: 512, 32>}, {transform_indices = @transform_16, window_bounds = array<i64: 512, 32>}, {transform_indices = @transform_17, window_bounds = array<i64: 512, 32>}]} {
    %get3A = arith.constant 0 : index
    %get3A_0 = arith.constant 0 : index
    %get3A_1 = vector.load %arg3[%get3A, %get3A_0] : memref<512x1xf32, #tpu.memory_space<vmem>>, vector<512x1xf32>
    %get3A_2 = arith.constant 0 : index
    %get3A_3 = arith.constant 0 : index
    %get3A_4 = vector.load %arg4[%get3A_2, %get3A_3] : memref<512x1xf32, #tpu.memory_space<vmem>>, vector<512x1xf32>
    %add3A = arith.addf %get3A_1, %get3A_4 : vector<512x1xf32>
    %max3A = arith.constant 1.000000e-16 : f32
    %max3A_5 = vector.broadcast %max3A : f32 to vector<512x1xf32>
    %max3A_6 = arith.maximumf %add3A, %max3A_5 : vector<512x1xf32>
    %get3A_7 = arith.constant 0 : index
    %get3A_8 = arith.constant 0 : index
    %get3A_9 = vector.load %arg1[%get3A_7, %get3A_8] : memref<512x32xf32, #tpu.memory_space<vmem>>, vector<512x32xf32>
    %get3A_10 = arith.constant 0 : index
    %get3A_11 = arith.constant 0 : index
    %get3A_12 = vector.load %arg2[%get3A_10, %get3A_11] : memref<512x32xf32, #tpu.memory_space<vmem>>, vector<512x32xf32>
    %add3A_13 = arith.addf %get3A_9, %get3A_12 : vector<512x32xf32>
    %div3A = vector.broadcast %max3A_6 : vector<512x1xf32> to vector<512x32xf32>
    %div3A_14 = arith.divf %add3A_13, %div3A : vector<512x32xf32>
    %get3A_15 = arith.constant 0 : index
    %get3A_16 = arith.constant 0 : index
    %get3A_17 = vector.load %arg5[%get3A_15, %get3A_16] : memref<512x32xf32, #tpu.memory_space<vmem>>, vector<512x32xf32>
    %add3A_18 = arith.addf %div3A_14, %get3A_17 : vector<512x32xf32>
    %get3A_19 = arith.constant 0 : index
    %get3A_20 = arith.constant 0 : index
    %get3A_21 = vector.load %arg6[%get3A_19, %get3A_20] : memref<512x48xf32, #tpu.memory_space<vmem>>, vector<512x48xf32>
    %concatenate3A = tpu.concatenate %add3A_18, %get3A_21 in 1 : vector<512x32xf32>, vector<512x48xf32> -> vector<512x80xf32>
    %get3A_22 = arith.constant 0 : index
    %get3A_23 = arith.constant 0 : index
    %get3A_24 = vector.load %arg7[%get3A_22, %get3A_23] : memref<32x80xf32, #tpu.memory_space<vmem>>, vector<32x80xf32>
    %transpose3A = tpu.transpose %get3A_24, [1, 0] : vector<32x80xf32> -> vector<80x32xf32>
    %dot_general3A = arith.constant dense<0.000000e+00> : vector<512x32xf32>
    %dot_general3A_25 = tpu.matmul %concatenate3A, %transpose3A, %dot_general3A {dimension_numbers = #tpu.dot_dimension_numbers<[1], [0], [0], [1], [0, 0, 1, 1], [], []>, transpose_lhs_hint = false} : vector<512x80xf32>, vector<80x32xf32>, vector<512x32xf32> -> vector<512x32xf32>
    %get3A_26 = arith.constant 0 : index
    %get3A_27 = arith.constant 0 : index
    %get3A_28 = vector.load %arg8[%get3A_26, %get3A_27] : memref<1x32xf32, #tpu.memory_space<vmem>>, vector<1x32xf32>
    %add3A_29 = vector.broadcast %get3A_28 : vector<1x32xf32> to vector<512x32xf32>
    %add3A_30 = arith.addf %dot_general3A_25, %add3A_29 : vector<512x32xf32>
    %swap3A = arith.constant 0 : index
    %swap3A_31 = arith.constant 0 : index
    %swap3A_32 = vector.load %arg15[%swap3A, %swap3A_31] : memref<512x32xf32, #tpu.memory_space<vmem>>, vector<512x32xf32>
    tpu.vector_store %arg15[%swap3A, %swap3A_31], %add3A_30 {strides = array<i32>} : memref<512x32xf32, #tpu.memory_space<vmem>>, vector<512x32xf32>,
    %get3A_33 = arith.constant 0 : index
    %get3A_34 = arith.constant 0 : index
    %get3A_35 = vector.load %arg9[%get3A_33, %get3A_34] : memref<32x80xf32, #tpu.memory_space<vmem>>, vector<32x80xf32>
    %transpose3A_36 = tpu.transpose %get3A_35, [1, 0] : vector<32x80xf32> -> vector<80x32xf32>
    %dot_general3A_37 = arith.constant dense<0.000000e+00> : vector<512x32xf32>
    %dot_general3A_38 = tpu.matmul %concatenate3A, %transpose3A_36, %dot_general3A_37 {dimension_numbers = #tpu.dot_dimension_numbers<[1], [0], [0], [1], [0, 0, 1, 1], [], []>, transpose_lhs_hint = false} : vector<512x80xf32>, vector<80x32xf32>, vector<512x32xf32> -> vector<512x32xf32>
    %get3A_39 = arith.constant 0 : index
    %get3A_40 = arith.constant 0 : index
    %get3A_41 = vector.load %arg10[%get3A_39, %get3A_40] : memref<1x32xf32, #tpu.memory_space<vmem>>, vector<1x32xf32>
    %add3A_42 = vector.broadcast %get3A_41 : vector<1x32xf32> to vector<512x32xf32>
    %add3A_43 = arith.addf %dot_general3A_38, %add3A_42 : vector<512x32xf32>
    %swap3A_44 = arith.constant 0 : index
    %swap3A_45 = arith.constant 0 : index
    %swap3A_46 = vector.load %arg16[%swap3A_44, %swap3A_45] : memref<512x32xf32, #tpu.memory_space<vmem>>, vector<512x32xf32>
    tpu.vector_store %arg16[%swap3A_44, %swap3A_45], %add3A_43 {strides = array<i32>} : memref<512x32xf32, #tpu.memory_space<vmem>>, vector<512x32xf32>,
    %get3A_47 = arith.constant 0 : index
    %get3A_48 = arith.constant 0 : index
    %get3A_49 = vector.load %arg11[%get3A_47, %get3A_48] : memref<32x80xf32, #tpu.memory_space<vmem>>, vector<32x80xf32>
    %transpose3A_50 = tpu.transpose %get3A_49, [1, 0] : vector<32x80xf32> -> vector<80x32xf32>
    %dot_general3A_51 = arith.constant dense<0.000000e+00> : vector<512x32xf32>
    %dot_general3A_52 = tpu.matmul %concatenate3A, %transpose3A_50, %dot_general3A_51 {dimension_numbers = #tpu.dot_dimension_numbers<[1], [0], [0], [1], [0, 0, 1, 1], [], []>, transpose_lhs_hint = false} : vector<512x80xf32>, vector<80x32xf32>, vector<512x32xf32> -> vector<512x32xf32>
    %get3A_53 = arith.constant 0 : index
    %get3A_54 = arith.constant 0 : index
    %get3A_55 = vector.load %arg12[%get3A_53, %get3A_54] : memref<1x32xf32, #tpu.memory_space<vmem>>, vector<1x32xf32>
    %add3A_56 = vector.broadcast %get3A_55 : vector<1x32xf32> to vector<512x32xf32>
    %add3A_57 = arith.addf %dot_general3A_52, %add3A_56 : vector<512x32xf32>
    %swap3A_58 = arith.constant 0 : index
    %swap3A_59 = arith.constant 0 : index
    %swap3A_60 = vector.load %arg17[%swap3A_58, %swap3A_59] : memref<512x32xf32, #tpu.memory_space<vmem>>, vector<512x32xf32>
    tpu.vector_store %arg17[%swap3A_58, %swap3A_59], %add3A_57 {strides = array<i32>} : memref<512x32xf32, #tpu.memory_space<vmem>>, vector<512x32xf32>,
    %get3A_61 = arith.constant 0 : index
    %get3A_62 = arith.constant 0 : index
    %get3A_63 = vector.load %arg13[%get3A_61, %get3A_62] : memref<32x80xf32, #tpu.memory_space<vmem>>, vector<32x80xf32>
    %transpose3A_64 = tpu.transpose %get3A_63, [1, 0] : vector<32x80xf32> -> vector<80x32xf32>
    %dot_general3A_65 = arith.constant dense<0.000000e+00> : vector<512x32xf32>
    %dot_general3A_66 = tpu.matmul %concatenate3A, %transpose3A_64, %dot_general3A_65 {dimension_numbers = #tpu.dot_dimension_numbers<[1], [0], [0], [1], [0, 0, 1, 1], [], []>, transpose_lhs_hint = false} : vector<512x80xf32>, vector<80x32xf32>, vector<512x32xf32> -> vector<512x32xf32>
    %get3A_67 = arith.constant 0 : index
    %get3A_68 = arith.constant 0 : index
    %get3A_69 = vector.load %arg14[%get3A_67, %get3A_68] : memref<1x32xf32, #tpu.memory_space<vmem>>, vector<1x32xf32>
    %add3A_70 = vector.broadcast %get3A_69 : vector<1x32xf32> to vector<512x32xf32>
    %add3A_71 = arith.addf %dot_general3A_66, %add3A_70 : vector<512x32xf32>
    %swap3A_72 = arith.constant 0 : index
    %swap3A_73 = arith.constant 0 : index
    %swap3A_74 = vector.load %arg18[%swap3A_72, %swap3A_73] : memref<512x32xf32, #tpu.memory_space<vmem>>, vector<512x32xf32>
    tpu.vector_store %arg18[%swap3A_72, %swap3A_73], %add3A_71 {strides = array<i32>} : memref<512x32xf32, #tpu.memory_space<vmem>>, vector<512x32xf32>,
    return
  }
  func.func @transform_0(%arg0: i32) -> (i32, i32) {
    %c0_i32 = arith.constant 0 : i32
    %c0_i32_0 = arith.constant 0 : i32
    return %arg0, %c0_i32 : i32, i32
  }
  func.func @transform_1(%arg0: i32) -> (i32, i32) {
    %c0_i32 = arith.constant 0 : i32
    %c0_i32_0 = arith.constant 0 : i32
    return %arg0, %c0_i32 : i32, i32
  }
  func.func @transform_2(%arg0: i32) -> (i32, i32) {
    %c0_i32 = arith.constant 0 : i32
    %c0_i32_0 = arith.constant 0 : i32
    return %arg0, %c0_i32 : i32, i32
  }
  func.func @transform_3(%arg0: i32) -> (i32, i32) {
    %c0_i32 = arith.constant 0 : i32
    %c0_i32_0 = arith.constant 0 : i32
    return %arg0, %c0_i32 : i32, i32
  }
  func.func @transform_4(%arg0: i32) -> (i32, i32) {
    %c0_i32 = arith.constant 0 : i32
    %c0_i32_0 = arith.constant 0 : i32
    return %arg0, %c0_i32 : i32, i32
  }
  func.func @transform_5(%arg0: i32) -> (i32, i32) {
    %c0_i32 = arith.constant 0 : i32
    %c0_i32_0 = arith.constant 0 : i32
    return %arg0, %c0_i32 : i32, i32
  }
  func.func @transform_6(%arg0: i32) -> (i32, i32) {
    %c0_i32 = arith.constant 0 : i32
    %c0_i32_0 = arith.constant 0 : i32
    %c0_i32_1 = arith.constant 0 : i32
    return %c0_i32, %c0_i32_0 : i32, i32
  }
  func.func @transform_7(%arg0: i32) -> (i32, i32) {
    %c0_i32 = arith.constant 0 : i32
    %c0_i32_0 = arith.constant 0 : i32
    %c0_i32_1 = arith.constant 0 : i32
    return %c0_i32, %c0_i32_0 : i32, i32
  }
  func.func @transform_8(%arg0: i32) -> (i32, i32) {
    %c0_i32 = arith.constant 0 : i32
    %c0_i32_0 = arith.constant 0 : i32
    %c0_i32_1 = arith.constant 0 : i32
    return %c0_i32, %c0_i32_0 : i32, i32
  }
  func.func @transform_9(%arg0: i32) -> (i32, i32) {
    %c0_i32 = arith.constant 0 : i32
    %c0_i32_0 = arith.constant 0 : i32
    %c0_i32_1 = arith.constant 0 : i32
    return %c0_i32, %c0_i32_0 : i32, i32
  }
  func.func @transform_10(%arg0: i32) -> (i32, i32) {
    %c0_i32 = arith.constant 0 : i32
    %c0_i32_0 = arith.constant 0 : i32
    %c0_i32_1 = arith.constant 0 : i32
    return %c0_i32, %c0_i32_0 : i32, i32
  }
  func.func @transform_11(%arg0: i32) -> (i32, i32) {
    %c0_i32 = arith.constant 0 : i32
    %c0_i32_0 = arith.constant 0 : i32
    %c0_i32_1 = arith.constant 0 : i32
    return %c0_i32, %c0_i32_0 : i32, i32
  }
  func.func @transform_12(%arg0: i32) -> (i32, i32) {
    %c0_i32 = arith.constant 0 : i32
    %c0_i32_0 = arith.constant 0 : i32
    %c0_i32_1 = arith.constant 0 : i32
    return %c0_i32, %c0_i32_0 : i32, i32
  }
  func.func @transform_13(%arg0: i32) -> (i32, i32) {
    %c0_i32 = arith.constant 0 : i32
    %c0_i32_0 = arith.constant 0 : i32
    %c0_i32_1 = arith.constant 0 : i32
    return %c0_i32, %c0_i32_0 : i32, i32
  }
  func.func @transform_14(%arg0: i32) -> (i32, i32) {
    %c0_i32 = arith.constant 0 : i32
    %c0_i32_0 = arith.constant 0 : i32
    return %arg0, %c0_i32 : i32, i32
  }
  func.func @transform_15(%arg0: i32) -> (i32, i32) {
    %c0_i32 = arith.constant 0 : i32
    %c0_i32_0 = arith.constant 0 : i32
    return %arg0, %c0_i32 : i32, i32
  }
  func.func @transform_16(%arg0: i32) -> (i32, i32) {
    %c0_i32 = arith.constant 0 : i32
    %c0_i32_0 = arith.constant 0 : i32
    return %arg0, %c0_i32 : i32, i32
  }
  func.func @transform_17(%arg0: i32) -> (i32, i32) {
    %c0_i32 = arith.constant 0 : i32
    %c0_i32_0 = arith.constant 0 : i32
    return %arg0, %c0_i32 : i32, i32
  }
}

module attributes {stable_mosaic.version = 14 : i64} {
  func.func @_norm_final_kernel(%arg0: i32, %arg1: memref<512x32xf32, #tpu.memory_space<vmem>>, %arg2: memref<512x32xf32, #tpu.memory_space<vmem>>, %arg3: memref<512x1xf32, #tpu.memory_space<vmem>>, %arg4: memref<512x1xf32, #tpu.memory_space<vmem>>, %arg5: memref<512x32xf32, #tpu.memory_space<vmem>>, %arg6: memref<32x32xf32, #tpu.memory_space<vmem>>, %arg7: memref<1x32xf32, #tpu.memory_space<vmem>>, %arg8: memref<512x32xf32, #tpu.memory_space<vmem>>) attributes {dimension_semantics = [#tpu.dimension_semantics<arbitrary>], iteration_bounds = array<i64: 98>, scalar_prefetch = 0 : i64, scratch_operands = 0 : i64, tpu.core_type = #tpu.core_type<tc>, window_params = [{transform_indices = @transform_0, window_bounds = array<i64: 512, 32>}, {transform_indices = @transform_1, window_bounds = array<i64: 512, 32>}, {transform_indices = @transform_2, window_bounds = array<i64: 512, 1>}, {transform_indices = @transform_3, window_bounds = array<i64: 512, 1>}, {transform_indices = @transform_4, window_bounds = array<i64: 512, 32>}, {pipeline_mode = #tpu.pipeline_mode<synchronous>, transform_indices = @transform_5, window_bounds = array<i64: 32, 32>}, {pipeline_mode = #tpu.pipeline_mode<synchronous>, transform_indices = @transform_6, window_bounds = array<i64: 1, 32>}, {transform_indices = @transform_7, window_bounds = array<i64: 512, 32>}]} {
    %get3A = arith.constant 0 : index
    %get3A_0 = arith.constant 0 : index
    %get3A_1 = vector.load %arg3[%get3A, %get3A_0] : memref<512x1xf32, #tpu.memory_space<vmem>>, vector<512x1xf32>
    %get3A_2 = arith.constant 0 : index
    %get3A_3 = arith.constant 0 : index
    %get3A_4 = vector.load %arg4[%get3A_2, %get3A_3] : memref<512x1xf32, #tpu.memory_space<vmem>>, vector<512x1xf32>
    %add3A = arith.addf %get3A_1, %get3A_4 : vector<512x1xf32>
    %max3A = arith.constant 1.000000e-16 : f32
    %max3A_5 = vector.broadcast %max3A : f32 to vector<512x1xf32>
    %max3A_6 = arith.maximumf %add3A, %max3A_5 : vector<512x1xf32>
    %get3A_7 = arith.constant 0 : index
    %get3A_8 = arith.constant 0 : index
    %get3A_9 = vector.load %arg1[%get3A_7, %get3A_8] : memref<512x32xf32, #tpu.memory_space<vmem>>, vector<512x32xf32>
    %get3A_10 = arith.constant 0 : index
    %get3A_11 = arith.constant 0 : index
    %get3A_12 = vector.load %arg2[%get3A_10, %get3A_11] : memref<512x32xf32, #tpu.memory_space<vmem>>, vector<512x32xf32>
    %add3A_13 = arith.addf %get3A_9, %get3A_12 : vector<512x32xf32>
    %div3A = vector.broadcast %max3A_6 : vector<512x1xf32> to vector<512x32xf32>
    %div3A_14 = arith.divf %add3A_13, %div3A : vector<512x32xf32>
    %get3A_15 = arith.constant 0 : index
    %get3A_16 = arith.constant 0 : index
    %get3A_17 = vector.load %arg5[%get3A_15, %get3A_16] : memref<512x32xf32, #tpu.memory_space<vmem>>, vector<512x32xf32>
    %add3A_18 = arith.addf %div3A_14, %get3A_17 : vector<512x32xf32>
    %get3A_19 = arith.constant 0 : index
    %get3A_20 = arith.constant 0 : index
    %get3A_21 = vector.load %arg6[%get3A_19, %get3A_20] : memref<32x32xf32, #tpu.memory_space<vmem>>, vector<32x32xf32>
    %transpose3A = tpu.transpose %get3A_21, [1, 0] : vector<32x32xf32> -> vector<32x32xf32>
    %dot_general3A = arith.constant dense<0.000000e+00> : vector<512x32xf32>
    %dot_general3A_22 = tpu.matmul %add3A_18, %transpose3A, %dot_general3A {dimension_numbers = #tpu.dot_dimension_numbers<[1], [0], [0], [1], [0, 0, 1, 1], [], []>, transpose_lhs_hint = false} : vector<512x32xf32>, vector<32x32xf32>, vector<512x32xf32> -> vector<512x32xf32>
    %get3A_23 = arith.constant 0 : index
    %get3A_24 = arith.constant 0 : index
    %get3A_25 = vector.load %arg7[%get3A_23, %get3A_24] : memref<1x32xf32, #tpu.memory_space<vmem>>, vector<1x32xf32>
    %add3A_26 = vector.broadcast %get3A_25 : vector<1x32xf32> to vector<512x32xf32>
    %add3A_27 = arith.addf %dot_general3A_22, %add3A_26 : vector<512x32xf32>
    %swap3A = arith.constant 0 : index
    %swap3A_28 = arith.constant 0 : index
    %swap3A_29 = vector.load %arg8[%swap3A, %swap3A_28] : memref<512x32xf32, #tpu.memory_space<vmem>>, vector<512x32xf32>
    tpu.vector_store %arg8[%swap3A, %swap3A_28], %add3A_27 {strides = array<i32>} : memref<512x32xf32, #tpu.memory_space<vmem>>, vector<512x32xf32>,
    return
  }
  func.func @transform_0(%arg0: i32) -> (i32, i32) {
    %c0_i32 = arith.constant 0 : i32
    %c0_i32_0 = arith.constant 0 : i32
    return %arg0, %c0_i32 : i32, i32
  }
  func.func @transform_1(%arg0: i32) -> (i32, i32) {
    %c0_i32 = arith.constant 0 : i32
    %c0_i32_0 = arith.constant 0 : i32
    return %arg0, %c0_i32 : i32, i32
  }
  func.func @transform_2(%arg0: i32) -> (i32, i32) {
    %c0_i32 = arith.constant 0 : i32
    %c0_i32_0 = arith.constant 0 : i32
    return %arg0, %c0_i32 : i32, i32
  }
  func.func @transform_3(%arg0: i32) -> (i32, i32) {
    %c0_i32 = arith.constant 0 : i32
    %c0_i32_0 = arith.constant 0 : i32
    return %arg0, %c0_i32 : i32, i32
  }
  func.func @transform_4(%arg0: i32) -> (i32, i32) {
    %c0_i32 = arith.constant 0 : i32
    %c0_i32_0 = arith.constant 0 : i32
    return %arg0, %c0_i32 : i32, i32
  }
  func.func @transform_5(%arg0: i32) -> (i32, i32) {
    %c0_i32 = arith.constant 0 : i32
    %c0_i32_0 = arith.constant 0 : i32
    %c0_i32_1 = arith.constant 0 : i32
    return %c0_i32, %c0_i32_0 : i32, i32
  }
  func.func @transform_6(%arg0: i32) -> (i32, i32) {
    %c0_i32 = arith.constant 0 : i32
    %c0_i32_0 = arith.constant 0 : i32
    %c0_i32_1 = arith.constant 0 : i32
    return %c0_i32, %c0_i32_0 : i32, i32
  }
  func.func @transform_7(%arg0: i32) -> (i32, i32) {
    %c0_i32 = arith.constant 0 : i32
    %c0_i32_0 = arith.constant 0 : i32
    return %arg0, %c0_i32 : i32, i32
  }
}

</mosaic_0001>

<sc_bundles>
// kernel: gather_offload_async_start.1
scs
__scs_entry_jumppad:
0x0: {  	(pc) =	sbr.rel $0x88, $3  }
0x1: {  	(tag) =	ssettag $0x0;
	lr =	simm.s32 $0x1  }
0x2: {  	[smem:$0x3F74] =	sst lr;
	_ =	strace $0xD0000000  }
0x3: {  	_ = 	snop  }
0x4: {  	_ = 	snop  }
0x5: {  	_ = 	snop  }
0x6: {  	_ = 	snop  }
0x7: {  	_ = 	snop  }
__scs_overlays_trampoline_lowered:
0x8: {  	[smem:$0x3F83] =	sst s0  }
0x9: {  	[smem:$0x3F84] =	sst s1  }
0xa: {  	[smem:$0x3F85] =	sst s2  }
0xb: {  	[smem:$0x3F86] =	sst s3  }
0xc: {  	[smem:$0x3F87] =	sst s4  }
0xd: {  	[smem:$0x3F88] =	sst s5  }
0xe: {  	[smem:$0x3F89] =	sst s6  }
0xf: {  	[smem:$0x3F8A] =	sst s7  }
0x10: {  	[smem:$0x3F8B] =	sst s8  }
0x11: {  	[smem:$0x3F8C] =	sst s9;
	s0 =	simm.s32 @!p0 $0x0  }
0x12: {  	s1 =	sld [smem:$0x3F72];
	s0 =	simm.s32 @p0 $0x1  }
0x13: {  	[smem:$0x3F8D] =	sst s0;
	s0 =	simm.s32 @!p1 $0x0  }
0x14: {  	s2 =	sld [smem:$0x3F71];
	s0 =	simm.s32 @p1 $0x1  }
0x15: {  	[smem:$0x3F8E] =	sst s0;
	s0 =	simm.s32 @!p2 $0x0  }
0x16: {  	s3 =	sld [smem:$0x3FDB];
	s0 =	simm.s32 @p2 $0x1  }
0x17: {  	s4 =	simm.s32 $0x1BF5;
	[smem:$0x3F90] =	sst s0  }
0x18: {  	s0 =	sld [smem:$0x3F73];
	_ =	swait.ge [sflag:s4], $0x0  }
0x19: {  	s7 =	sld [smem:$0x3F74]  }
0x1a: {  	s8 =	sadd.s32 $0xFFFFE003, lr  }
0x1b: {  	s9 =	sadd.s32 $0xFFFFFEF7, lr;
	s5 =	simm.s32 $0xFFFFFFFF;
	p2 =	slt.u32 s8, $0xFFFFF086  }
0x1c: {  	p1 =	slt.u32 s9, $0xF7A;
	s5 =	simm.s32 @!p2 $0x0  }
0x1d: {  	s5 =	simm.s32 @p1 $0x1;
	p0 =	seq.s32 s7, s2  }
0x1e: {  	s7 =	smul.u32 @!p0 $0xF7A, s2;
	p2 =	seq.s32 @!p0 s5, $0x0  }
0x1f: {  	s9 =	smul.u32 $0xF7A, s1;
	s8 =	simm.s32 @!p0 $0x1BF5;
	p2 =	por !p2, p0  }
0x20: {  	[sflag:s8] =	ssyncset.s32 @!p0 $0xFFFFF086;
	s6 =	sadd.s32 @!p0 s3, s7;
	s7 =	simm.s32 @!p0 $0x108  }
0x21: {  	s3 =	sadd.s32 s3, s9;
	s6 =	sadd.s32 @!p0 $0x88, s6;
	s7 =	simm.s32 @p2 $0x1082  }
0x22: {  	[simem:s7], [sflag:s8] =	dma.local @!p0 [hbm:s6], $0xF7A  }
0x23: {  	s9 =	sor.u32 $0xD0000000, s2;
	s6 =	simm.s32 $0x108;
	_ =	swait.ge @!p0 [sflag:s8], $0x0  }
0x24: {  	s3 =	sadd.s32 $0x88, s3;
	s6 =	simm.s32 @!p1 $0x1082;
	[sflag:s4] =	ssyncset.s32 $0xFFFFF086  }
0x25: {  	[simem:s6], [sflag:s4] =	dma.local [hbm:s3], $0xF7A  }
0x26: {  	[smem:$0x3F74] =	sst s1;
	(tag) =	ssettag s2;
	_ =	strace s9  }
0x27: {  	s1 =	sld [smem:$0x3F84]  }
0x28: {  	s2 =	sld [smem:$0x3F85]  }
0x29: {  	s4 =	sld [smem:$0x3F87]  }
0x2a: {  	p0 =	seq.s32 s5, $0x0;
	s5 =	sld [smem:$0x3F88]  }
0x2b: {  	s6 =	sld [smem:$0x3F89]  }
0x2c: {  	s7 =	sld [smem:$0x3F8A]  }
0x2d: {  	s3 =	simm.s32 $0x108;
	s8 =	sld [smem:$0x3F8B]  }
0x2e: {  	s3 =	simm.s32 @!p0 $0x1082;
	s9 =	sld [smem:$0x3F8C]  }
0x2f: {  	lr =	sadd.s32 s0, s3;
	s0 =	sld [smem:$0x3F83]  }
0x30: {  	s3 =	sld [smem:$0x3F86]  }
0x31: {  	[smem:$0x3F8F] =	sst s10  }
0x32: {  	s10 =	sld [smem:$0x3F8D];
	_ =	sdelay $0x3  }
0x33: {  	p0 =	seq.s32 s10, $0x1;
	s10 =	sld [smem:$0x3F8F];
	_ =	sdelay $0x3  }
0x34: {  	[smem:$0x3F8F] =	sst s10  }
0x35: {  	s10 =	sld [smem:$0x3F8E];
	_ =	sdelay $0x3  }
0x36: {  	p1 =	seq.s32 s10, $0x1;
	s10 =	sld [smem:$0x3F8F];
	_ =	sdelay $0x3  }
0x37: {  	[smem:$0x3F8F] =	sst s10  }
0x38: {  	s10 =	sld [smem:$0x3F90]  }
0x39: {  	_ = 	snop;
	(pc) =	sbr.ind lr, $3  }
0x3a: {  	_ = 	snop  }
0x3b: {  	_ = 	snop  }
0x3c: {  	p2 =	seq.s32 s10, $0x1;
	s10 =	sld [smem:$0x3F8F]  }
0x3d: {  	_ =	shalt  }
0x3e: {  	_ =	shalt  }
0x3f: {  	_ =	shalt  }
0x40: {  	_ =	shalt  }
0x41: {  	_ =	shalt  }
0x42: {  	_ =	shalt  }
0x43: {  	_ =	shalt  }
0x44: {  	_ =	shalt  }
0x45: {  	_ =	shalt  }
0x46: {  	_ =	shalt  }
0x47: {  	_ =	shalt  }
0x48: {  	_ =	shalt  }
0x49: {  	_ =	shalt  }
0x4a: {  	_ =	shalt  }
0x4b: {  	_ =	shalt  }
0x4c: {  	_ =	shalt  }
0x4d: {  	_ =	shalt  }
0x4e: {  	_ =	shalt  }
0x4f: {  	_ =	shalt  }
0x50: {  	_ =	shalt  }
0x51: {  	_ =	shalt  }
0x52: {  	_ =	shalt  }
0x53: {  	_ =	shalt  }
0x54: {  	_ =	shalt  }
0x55: {  	_ =	shalt  }
0x56: {  	_ =	shalt  }
0x57: {  	_ =	shalt  }
0x58: {  	_ =	shalt  }
0x59: {  	_ =	shalt  }
0x5a: {  	_ =	shalt  }
0x5b: {  	_ =	shalt  }
0x5c: {  	_ =	shalt  }
0x5d: {  	_ =	shalt  }
0x5e: {  	_ =	shalt  }
0x5f: {  	_ =	shalt  }
0x60: {  	_ =	shalt  }
0x61: {  	_ =	shalt  }
0x62: {  	_ =	shalt  }
0x63: {  	_ =	shalt  }
0x64: {  	_ =	shalt  }
0x65: {  	_ =	shalt  }
0x66: {  	_ =	shalt  }
0x67: {  	_ =	shalt  }
0x68: {  	_ =	shalt  }
0x69: {  	_ =	shalt  }
0x6a: {  	_ =	shalt  }
0x6b: {  	_ =	shalt  }
0x6c: {  	_ =	shalt  }
0x6d: {  	_ =	shalt  }
0x6e: {  	_ =	shalt  }
0x6f: {  	_ =	shalt  }
0x70: {  	_ =	shalt  }
0x71: {  	_ =	shalt  }
0x72: {  	_ =	shalt  }
0x73: {  	_ =	shalt  }
0x74: {  	_ =	shalt  }
0x75: {  	_ =	shalt  }
0x76: {  	_ =	shalt  }
0x77: {  	_ =	shalt  }
0x78: {  	_ =	shalt  }
0x79: {  	_ =	shalt  }
0x7a: {  	_ =	shalt  }
0x7b: {  	_ =	shalt  }
0x7c: {  	_ =	shalt  }
0x7d: {  	_ =	shalt  }
0x7e: {  	_ =	shalt  }
0x7f: {  	_ =	shalt  }
0x80: {  	_ =	shalt  }
0x81: {  	_ =	shalt  }
0x82: {  	_ =	shalt  }
0x83: {  	_ =	shalt  }
0x84: {  	_ =	shalt  }
0x85: {  	_ =	shalt  }
0x86: {  	_ =	shalt  }
0x87: {  	_ =	shalt  }
.Lfunc_end0:
.L_simem_size_0:
called_computation.2_lowered:
.L_overlay_start_0:
0x88: {  	s0 =	sld [smem:$0x3FD9]  }
0x89: {  	s1 =	sld [smem:$0x3FFE];
	_ =	sdelay $0x3  }
0x8a: {  	s0 =	sadd.s32 s1, s0  }
0x8b: {  	[smem:$0x3F9B] =	sst s0  }
0x8c: {  	_ = 	snop  }
0x8d: {  	(tm) =	ssettm $0x1  }
0x8e: {  	s15 =	sld [smem:$0x3FFB];
	_ =	sdelay $0x3  }
0x8f: {  	_ =	strace s15  }
0x90: {  	s0 =	sld [smem:$0x3FFC];
	_ =	sdelay $0x3  }
0x91: {  	_ =	strace s0  }
0x92: {  	s0 =	sld [smem:$0x3FFD];
	_ =	sdelay $0x3  }
0x93: {  	_ =	strace s0  }
0x94: {  	_ =	strace $0x8FFFFFFF  }
0x95: {  	s16 =	sld [smem:$0x3FDB];
	_ =	sdelay $0x1  }
0x96: {  	s17 =	simm.s32 $_scs_section_size  }
0x97: {  	s2 =	simm.s32 $_size__tile_overlayer_lowered;
	s3 =	simm.s32 $_tile_overlayer_lowered  }
0x98: {  	s20 =	simm.s32 $0x1BFF;
	s19 =	sshll.u32 s3, $0x1;
	s0 =	sadd.s32 s17, s16  }
0x99: {  	s4 =	simm.s32 $0x0;
	s18 =	sshll.u32 s2, $0x1;
	s2 =	sadd.s32 s19, s0  }
0x9a: {  	[timem:s4], [sflag:s20] =	dma.local [hbm:s2], s18  }
0x9b: {  	_ =	swait.ge [sflag:s20], s18  }
0x9c: {  	s1 =	ssub.s32 $0x0, s18;
	[sflag:s20] =	ssyncset.done $0x0  }
0x9d: {  	[sflag:s20] =	ssyncadd.s32 s1;
	_ =	sdelay $0x1  }
0x9e: {  	s21 =	simm.s32 $0x1B8B  }
0x9f: {  	_ =	swait.ge [sflag:s21], $0x1  }
0xa0: {  	[sflag:s21] =	ssyncset.done $0x0  }
0xa1: {  	s23 =	simm.s32 $0x1B8E;
	s22 =	sld [smem:$0x3FFE];
	[sflag:s21] =	ssyncadd.s32 $0xFFFFFFFF  }
0xa2: {  	s24 =	simm.s32 $execute0_lowered;
	[smem:$0x3FD2] =	sst s23  }
0xa3: {  	s2 =	sshll.u32 s24, $0x1;
	_ =	strace $0x8000004C;
	[dreg:$0x1] =	wrdreg $0xFFFFFFFF  }
0xa4: {  	s25 =	simm.s32 $_size_execute0_lowered;
	s0 =	sadd.s32 s0, s2;
	[dreg:$0x0] =	wrdreg $0x0  }
0xa5: {  	s2 =	sshll.u32 s25, $0x1;
	[dreg:$0x2] =	wrdreg s0  }
0xa6: {  	[dreg:$0x3] =	wrdreg s2  }
0xa7: {  	[dreg:$0x4] =	wrdreg $0xC0  }
0xa8: {  	_ =	task [dreg:s4], $0x5FFFF  }
0xa9: {  	[dreg:$0x1] =	wrdreg $0xFFFFFFFF  }
0xaa: {  	[dreg:$0x0] =	wrdreg $0x60  }
0xab: {  	[dreg:$0x2] =	wrdreg s22  }
0xac: {  	[dreg:$0x3] =	wrdreg $0xA  }
0xad: {  	_ =	task.clear_ibuf [dreg:s4], $0x4FFFF;
	_ =	strace $0x9000004C  }
0xae: {  	s26 =	simm.s32 $0xA;
	_ =	strace $0x8000004E  }
0xaf: {  	_ =	swait.ge [sflag:s26], $0x1  }
0xb0: {  	[sflag:s26] =	ssyncadd.s32 $0xFFFFFFFF  }
0xb1: {  	_ =	strace $0x9000004E  }
0xb2: {  	_ =	sfence  }
0xb3: {  	s28 =	sld [smem:$0x0];
	_ =	sdelay $0x1  }
0xb4: {  	s29 =	srdreg.scid  }
0xb5: {  	s30 =	sshll.u32 s29, $0xD;
	s31 =	sshrl.u32 s29, $0x2  }
0xb6: {  	s1 =	sand.u32 $0x1, s29;
	s2 =	sand.u32 $0x4000, s30;
	s0 =	sadd.s32 s31, s28  }
0xb7: {  	s1 =	sor.u32 s2, s1;
	s0 =	sshll.u32 s0, $0x11  }
0xb8: {  	s0 =	sor.u32 s0, s1  }
0xb9: {  	s0 =	sadd.s32 $0x8F2B, s0  }
0xba: {  	[sflag:s0] =	ssyncadd.remote.s32 $0x1  }
0xbb: {  	_ =	sfence.sel $0xFFFF  }
0xbc: {  	[dreg:$0x0] =	wrdreg $0xFFFFFFFF;
	(pc) =	sbr.abs _section_cstart, $3  }
0xbd: {  	[dreg:$0x1] =	wrdreg $0xFFFFFFFF  }
0xbe: {  	_ =	task.clear_ibuf [dreg:s4], $0x2FFFF;
	_ =	strace $0x9FFFFFFF  }
0xbf: {  	(tm) =	ssettm $0x7FFFFFFF  }
tec
execute0_lowered:
.L_overlay_start_1:
0x0: {  	(tag) =	ssettag $0x1  }
0x1: {  	s0 =	stileid.u32  }
0x2: {  	s1 =	smin.u32 s0, $0x9  }
0x3: {  	s1 =	sadd.s32 s0, s1  }
0x4: {  	s2 =	simm.s32 $0x320;
	p0 =	slt.u32 s0, $0x9;
	s1 =	smul.u32 $0x190, s1  }
0x5: {  	s2 =	simm.s32 @!p0 $0x190  }
0x6: {  	s2 =	sadd.s32 s2, s1  }
0x7: {  	s3 =	smin.u32 s2, $0x2710  }
0x8: {  	s7 =	ssub.s32 s3, s1  }
0x9: {  	p0 =	sgt.s32 s7, $0x0  }
0xa: {  	s7 =	simm.s32 @!p0 $0x0  }
0xb: {  	s31 =	sand.u32 $0xFFF0, s7  }
0xc: {  	s2 =	sshrl.u32 s31, $0x4  }
0xd: {  	s2 =	smul.u32 $0xA3E, s2  }
0xe: {  	s9 =	rddreg [dreg:$0x0];
	s6 =	simm.s32 $0x1;
	s11 =	simm.s32 $0x3  }
0xf: {  	s13 =	simm.s32 $0x0;
	s12 =	simm.s32 $0x0;
	s8 =	sshrl.u32 s2, $0x10  }
0x10: {  	s4 =	sadd.s32 $0xE800, s9;
	s5 =	sadd.s32 $0xD1E00, s9;
	s10 =	smul.u32 $0x190, s8  }
.Ltmp0:
0x11: {  	s9 =	sadd.s32 $0x124000, s9;
	s2 =	rddreg [dreg:$0x1];
	(pc) =	sbr.rel .LBB2_1-.Ltmp0, $4  }
0x12: {  	_ =	strace $0x8000004D;
	p0 =	sne.s32 s7, s10;
	s10 =	simm.s32 $0x1  }
0x13: {  	[sflag:s6] =	ssyncpa.u1 $0x0;
	s7 =	simm.s32 $0x2;
	s10 =	simm.s32 @!p0 $0x0  }
0x14: {  	[sflag:s7] =	ssyncpa.u1 $0x0;
	p0 =	por $0x0, $0x0;
	s8 =	sadd.s32 s8, s10  }
0x15: {  	vm0 =	vmmov $0xff;
	vm1 =	vcmask $0x3F20;
	[sflag:s11] =	ssyncpa.u1 $0x0;
	s11 =	smov.u32 s1;
	s10 =	sadd.s32 $0x1, s8  }
.LBB2_6:
0x16: {  	[hbm:s17] =	stream.linear.scatter [tilespmem:s14], [sflag:$0x3], $0x400, $0x38;
	[tilespmem:$0x19320] =	vst v63  }
.LBB2_7:
0x17: {  	s13 =	sadd.s32 $0x190, s11  }
0x18: {  	s15 =	smov.u32 s1;
	p2 =	slt.s32 s13, s3  }
0x19: {  	s15 =	smov.u32 @p2 s13;
	p2 =	sne.s32 s12, s10  }
.Ltmp1:
0x1a: {  	p1 =	slt.u32 s12, $0x2;
	(pc) =	sbr.rel @!p2 .LBB2_8-.Ltmp1, $4  }
0x1b: {  	s14 =	simm.s32 @!p1 $0x3  }
0x1c: {  	s16 =	sadd.s32 $0x1, s12;
	_ =	swait.ge @!p1 [sflag:s14], $0xC800  }
0x1d: {  	p0 =	por !p0, !p0;
	s13 =	smov.u32 s11;
	[sflag:s14] =	ssyncset.done @!p1 $0x0  }
0x1e: {  	s12 =	smov.u32 s16;
	s11 =	smov.u32 s15;
	[sflag:s14] =	ssyncadd.s32 @!p1 $0xFFFF3800  }
.LBB2_1:
0x1f: {  	p1 =	sge.u32 s12, s8  }
0x20: {  	s14 =	sxor.u32 @!p1 $0xFFFFFFFF, s12  }
0x21: {  	s14 =	sand.u32 @!p1 $0x1, s14  }
0x22: {  	s14 =	smul.u32 @!p1 $0x640, s14  }
0x23: {  	s31 =	sadd.s32 $0xFFFFFFFF, s12;
	s15 =	sshrl.u32 @!p1 s11, $0x3  }
0x24: {  	s16 =	sand.u32 @!p1 $0x7, s11;
	s15 =	sadd.s32 @!p1 s5, s15;
	s14 =	sshrl.u32 @!p1 s14, $0x2  }
0x25: {  	[tilespmem:s14], [sflag:$0x2] =	stream.linear.gather @!p1 [hbm4b:s15+s16], $0x190, $0x38;
	[tilespmem:$0x19320] =	vst v63  }
0x26: {  	p1 =	sge.u32 s31, s8  }
.Ltmp2:
0x27: {  	_ = 	snop;
	(pc) =	sbr.rel @p1 .LBB2_7-.Ltmp2, $1  }
0x28: {  	_ =	sdelay $0x3  }
0x29: {  	s14 =	simm.s32 $0x1  }
0x2a: {  	s14 =	simm.s32 @!p0 $0x0  }
0x2b: {  	s15 =	smul.u32 $0x640, s14  }
0x2c: {  	_ =	swait.ge [sflag:s7], $0x190  }
0x2d: {  	[sflag:s7] =	ssyncset.done $0x0;
	s16 =	sshrl.u32 s15, $0x2  }
0x2e: {  	[sflag:s7] =	ssyncadd.s32 $0xFFFFFE70;
	s15 =	sadd.s32 $0x0, s16  }
0x2f: {  	v0 =	vld.msk [tilespmem:s15+$0x0 ss:$0x1], $0xffff;
	_ =	sdelay $0x4  }
0x30: {  	vm2 =	vgt.s32 v0, $0x0  }
0x31: {  	v0 =	vnsel vm2, $0x0, v0  }
0x32: {  	v0 =	vmin.u32 v0, $0xC34F  }
0x33: {  	v0 =	vshll.u32 v0, $0x4  }
0x34: {  	s14 =	smul.u32 $0x32000, s14;
	_ =	sdelay $0x1  }
0x35: {  	s14 =	sshrl.u32 s14, $0x2  }
0x36: {  	s14 =	sor.u32 $0x320, s14  }
0x37: {  	[tilespmem:s14], [sflag:$0x1] =	stream.indirect_vreg.gather [hbm:s4], $0x80, v0, vm0, $0x38;
	[tilespmem:$0x19320] =	vst v63  }
0x38: {  	s17 =	sadd.s32 $0x10, s16;
	s15 =	sadd.s32 $0x400, s14  }
0x39: {  	[tilespmem:s15], [sflag:$0x1] =	stream.indirect_vreg.gather [hbm:s4], $0x80, v0, vm1, $0x38;
	[tilespmem:$0x19320] =	vst v63  }
0x3a: {  	s18 =	simm.s32 $0x80;
	v0 =	vld.msk [tilespmem:s17+$0x0 ss:$0x1], $0xffff;
	s17 =	smov.u32 s14  }
.LBB2_3:
0x3b: {  	p1 =	sne.s32 s18, $0x600;
	_ =	sdelay $0x4  }
0x3c: {  	vm2 =	vgt.s32 v0, $0x0  }
0x3d: {  	v0 =	vnsel vm2, $0x0, v0  }
0x3e: {  	v0 =	vmin.u32 v0, $0xC34F  }
0x3f: {  	v0 =	vshll.u32 v0, $0x4;
	_ =	sdelay $0x3  }
.Ltmp3:
0x40: {  	s19 =	sshra.s32 s18, $0x2;
	s17 =	sadd.s32 $0x800, s17;
	(pc) =	sbr.rel @p1 .LBB2_3-.Ltmp3, $4  }
0x41: {  	[tilespmem:s17], [sflag:$0x1] =	stream.indirect_vreg.gather [hbm:s4], $0x80, v0, vm0, $0x38;
	[tilespmem:$0x19320] =	vst v63  }
0x42: {  	s19 =	sadd.s32 s19, s16;
	s20 =	sadd.s32 $0x400, s17  }
0x43: {  	[tilespmem:s20], [sflag:$0x1] =	stream.indirect_vreg.gather [hbm:s4], $0x80, v0, vm1, $0x38;
	[tilespmem:$0x19320] =	vst v63  }
0x44: {  	s18 =	sadd.s32 $0x40, s18;
	v0 =	vld.msk [tilespmem:s19+$0x0 ss:$0x1], $0xffff  }
0x45: {  	_ =	sdelay $0x3  }
0x46: {  	vm2 =	vgt.s32 v0, $0x0  }
0x47: {  	v0 =	vnsel vm2, $0x0, v0  }
0x48: {  	v0 =	vmin.u32 v0, $0xC34F  }
0x49: {  	v0 =	vshll.u32 v0, $0x4;
	_ =	sdelay $0x3  }
0x4a: {  	s16 =	sadd.s32 $0x800, s17  }
0x4b: {  	[tilespmem:s16], [sflag:$0x1] =	stream.indirect_vreg.gather [hbm:s4], $0x80, v0, vm0, $0x38;
	[tilespmem:$0x19320] =	vst v63  }
0x4c: {  	s16 =	sadd.s32 $0x400, s16  }
0x4d: {  	[tilespmem:s16], [sflag:$0x1] =	stream.indirect_vreg.gather [hbm:s4], $0x80, v0, vm1, $0x38;
	[tilespmem:$0x19320] =	vst v63  }
0x4e: {  	s13 =	sshll.u32 s13, $0x4;
	_ =	swait.ge [sflag:s6], $0xC800  }
0x4f: {  	s13 =	sadd.s32 s13, s9;
	[sflag:s6] =	ssyncset.done $0x0  }
0x50: {  	s17 =	sadd.s32 $0x0, s13;
	s16 =	simm.s32 $0x80;
	[sflag:s6] =	ssyncadd.s32 $0xFFFF3800  }
.LBB2_5:
0x51: {  	[hbm:s17] =	stream.linear.scatter [tilespmem:s14], [sflag:$0x3], $0x400, $0x38;
	[tilespmem:$0x19320] =	vst v63  }
0x52: {  	s17 =	smov.u32 s16;
	s14 =	smov.u32 s15;
	p1 =	sne.s32 s16, $0x1880  }
.Ltmp4:
0x53: {  	s16 =	sadd.s32 $0x80, s16;
	(pc) =	sbr.rel @p1 .LBB2_5-.Ltmp4, $2  }
0x54: {  	_ =	sdelay $0x2  }
0x55: {  	s15 =	sadd.s32 $0x400, s15;
	s17 =	sadd.s32 s17, s13  }
.Ltmp5:
0x56: {  	_ = 	snop;
	(pc) =	sbr.rel .LBB2_6-.Ltmp5, $1  }
0x57: {  	_ =	sdelay $0x3  }
.LBB2_8:
0x58: {  	_ =	sfence.sel $0x180000  }
0x59: {  	s1 =	simm.s32 $0x2;
	[bflag:$0x0] =	sbarrier.arrive $0xFFFF  }
0x5a: {  	s30 =	simm.s32 $0x3;
	[sflag:s1] =	ssyncpa.u1 $0x1  }
0x5b: {  	s31 =	simm.s32 $0x1;
	[sflag:s30] =	ssyncpa.u1 $0x1  }
0x5c: {  	[sflag:s31] =	ssyncpa.u1 $0x1  }
0x5d: {  	p0 =	sne.s32 s0, $0x0;
	_ =	strace $0x9000004D  }
0x5e: {  	s0 =	sadd.s32 @!p0 $0x100000, s2;
	[bflag:$0x2] =	sbarrier.arrive $0xFFFF  }
0x5f: {  	[sflag:s0] =	ssyncadd.tile.s32 @!p0 $0x1;
	_ =	shalt  }
.Lfunc_end2:
_tile_overlayer_lowered:
.L_overlay_start_2:
0x60: {  	(tag) =	ssettag $0x2  }
0x61: {  	s0 =	rddreg [dreg:$0x0];
	s2 =	stileid.u32  }
0x62: {  	s1 =	rddreg [dreg:$0x1];
	p0 =	sne.s32 s2, $0x0  }
0x63: {  	s3 =	rddreg [dreg:$0x2];
	[bflag:$0x3] =	sbarrier.arrive $0xFFFF;
	s2 =	simm.s32 @!p0 $0x1C01  }
0x64: {  	[timem:s3], [sflag:s2] =	dma.local @!p0 [hbm:s0], s1  }
0x65: {  	s0 =	simm.s32 @!p0 $0x1  }
0x66: {  	_ =	swait.ge @!p0 [sflag:s0], s1  }
0x67: {  	s1 =	ssub.s32 @!p0 $0x0, s1;
	[sflag:s0] =	ssyncset.done @!p0 $0x0  }
0x68: {  	[sflag:s0] =	ssyncadd.s32 @!p0 s1  }
0x69: {  	[bflag:$0x3] =	sbarrier.arrive $0xFFFF  }
0x6a: {  	_ =	shalt  }

// kernel: gather_offload_async_start.2
scs
__scs_entry_jumppad:
0x0: {  	(pc) =	sbr.rel $0x88, $3  }
0x1: {  	(tag) =	ssettag $0x0;
	lr =	simm.s32 $0x1  }
0x2: {  	[smem:$0x3F74] =	sst lr;
	_ =	strace $0xD0000000  }
0x3: {  	_ = 	snop  }
0x4: {  	_ = 	snop  }
0x5: {  	_ = 	snop  }
0x6: {  	_ = 	snop  }
0x7: {  	_ = 	snop  }
__scs_overlays_trampoline_lowered:
0x8: {  	[smem:$0x3F83] =	sst s0  }
0x9: {  	[smem:$0x3F84] =	sst s1  }
0xa: {  	[smem:$0x3F85] =	sst s2  }
0xb: {  	[smem:$0x3F86] =	sst s3  }
0xc: {  	[smem:$0x3F87] =	sst s4  }
0xd: {  	[smem:$0x3F88] =	sst s5  }
0xe: {  	[smem:$0x3F89] =	sst s6  }
0xf: {  	[smem:$0x3F8A] =	sst s7  }
0x10: {  	[smem:$0x3F8B] =	sst s8  }
0x11: {  	[smem:$0x3F8C] =	sst s9;
	s0 =	simm.s32 @!p0 $0x0  }
0x12: {  	s1 =	sld [smem:$0x3F72];
	s0 =	simm.s32 @p0 $0x1  }
0x13: {  	[smem:$0x3F8D] =	sst s0;
	s0 =	simm.s32 @!p1 $0x0  }
0x14: {  	s2 =	sld [smem:$0x3F71];
	s0 =	simm.s32 @p1 $0x1  }
0x15: {  	[smem:$0x3F8E] =	sst s0;
	s0 =	simm.s32 @!p2 $0x0  }
0x16: {  	s3 =	sld [smem:$0x3FDB];
	s0 =	simm.s32 @p2 $0x1  }
0x17: {  	s4 =	simm.s32 $0x1BF5;
	[smem:$0x3F90] =	sst s0  }
0x18: {  	s0 =	sld [smem:$0x3F73];
	_ =	swait.ge [sflag:s4], $0x0  }
0x19: {  	s7 =	sld [smem:$0x3F74]  }
0x1a: {  	s8 =	sadd.s32 $0xFFFFE003, lr  }
0x1b: {  	s9 =	sadd.s32 $0xFFFFFEF7, lr;
	s5 =	simm.s32 $0xFFFFFFFF;
	p2 =	slt.u32 s8, $0xFFFFF086  }
0x1c: {  	p1 =	slt.u32 s9, $0xF7A;
	s5 =	simm.s32 @!p2 $0x0  }
0x1d: {  	s5 =	simm.s32 @p1 $0x1;
	p0 =	seq.s32 s7, s2  }
0x1e: {  	s7 =	smul.u32 @!p0 $0xF7A, s2;
	p2 =	seq.s32 @!p0 s5, $0x0  }
0x1f: {  	s9 =	smul.u32 $0xF7A, s1;
	s8 =	simm.s32 @!p0 $0x1BF5;
	p2 =	por !p2, p0  }
0x20: {  	[sflag:s8] =	ssyncset.s32 @!p0 $0xFFFFF086;
	s6 =	sadd.s32 @!p0 s3, s7;
	s7 =	simm.s32 @!p0 $0x108  }
0x21: {  	s3 =	sadd.s32 s3, s9;
	s6 =	sadd.s32 @!p0 $0x88, s6;
	s7 =	simm.s32 @p2 $0x1082  }
0x22: {  	[simem:s7], [sflag:s8] =	dma.local @!p0 [hbm:s6], $0xF7A  }
0x23: {  	s9 =	sor.u32 $0xD0000000, s2;
	s6 =	simm.s32 $0x108;
	_ =	swait.ge @!p0 [sflag:s8], $0x0  }
0x24: {  	s3 =	sadd.s32 $0x88, s3;
	s6 =	simm.s32 @!p1 $0x1082;
	[sflag:s4] =	ssyncset.s32 $0xFFFFF086  }
0x25: {  	[simem:s6], [sflag:s4] =	dma.local [hbm:s3], $0xF7A  }
0x26: {  	[smem:$0x3F74] =	sst s1;
	(tag) =	ssettag s2;
	_ =	strace s9  }
0x27: {  	s1 =	sld [smem:$0x3F84]  }
0x28: {  	s2 =	sld [smem:$0x3F85]  }
0x29: {  	s4 =	sld [smem:$0x3F87]  }
0x2a: {  	p0 =	seq.s32 s5, $0x0;
	s5 =	sld [smem:$0x3F88]  }
0x2b: {  	s6 =	sld [smem:$0x3F89]  }
0x2c: {  	s7 =	sld [smem:$0x3F8A]  }
0x2d: {  	s3 =	simm.s32 $0x108;
	s8 =	sld [smem:$0x3F8B]  }
0x2e: {  	s3 =	simm.s32 @!p0 $0x1082;
	s9 =	sld [smem:$0x3F8C]  }
0x2f: {  	lr =	sadd.s32 s0, s3;
	s0 =	sld [smem:$0x3F83]  }
0x30: {  	s3 =	sld [smem:$0x3F86]  }
0x31: {  	[smem:$0x3F8F] =	sst s10  }
0x32: {  	s10 =	sld [smem:$0x3F8D];
	_ =	sdelay $0x3  }
0x33: {  	p0 =	seq.s32 s10, $0x1;
	s10 =	sld [smem:$0x3F8F];
	_ =	sdelay $0x3  }
0x34: {  	[smem:$0x3F8F] =	sst s10  }
0x35: {  	s10 =	sld [smem:$0x3F8E];
	_ =	sdelay $0x3  }
0x36: {  	p1 =	seq.s32 s10, $0x1;
	s10 =	sld [smem:$0x3F8F];
	_ =	sdelay $0x3  }
0x37: {  	[smem:$0x3F8F] =	sst s10  }
0x38: {  	s10 =	sld [smem:$0x3F90]  }
0x39: {  	_ = 	snop;
	(pc) =	sbr.ind lr, $3  }
0x3a: {  	_ = 	snop  }
0x3b: {  	_ = 	snop  }
0x3c: {  	p2 =	seq.s32 s10, $0x1;
	s10 =	sld [smem:$0x3F8F]  }
0x3d: {  	_ =	shalt  }
0x3e: {  	_ =	shalt  }
0x3f: {  	_ =	shalt  }
0x40: {  	_ =	shalt  }
0x41: {  	_ =	shalt  }
0x42: {  	_ =	shalt  }
0x43: {  	_ =	shalt  }
0x44: {  	_ =	shalt  }
0x45: {  	_ =	shalt  }
0x46: {  	_ =	shalt  }
0x47: {  	_ =	shalt  }
0x48: {  	_ =	shalt  }
0x49: {  	_ =	shalt  }
0x4a: {  	_ =	shalt  }
0x4b: {  	_ =	shalt  }
0x4c: {  	_ =	shalt  }
0x4d: {  	_ =	shalt  }
0x4e: {  	_ =	shalt  }
0x4f: {  	_ =	shalt  }
0x50: {  	_ =	shalt  }
0x51: {  	_ =	shalt  }
0x52: {  	_ =	shalt  }
0x53: {  	_ =	shalt  }
0x54: {  	_ =	shalt  }
0x55: {  	_ =	shalt  }
0x56: {  	_ =	shalt  }
0x57: {  	_ =	shalt  }
0x58: {  	_ =	shalt  }
0x59: {  	_ =	shalt  }
0x5a: {  	_ =	shalt  }
0x5b: {  	_ =	shalt  }
0x5c: {  	_ =	shalt  }
0x5d: {  	_ =	shalt  }
0x5e: {  	_ =	shalt  }
0x5f: {  	_ =	shalt  }
0x60: {  	_ =	shalt  }
0x61: {  	_ =	shalt  }
0x62: {  	_ =	shalt  }
0x63: {  	_ =	shalt  }
0x64: {  	_ =	shalt  }
0x65: {  	_ =	shalt  }
0x66: {  	_ =	shalt  }
0x67: {  	_ =	shalt  }
0x68: {  	_ =	shalt  }
0x69: {  	_ =	shalt  }
0x6a: {  	_ =	shalt  }
0x6b: {  	_ =	shalt  }
0x6c: {  	_ =	shalt  }
0x6d: {  	_ =	shalt  }
0x6e: {  	_ =	shalt  }
0x6f: {  	_ =	shalt  }
0x70: {  	_ =	shalt  }
0x71: {  	_ =	shalt  }
0x72: {  	_ =	shalt  }
0x73: {  	_ =	shalt  }
0x74: {  	_ =	shalt  }
0x75: {  	_ =	shalt  }
0x76: {  	_ =	shalt  }
0x77: {  	_ =	shalt  }
0x78: {  	_ =	shalt  }
0x79: {  	_ =	shalt  }
0x7a: {  	_ =	shalt  }
0x7b: {  	_ =	shalt  }
0x7c: {  	_ =	shalt  }
0x7d: {  	_ =	shalt  }
0x7e: {  	_ =	shalt  }
0x7f: {  	_ =	shalt  }
0x80: {  	_ =	shalt  }
0x81: {  	_ =	shalt  }
0x82: {  	_ =	shalt  }
0x83: {  	_ =	shalt  }
0x84: {  	_ =	shalt  }
0x85: {  	_ =	shalt  }
0x86: {  	_ =	shalt  }
0x87: {  	_ =	shalt  }
.Lfunc_end0:
.L_simem_size_0:
called_computation.3_lowered:
.L_overlay_start_0:
0x88: {  	s0 =	sld [smem:$0x3FD9]  }
0x89: {  	s1 =	sld [smem:$0x3FFE];
	_ =	sdelay $0x3  }
0x8a: {  	s0 =	sadd.s32 s1, s0  }
0x8b: {  	[smem:$0x3F9B] =	sst s0  }
0x8c: {  	_ = 	snop  }
0x8d: {  	(tm) =	ssettm $0x1  }
0x8e: {  	s15 =	sld [smem:$0x3FFB];
	_ =	sdelay $0x3  }
0x8f: {  	_ =	strace s15  }
0x90: {  	s0 =	sld [smem:$0x3FFC];
	_ =	sdelay $0x3  }
0x91: {  	_ =	strace s0  }
0x92: {  	s0 =	sld [smem:$0x3FFD];
	_ =	sdelay $0x3  }
0x93: {  	_ =	strace s0  }
0x94: {  	_ =	strace $0x8FFFFFFF  }
0x95: {  	s16 =	sld [smem:$0x3FDB];
	_ =	sdelay $0x1  }
0x96: {  	s17 =	simm.s32 $_scs_section_size  }
0x97: {  	s2 =	simm.s32 $_size__tile_overlayer_lowered;
	s3 =	simm.s32 $_tile_overlayer_lowered  }
0x98: {  	s20 =	simm.s32 $0x1BFF;
	s19 =	sshll.u32 s3, $0x1;
	s0 =	sadd.s32 s17, s16  }
0x99: {  	s4 =	simm.s32 $0x0;
	s18 =	sshll.u32 s2, $0x1;
	s2 =	sadd.s32 s19, s0  }
0x9a: {  	[timem:s4], [sflag:s20] =	dma.local [hbm:s2], s18  }
0x9b: {  	_ =	swait.ge [sflag:s20], s18  }
0x9c: {  	s1 =	ssub.s32 $0x0, s18;
	[sflag:s20] =	ssyncset.done $0x0  }
0x9d: {  	[sflag:s20] =	ssyncadd.s32 s1;
	_ =	sdelay $0x1  }
0x9e: {  	s21 =	simm.s32 $0x1B8B  }
0x9f: {  	_ =	swait.ge [sflag:s21], $0x1  }
0xa0: {  	[sflag:s21] =	ssyncset.done $0x0  }
0xa1: {  	s23 =	simm.s32 $0x1B8E;
	s22 =	sld [smem:$0x3FFE];
	[sflag:s21] =	ssyncadd.s32 $0xFFFFFFFF  }
0xa2: {  	s24 =	simm.s32 $execute0_lowered;
	[smem:$0x3FD2] =	sst s23  }
0xa3: {  	s2 =	sshll.u32 s24, $0x1;
	_ =	strace $0x8000004F;
	[dreg:$0x1] =	wrdreg $0xFFFFFFFF  }
0xa4: {  	s25 =	simm.s32 $_size_execute0_lowered;
	s0 =	sadd.s32 s0, s2;
	[dreg:$0x0] =	wrdreg $0x0  }
0xa5: {  	s2 =	sshll.u32 s25, $0x1;
	[dreg:$0x2] =	wrdreg s0  }
0xa6: {  	[dreg:$0x3] =	wrdreg s2  }
0xa7: {  	[dreg:$0x4] =	wrdreg $0xC0  }
0xa8: {  	_ =	task [dreg:s4], $0x5FFFF  }
0xa9: {  	[dreg:$0x1] =	wrdreg $0xFFFFFFFF  }
0xaa: {  	[dreg:$0x0] =	wrdreg $0x60  }
0xab: {  	[dreg:$0x2] =	wrdreg s22  }
0xac: {  	[dreg:$0x3] =	wrdreg $0x9  }
0xad: {  	_ =	task.clear_ibuf [dreg:s4], $0x4FFFF;
	_ =	strace $0x9000004F  }
0xae: {  	s26 =	simm.s32 $0x9;
	_ =	strace $0x80000051  }
0xaf: {  	_ =	swait.ge [sflag:s26], $0x1  }
0xb0: {  	[sflag:s26] =	ssyncadd.s32 $0xFFFFFFFF  }
0xb1: {  	_ =	strace $0x90000051  }
0xb2: {  	_ =	sfence  }
0xb3: {  	s28 =	sld [smem:$0x0];
	_ =	sdelay $0x1  }
0xb4: {  	s29 =	srdreg.scid  }
0xb5: {  	s30 =	sshll.u32 s29, $0xD;
	s31 =	sshrl.u32 s29, $0x2  }
0xb6: {  	s1 =	sand.u32 $0x1, s29;
	s2 =	sand.u32 $0x4000, s30;
	s0 =	sadd.s32 s31, s28  }
0xb7: {  	s1 =	sor.u32 s2, s1;
	s0 =	sshll.u32 s0, $0x11  }
0xb8: {  	s0 =	sor.u32 s0, s1  }
0xb9: {  	s0 =	sadd.s32 $0x8F2B, s0  }
0xba: {  	[sflag:s0] =	ssyncadd.remote.s32 $0x1  }
0xbb: {  	_ =	sfence.sel $0xFFFF  }
0xbc: {  	[dreg:$0x0] =	wrdreg $0xFFFFFFFF;
	(pc) =	sbr.abs _section_cstart, $3  }
0xbd: {  	[dreg:$0x1] =	wrdreg $0xFFFFFFFF  }
0xbe: {  	_ =	task.clear_ibuf [dreg:s4], $0x2FFFF;
	_ =	strace $0x9FFFFFFF  }
0xbf: {  	(tm) =	ssettm $0x7FFFFFFF  }
tec
execute0_lowered:
.L_overlay_start_1:
0x0: {  	(tag) =	ssettag $0x1  }
0x1: {  	s0 =	stileid.u32  }
0x2: {  	s1 =	smin.u32 s0, $0x9  }
0x3: {  	s1 =	sadd.s32 s0, s1  }
0x4: {  	s2 =	simm.s32 $0x320;
	p0 =	slt.u32 s0, $0x9;
	s1 =	smul.u32 $0x190, s1  }
0x5: {  	s2 =	simm.s32 @!p0 $0x190  }
0x6: {  	s2 =	sadd.s32 s2, s1  }
0x7: {  	s3 =	smin.u32 s2, $0x2710  }
0x8: {  	s7 =	ssub.s32 s3, s1  }
0x9: {  	p0 =	sgt.s32 s7, $0x0  }
0xa: {  	s7 =	simm.s32 @!p0 $0x0  }
0xb: {  	s31 =	sand.u32 $0xFFF0, s7  }
0xc: {  	s2 =	sshrl.u32 s31, $0x4  }
0xd: {  	s4 =	smul.u32 $0xA3E, s2  }
0xe: {  	s9 =	rddreg [dreg:$0x0];
	s6 =	simm.s32 $0x1;
	s11 =	simm.s32 $0x3  }
0xf: {  	s13 =	simm.s32 $0x0;
	s12 =	simm.s32 $0x0;
	s8 =	sshrl.u32 s4, $0x10  }
0x10: {  	s2 =	rddreg [dreg:$0x1];
	_ =	strace $0x80000050;
	s10 =	smul.u32 $0x190, s8  }
.Ltmp0:
0x11: {  	s5 =	sadd.s32 $0x123A00, s9;
	[sflag:s6] =	ssyncpa.u1 $0x0;
	(pc) =	sbr.rel .LBB2_1-.Ltmp0, $4  }
0x12: {  	s4 =	sadd.s32 $0xE800, s9;
	p0 =	sne.s32 s7, s10;
	s10 =	simm.s32 $0x1  }
0x13: {  	s9 =	sadd.s32 $0xFC800, s9;
	s7 =	simm.s32 $0x2;
	s10 =	simm.s32 @!p0 $0x0  }
0x14: {  	[sflag:s7] =	ssyncpa.u1 $0x0;
	p0 =	por $0x0, $0x0;
	s8 =	sadd.s32 s8, s10  }
0x15: {  	vm0 =	vmmov $0xff;
	vm1 =	vcmask $0x3F20;
	[sflag:s11] =	ssyncpa.u1 $0x0;
	s11 =	smov.u32 s1;
	s10 =	sadd.s32 $0x1, s8  }
.LBB2_6:
0x16: {  	[hbm:s17] =	stream.linear.scatter [tilespmem:s14], [sflag:$0x3], $0x400, $0x38;
	[tilespmem:$0x19320] =	vst v63  }
.LBB2_7:
0x17: {  	s13 =	sadd.s32 $0x190, s11  }
0x18: {  	s15 =	smov.u32 s1;
	p2 =	slt.s32 s13, s3  }
0x19: {  	s15 =	smov.u32 @p2 s13;
	p2 =	sne.s32 s12, s10  }
.Ltmp1:
0x1a: {  	p1 =	slt.u32 s12, $0x2;
	(pc) =	sbr.rel @!p2 .LBB2_8-.Ltmp1, $4  }
0x1b: {  	s14 =	simm.s32 @!p1 $0x3  }
0x1c: {  	s16 =	sadd.s32 $0x1, s12;
	_ =	swait.ge @!p1 [sflag:s14], $0xC800  }
0x1d: {  	p0 =	por !p0, !p0;
	s13 =	smov.u32 s11;
	[sflag:s14] =	ssyncset.done @!p1 $0x0  }
0x1e: {  	s12 =	smov.u32 s16;
	s11 =	smov.u32 s15;
	[sflag:s14] =	ssyncadd.s32 @!p1 $0xFFFF3800  }
.LBB2_1:
0x1f: {  	p1 =	sge.u32 s12, s8  }
0x20: {  	s14 =	sxor.u32 @!p1 $0xFFFFFFFF, s12  }
0x21: {  	s14 =	sand.u32 @!p1 $0x1, s14  }
0x22: {  	s14 =	smul.u32 @!p1 $0x640, s14  }
0x23: {  	s31 =	sadd.s32 $0xFFFFFFFF, s12;
	s15 =	sshrl.u32 @!p1 s11, $0x3  }
0x24: {  	s16 =	sand.u32 @!p1 $0x7, s11;
	s15 =	sadd.s32 @!p1 s5, s15;
	s14 =	sshrl.u32 @!p1 s14, $0x2  }
0x25: {  	[tilespmem:s14], [sflag:$0x2] =	stream.linear.gather @!p1 [hbm4b:s15+s16], $0x190, $0x38;
	[tilespmem:$0x19320] =	vst v63  }
0x26: {  	p1 =	sge.u32 s31, s8  }
.Ltmp2:
0x27: {  	_ = 	snop;
	(pc) =	sbr.rel @p1 .LBB2_7-.Ltmp2, $1  }
0x28: {  	_ =	sdelay $0x3  }
0x29: {  	s14 =	simm.s32 $0x1  }
0x2a: {  	s14 =	simm.s32 @!p0 $0x0  }
0x2b: {  	s15 =	smul.u32 $0x640, s14  }
0x2c: {  	_ =	swait.ge [sflag:s7], $0x190  }
0x2d: {  	[sflag:s7] =	ssyncset.done $0x0;
	s16 =	sshrl.u32 s15, $0x2  }
0x2e: {  	[sflag:s7] =	ssyncadd.s32 $0xFFFFFE70;
	s15 =	sadd.s32 $0x0, s16  }
0x2f: {  	v0 =	vld.msk [tilespmem:s15+$0x0 ss:$0x1], $0xffff;
	_ =	sdelay $0x4  }
0x30: {  	vm2 =	vgt.s32 v0, $0x0  }
0x31: {  	v0 =	vnsel vm2, $0x0, v0  }
0x32: {  	v0 =	vmin.u32 v0, $0xC34F  }
0x33: {  	v0 =	vshll.u32 v0, $0x4  }
0x34: {  	s14 =	smul.u32 $0x32000, s14;
	_ =	sdelay $0x1  }
0x35: {  	s14 =	sshrl.u32 s14, $0x2  }
0x36: {  	s14 =	sor.u32 $0x320, s14  }
0x37: {  	[tilespmem:s14], [sflag:$0x1] =	stream.indirect_vreg.gather [hbm:s4], $0x80, v0, vm0, $0x38;
	[tilespmem:$0x19320] =	vst v63  }
0x38: {  	s17 =	sadd.s32 $0x10, s16;
	s15 =	sadd.s32 $0x400, s14  }
0x39: {  	[tilespmem:s15], [sflag:$0x1] =	stream.indirect_vreg.gather [hbm:s4], $0x80, v0, vm1, $0x38;
	[tilespmem:$0x19320] =	vst v63  }
0x3a: {  	s18 =	simm.s32 $0x80;
	v0 =	vld.msk [tilespmem:s17+$0x0 ss:$0x1], $0xffff;
	s17 =	smov.u32 s14  }
.LBB2_3:
0x3b: {  	p1 =	sne.s32 s18, $0x600;
	_ =	sdelay $0x4  }
0x3c: {  	vm2 =	vgt.s32 v0, $0x0  }
0x3d: {  	v0 =	vnsel vm2, $0x0, v0  }
0x3e: {  	v0 =	vmin.u32 v0, $0xC34F  }
0x3f: {  	v0 =	vshll.u32 v0, $0x4;
	_ =	sdelay $0x3  }
.Ltmp3:
0x40: {  	s19 =	sshra.s32 s18, $0x2;
	s17 =	sadd.s32 $0x800, s17;
	(pc) =	sbr.rel @p1 .LBB2_3-.Ltmp3, $4  }
0x41: {  	[tilespmem:s17], [sflag:$0x1] =	stream.indirect_vreg.gather [hbm:s4], $0x80, v0, vm0, $0x38;
	[tilespmem:$0x19320] =	vst v63  }
0x42: {  	s19 =	sadd.s32 s19, s16;
	s20 =	sadd.s32 $0x400, s17  }
0x43: {  	[tilespmem:s20], [sflag:$0x1] =	stream.indirect_vreg.gather [hbm:s4], $0x80, v0, vm1, $0x38;
	[tilespmem:$0x19320] =	vst v63  }
0x44: {  	s18 =	sadd.s32 $0x40, s18;
	v0 =	vld.msk [tilespmem:s19+$0x0 ss:$0x1], $0xffff  }
0x45: {  	_ =	sdelay $0x3  }
0x46: {  	vm2 =	vgt.s32 v0, $0x0  }
0x47: {  	v0 =	vnsel vm2, $0x0, v0  }
0x48: {  	v0 =	vmin.u32 v0, $0xC34F  }
0x49: {  	v0 =	vshll.u32 v0, $0x4;
	_ =	sdelay $0x3  }
0x4a: {  	s16 =	sadd.s32 $0x800, s17  }
0x4b: {  	[tilespmem:s16], [sflag:$0x1] =	stream.indirect_vreg.gather [hbm:s4], $0x80, v0, vm0, $0x38;
	[tilespmem:$0x19320] =	vst v63  }
0x4c: {  	s16 =	sadd.s32 $0x400, s16  }
0x4d: {  	[tilespmem:s16], [sflag:$0x1] =	stream.indirect_vreg.gather [hbm:s4], $0x80, v0, vm1, $0x38;
	[tilespmem:$0x19320] =	vst v63  }
0x4e: {  	s13 =	sshll.u32 s13, $0x4;
	_ =	swait.ge [sflag:s6], $0xC800  }
0x4f: {  	s13 =	sadd.s32 s13, s9;
	[sflag:s6] =	ssyncset.done $0x0  }
0x50: {  	s17 =	sadd.s32 $0x0, s13;
	s16 =	simm.s32 $0x80;
	[sflag:s6] =	ssyncadd.s32 $0xFFFF3800  }
.LBB2_5:
0x51: {  	[hbm:s17] =	stream.linear.scatter [tilespmem:s14], [sflag:$0x3], $0x400, $0x38;
	[tilespmem:$0x19320] =	vst v63  }
0x52: {  	s17 =	smov.u32 s16;
	s14 =	smov.u32 s15;
	p1 =	sne.s32 s16, $0x1880  }
.Ltmp4:
0x53: {  	s16 =	sadd.s32 $0x80, s16;
	(pc) =	sbr.rel @p1 .LBB2_5-.Ltmp4, $2  }
0x54: {  	_ =	sdelay $0x2  }
0x55: {  	s15 =	sadd.s32 $0x400, s15;
	s17 =	sadd.s32 s17, s13  }
.Ltmp5:
0x56: {  	_ = 	snop;
	(pc) =	sbr.rel .LBB2_6-.Ltmp5, $1  }
0x57: {  	_ =	sdelay $0x3  }
.LBB2_8:
0x58: {  	_ =	sfence.sel $0x180000  }
0x59: {  	s1 =	simm.s32 $0x2;
	[bflag:$0x0] =	sbarrier.arrive $0xFFFF  }
0x5a: {  	s30 =	simm.s32 $0x3;
	[sflag:s1] =	ssyncpa.u1 $0x1  }
0x5b: {  	s31 =	simm.s32 $0x1;
	[sflag:s30] =	ssyncpa.u1 $0x1  }
0x5c: {  	[sflag:s31] =	ssyncpa.u1 $0x1  }
0x5d: {  	p0 =	sne.s32 s0, $0x0;
	_ =	strace $0x90000050  }
0x5e: {  	s0 =	sadd.s32 @!p0 $0x100000, s2;
	[bflag:$0x2] =	sbarrier.arrive $0xFFFF  }
0x5f: {  	[sflag:s0] =	ssyncadd.tile.s32 @!p0 $0x1;
	_ =	shalt  }
.Lfunc_end2:
_tile_overlayer_lowered:
.L_overlay_start_2:
0x60: {  	(tag) =	ssettag $0x2  }
0x61: {  	s0 =	rddreg [dreg:$0x0];
	s2 =	stileid.u32  }
0x62: {  	s1 =	rddreg [dreg:$0x1];
	p0 =	sne.s32 s2, $0x0  }
0x63: {  	s3 =	rddreg [dreg:$0x2];
	[bflag:$0x3] =	sbarrier.arrive $0xFFFF;
	s2 =	simm.s32 @!p0 $0x1C01  }
0x64: {  	[timem:s3], [sflag:s2] =	dma.local @!p0 [hbm:s0], s1  }
0x65: {  	s0 =	simm.s32 @!p0 $0x1  }
0x66: {  	_ =	swait.ge @!p0 [sflag:s0], s1  }
0x67: {  	s1 =	ssub.s32 @!p0 $0x0, s1;
	[sflag:s0] =	ssyncset.done @!p0 $0x0  }
0x68: {  	[sflag:s0] =	ssyncadd.s32 @!p0 s1  }
0x69: {  	[bflag:$0x3] =	sbarrier.arrive $0xFFFF  }
0x6a: {  	_ =	shalt  }

// kernel: gather_offload_async_start.3
scs
__scs_entry_jumppad:
0x0: {  	(pc) =	sbr.rel $0x88, $3  }
0x1: {  	(tag) =	ssettag $0x0;
	lr =	simm.s32 $0x1  }
0x2: {  	[smem:$0x3F74] =	sst lr;
	_ =	strace $0xD0000000  }
0x3: {  	_ = 	snop  }
0x4: {  	_ = 	snop  }
0x5: {  	_ = 	snop  }
0x6: {  	_ = 	snop  }
0x7: {  	_ = 	snop  }
__scs_overlays_trampoline_lowered:
0x8: {  	[smem:$0x3F83] =	sst s0  }
0x9: {  	[smem:$0x3F84] =	sst s1  }
0xa: {  	[smem:$0x3F85] =	sst s2  }
0xb: {  	[smem:$0x3F86] =	sst s3  }
0xc: {  	[smem:$0x3F87] =	sst s4  }
0xd: {  	[smem:$0x3F88] =	sst s5  }
0xe: {  	[smem:$0x3F89] =	sst s6  }
0xf: {  	[smem:$0x3F8A] =	sst s7  }
0x10: {  	[smem:$0x3F8B] =	sst s8  }
0x11: {  	[smem:$0x3F8C] =	sst s9;
	s0 =	simm.s32 @!p0 $0x0  }
0x12: {  	s1 =	sld [smem:$0x3F72];
	s0 =	simm.s32 @p0 $0x1  }
0x13: {  	[smem:$0x3F8D] =	sst s0;
	s0 =	simm.s32 @!p1 $0x0  }
0x14: {  	s2 =	sld [smem:$0x3F71];
	s0 =	simm.s32 @p1 $0x1  }
0x15: {  	[smem:$0x3F8E] =	sst s0;
	s0 =	simm.s32 @!p2 $0x0  }
0x16: {  	s3 =	sld [smem:$0x3FDB];
	s0 =	simm.s32 @p2 $0x1  }
0x17: {  	s4 =	simm.s32 $0x1BF5;
	[smem:$0x3F90] =	sst s0  }
0x18: {  	s0 =	sld [smem:$0x3F73];
	_ =	swait.ge [sflag:s4], $0x0  }
0x19: {  	s7 =	sld [smem:$0x3F74]  }
0x1a: {  	s8 =	sadd.s32 $0xFFFFE003, lr  }
0x1b: {  	s9 =	sadd.s32 $0xFFFFFEF7, lr;
	s5 =	simm.s32 $0xFFFFFFFF;
	p2 =	slt.u32 s8, $0xFFFFF086  }
0x1c: {  	p1 =	slt.u32 s9, $0xF7A;
	s5 =	simm.s32 @!p2 $0x0  }
0x1d: {  	s5 =	simm.s32 @p1 $0x1;
	p0 =	seq.s32 s7, s2  }
0x1e: {  	s7 =	smul.u32 @!p0 $0xF7A, s2;
	p2 =	seq.s32 @!p0 s5, $0x0  }
0x1f: {  	s9 =	smul.u32 $0xF7A, s1;
	s8 =	simm.s32 @!p0 $0x1BF5;
	p2 =	por !p2, p0  }
0x20: {  	[sflag:s8] =	ssyncset.s32 @!p0 $0xFFFFF086;
	s6 =	sadd.s32 @!p0 s3, s7;
	s7 =	simm.s32 @!p0 $0x108  }
0x21: {  	s3 =	sadd.s32 s3, s9;
	s6 =	sadd.s32 @!p0 $0x88, s6;
	s7 =	simm.s32 @p2 $0x1082  }
0x22: {  	[simem:s7], [sflag:s8] =	dma.local @!p0 [hbm:s6], $0xF7A  }
0x23: {  	s9 =	sor.u32 $0xD0000000, s2;
	s6 =	simm.s32 $0x108;
	_ =	swait.ge @!p0 [sflag:s8], $0x0  }
0x24: {  	s3 =	sadd.s32 $0x88, s3;
	s6 =	simm.s32 @!p1 $0x1082;
	[sflag:s4] =	ssyncset.s32 $0xFFFFF086  }
0x25: {  	[simem:s6], [sflag:s4] =	dma.local [hbm:s3], $0xF7A  }
0x26: {  	[smem:$0x3F74] =	sst s1;
	(tag) =	ssettag s2;
	_ =	strace s9  }
0x27: {  	s1 =	sld [smem:$0x3F84]  }
0x28: {  	s2 =	sld [smem:$0x3F85]  }
0x29: {  	s4 =	sld [smem:$0x3F87]  }
0x2a: {  	p0 =	seq.s32 s5, $0x0;
	s5 =	sld [smem:$0x3F88]  }
0x2b: {  	s6 =	sld [smem:$0x3F89]  }
0x2c: {  	s7 =	sld [smem:$0x3F8A]  }
0x2d: {  	s3 =	simm.s32 $0x108;
	s8 =	sld [smem:$0x3F8B]  }
0x2e: {  	s3 =	simm.s32 @!p0 $0x1082;
	s9 =	sld [smem:$0x3F8C]  }
0x2f: {  	lr =	sadd.s32 s0, s3;
	s0 =	sld [smem:$0x3F83]  }
0x30: {  	s3 =	sld [smem:$0x3F86]  }
0x31: {  	[smem:$0x3F8F] =	sst s10  }
0x32: {  	s10 =	sld [smem:$0x3F8D];
	_ =	sdelay $0x3  }
0x33: {  	p0 =	seq.s32 s10, $0x1;
	s10 =	sld [smem:$0x3F8F];
	_ =	sdelay $0x3  }
0x34: {  	[smem:$0x3F8F] =	sst s10  }
0x35: {  	s10 =	sld [smem:$0x3F8E];
	_ =	sdelay $0x3  }
0x36: {  	p1 =	seq.s32 s10, $0x1;
	s10 =	sld [smem:$0x3F8F];
	_ =	sdelay $0x3  }
0x37: {  	[smem:$0x3F8F] =	sst s10  }
0x38: {  	s10 =	sld [smem:$0x3F90]  }
0x39: {  	_ = 	snop;
	(pc) =	sbr.ind lr, $3  }
0x3a: {  	_ = 	snop  }
0x3b: {  	_ = 	snop  }
0x3c: {  	p2 =	seq.s32 s10, $0x1;
	s10 =	sld [smem:$0x3F8F]  }
0x3d: {  	_ =	shalt  }
0x3e: {  	_ =	shalt  }
0x3f: {  	_ =	shalt  }
0x40: {  	_ =	shalt  }
0x41: {  	_ =	shalt  }
0x42: {  	_ =	shalt  }
0x43: {  	_ =	shalt  }
0x44: {  	_ =	shalt  }
0x45: {  	_ =	shalt  }
0x46: {  	_ =	shalt  }
0x47: {  	_ =	shalt  }
0x48: {  	_ =	shalt  }
0x49: {  	_ =	shalt  }
0x4a: {  	_ =	shalt  }
0x4b: {  	_ =	shalt  }
0x4c: {  	_ =	shalt  }
0x4d: {  	_ =	shalt  }
0x4e: {  	_ =	shalt  }
0x4f: {  	_ =	shalt  }
0x50: {  	_ =	shalt  }
0x51: {  	_ =	shalt  }
0x52: {  	_ =	shalt  }
0x53: {  	_ =	shalt  }
0x54: {  	_ =	shalt  }
0x55: {  	_ =	shalt  }
0x56: {  	_ =	shalt  }
0x57: {  	_ =	shalt  }
0x58: {  	_ =	shalt  }
0x59: {  	_ =	shalt  }
0x5a: {  	_ =	shalt  }
0x5b: {  	_ =	shalt  }
0x5c: {  	_ =	shalt  }
0x5d: {  	_ =	shalt  }
0x5e: {  	_ =	shalt  }
0x5f: {  	_ =	shalt  }
0x60: {  	_ =	shalt  }
0x61: {  	_ =	shalt  }
0x62: {  	_ =	shalt  }
0x63: {  	_ =	shalt  }
0x64: {  	_ =	shalt  }
0x65: {  	_ =	shalt  }
0x66: {  	_ =	shalt  }
0x67: {  	_ =	shalt  }
0x68: {  	_ =	shalt  }
0x69: {  	_ =	shalt  }
0x6a: {  	_ =	shalt  }
0x6b: {  	_ =	shalt  }
0x6c: {  	_ =	shalt  }
0x6d: {  	_ =	shalt  }
0x6e: {  	_ =	shalt  }
0x6f: {  	_ =	shalt  }
0x70: {  	_ =	shalt  }
0x71: {  	_ =	shalt  }
0x72: {  	_ =	shalt  }
0x73: {  	_ =	shalt  }
0x74: {  	_ =	shalt  }
0x75: {  	_ =	shalt  }
0x76: {  	_ =	shalt  }
0x77: {  	_ =	shalt  }
0x78: {  	_ =	shalt  }
0x79: {  	_ =	shalt  }
0x7a: {  	_ =	shalt  }
0x7b: {  	_ =	shalt  }
0x7c: {  	_ =	shalt  }
0x7d: {  	_ =	shalt  }
0x7e: {  	_ =	shalt  }
0x7f: {  	_ =	shalt  }
0x80: {  	_ =	shalt  }
0x81: {  	_ =	shalt  }
0x82: {  	_ =	shalt  }
0x83: {  	_ =	shalt  }
0x84: {  	_ =	shalt  }
0x85: {  	_ =	shalt  }
0x86: {  	_ =	shalt  }
0x87: {  	_ =	shalt  }
.Lfunc_end0:
.L_simem_size_0:
called_computation.4_lowered:
.L_overlay_start_0:
0x88: {  	s0 =	sld [smem:$0x3FD9]  }
0x89: {  	s1 =	sld [smem:$0x3FFE];
	_ =	sdelay $0x3  }
0x8a: {  	s0 =	sadd.s32 s1, s0  }
0x8b: {  	[smem:$0x3F9B] =	sst s0  }
0x8c: {  	_ = 	snop  }
0x8d: {  	s0 =	sld [smem:$0x3FB8];
	(tm) =	ssettm $0x1  }
0x8e: {  	s16 =	sld [smem:$0x3FFB];
	_ =	sdelay $0x3  }
0x8f: {  	_ =	strace s16  }
0x90: {  	s1 =	sld [smem:$0x3FFC];
	_ =	sdelay $0x3  }
0x91: {  	_ =	strace s1  }
0x92: {  	s1 =	sld [smem:$0x3FFD];
	_ =	sdelay $0x3  }
0x93: {  	_ =	strace s1  }
0x94: {  	_ =	strace $0x8FFFFFFF  }
0x95: {  	s17 =	sld [smem:$0x3FDB];
	_ =	sdelay $0x1  }
0x96: {  	s2 =	simm.s32 $_scs_section_size  }
0x97: {  	s3 =	simm.s32 $_size__tile_overlayer_lowered;
	s4 =	simm.s32 $_tile_overlayer_lowered  }
0x98: {  	s20 =	simm.s32 $0x1BFF;
	s19 =	sshll.u32 s4, $0x1;
	s1 =	sadd.s32 s2, s17  }
0x99: {  	s5 =	simm.s32 $0x0;
	s18 =	sshll.u32 s3, $0x1;
	s3 =	sadd.s32 s19, s1  }
0x9a: {  	[timem:s5], [sflag:s20] =	dma.local [hbm:s3], s18  }
0x9b: {  	_ =	swait.ge [sflag:s20], s18  }
0x9c: {  	s2 =	ssub.s32 $0x0, s18;
	[sflag:s20] =	ssyncset.done $0x0  }
0x9d: {  	[sflag:s20] =	ssyncadd.s32 s2;
	_ =	sdelay $0x1  }
0x9e: {  	s21 =	simm.s32 $0x1B8B  }
0x9f: {  	_ =	swait.ge [sflag:s21], $0x1  }
0xa0: {  	[sflag:s21] =	ssyncset.done $0x0  }
0xa1: {  	s23 =	simm.s32 $0x1B8E;
	s22 =	sld [smem:$0x3FFE];
	[sflag:s21] =	ssyncadd.s32 $0xFFFFFFFF  }
0xa2: {  	s24 =	simm.s32 $execute0_lowered;
	[smem:$0x3FD2] =	sst s23  }
0xa3: {  	s3 =	sshll.u32 s24, $0x1;
	_ =	strace $0x80000046;
	[dreg:$0x1] =	wrdreg $0xFFFFFFFF  }
0xa4: {  	s25 =	simm.s32 $_size_execute0_lowered;
	s1 =	sadd.s32 s1, s3;
	[dreg:$0x0] =	wrdreg $0x0  }
0xa5: {  	s3 =	sshll.u32 s25, $0x1;
	[dreg:$0x2] =	wrdreg s1  }
0xa6: {  	[dreg:$0x3] =	wrdreg s3  }
0xa7: {  	[dreg:$0x4] =	wrdreg $0xC0  }
0xa8: {  	_ =	task [dreg:s5], $0x5FFFF  }
0xa9: {  	[dreg:$0x1] =	wrdreg $0xFFFFFFFF  }
0xaa: {  	[dreg:$0x0] =	wrdreg $0x60  }
0xab: {  	[dreg:$0x2] =	wrdreg s0  }
0xac: {  	[dreg:$0x3] =	wrdreg s22  }
0xad: {  	[dreg:$0x4] =	wrdreg $0xA  }
0xae: {  	_ =	task.clear_ibuf [dreg:s5], $0x5FFFF;
	_ =	strace $0x90000046  }
0xaf: {  	s26 =	simm.s32 $0xA;
	_ =	strace $0x80000048  }
0xb0: {  	_ =	swait.ge [sflag:s26], $0x1  }
0xb1: {  	[sflag:s26] =	ssyncadd.s32 $0xFFFFFFFF  }
0xb2: {  	_ =	strace $0x90000048  }
0xb3: {  	_ =	sfence  }
0xb4: {  	s28 =	sld [smem:$0x0];
	_ =	sdelay $0x1  }
0xb5: {  	s29 =	srdreg.scid  }
0xb6: {  	s30 =	sshll.u32 s29, $0xD;
	s31 =	sshrl.u32 s29, $0x2  }
0xb7: {  	s2 =	sand.u32 $0x4000, s30;
	s1 =	sand.u32 $0x1, s29;
	s0 =	sadd.s32 s31, s28  }
0xb8: {  	s1 =	sor.u32 s2, s1;
	s0 =	sshll.u32 s0, $0x11  }
0xb9: {  	s0 =	sor.u32 s0, s1  }
0xba: {  	s0 =	sadd.s32 $0x8F2B, s0  }
0xbb: {  	[sflag:s0] =	ssyncadd.remote.s32 $0x1  }
0xbc: {  	_ =	sfence.sel $0xFFFF  }
0xbd: {  	[dreg:$0x0] =	wrdreg $0xFFFFFFFF;
	(pc) =	sbr.abs _section_cstart, $3  }
0xbe: {  	[dreg:$0x1] =	wrdreg $0xFFFFFFFF  }
0xbf: {  	_ =	task.clear_ibuf [dreg:s5], $0x2FFFF;
	_ =	strace $0x9FFFFFFF  }
0xc0: {  	(tm) =	ssettm $0x7FFFFFFF  }
0xc1: {  	_ =	shalt  }
tec
execute0_lowered:
.L_overlay_start_1:
0x0: {  	(tag) =	ssettag $0x1  }
0x1: {  	s2 =	rddreg [dreg:$0x0]  }
0x2: {  	s8 =	rddreg [dreg:$0x1]  }
0x3: {  	s0 =	rddreg [dreg:$0x2]  }
0x4: {  	_ =	strace $0x80000047;
	s4 =	simm.s32 $0x1;
	s1 =	stileid.u32  }
0x5: {  	s7 =	simm.s32 $0x1;
	s9 =	simm.s32 $0x1;
	s6 =	simm.s32 $0x2  }
0x6: {  	s10 =	simm.s32 $0x3;
	s13 =	simm.s32 $0x0;
	s12 =	simm.s32 $0x0  }
.Ltmp0:
0x7: {  	s3 =	sadd.s32 $0xD2400, s8;
	p0 =	slt.u32 s1, $0xA;
	(pc) =	sbr.rel .LBB2_1-.Ltmp0, $4  }
0x8: {  	[sflag:s4] =	ssyncpa.u1 $0x0;
	s7 =	simm.s32 @!p0 $0x0;
	p0 =	sne.s32 s1, $0x9  }
0x9: {  	s5 =	smul.u32 $0x190, s1;
	[sflag:s6] =	ssyncpa.u1 $0x0;
	s9 =	simm.s32 @!p0 $0x0  }
0xa: {  	s8 =	sadd.s32 $0xFA200, s8;
	[sflag:s10] =	ssyncpa.u1 $0x0;
	s7 =	sadd.s32 s9, s7  }
0xb: {  	vm0 =	vmmov $0xffff;
	s10 =	simm.s32 $0x0;
	s11 =	smov.u32 s5;
	s9 =	sadd.s32 $0x1, s7  }
.LBB2_4:
0xc: {  	v2 =	vnsel vm1, $0x0, v2  }
0xd: {  	vm1 =	vgt.s32 v0, $0x0;
	v2 =	vmin.u32 v2, $0xC34FF  }
0xe: {  	v0 =	vnsel vm1, $0x0, v0  }
0xf: {  	v0 =	vmin.u32 v0, $0xC34FF  }
0x10: {  	[tilespmem:s18], [sflag:$0x1] =	stream.indirect_vreg.gather [hbm4b:s2+s10], $0x1, v1, vm0, $0x4038;
	[tilespmem:$0x640] =	vst v63  }
0x11: {  	(ifvalue) =	ssetifvalue $0x7FFFFFFF  }
0x12: {  	[tilespmem:s15], [sflag:$0x1] =	stream.indirect_vreg.gather [hbm4b:s2+s10], $0x1, v2, vm0, $0x4038;
	[tilespmem:$0x640] =	vst v63  }
0x13: {  	s29 =	sadd.s32 $0x10, s15;
	(ifvalue) =	ssetifvalue $0x7FFFFFFF  }
0x14: {  	[tilespmem:s29], [sflag:$0x1] =	stream.indirect_vreg.gather [hbm4b:s2+s10], $0x1, v0, vm0, $0x4038;
	[tilespmem:$0x640] =	vst v63  }
0x15: {  	_ =	swait.ge [sflag:s4], $0x190  }
0x16: {  	s30 =	sshrl.u32 s13, $0x3;
	[sflag:s4] =	ssyncset.done $0x0  }
0x17: {  	s31 =	sand.u32 $0x7, s13;
	s15 =	sadd.s32 s8, s30;
	[sflag:s4] =	ssyncadd.s32 $0xFFFFFE70  }
0x18: {  	[hbm4b:s15+s31] =	stream.linear.scatter [tilespmem:s14], [sflag:$0x3], $0x190, $0x38;
	[tilespmem:$0x640] =	vst v63  }
.LBB2_5:
0x19: {  	s15 =	sadd.s32 $0x1900, s11  }
0x1a: {  	p1 =	sgt.s32 s15, $0x270F  }
0x1b: {  	s15 =	smov.u32 @p1 s5;
	p1 =	sne.s32 s12, s9  }
.Ltmp1:
0x1c: {  	p0 =	slt.u32 s12, $0x2;
	(pc) =	sbr.rel @!p1 .LBB2_6-.Ltmp1, $4  }
0x1d: {  	s14 =	simm.s32 @!p0 $0x3  }
0x1e: {  	_ =	swait.ge @!p0 [sflag:s14], $0x190  }
0x1f: {  	s16 =	sadd.s32 $0x1, s12;
	s13 =	smov.u32 s11;
	[sflag:s14] =	ssyncset.done @!p0 $0x0  }
0x20: {  	s12 =	smov.u32 s16;
	s11 =	smov.u32 s15;
	[sflag:s14] =	ssyncadd.s32 @!p0 $0xFFFFFE70  }
.LBB2_1:
0x21: {  	p0 =	sge.u32 s12, s7  }
0x22: {  	s14 =	sxor.u32 @!p0 $0x1, s12  }
0x23: {  	s14 =	smul.u32 @!p0 $0x640, s14  }
0x24: {  	s31 =	sadd.s32 $0xFFFFFFFF, s12;
	s15 =	sshrl.u32 @!p0 s11, $0x3  }
0x25: {  	s16 =	sand.u32 @!p0 $0x7, s11;
	s15 =	sadd.s32 @!p0 s3, s15;
	s14 =	sshra.s32 @!p0 s14, $0x2  }
0x26: {  	[tilespmem:s14], [sflag:$0x2] =	stream.linear.gather @!p0 [hbm4b:s15+s16], $0x190, $0x38;
	[tilespmem:$0x640] =	vst v63  }
0x27: {  	p0 =	sge.u32 s31, s7  }
.Ltmp2:
0x28: {  	_ = 	snop;
	(pc) =	sbr.rel @p0 .LBB2_5-.Ltmp2, $1  }
0x29: {  	_ =	sdelay $0x3  }
0x2a: {  	s14 =	sand.u32 $0x1, s12  }
0x2b: {  	_ =	swait.ge [sflag:s6], $0x190;
	p0 =	seq.s32 s14, $0x1;
	s14 =	simm.s32 $0x190  }
0x2c: {  	[sflag:s6] =	ssyncset.done $0x0;
	s14 =	simm.s32 @!p0 $0x0  }
0x2d: {  	[sflag:s6] =	ssyncadd.s32 $0xFFFFFE70;
	(ifvalue) =	ssetifvalue $0x7FFFFFFF;
	v0 =	vld.msk [tilespmem:s14+$0x0 ss:$0x1], $0xffff;
	_ =	sdelay $0x4  }
0x2e: {  	s15 =	sadd.s32 $0x10, s14;
	vm1 =	vgt.s32 v0, $0x0  }
0x2f: {  	v2 =	vld.msk [tilespmem:s15+$0x0 ss:$0x1], $0xffff;
	v1 =	vnsel vm1, $0x0, v0  }
0x30: {  	v1 =	vmin.u32 v1, $0xC34FF;
	_ =	sdelay $0x2  }
0x31: {  	s17 =	simm.s32 $0x20;
	s14 =	sadd.s32 $0x320, s14;
	s16 =	sadd.s32 $0x10, s15  }
0x32: {  	s15 =	sadd.s32 $0x10, s14;
	s18 =	smov.u32 s14;
	v0 =	vld.msk [tilespmem:s16+$0x0 ss:$0x1], $0xffff;
	vm1 =	vgt.s32 v2, $0x0;
	(ifvalue) =	ssetifvalue $0x7FFFFFFF  }
.LBB2_3:
0x33: {  	[tilespmem:s18], [sflag:$0x1] =	stream.indirect_vreg.gather [hbm4b:s2+s10], $0x1, v1, vm0, $0x4038;
	[tilespmem:$0x640] =	vst v63  }
0x34: {  	s17 =	sadd.s32 $0x10, s17  }
0x35: {  	v2 =	vnsel vm1, $0x0, v2;
	p0 =	slt.u32 s17, $0x180  }
.Ltmp3:
0x36: {  	s18 =	smov.u32 s15;
	v1 =	vmin.u32 v2, $0xC34FF;
	(pc) =	sbr.rel @p0 .LBB2_3-.Ltmp3, $3  }
0x37: {  	_ =	sdelay $0x1  }
0x38: {  	s16 =	sadd.s32 $0x10, s16  }
0x39: {  	vm1 =	vgt.s32 v0, $0x0;
	s15 =	sadd.s32 $0x10, s15;
	v2 =	vmov v0;
	(ifvalue) =	ssetifvalue $0x7FFFFFFF;
	v0 =	vld.msk [tilespmem:s16+$0x0 ss:$0x1], $0xffff  }
.Ltmp4:
0x3a: {  	_ = 	snop;
	(pc) =	sbr.rel .LBB2_4-.Ltmp4, $1  }
0x3b: {  	_ =	sdelay $0x3  }
.LBB2_6:
0x3c: {  	_ =	sfence.sel $0x180000  }
0x3d: {  	s2 =	simm.s32 $0x2;
	[bflag:$0x0] =	sbarrier.arrive $0xFFFF  }
0x3e: {  	s30 =	simm.s32 $0x3;
	[sflag:s2] =	ssyncpa.u1 $0x1  }
0x3f: {  	s31 =	simm.s32 $0x1;
	[sflag:s30] =	ssyncpa.u1 $0x1  }
0x40: {  	[sflag:s31] =	ssyncpa.u1 $0x1  }
0x41: {  	p0 =	sne.s32 s1, $0x0;
	_ =	strace $0x90000047  }
0x42: {  	s0 =	sadd.s32 @!p0 $0x100000, s0;
	[bflag:$0x2] =	sbarrier.arrive $0xFFFF  }
0x43: {  	[sflag:s0] =	ssyncadd.tile.s32 @!p0 $0x1;
	_ =	shalt  }
.Lfunc_end2:
_tile_overlayer_lowered:
.L_overlay_start_2:
0x44: {  	(tag) =	ssettag $0x2  }
0x45: {  	s0 =	rddreg [dreg:$0x0];
	s2 =	stileid.u32  }
0x46: {  	s1 =	rddreg [dreg:$0x1];
	p0 =	sne.s32 s2, $0x0  }
0x47: {  	s3 =	rddreg [dreg:$0x2];
	[bflag:$0x3] =	sbarrier.arrive $0xFFFF;
	s2 =	simm.s32 @!p0 $0x1C01  }
0x48: {  	[timem:s3], [sflag:s2] =	dma.local @!p0 [hbm:s0], s1  }
0x49: {  	s0 =	simm.s32 @!p0 $0x1  }
0x4a: {  	_ =	swait.ge @!p0 [sflag:s0], s1  }
0x4b: {  	s1 =	ssub.s32 @!p0 $0x0, s1;
	[sflag:s0] =	ssyncset.done @!p0 $0x0  }
0x4c: {  	[sflag:s0] =	ssyncadd.s32 @!p0 s1  }
0x4d: {  	[bflag:$0x3] =	sbarrier.arrive $0xFFFF  }
0x4e: {  	_ =	shalt  }

// kernel: gather_offload_async_start
scs
__scs_entry_jumppad:
0x0: {  	(pc) =	sbr.rel $0x88, $3  }
0x1: {  	(tag) =	ssettag $0x0;
	lr =	simm.s32 $0x1  }
0x2: {  	[smem:$0x3F74] =	sst lr;
	_ =	strace $0xD0000000  }
0x3: {  	_ = 	snop  }
0x4: {  	_ = 	snop  }
0x5: {  	_ = 	snop  }
0x6: {  	_ = 	snop  }
0x7: {  	_ = 	snop  }
__scs_overlays_trampoline_lowered:
0x8: {  	[smem:$0x3F83] =	sst s0  }
0x9: {  	[smem:$0x3F84] =	sst s1  }
0xa: {  	[smem:$0x3F85] =	sst s2  }
0xb: {  	[smem:$0x3F86] =	sst s3  }
0xc: {  	[smem:$0x3F87] =	sst s4  }
0xd: {  	[smem:$0x3F88] =	sst s5  }
0xe: {  	[smem:$0x3F89] =	sst s6  }
0xf: {  	[smem:$0x3F8A] =	sst s7  }
0x10: {  	[smem:$0x3F8B] =	sst s8  }
0x11: {  	[smem:$0x3F8C] =	sst s9;
	s0 =	simm.s32 @!p0 $0x0  }
0x12: {  	s1 =	sld [smem:$0x3F72];
	s0 =	simm.s32 @p0 $0x1  }
0x13: {  	[smem:$0x3F8D] =	sst s0;
	s0 =	simm.s32 @!p1 $0x0  }
0x14: {  	s2 =	sld [smem:$0x3F71];
	s0 =	simm.s32 @p1 $0x1  }
0x15: {  	[smem:$0x3F8E] =	sst s0;
	s0 =	simm.s32 @!p2 $0x0  }
0x16: {  	s3 =	sld [smem:$0x3FDB];
	s0 =	simm.s32 @p2 $0x1  }
0x17: {  	s4 =	simm.s32 $0x1BF5;
	[smem:$0x3F90] =	sst s0  }
0x18: {  	s0 =	sld [smem:$0x3F73];
	_ =	swait.ge [sflag:s4], $0x0  }
0x19: {  	s7 =	sld [smem:$0x3F74]  }
0x1a: {  	s8 =	sadd.s32 $0xFFFFE003, lr  }
0x1b: {  	s9 =	sadd.s32 $0xFFFFFEF7, lr;
	s5 =	simm.s32 $0xFFFFFFFF;
	p2 =	slt.u32 s8, $0xFFFFF086  }
0x1c: {  	p1 =	slt.u32 s9, $0xF7A;
	s5 =	simm.s32 @!p2 $0x0  }
0x1d: {  	s5 =	simm.s32 @p1 $0x1;
	p0 =	seq.s32 s7, s2  }
0x1e: {  	s7 =	smul.u32 @!p0 $0xF7A, s2;
	p2 =	seq.s32 @!p0 s5, $0x0  }
0x1f: {  	s9 =	smul.u32 $0xF7A, s1;
	s8 =	simm.s32 @!p0 $0x1BF5;
	p2 =	por !p2, p0  }
0x20: {  	[sflag:s8] =	ssyncset.s32 @!p0 $0xFFFFF086;
	s6 =	sadd.s32 @!p0 s3, s7;
	s7 =	simm.s32 @!p0 $0x108  }
0x21: {  	s3 =	sadd.s32 s3, s9;
	s6 =	sadd.s32 @!p0 $0x88, s6;
	s7 =	simm.s32 @p2 $0x1082  }
0x22: {  	[simem:s7], [sflag:s8] =	dma.local @!p0 [hbm:s6], $0xF7A  }
0x23: {  	s9 =	sor.u32 $0xD0000000, s2;
	s6 =	simm.s32 $0x108;
	_ =	swait.ge @!p0 [sflag:s8], $0x0  }
0x24: {  	s3 =	sadd.s32 $0x88, s3;
	s6 =	simm.s32 @!p1 $0x1082;
	[sflag:s4] =	ssyncset.s32 $0xFFFFF086  }
0x25: {  	[simem:s6], [sflag:s4] =	dma.local [hbm:s3], $0xF7A  }
0x26: {  	[smem:$0x3F74] =	sst s1;
	(tag) =	ssettag s2;
	_ =	strace s9  }
0x27: {  	s1 =	sld [smem:$0x3F84]  }
0x28: {  	s2 =	sld [smem:$0x3F85]  }
0x29: {  	s4 =	sld [smem:$0x3F87]  }
0x2a: {  	p0 =	seq.s32 s5, $0x0;
	s5 =	sld [smem:$0x3F88]  }
0x2b: {  	s6 =	sld [smem:$0x3F89]  }
0x2c: {  	s7 =	sld [smem:$0x3F8A]  }
0x2d: {  	s3 =	simm.s32 $0x108;
	s8 =	sld [smem:$0x3F8B]  }
0x2e: {  	s3 =	simm.s32 @!p0 $0x1082;
	s9 =	sld [smem:$0x3F8C]  }
0x2f: {  	lr =	sadd.s32 s0, s3;
	s0 =	sld [smem:$0x3F83]  }
0x30: {  	s3 =	sld [smem:$0x3F86]  }
0x31: {  	[smem:$0x3F8F] =	sst s10  }
0x32: {  	s10 =	sld [smem:$0x3F8D];
	_ =	sdelay $0x3  }
0x33: {  	p0 =	seq.s32 s10, $0x1;
	s10 =	sld [smem:$0x3F8F];
	_ =	sdelay $0x3  }
0x34: {  	[smem:$0x3F8F] =	sst s10  }
0x35: {  	s10 =	sld [smem:$0x3F8E];
	_ =	sdelay $0x3  }
0x36: {  	p1 =	seq.s32 s10, $0x1;
	s10 =	sld [smem:$0x3F8F];
	_ =	sdelay $0x3  }
0x37: {  	[smem:$0x3F8F] =	sst s10  }
0x38: {  	s10 =	sld [smem:$0x3F90]  }
0x39: {  	_ = 	snop;
	(pc) =	sbr.ind lr, $3  }
0x3a: {  	_ = 	snop  }
0x3b: {  	_ = 	snop  }
0x3c: {  	p2 =	seq.s32 s10, $0x1;
	s10 =	sld [smem:$0x3F8F]  }
0x3d: {  	_ =	shalt  }
0x3e: {  	_ =	shalt  }
0x3f: {  	_ =	shalt  }
0x40: {  	_ =	shalt  }
0x41: {  	_ =	shalt  }
0x42: {  	_ =	shalt  }
0x43: {  	_ =	shalt  }
0x44: {  	_ =	shalt  }
0x45: {  	_ =	shalt  }
0x46: {  	_ =	shalt  }
0x47: {  	_ =	shalt  }
0x48: {  	_ =	shalt  }
0x49: {  	_ =	shalt  }
0x4a: {  	_ =	shalt  }
0x4b: {  	_ =	shalt  }
0x4c: {  	_ =	shalt  }
0x4d: {  	_ =	shalt  }
0x4e: {  	_ =	shalt  }
0x4f: {  	_ =	shalt  }
0x50: {  	_ =	shalt  }
0x51: {  	_ =	shalt  }
0x52: {  	_ =	shalt  }
0x53: {  	_ =	shalt  }
0x54: {  	_ =	shalt  }
0x55: {  	_ =	shalt  }
0x56: {  	_ =	shalt  }
0x57: {  	_ =	shalt  }
0x58: {  	_ =	shalt  }
0x59: {  	_ =	shalt  }
0x5a: {  	_ =	shalt  }
0x5b: {  	_ =	shalt  }
0x5c: {  	_ =	shalt  }
0x5d: {  	_ =	shalt  }
0x5e: {  	_ =	shalt  }
0x5f: {  	_ =	shalt  }
0x60: {  	_ =	shalt  }
0x61: {  	_ =	shalt  }
0x62: {  	_ =	shalt  }
0x63: {  	_ =	shalt  }
0x64: {  	_ =	shalt  }
0x65: {  	_ =	shalt  }
0x66: {  	_ =	shalt  }
0x67: {  	_ =	shalt  }
0x68: {  	_ =	shalt  }
0x69: {  	_ =	shalt  }
0x6a: {  	_ =	shalt  }
0x6b: {  	_ =	shalt  }
0x6c: {  	_ =	shalt  }
0x6d: {  	_ =	shalt  }
0x6e: {  	_ =	shalt  }
0x6f: {  	_ =	shalt  }
0x70: {  	_ =	shalt  }
0x71: {  	_ =	shalt  }
0x72: {  	_ =	shalt  }
0x73: {  	_ =	shalt  }
0x74: {  	_ =	shalt  }
0x75: {  	_ =	shalt  }
0x76: {  	_ =	shalt  }
0x77: {  	_ =	shalt  }
0x78: {  	_ =	shalt  }
0x79: {  	_ =	shalt  }
0x7a: {  	_ =	shalt  }
0x7b: {  	_ =	shalt  }
0x7c: {  	_ =	shalt  }
0x7d: {  	_ =	shalt  }
0x7e: {  	_ =	shalt  }
0x7f: {  	_ =	shalt  }
0x80: {  	_ =	shalt  }
0x81: {  	_ =	shalt  }
0x82: {  	_ =	shalt  }
0x83: {  	_ =	shalt  }
0x84: {  	_ =	shalt  }
0x85: {  	_ =	shalt  }
0x86: {  	_ =	shalt  }
0x87: {  	_ =	shalt  }
.Lfunc_end0:
.L_simem_size_0:
called_computation.1_lowered:
.L_overlay_start_0:
0x88: {  	s0 =	sld [smem:$0x3FD9]  }
0x89: {  	s1 =	sld [smem:$0x3FFE];
	_ =	sdelay $0x3  }
0x8a: {  	s0 =	sadd.s32 s1, s0  }
0x8b: {  	[smem:$0x3F9B] =	sst s0  }
0x8c: {  	_ = 	snop  }
0x8d: {  	(tm) =	ssettm $0x1  }
0x8e: {  	s15 =	sld [smem:$0x3FFB];
	_ =	sdelay $0x3  }
0x8f: {  	_ =	strace s15  }
0x90: {  	s0 =	sld [smem:$0x3FFC];
	_ =	sdelay $0x3  }
0x91: {  	_ =	strace s0  }
0x92: {  	s0 =	sld [smem:$0x3FFD];
	_ =	sdelay $0x3  }
0x93: {  	_ =	strace s0  }
0x94: {  	_ =	strace $0x8FFFFFFF  }
0x95: {  	s16 =	sld [smem:$0x3FDB];
	_ =	sdelay $0x1  }
0x96: {  	s17 =	simm.s32 $_scs_section_size  }
0x97: {  	s2 =	simm.s32 $_size__tile_overlayer_lowered;
	s3 =	simm.s32 $_tile_overlayer_lowered  }
0x98: {  	s20 =	simm.s32 $0x1BFF;
	s19 =	sshll.u32 s3, $0x1;
	s0 =	sadd.s32 s17, s16  }
0x99: {  	s4 =	simm.s32 $0x0;
	s18 =	sshll.u32 s2, $0x1;
	s2 =	sadd.s32 s19, s0  }
0x9a: {  	[timem:s4], [sflag:s20] =	dma.local [hbm:s2], s18  }
0x9b: {  	_ =	swait.ge [sflag:s20], s18  }
0x9c: {  	s1 =	ssub.s32 $0x0, s18;
	[sflag:s20] =	ssyncset.done $0x0  }
0x9d: {  	[sflag:s20] =	ssyncadd.s32 s1;
	_ =	sdelay $0x1  }
0x9e: {  	s21 =	simm.s32 $0x1B8B  }
0x9f: {  	_ =	swait.ge [sflag:s21], $0x1  }
0xa0: {  	[sflag:s21] =	ssyncset.done $0x0  }
0xa1: {  	s23 =	simm.s32 $0x1B8E;
	s22 =	sld [smem:$0x3FFE];
	[sflag:s21] =	ssyncadd.s32 $0xFFFFFFFF  }
0xa2: {  	s24 =	simm.s32 $execute0_lowered;
	[smem:$0x3FD2] =	sst s23  }
0xa3: {  	s2 =	sshll.u32 s24, $0x1;
	_ =	strace $0x80000049;
	[dreg:$0x1] =	wrdreg $0xFFFFFFFF  }
0xa4: {  	s25 =	simm.s32 $_size_execute0_lowered;
	s0 =	sadd.s32 s0, s2;
	[dreg:$0x0] =	wrdreg $0x0  }
0xa5: {  	s2 =	sshll.u32 s25, $0x1;
	[dreg:$0x2] =	wrdreg s0  }
0xa6: {  	[dreg:$0x3] =	wrdreg s2  }
0xa7: {  	[dreg:$0x4] =	wrdreg $0xC0  }
0xa8: {  	_ =	task [dreg:s4], $0x5FFFF  }
0xa9: {  	[dreg:$0x1] =	wrdreg $0xFFFFFFFF  }
0xaa: {  	[dreg:$0x0] =	wrdreg $0x60  }
0xab: {  	[dreg:$0x2] =	wrdreg s22  }
0xac: {  	[dreg:$0x3] =	wrdreg $0x9  }
0xad: {  	_ =	task.clear_ibuf [dreg:s4], $0x4FFFF;
	_ =	strace $0x90000049  }
0xae: {  	s26 =	simm.s32 $0x9;
	_ =	strace $0x8000004B  }
0xaf: {  	_ =	swait.ge [sflag:s26], $0x1  }
0xb0: {  	[sflag:s26] =	ssyncadd.s32 $0xFFFFFFFF  }
0xb1: {  	_ =	strace $0x9000004B  }
0xb2: {  	_ =	sfence  }
0xb3: {  	s28 =	sld [smem:$0x0];
	_ =	sdelay $0x1  }
0xb4: {  	s29 =	srdreg.scid  }
0xb5: {  	s30 =	sshll.u32 s29, $0xD;
	s31 =	sshrl.u32 s29, $0x2  }
0xb6: {  	s1 =	sand.u32 $0x1, s29;
	s2 =	sand.u32 $0x4000, s30;
	s0 =	sadd.s32 s31, s28  }
0xb7: {  	s1 =	sor.u32 s2, s1;
	s0 =	sshll.u32 s0, $0x11  }
0xb8: {  	s0 =	sor.u32 s0, s1  }
0xb9: {  	s0 =	sadd.s32 $0x8F2B, s0  }
0xba: {  	[sflag:s0] =	ssyncadd.remote.s32 $0x1  }
0xbb: {  	_ =	sfence.sel $0xFFFF  }
0xbc: {  	[dreg:$0x0] =	wrdreg $0xFFFFFFFF;
	(pc) =	sbr.abs _section_cstart, $3  }
0xbd: {  	[dreg:$0x1] =	wrdreg $0xFFFFFFFF  }
0xbe: {  	_ =	task.clear_ibuf [dreg:s4], $0x2FFFF;
	_ =	strace $0x9FFFFFFF  }
0xbf: {  	(tm) =	ssettm $0x7FFFFFFF  }
tec
execute0_lowered:
.L_overlay_start_1:
0x0: {  	(tag) =	ssettag $0x1  }
0x1: {  	s0 =	stileid.u32  }
0x2: {  	s1 =	smin.u32 s0, $0x9  }
0x3: {  	s1 =	sadd.s32 s0, s1  }
0x4: {  	s2 =	simm.s32 $0x320;
	p0 =	slt.u32 s0, $0x9;
	s1 =	smul.u32 $0x190, s1  }
0x5: {  	s2 =	simm.s32 @!p0 $0x190  }
0x6: {  	s2 =	sadd.s32 s2, s1  }
0x7: {  	s3 =	smin.u32 s2, $0x2710  }
0x8: {  	s7 =	ssub.s32 s3, s1  }
0x9: {  	p0 =	sgt.s32 s7, $0x0  }
0xa: {  	s7 =	simm.s32 @!p0 $0x0  }
0xb: {  	s31 =	sand.u32 $0xFFF0, s7  }
0xc: {  	s2 =	sshrl.u32 s31, $0x4  }
0xd: {  	s2 =	smul.u32 $0xA3E, s2  }
0xe: {  	s9 =	rddreg [dreg:$0x0];
	s6 =	simm.s32 $0x1;
	s11 =	simm.s32 $0x3  }
0xf: {  	s13 =	simm.s32 $0x0;
	s12 =	simm.s32 $0x0;
	s8 =	sshrl.u32 s2, $0x10  }
0x10: {  	s4 =	sadd.s32 $0xE800, s9;
	s5 =	sadd.s32 $0xF9C00, s9;
	s10 =	smul.u32 $0x190, s8  }
.Ltmp0:
0x11: {  	s9 =	sadd.s32 $0xFC800, s9;
	s2 =	rddreg [dreg:$0x1];
	(pc) =	sbr.rel .LBB2_1-.Ltmp0, $4  }
0x12: {  	_ =	strace $0x8000004A;
	p0 =	sne.s32 s7, s10;
	s10 =	simm.s32 $0x1  }
0x13: {  	[sflag:s6] =	ssyncpa.u1 $0x0;
	s7 =	simm.s32 $0x2;
	s10 =	simm.s32 @!p0 $0x0  }
0x14: {  	[sflag:s7] =	ssyncpa.u1 $0x0;
	p0 =	por $0x0, $0x0;
	s8 =	sadd.s32 s8, s10  }
0x15: {  	vm0 =	vmmov $0xff;
	vm1 =	vcmask $0x3F20;
	[sflag:s11] =	ssyncpa.u1 $0x0;
	s11 =	smov.u32 s1;
	s10 =	sadd.s32 $0x1, s8  }
.LBB2_6:
0x16: {  	[hbm:s17] =	stream.linear.scatter [tilespmem:s14], [sflag:$0x3], $0x400, $0x38;
	[tilespmem:$0x19320] =	vst v63  }
.LBB2_7:
0x17: {  	s13 =	sadd.s32 $0x190, s11  }
0x18: {  	s15 =	smov.u32 s1;
	p2 =	slt.s32 s13, s3  }
0x19: {  	s15 =	smov.u32 @p2 s13;
	p2 =	sne.s32 s12, s10  }
.Ltmp1:
0x1a: {  	p1 =	slt.u32 s12, $0x2;
	(pc) =	sbr.rel @!p2 .LBB2_8-.Ltmp1, $4  }
0x1b: {  	s14 =	simm.s32 @!p1 $0x3  }
0x1c: {  	s16 =	sadd.s32 $0x1, s12;
	_ =	swait.ge @!p1 [sflag:s14], $0xC800  }
0x1d: {  	p0 =	por !p0, !p0;
	s13 =	smov.u32 s11;
	[sflag:s14] =	ssyncset.done @!p1 $0x0  }
0x1e: {  	s12 =	smov.u32 s16;
	s11 =	smov.u32 s15;
	[sflag:s14] =	ssyncadd.s32 @!p1 $0xFFFF3800  }
.LBB2_1:
0x1f: {  	p1 =	sge.u32 s12, s8  }
0x20: {  	s14 =	sxor.u32 @!p1 $0xFFFFFFFF, s12  }
0x21: {  	s14 =	sand.u32 @!p1 $0x1, s14  }
0x22: {  	s14 =	smul.u32 @!p1 $0x640, s14  }
0x23: {  	s31 =	sadd.s32 $0xFFFFFFFF, s12;
	s15 =	sshrl.u32 @!p1 s11, $0x3  }
0x24: {  	s16 =	sand.u32 @!p1 $0x7, s11;
	s15 =	sadd.s32 @!p1 s5, s15;
	s14 =	sshrl.u32 @!p1 s14, $0x2  }
0x25: {  	[tilespmem:s14], [sflag:$0x2] =	stream.linear.gather @!p1 [hbm4b:s15+s16], $0x190, $0x38;
	[tilespmem:$0x19320] =	vst v63  }
0x26: {  	p1 =	sge.u32 s31, s8  }
.Ltmp2:
0x27: {  	_ = 	snop;
	(pc) =	sbr.rel @p1 .LBB2_7-.Ltmp2, $1  }
0x28: {  	_ =	sdelay $0x3  }
0x29: {  	s14 =	simm.s32 $0x1  }
0x2a: {  	s14 =	simm.s32 @!p0 $0x0  }
0x2b: {  	s15 =	smul.u32 $0x640, s14  }
0x2c: {  	_ =	swait.ge [sflag:s7], $0x190  }
0x2d: {  	[sflag:s7] =	ssyncset.done $0x0;
	s16 =	sshrl.u32 s15, $0x2  }
0x2e: {  	[sflag:s7] =	ssyncadd.s32 $0xFFFFFE70;
	s15 =	sadd.s32 $0x0, s16  }
0x2f: {  	v0 =	vld.msk [tilespmem:s15+$0x0 ss:$0x1], $0xffff;
	_ =	sdelay $0x4  }
0x30: {  	vm2 =	vgt.s32 v0, $0x0  }
0x31: {  	v0 =	vnsel vm2, $0x0, v0  }
0x32: {  	v0 =	vmin.u32 v0, $0xC34F  }
0x33: {  	v0 =	vshll.u32 v0, $0x4  }
0x34: {  	s14 =	smul.u32 $0x32000, s14;
	_ =	sdelay $0x1  }
0x35: {  	s14 =	sshrl.u32 s14, $0x2  }
0x36: {  	s14 =	sor.u32 $0x320, s14  }
0x37: {  	[tilespmem:s14], [sflag:$0x1] =	stream.indirect_vreg.gather [hbm:s4], $0x80, v0, vm0, $0x38;
	[tilespmem:$0x19320] =	vst v63  }
0x38: {  	s17 =	sadd.s32 $0x10, s16;
	s15 =	sadd.s32 $0x400, s14  }
0x39: {  	[tilespmem:s15], [sflag:$0x1] =	stream.indirect_vreg.gather [hbm:s4], $0x80, v0, vm1, $0x38;
	[tilespmem:$0x19320] =	vst v63  }
0x3a: {  	s18 =	simm.s32 $0x80;
	v0 =	vld.msk [tilespmem:s17+$0x0 ss:$0x1], $0xffff;
	s17 =	smov.u32 s14  }
.LBB2_3:
0x3b: {  	p1 =	sne.s32 s18, $0x600;
	_ =	sdelay $0x4  }
0x3c: {  	vm2 =	vgt.s32 v0, $0x0  }
0x3d: {  	v0 =	vnsel vm2, $0x0, v0  }
0x3e: {  	v0 =	vmin.u32 v0, $0xC34F  }
0x3f: {  	v0 =	vshll.u32 v0, $0x4;
	_ =	sdelay $0x3  }
.Ltmp3:
0x40: {  	s19 =	sshra.s32 s18, $0x2;
	s17 =	sadd.s32 $0x800, s17;
	(pc) =	sbr.rel @p1 .LBB2_3-.Ltmp3, $4  }
0x41: {  	[tilespmem:s17], [sflag:$0x1] =	stream.indirect_vreg.gather [hbm:s4], $0x80, v0, vm0, $0x38;
	[tilespmem:$0x19320] =	vst v63  }
0x42: {  	s19 =	sadd.s32 s19, s16;
	s20 =	sadd.s32 $0x400, s17  }
0x43: {  	[tilespmem:s20], [sflag:$0x1] =	stream.indirect_vreg.gather [hbm:s4], $0x80, v0, vm1, $0x38;
	[tilespmem:$0x19320] =	vst v63  }
0x44: {  	s18 =	sadd.s32 $0x40, s18;
	v0 =	vld.msk [tilespmem:s19+$0x0 ss:$0x1], $0xffff  }
0x45: {  	_ =	sdelay $0x3  }
0x46: {  	vm2 =	vgt.s32 v0, $0x0  }
0x47: {  	v0 =	vnsel vm2, $0x0, v0  }
0x48: {  	v0 =	vmin.u32 v0, $0xC34F  }
0x49: {  	v0 =	vshll.u32 v0, $0x4;
	_ =	sdelay $0x3  }
0x4a: {  	s16 =	sadd.s32 $0x800, s17  }
0x4b: {  	[tilespmem:s16], [sflag:$0x1] =	stream.indirect_vreg.gather [hbm:s4], $0x80, v0, vm0, $0x38;
	[tilespmem:$0x19320] =	vst v63  }
0x4c: {  	s16 =	sadd.s32 $0x400, s16  }
0x4d: {  	[tilespmem:s16], [sflag:$0x1] =	stream.indirect_vreg.gather [hbm:s4], $0x80, v0, vm1, $0x38;
	[tilespmem:$0x19320] =	vst v63  }
0x4e: {  	s13 =	sshll.u32 s13, $0x4;
	_ =	swait.ge [sflag:s6], $0xC800  }
0x4f: {  	s13 =	sadd.s32 s13, s9;
	[sflag:s6] =	ssyncset.done $0x0  }
0x50: {  	s17 =	sadd.s32 $0x0, s13;
	s16 =	simm.s32 $0x80;
	[sflag:s6] =	ssyncadd.s32 $0xFFFF3800  }
.LBB2_5:
0x51: {  	[hbm:s17] =	stream.linear.scatter [tilespmem:s14], [sflag:$0x3], $0x400, $0x38;
	[tilespmem:$0x19320] =	vst v63  }
0x52: {  	s17 =	smov.u32 s16;
	s14 =	smov.u32 s15;
	p1 =	sne.s32 s16, $0x1880  }
.Ltmp4:
0x53: {  	s16 =	sadd.s32 $0x80, s16;
	(pc) =	sbr.rel @p1 .LBB2_5-.Ltmp4, $2  }
0x54: {  	_ =	sdelay $0x2  }
0x55: {  	s15 =	sadd.s32 $0x400, s15;
	s17 =	sadd.s32 s17, s13  }
.Ltmp5:
0x56: {  	_ = 	snop;
	(pc) =	sbr.rel .LBB2_6-.Ltmp5, $1  }
0x57: {  	_ =	sdelay $0x3  }
.LBB2_8:
0x58: {  	_ =	sfence.sel $0x180000  }
0x59: {  	s1 =	simm.s32 $0x2;
	[bflag:$0x0] =	sbarrier.arrive $0xFFFF  }
0x5a: {  	s30 =	simm.s32 $0x3;
	[sflag:s1] =	ssyncpa.u1 $0x1  }
0x5b: {  	s31 =	simm.s32 $0x1;
	[sflag:s30] =	ssyncpa.u1 $0x1  }
0x5c: {  	[sflag:s31] =	ssyncpa.u1 $0x1  }
0x5d: {  	p0 =	sne.s32 s0, $0x0;
	_ =	strace $0x9000004A  }
0x5e: {  	s0 =	sadd.s32 @!p0 $0x100000, s2;
	[bflag:$0x2] =	sbarrier.arrive $0xFFFF  }
0x5f: {  	[sflag:s0] =	ssyncadd.tile.s32 @!p0 $0x1;
	_ =	shalt  }
.Lfunc_end2:
_tile_overlayer_lowered:
.L_overlay_start_2:
0x60: {  	(tag) =	ssettag $0x2  }
0x61: {  	s0 =	rddreg [dreg:$0x0];
	s2 =	stileid.u32  }
0x62: {  	s1 =	rddreg [dreg:$0x1];
	p0 =	sne.s32 s2, $0x0  }
0x63: {  	s3 =	rddreg [dreg:$0x2];
	[bflag:$0x3] =	sbarrier.arrive $0xFFFF;
	s2 =	simm.s32 @!p0 $0x1C01  }
0x64: {  	[timem:s3], [sflag:s2] =	dma.local @!p0 [hbm:s0], s1  }
0x65: {  	s0 =	simm.s32 @!p0 $0x1  }
0x66: {  	_ =	swait.ge @!p0 [sflag:s0], s1  }
0x67: {  	s1 =	ssub.s32 @!p0 $0x0, s1;
	[sflag:s0] =	ssyncset.done @!p0 $0x0  }
0x68: {  	[sflag:s0] =	ssyncadd.s32 @!p0 s1  }
0x69: {  	[bflag:$0x3] =	sbarrier.arrive $0xFFFF  }
0x6a: {  	_ =	shalt  }

// kernel: kernel.11.cloned.1.call-start
scs
__scs_entry_jumppad:
0x0: {  	(pc) =	sbr.rel $0x88, $3  }
0x1: {  	(tag) =	ssettag $0x0;
	lr =	simm.s32 $0x1  }
0x2: {  	[smem:$0x3F74] =	sst lr;
	_ =	strace $0xD0000000  }
0x3: {  	_ = 	snop  }
0x4: {  	_ = 	snop  }
0x5: {  	_ = 	snop  }
0x6: {  	_ = 	snop  }
0x7: {  	_ = 	snop  }
__scs_overlays_trampoline_lowered:
0x8: {  	[smem:$0x3F83] =	sst s0  }
0x9: {  	[smem:$0x3F84] =	sst s1  }
0xa: {  	[smem:$0x3F85] =	sst s2  }
0xb: {  	[smem:$0x3F86] =	sst s3  }
0xc: {  	[smem:$0x3F87] =	sst s4  }
0xd: {  	[smem:$0x3F88] =	sst s5  }
0xe: {  	[smem:$0x3F89] =	sst s6  }
0xf: {  	[smem:$0x3F8A] =	sst s7  }
0x10: {  	[smem:$0x3F8B] =	sst s8  }
0x11: {  	[smem:$0x3F8C] =	sst s9;
	s0 =	simm.s32 @!p0 $0x0  }
0x12: {  	s1 =	sld [smem:$0x3F72];
	s0 =	simm.s32 @p0 $0x1  }
0x13: {  	[smem:$0x3F8D] =	sst s0;
	s0 =	simm.s32 @!p1 $0x0  }
0x14: {  	s2 =	sld [smem:$0x3F71];
	s0 =	simm.s32 @p1 $0x1  }
0x15: {  	[smem:$0x3F8E] =	sst s0;
	s0 =	simm.s32 @!p2 $0x0  }
0x16: {  	s3 =	sld [smem:$0x3FDB];
	s0 =	simm.s32 @p2 $0x1  }
0x17: {  	s4 =	simm.s32 $0x1BF5;
	[smem:$0x3F90] =	sst s0  }
0x18: {  	s0 =	sld [smem:$0x3F73];
	_ =	swait.ge [sflag:s4], $0x0  }
0x19: {  	s7 =	sld [smem:$0x3F74]  }
0x1a: {  	s8 =	sadd.s32 $0xFFFFE003, lr  }
0x1b: {  	s9 =	sadd.s32 $0xFFFFFEF7, lr;
	s5 =	simm.s32 $0xFFFFFFFF;
	p2 =	slt.u32 s8, $0xFFFFF086  }
0x1c: {  	p1 =	slt.u32 s9, $0xF7A;
	s5 =	simm.s32 @!p2 $0x0  }
0x1d: {  	s5 =	simm.s32 @p1 $0x1;
	p0 =	seq.s32 s7, s2  }
0x1e: {  	s7 =	smul.u32 @!p0 $0xF7A, s2;
	p2 =	seq.s32 @!p0 s5, $0x0  }
0x1f: {  	s9 =	smul.u32 $0xF7A, s1;
	s8 =	simm.s32 @!p0 $0x1BF5;
	p2 =	por !p2, p0  }
0x20: {  	[sflag:s8] =	ssyncset.s32 @!p0 $0xFFFFF086;
	s6 =	sadd.s32 @!p0 s3, s7;
	s7 =	simm.s32 @!p0 $0x108  }
0x21: {  	s3 =	sadd.s32 s3, s9;
	s6 =	sadd.s32 @!p0 $0x88, s6;
	s7 =	simm.s32 @p2 $0x1082  }
0x22: {  	[simem:s7], [sflag:s8] =	dma.local @!p0 [hbm:s6], $0xF7A  }
0x23: {  	s9 =	sor.u32 $0xD0000000, s2;
	s6 =	simm.s32 $0x108;
	_ =	swait.ge @!p0 [sflag:s8], $0x0  }
0x24: {  	s3 =	sadd.s32 $0x88, s3;
	s6 =	simm.s32 @!p1 $0x1082;
	[sflag:s4] =	ssyncset.s32 $0xFFFFF086  }
0x25: {  	[simem:s6], [sflag:s4] =	dma.local [hbm:s3], $0xF7A  }
0x26: {  	[smem:$0x3F74] =	sst s1;
	(tag) =	ssettag s2;
	_ =	strace s9  }
0x27: {  	s1 =	sld [smem:$0x3F84]  }
0x28: {  	s2 =	sld [smem:$0x3F85]  }
0x29: {  	s4 =	sld [smem:$0x3F87]  }
0x2a: {  	p0 =	seq.s32 s5, $0x0;
	s5 =	sld [smem:$0x3F88]  }
0x2b: {  	s6 =	sld [smem:$0x3F89]  }
0x2c: {  	s7 =	sld [smem:$0x3F8A]  }
0x2d: {  	s3 =	simm.s32 $0x108;
	s8 =	sld [smem:$0x3F8B]  }
0x2e: {  	s3 =	simm.s32 @!p0 $0x1082;
	s9 =	sld [smem:$0x3F8C]  }
0x2f: {  	lr =	sadd.s32 s0, s3;
	s0 =	sld [smem:$0x3F83]  }
0x30: {  	s3 =	sld [smem:$0x3F86]  }
0x31: {  	[smem:$0x3F8F] =	sst s10  }
0x32: {  	s10 =	sld [smem:$0x3F8D];
	_ =	sdelay $0x3  }
0x33: {  	p0 =	seq.s32 s10, $0x1;
	s10 =	sld [smem:$0x3F8F];
	_ =	sdelay $0x3  }
0x34: {  	[smem:$0x3F8F] =	sst s10  }
0x35: {  	s10 =	sld [smem:$0x3F8E];
	_ =	sdelay $0x3  }
0x36: {  	p1 =	seq.s32 s10, $0x1;
	s10 =	sld [smem:$0x3F8F];
	_ =	sdelay $0x3  }
0x37: {  	[smem:$0x3F8F] =	sst s10  }
0x38: {  	s10 =	sld [smem:$0x3F90]  }
0x39: {  	_ = 	snop;
	(pc) =	sbr.ind lr, $3  }
0x3a: {  	_ = 	snop  }
0x3b: {  	_ = 	snop  }
0x3c: {  	p2 =	seq.s32 s10, $0x1;
	s10 =	sld [smem:$0x3F8F]  }
0x3d: {  	_ =	shalt  }
0x3e: {  	_ =	shalt  }
0x3f: {  	_ =	shalt  }
0x40: {  	_ =	shalt  }
0x41: {  	_ =	shalt  }
0x42: {  	_ =	shalt  }
0x43: {  	_ =	shalt  }
0x44: {  	_ =	shalt  }
0x45: {  	_ =	shalt  }
0x46: {  	_ =	shalt  }
0x47: {  	_ =	shalt  }
0x48: {  	_ =	shalt  }
0x49: {  	_ =	shalt  }
0x4a: {  	_ =	shalt  }
0x4b: {  	_ =	shalt  }
0x4c: {  	_ =	shalt  }
0x4d: {  	_ =	shalt  }
0x4e: {  	_ =	shalt  }
0x4f: {  	_ =	shalt  }
0x50: {  	_ =	shalt  }
0x51: {  	_ =	shalt  }
0x52: {  	_ =	shalt  }
0x53: {  	_ =	shalt  }
0x54: {  	_ =	shalt  }
0x55: {  	_ =	shalt  }
0x56: {  	_ =	shalt  }
0x57: {  	_ =	shalt  }
0x58: {  	_ =	shalt  }
0x59: {  	_ =	shalt  }
0x5a: {  	_ =	shalt  }
0x5b: {  	_ =	shalt  }
0x5c: {  	_ =	shalt  }
0x5d: {  	_ =	shalt  }
0x5e: {  	_ =	shalt  }
0x5f: {  	_ =	shalt  }
0x60: {  	_ =	shalt  }
0x61: {  	_ =	shalt  }
0x62: {  	_ =	shalt  }
0x63: {  	_ =	shalt  }
0x64: {  	_ =	shalt  }
0x65: {  	_ =	shalt  }
0x66: {  	_ =	shalt  }
0x67: {  	_ =	shalt  }
0x68: {  	_ =	shalt  }
0x69: {  	_ =	shalt  }
0x6a: {  	_ =	shalt  }
0x6b: {  	_ =	shalt  }
0x6c: {  	_ =	shalt  }
0x6d: {  	_ =	shalt  }
0x6e: {  	_ =	shalt  }
0x6f: {  	_ =	shalt  }
0x70: {  	_ =	shalt  }
0x71: {  	_ =	shalt  }
0x72: {  	_ =	shalt  }
0x73: {  	_ =	shalt  }
0x74: {  	_ =	shalt  }
0x75: {  	_ =	shalt  }
0x76: {  	_ =	shalt  }
0x77: {  	_ =	shalt  }
0x78: {  	_ =	shalt  }
0x79: {  	_ =	shalt  }
0x7a: {  	_ =	shalt  }
0x7b: {  	_ =	shalt  }
0x7c: {  	_ =	shalt  }
0x7d: {  	_ =	shalt  }
0x7e: {  	_ =	shalt  }
0x7f: {  	_ =	shalt  }
0x80: {  	_ =	shalt  }
0x81: {  	_ =	shalt  }
0x82: {  	_ =	shalt  }
0x83: {  	_ =	shalt  }
0x84: {  	_ =	shalt  }
0x85: {  	_ =	shalt  }
0x86: {  	_ =	shalt  }
0x87: {  	_ =	shalt  }
.Lfunc_end0:
.L_simem_size_0:
called_computation.6_lowered:
.L_overlay_start_0:
0x88: {  	s2 =	sld [smem:$0x3FD9]  }
0x89: {  	s3 =	sld [smem:$0x3FFE];
	_ =	sdelay $0x1  }
0x8a: {  	s1 =	srdreg.scid  }
0x8b: {  	s0 =	sand.u32 $0x1, s1  }
0x8c: {  	s17 =	sshll.u32 s0, $0xA;
	s2 =	sadd.s32 s3, s2  }
0x8d: {  	s2 =	sadd.s32 s2, s17  }
0x8e: {  	[smem:$0x3F9B] =	sst s2  }
0x8f: {  	_ = 	snop  }
0x90: {  	s2 =	sld [smem:$0x3FD0];
	(tm) =	ssettm $0x1  }
0x91: {  	s18 =	sld [smem:$0x3FFB];
	_ =	sdelay $0x3  }
0x92: {  	_ =	strace s18  }
0x93: {  	s3 =	sld [smem:$0x3FFC];
	_ =	sdelay $0x3  }
0x94: {  	_ =	strace s3  }
0x95: {  	s3 =	sld [smem:$0x3FFD];
	_ =	sdelay $0x3  }
0x96: {  	_ =	strace s3  }
0x97: {  	_ =	strace $0x8FFFFFFF  }
0x98: {  	s19 =	sld [smem:$0x3FDB];
	_ =	sdelay $0x1  }
0x99: {  	s4 =	simm.s32 $_scs_section_size  }
0x9a: {  	s5 =	simm.s32 $_size__tile_overlayer_lowered;
	s6 =	simm.s32 $_tile_overlayer_lowered  }
0x9b: {  	s22 =	simm.s32 $0x1BFF;
	s21 =	sshll.u32 s6, $0x1;
	s3 =	sadd.s32 s4, s19  }
0x9c: {  	s7 =	simm.s32 $0x0;
	s20 =	sshll.u32 s5, $0x1;
	s5 =	sadd.s32 s21, s3  }
0x9d: {  	[timem:s7], [sflag:s22] =	dma.local [hbm:s5], s20  }
0x9e: {  	_ =	swait.ge [sflag:s22], s20  }
0x9f: {  	s4 =	ssub.s32 $0x0, s20;
	[sflag:s22] =	ssyncset.done $0x0  }
0xa0: {  	[sflag:s22] =	ssyncadd.s32 s4;
	_ =	sdelay $0x1  }
0xa1: {  	s23 =	simm.s32 $0x1B8B  }
0xa2: {  	_ =	swait.ge [sflag:s23], $0x1  }
0xa3: {  	[sflag:s23] =	ssyncset.done $0x0  }
0xa4: {  	s25 =	simm.s32 $0x1B8E;
	s24 =	sld [smem:$0x3FFE];
	[sflag:s23] =	ssyncadd.s32 $0xFFFFFFFF  }
0xa5: {  	s26 =	simm.s32 $execute0_lowered;
	[smem:$0x3FD2] =	sst s25  }
0xa6: {  	s5 =	sshll.u32 s26, $0x1;
	_ =	strace $0x80000058;
	[dreg:$0x1] =	wrdreg $0xFFFFFFFF  }
0xa7: {  	s28 =	simm.s32 $_size_execute0_lowered;
	s3 =	sadd.s32 s3, s5;
	[dreg:$0x0] =	wrdreg $0x0  }
0xa8: {  	s5 =	sshll.u32 s28, $0x1;
	[dreg:$0x2] =	wrdreg s3  }
0xa9: {  	[dreg:$0x3] =	wrdreg s5  }
0xaa: {  	[dreg:$0x4] =	wrdreg $0xC0  }
0xab: {  	_ =	task [dreg:s7], $0x5FFFF  }
0xac: {  	[dreg:$0x1] =	wrdreg $0xFFFFFFFF  }
0xad: {  	[dreg:$0x0] =	wrdreg $0x60  }
0xae: {  	[dreg:$0x2] =	wrdreg s2  }
0xaf: {  	[dreg:$0x3] =	wrdreg s24  }
0xb0: {  	[dreg:$0x4] =	wrdreg $0x57B00  }
0xb1: {  	[dreg:$0x5] =	wrdreg $0x1DFB00  }
0xb2: {  	[dreg:$0x6] =	wrdreg $0x9  }
0xb3: {  	_ =	task.clear_ibuf [dreg:s7], $0x7FFFF;
	_ =	strace $0x90000058  }
0xb4: {  	s29 =	simm.s32 $0x9;
	_ =	strace $0x8000005A  }
0xb5: {  	_ =	swait.ge [sflag:s29], $0x1  }
0xb6: {  	[sflag:s29] =	ssyncadd.s32 $0xFFFFFFFF  }
0xb7: {  	_ =	strace $0x9000005A  }
0xb8: {  	_ =	sfence  }
0xb9: {  	s30 =	sld [smem:$0x0];
	_ =	sdelay $0x2  }
0xba: {  	s31 =	sshll.u32 s1, $0xD;
	s1 =	sshrl.u32 s1, $0x2  }
0xbb: {  	s3 =	sand.u32 $0x4000, s31;
	s1 =	sadd.s32 s1, s30  }
0xbc: {  	s0 =	sor.u32 s3, s0;
	s1 =	sshll.u32 s1, $0x11  }
0xbd: {  	s0 =	sor.u32 s1, s0  }
0xbe: {  	s0 =	sadd.s32 $0x8F2B, s0  }
0xbf: {  	[sflag:s0] =	ssyncadd.remote.s32 $0x1  }
0xc0: {  	_ =	sfence.sel $0xFFFF  }
0xc1: {  	[dreg:$0x0] =	wrdreg $0xFFFFFFFF;
	(pc) =	sbr.abs _section_cstart, $3  }
0xc2: {  	[dreg:$0x1] =	wrdreg $0xFFFFFFFF  }
0xc3: {  	_ =	task.clear_ibuf [dreg:s7], $0x2FFFF;
	_ =	strace $0x9FFFFFFF  }
0xc4: {  	(tm) =	ssettm $0x7FFFFFFF  }
0xc5: {  	_ =	shalt  }
tec
execute0_lowered:
.L_overlay_start_1:
0x0: {  	(tag) =	ssettag $0x1  }
0x1: {  	s1 =	rddreg [dreg:$0x0]  }
0x2: {  	s0 =	rddreg [dreg:$0x1]  }
0x3: {  	s2 =	rddreg [dreg:$0x2]  }
0x4: {  	s3 =	rddreg [dreg:$0x3]  }
0x5: {  	s4 =	simm.s32 $0x0;
	s5 =	srdreg.scid;
	s18 =	stileid.u32  }
0x6: {  	s31 =	simm.s32 $0x1;
	s28 =	simm.s32 $0x4900;
	s29 =	simm.s32 $0x4100  }
0x7: {  	[smem:$0x7FF] =	sst s4;
	s6 =	sadd.s32 $0xD3A00, s0;
	s12 =	smul.u32 $0x18800, s18  }
0x8: {  	s5 =	sand.u32 $0x1, s5;
	s7 =	sadd.s32 $0x545200, s0;
	s13 =	smul.u32 $0xC40, s18  }
0x9: {  	s8 =	sadd.s32 $0x212400, s0;
	s9 =	sadd.s32 $0xE800, s0;
	s22 =	smul.u32 $0x3100, s18  }
0xa: {  	s10 =	sadd.s32 $0x3F800, s0;
	s21 =	sadd.s32 $0x212200, s0;
	s11 =	smul.u32 $0x188000, s5  }
0xb: {  	_ =	strace $0x80000059;
	s14 =	sshll.u32 s5, $0x4;
	s15 =	smul.u32 $0xC400, s5  }
0xc: {  	v0 =	vimm.s32 $0xFEDCBA98;
	v1 =	vimm.s32 $0x76543210;
	[dreg:$0x5] =	wrdreg s21;
	s5 =	ssub.s32 $0x2, s5;
	s21 =	simm.s32 $0x4940  }
0xd: {  	v2 =	vimm.s32 $0xBA98FEDC;
	v3 =	vimm.s32 $0x32107654;
	s14 =	sor.u32 s18, s14;
	s16 =	sshrl.u32 s5, $0x1;
	s18 =	smul.u32 $0x62000, s18  }
0xe: {  	v4 =	vimm.s32 $0xDCFE98BA;
	v5 =	vimm.s32 $0x54761032;
	s26 =	sshrl.u32 s22, $0x2;
	s11 =	sadd.s32 s12, s11;
	s12 =	smul.u32 $0x6200, s14  }
0xf: {  	v6 =	vimm.s32 $0xEFCDAB89;
	v7 =	vimm.s32 $0x67452301;
	s22 =	simm.s32 $0x7;
	s13 =	sadd.s32 s13, s15;
	s14 =	smul.u32 $0x18800, s14  }
0x10: {  	v0 =	vunpack.c.l.s4.s8 v0;
	v1 =	vunpack.c.l.s4.s8 v1;
	v2 =	vunpack.c.l.s4.s8 v2;
	s5 =	ssub.s32 s5, s16;
	s11 =	sshrl.u32 s11, $0x3;
	s13 =	sshrl.u32 s13, $0x3  }
0x11: {  	v3 =	vunpack.c.l.s4.s8 v3;
	v4 =	vunpack.c.l.s4.s8 v4;
	v5 =	vunpack.c.l.s4.s8 v5;
	s5 =	smax.u32 s5, $0x1;
	s30 =	sshrl.u32 s18, $0x2;
	s11 =	sadd.s32 s11, s0  }
0x12: {  	v6 =	vunpack.c.l.s4.s8 v6;
	v7 =	vunpack.c.l.s4.s8 v7;
	v0 =	vunpack.c.0.s8.s32 v0;
	s17 =	sshrl.u32 s12, $0x3;
	s0 =	sadd.s32 s13, s0;
	s25 =	sadd.s32 s7, s14  }
0x13: {  	v2 =	vunpack.c.0.s8.s32 v2;
	v3 =	vunpack.c.0.s8.s32 v3;
	v4 =	vunpack.c.0.s8.s32 v4;
	[dreg:$0x9] =	wrdreg s5;
	s20 =	sadd.s32 s30, s2;
	s5 =	simm.s32 $0x3  }
0x14: {  	v5 =	vunpack.c.0.s8.s32 v5;
	v6 =	vunpack.c.0.s8.s32 v6;
	v7 =	vunpack.c.0.s8.s32 v7;
	s13 =	simm.s32 $0x0;
	s23 =	sadd.s32 s1, s17;
	[dreg:$0x8] =	wrdreg s25  }
0x15: {  	v1 =	vunpack.c.0.s8.s32 v1;
	v2 =	vcombine.low v3, v2;
	s24 =	sadd.s32 s6, s17;
	s17 =	sadd.s32 s26, s3;
	[dreg:$0xa] =	wrdreg s20  }
0x16: {  	v3 =	vcombine.low v5, v4;
	v4 =	vand.u32 $0xF, v0;
	v5 =	vcombine.low v7, v6;
	s19 =	sadd.s32 $0x70800, s11;
	s0 =	sadd.s32 $0xEC200, s0;
	[dreg:$0x6] =	wrdreg s23  }
0x17: {  	v0 =	vimm.f32 $0.0e+00;
	v1 =	vcombine.low v4, v1;
	s25 =	simm.s32 $0x40;
	s26 =	simm.s32 $0x4;
	[dreg:$0x7] =	wrdreg s24  }
0x18: {  	v2 =	vand.u32 $0xF, v2;
	v3 =	vand.u32 $0xF, v3;
	v4 =	vand.u32 $0xF, v5;
	[dreg:$0xb] =	wrdreg s0;
	s23 =	simm.s32 $0x5740;
	s0 =	simm.s32 $0x2  }
.LBB2_1:
0x19: {  	s11 =	rddreg [dreg:$0x5]  }
0x1a: {  	[tilespmem:s21], [sflag:$0x7] =	stream.linear.gather [hbm4b:s11+s4], $0xE00, $0x38;
	[tilespmem:$0x1EBF0] =	vst v63  }
0x1b: {  	_ =	swait.ge [sflag:s22], $0xE00  }
0x1c: {  	[sflag:s22] =	ssyncset.done $0x0  }
0x1d: {  	[sflag:s22] =	ssyncadd.s32 $0xFFFFF200  }
0x1e: {  	[tilespmem:$0x5740] =	vst v0  }
0x1f: {  	[tilespmem:$0x5750] =	vst v0  }
0x20: {  	[tilespmem:$0x5760] =	vst v0  }
0x21: {  	[tilespmem:$0x5770] =	vst v0  }
0x22: {  	[tilespmem:$0x5780] =	vst v0  }
0x23: {  	[tilespmem:$0x5790] =	vst v0  }
0x24: {  	[tilespmem:$0x57A0] =	vst v0  }
0x25: {  	[spmem:s20] =	stream.linear.scatter [tilespmem:s21], [sflag:$0x7], $0xE00, $0x38;
	[tilespmem:$0x1EBF0] =	vst v63  }
0x26: {  	_ =	swait.ge [sflag:s22], $0xE00  }
0x27: {  	[sflag:s22] =	ssyncset.done $0x0  }
0x28: {  	s30 =	sadd.s32 $0x0, s17;
	[sflag:s22] =	ssyncadd.s32 $0xFFFFF200  }
0x29: {  	[spmem:s30] =	stream.linear.scatter [tilespmem:s23], [sflag:$0x7], $0x70, $0x38;
	[tilespmem:$0x1EBF0] =	vst v63  }
0x2a: {  	_ =	swait.ge [sflag:s22], $0x70  }
0x2b: {  	s14 =	smov.u32 s20;
	s11 =	simm.s32 $0x1C0;
	[sflag:s22] =	ssyncset.done $0x0  }
.LBB2_2:
0x2c: {  	p0 =	sne.s32 s11, $0x2F40;
	[sflag:s22] =	ssyncadd.s32 $0xFFFFFF90;
	s14 =	sadd.s32 $0xE00, s14  }
0x2d: {  	[spmem:s14] =	stream.linear.scatter [tilespmem:s21], [sflag:$0x7], $0xE00, $0x38;
	[tilespmem:$0x1EBF0] =	vst v63  }
0x2e: {  	s15 =	smov.u32 s11;
	s11 =	sadd.s32 $0x1C0, s11;
	_ =	swait.ge [sflag:s22], $0xE00  }
.Ltmp0:
0x2f: {  	s15 =	sshra.s32 s15, $0x2;
	[sflag:s22] =	ssyncset.done $0x0;
	(pc) =	sbr.rel @p0 .LBB2_2-.Ltmp0, $4  }
0x30: {  	s15 =	sadd.s32 s15, s17;
	[sflag:s22] =	ssyncadd.s32 $0xFFFFF200  }
0x31: {  	[spmem:s15] =	stream.linear.scatter [tilespmem:s23], [sflag:$0x7], $0x70, $0x38;
	[tilespmem:$0x1EBF0] =	vst v63  }
0x32: {  	_ =	swait.ge [sflag:s22], $0x70  }
0x33: {  	[sflag:s22] =	ssyncset.done $0x0  }
0x34: {  	[sflag:s22] =	ssyncadd.s32 $0xFFFFFF90  }
0x35: {  	[bflag:$0x0] =	sbarrier.arrive $0xFFFF  }
0x36: {  	s11 =	simm.s32 $0x0;
	s14 =	rddreg [dreg:$0x6]  }
0x37: {  	[tilespmem:s11], [sflag:$0x7] =	stream.linear.gather [hbm4b:s14+s11], $0x40, $0x38;
	[tilespmem:$0x1EBF0] =	vst v63  }
0x38: {  	_ =	swait.ge [sflag:s22], $0x40  }
0x39: {  	[sflag:s22] =	ssyncset.done $0x0  }
0x3a: {  	s15 =	simm.s32 $0x80;
	s30 =	rddreg [dreg:$0x7];
	[sflag:s22] =	ssyncadd.s32 $0xFFFFFFC0  }
0x3b: {  	[tilespmem:s15], [sflag:$0x7] =	stream.linear.gather [hbm4b:s30+s11], $0x40, $0x38;
	[tilespmem:$0x1EBF0] =	vst v63  }
0x3c: {  	_ =	swait.ge [sflag:s22], $0x40  }
0x3d: {  	[sflag:s22] =	ssyncset.done $0x0  }
0x3e: {  	s16 =	simm.s32 $0x100;
	[sflag:s22] =	ssyncadd.s32 $0xFFFFFFC0  }
0x3f: {  	[tilespmem:s16], [sflag:$0x1] =	stream.indirect.gather [hbm4b:s8+s25], $0x20, s15, s25, $0xb8;
	[tilespmem:$0x1EBF0] =	vst v63  }
0x40: {  	s18 =	simm.s32 $0x1100  }
0x41: {  	[tilespmem:s18], [sflag:$0x2] =	stream.indirect.gather [hbm4b:s9+s25], $0x20, s11, s25, $0xb8;
	[tilespmem:$0x1EBF0] =	vst v63  }
0x42: {  	s20 =	simm.s32 $0x2100  }
0x43: {  	[tilespmem:s20], [sflag:$0x3] =	stream.indirect.gather [hbm4b:s10+s25], $0x20, s11, s25, $0xb8;
	[tilespmem:$0x1EBF0] =	vst v63  }
0x44: {  	s30 =	simm.s32 $0x3100;
	s24 =	rddreg [dreg:$0x8]  }
0x45: {  	[tilespmem:s30], [sflag:$0x4] =	stream.linear.gather [hbm4b:s24+s11], $0x800, $0x38;
	[tilespmem:$0x1EBF0] =	vst v63  }
.LBB2_4:
0x46: {  	p0 =	seq.s32 s11, $0x0  }
0x47: {  	s14 =	simm.s32 @!p0 $0x5;
	p1 =	seq.s32 @!p0 s11, $0x187  }
0x48: {  	_ =	swait.ge @!p0 [sflag:s14], $0x800;
	p1 =	por p0, !p1  }
.Ltmp1:
0x49: {  	[sflag:s14] =	ssyncset.done @!p0 $0x0;
	(pc) =	sbr.rel @!p1 .LBB2_6-.Ltmp1, $4  }
0x4a: {  	[sflag:s14] =	ssyncadd.s32 @!p0 $0xFFFFF800;
	s14 =	simm.s32 @!p0 $0x6  }
0x4b: {  	_ =	swait.ge @!p0 [sflag:s14], $0x40  }
0x4c: {  	[sflag:s14] =	ssyncset.done @!p0 $0x0  }
0x4d: {  	s15 =	sand.u32 $0x1, s11;
	[sflag:s14] =	ssyncadd.s32 @!p0 $0xFFFFFFC0;
	s14 =	simm.s32 @!p0 $0x188  }
0x4e: {  	s14 =	sadd.s32 @!p0 $0x1, s11  }
0x4f: {  	s14 =	simm.s32 @p0 $0x1  }
0x50: {  	s16 =	sshll.u32 s14, $0x6  }
0x51: {  	s11 =	sadd.s32 s12, s16  }
0x52: {  	s16 =	sxor.u32 $0x1, s15;
	s24 =	sshrl.u32 s11, $0x3  }
0x53: {  	s30 =	sshll.u32 s16, $0x6;
	s20 =	sadd.s32 s1, s24  }
0x54: {  	[tilespmem:s30], [sflag:$0x7] =	stream.linear.gather [hbm4b:s20+s4], $0x40, $0x38;
	[tilespmem:$0x1EBF0] =	vst v63  }
0x55: {  	_ =	swait.ge [sflag:s22], $0x40  }
0x56: {  	[sflag:s22] =	ssyncset.done $0x0  }
0x57: {  	s24 =	sadd.s32 s6, s24;
	s20 =	sor.u32 $0x80, s30;
	[sflag:s22] =	ssyncadd.s32 $0xFFFFFFC0  }
0x58: {  	[tilespmem:s20], [sflag:$0x7] =	stream.linear.gather [hbm4b:s24+s4], $0x40, $0x38;
	[tilespmem:$0x1EBF0] =	vst v63  }
0x59: {  	_ =	swait.ge [sflag:s22], $0x40  }
0x5a: {  	s16 =	sshll.u32 s16, $0xB;
	[sflag:s22] =	ssyncset.done $0x0  }
0x5b: {  	s18 =	sor.u32 $0x100, s16;
	[sflag:s22] =	ssyncadd.s32 $0xFFFFFFC0  }
0x5c: {  	[tilespmem:s18], [sflag:$0x1] =	stream.indirect.gather [hbm4b:s8+s25], $0x20, s20, s25, $0xb8;
	[tilespmem:$0x1EBF0] =	vst v63  }
0x5d: {  	s11 =	sshll.u32 s11, $0x2;
	s18 =	sor.u32 $0x1100, s16  }
0x5e: {  	[tilespmem:s18], [sflag:$0x2] =	stream.indirect.gather [hbm4b:s9+s25], $0x20, s30, s25, $0xb8;
	[tilespmem:$0x1EBF0] =	vst v63  }
0x5f: {  	s11 =	sand.u32 $0x1FFFFF00, s11;
	s24 =	sor.u32 $0x2100, s16  }
0x60: {  	[tilespmem:s24], [sflag:$0x3] =	stream.indirect.gather [hbm4b:s10+s25], $0x20, s30, s25, $0xb8;
	[tilespmem:$0x1EBF0] =	vst v63  }
0x61: {  	s11 =	sadd.s32 s7, s11;
	s16 =	sor.u32 $0x3100, s16  }
0x62: {  	[tilespmem:s16], [sflag:$0x4] =	stream.linear.gather [hbm4b:s11+s4], $0x800, $0x38;
	[tilespmem:$0x1EBF0] =	vst v63  }
.LBB2_6:
0x63: {  	_ =	swait.ge [sflag:s31], $0x800  }
0x64: {  	[sflag:s31] =	ssyncset.done $0x0  }
0x65: {  	[sflag:s31] =	ssyncadd.s32 $0xFFFFF800  }
0x66: {  	_ =	swait.ge [sflag:s0], $0x800  }
0x67: {  	[sflag:s0] =	ssyncset.done $0x0  }
0x68: {  	s11 =	sshll.u32 s15, $0xB;
	[sflag:s0] =	ssyncadd.s32 $0xFFFFF800  }
0x69: {  	s16 =	sor.u32 $0x3100, s11;
	_ =	swait.ge [sflag:s5], $0x800  }
0x6a: {  	v5 =	vmov s16;
	[sflag:s5] =	ssyncset.done $0x0  }
0x6b: {  	s20 =	sor.u32 $0x1100, s11;
	[sflag:s5] =	ssyncadd.s32 $0xFFFFF800  }
0x6c: {  	v6 =	vmov s20;
	_ =	swait.ge [sflag:s26], $0x800  }
0x6d: {  	s24 =	sor.u32 $0x100, s11;
	[sflag:s26] =	ssyncset.done $0x0  }
0x6e: {  	v7 =	vmov s24;
	s16 =	simm.s32 $0x0;
	[sflag:s26] =	ssyncadd.s32 $0xFFFFF800  }
0x6f: {  	v9 =	vld.idx.msk [tilespmem:v5+s16+$0x10 ss:$0x1], $0xffff  }
0x70: {  	v10 =	vld.idx.msk [tilespmem:v5+s16+$0x0 ss:$0x1], $0xffff  }
0x71: {  	v8 =	vld.idx.msk [tilespmem:v6+s16+$0x0 ss:$0x1], $0xffff  }
0x72: {  	v11 =	vld.idx.msk [tilespmem:v6+s16+$0x10 ss:$0x1], $0xffff  }
0x73: {  	v12 =	vld.idx.msk [tilespmem:v7+s16+$0x10 ss:$0x1], $0xffff  }
0x74: {  	v13 =	vld.idx.msk [tilespmem:v7+s16+$0x0 ss:$0x1], $0xffff;
	_ =	sdelay $0x2  }
0x75: {  	v8 =	vadd.f32 v10, v8;
	v11 =	vadd.f32 v9, v11;
	_ =	sdelay $0x1  }
0x76: {  	v8 =	vmul.f32 v8, v13;
	v11 =	vmul.f32 v11, v12;
	_ =	sdelay $0x1  }
0x77: {  	v8 =	vadd.f32 v11, v8;
	_ =	sdelay $0x1  }
0x78: {  	v11 =	vperm.xlane v8, v1;
	_ =	sdelay $0x1  }
0x79: {  	v8 =	vadd.f32 v8, v11;
	_ =	sdelay $0x1  }
0x7a: {  	v11 =	vperm.xlane v8, v2;
	_ =	sdelay $0x1  }
0x7b: {  	v8 =	vadd.f32 v8, v11;
	_ =	sdelay $0x1  }
0x7c: {  	v11 =	vperm.xlane v8, v3;
	_ =	sdelay $0x1  }
0x7d: {  	v8 =	vadd.f32 v8, v11;
	_ =	sdelay $0x1  }
0x7e: {  	v11 =	vperm.xlane v8, v4;
	_ =	sdelay $0x1  }
0x7f: {  	v8 =	vadd.f32 v8, v11;
	_ =	sdelay $0x1  }
0x80: {  	v11 =	vmul.f32 $1.767766920e-01, v8  }
0x81: {  	s11 =	sor.u32 $0x2100, s11  }
0x82: {  	v8 =	vmov s11;
	v11 =	vmul.f32 $1.442695020e+00, v11;
	_ =	sdelay $0x1  }
0x83: {  	(erf) = vpow2.f32 v11;
	_ =	sdelay $0x2  }
0x84: {  	v11 =	vld.idx.msk [tilespmem:v8+s16+$0x0 ss:$0x1], $0xffff  }
0x85: {  	v59 =	vld.idx.msk [tilespmem:v8+s16+$0x10 ss:$0x1], $0xffff  }
0x86: {  	s24 =	simm.s32 $0x0  }
0x87: {  	v60 =	vmov s24  }
0x88: {  	v13 =	vand.u32 $0xFFFFFFFE, v60  }
0x89: {  	v10 =	vadd.f32 v11, v10;
	v11 =	vbroadcast v13, $0x0  }
0x8a: {  	v9 =	vadd.f32 v59, v9;
	v61 =	vpop (erf)  }
0x8b: {  	v10 =	vmul.f32 v61, v10  }
0x8c: {  	v9 =	vmul.f32 v61, v9  }
0x8d: {  	[tilespmem:s16+$0x4100] =	vst v10  }
0x8e: {  	[tilespmem:s16+$0x4110] =	vst v9  }
0x8f: {  	[tilespmem:v11+s28+$0x0] =	vst.idx.msk $0x1, v61  }
0x90: {  	v10 =	vld.idx.msk [tilespmem:v5+s16+$0x30 ss:$0x1], $0xffff  }
0x91: {  	v11 =	vld.idx.msk [tilespmem:v6+s16+$0x30 ss:$0x1], $0xffff  }
0x92: {  	v9 =	vld.idx.msk [tilespmem:v5+s16+$0x20 ss:$0x1], $0xffff  }
0x93: {  	v12 =	vld.idx.msk [tilespmem:v6+s16+$0x20 ss:$0x1], $0xffff  }
0x94: {  	v62 =	vld.idx.msk [tilespmem:v7+s16+$0x30 ss:$0x1], $0xffff  }
0x95: {  	v14 =	vld.idx.msk [tilespmem:v7+s16+$0x20 ss:$0x1], $0xffff;
	_ =	sdelay $0x2  }
0x96: {  	v11 =	vadd.f32 v10, v11;
	v12 =	vadd.f32 v9, v12;
	_ =	sdelay $0x1  }
0x97: {  	v12 =	vmul.f32 v12, v14;
	v11 =	vmul.f32 v11, v62;
	_ =	sdelay $0x1  }
0x98: {  	v11 =	vadd.f32 v11, v12;
	_ =	sdelay $0x1  }
0x99: {  	v12 =	vperm.xlane v11, v1;
	_ =	sdelay $0x1  }
0x9a: {  	v11 =	vadd.f32 v11, v12;
	_ =	sdelay $0x1  }
0x9b: {  	v12 =	vperm.xlane v11, v2;
	_ =	sdelay $0x1  }
0x9c: {  	v11 =	vadd.f32 v11, v12;
	_ =	sdelay $0x1  }
0x9d: {  	v12 =	vperm.xlane v11, v3;
	_ =	sdelay $0x1  }
0x9e: {  	v11 =	vadd.f32 v11, v12;
	_ =	sdelay $0x1  }
0x9f: {  	v12 =	vperm.xlane v11, v4;
	_ =	sdelay $0x1  }
0xa0: {  	v11 =	vadd.f32 v11, v12;
	_ =	sdelay $0x1  }
0xa1: {  	v11 =	vmul.f32 $1.767766920e-01, v11  }
0xa2: {  	v63 =	vld.idx.msk [tilespmem:v8+s16+$0x30 ss:$0x1], $0xffff  }
0xa3: {  	v11 =	vmul.f32 $1.442695020e+00, v11;
	_ =	sdelay $0x1  }
0xa4: {  	(erf) = vpow2.f32 v11;
	_ =	sdelay $0x1  }
0xa5: {  	s30 =	simm.s32 $0x1;
	s11 =	simm.s32 $0x100;
	v10 =	vadd.f32 v63, v10;
	v11 =	vld.idx.msk [tilespmem:v8+s16+$0x20 ss:$0x1], $0xffff  }
.LBB2_7:
0xa6: {  	_ =	sdelay $0x1  }
0xa7: {  	p0 =	sne.s32 s11, $0x1F00  }
0xa8: {  	s24 =	sadd.s32 $0x2, s24;
	s20 =	smov.u32 s11;
	s11 =	sadd.s32 $0x100, s11  }
0xa9: {  	s18 =	sadd.s32 $0x1, s24  }
0xaa: {  	v9 =	vadd.f32 v11, v9;
	v11 =	vmov s30;
	s30 =	smov.u32 s18  }
0xab: {  	v12 =	vpop (erf)  }
0xac: {  	v9 =	vmul.f32 v12, v9;
	v10 =	vmul.f32 v12, v10;
	_ =	sdelay $0x1  }
0xad: {  	[tilespmem:s16+$0x4120] =	vst v9  }
0xae: {  	[tilespmem:s16+$0x4130] =	vst v10  }
0xaf: {  	s16 =	sshra.s32 s20, $0x2;
	[tilespmem:v11+s28+$0x0] =	vst.idx.msk $0x1, v12  }
0xb0: {  	v9 =	vld.idx.msk [tilespmem:v5+s16+$0x10 ss:$0x1], $0xffff  }
0xb1: {  	v10 =	vld.idx.msk [tilespmem:v5+s16+$0x0 ss:$0x1], $0xffff  }
0xb2: {  	v11 =	vld.idx.msk [tilespmem:v6+s16+$0x0 ss:$0x1], $0xffff  }
0xb3: {  	v12 =	vld.idx.msk [tilespmem:v6+s16+$0x10 ss:$0x1], $0xffff  }
0xb4: {  	v13 =	vld.idx.msk [tilespmem:v7+s16+$0x10 ss:$0x1], $0xffff  }
0xb5: {  	v14 =	vld.idx.msk [tilespmem:v7+s16+$0x0 ss:$0x1], $0xffff;
	_ =	sdelay $0x2  }
0xb6: {  	v11 =	vadd.f32 v10, v11  }
0xb7: {  	v12 =	vadd.f32 v9, v12;
	_ =	sdelay $0x1  }
0xb8: {  	v11 =	vmul.f32 v11, v14;
	v12 =	vmul.f32 v12, v13;
	_ =	sdelay $0x1  }
0xb9: {  	v11 =	vadd.f32 v12, v11;
	_ =	sdelay $0x1  }
0xba: {  	v12 =	vperm.xlane v11, v1;
	_ =	sdelay $0x1  }
0xbb: {  	v11 =	vadd.f32 v11, v12;
	_ =	sdelay $0x1  }
0xbc: {  	v12 =	vperm.xlane v11, v2;
	_ =	sdelay $0x1  }
0xbd: {  	v11 =	vadd.f32 v11, v12;
	_ =	sdelay $0x1  }
0xbe: {  	v12 =	vperm.xlane v11, v3;
	_ =	sdelay $0x1  }
0xbf: {  	v11 =	vadd.f32 v11, v12;
	_ =	sdelay $0x1  }
0xc0: {  	v12 =	vperm.xlane v11, v4;
	_ =	sdelay $0x1  }
0xc1: {  	v11 =	vadd.f32 v11, v12;
	_ =	sdelay $0x1  }
0xc2: {  	v11 =	vmul.f32 $1.767766920e-01, v11;
	_ =	sdelay $0x1  }
0xc3: {  	v11 =	vmul.f32 $1.442695020e+00, v11;
	_ =	sdelay $0x1  }
0xc4: {  	(erf) = vpow2.f32 v11  }
0xc5: {  	v11 =	vld.idx.msk [tilespmem:v8+s16+$0x10 ss:$0x1], $0xffff  }
0xc6: {  	v12 =	vld.idx.msk [tilespmem:v8+s16+$0x0 ss:$0x1], $0xffff;
	_ =	sdelay $0x3  }
0xc7: {  	v13 =	vmov s24  }
0xc8: {  	v9 =	vadd.f32 v11, v9;
	v11 =	vand.u32 $0xFFFFFFFE, v13  }
0xc9: {  	v10 =	vadd.f32 v12, v10;
	v11 =	vbroadcast v11, $0x0  }
0xca: {  	v12 =	vpop (erf)  }
0xcb: {  	v10 =	vmul.f32 v12, v10;
	v9 =	vmul.f32 v12, v9;
	_ =	sdelay $0x1  }
0xcc: {  	[tilespmem:s16+$0x4100] =	vst v10  }
0xcd: {  	[tilespmem:s16+$0x4110] =	vst v9  }
0xce: {  	[tilespmem:v11+s28+$0x0] =	vst.idx.msk $0x1, v12  }
0xcf: {  	v10 =	vld.idx.msk [tilespmem:v5+s16+$0x30 ss:$0x1], $0xffff  }
0xd0: {  	v11 =	vld.idx.msk [tilespmem:v6+s16+$0x30 ss:$0x1], $0xffff  }
0xd1: {  	v9 =	vld.idx.msk [tilespmem:v5+s16+$0x20 ss:$0x1], $0xffff  }
0xd2: {  	v12 =	vld.idx.msk [tilespmem:v6+s16+$0x20 ss:$0x1], $0xffff  }
0xd3: {  	v13 =	vld.idx.msk [tilespmem:v7+s16+$0x30 ss:$0x1], $0xffff  }
0xd4: {  	v14 =	vld.idx.msk [tilespmem:v7+s16+$0x20 ss:$0x1], $0xffff  }
0xd5: {  	v15 =	vld.idx.msk [tilespmem:v8+s16+$0x30 ss:$0x1], $0xffff  }
0xd6: {  	v11 =	vadd.f32 v10, v11;
	_ =	sdelay $0x1  }
0xd7: {  	v12 =	vadd.f32 v9, v12;
	_ =	sdelay $0x1  }
0xd8: {  	v11 =	vmul.f32 v11, v13;
	v12 =	vmul.f32 v12, v14  }
0xd9: {  	v10 =	vadd.f32 v15, v10  }
0xda: {  	v11 =	vadd.f32 v11, v12;
	_ =	sdelay $0x1  }
0xdb: {  	v12 =	vperm.xlane v11, v1;
	_ =	sdelay $0x1  }
0xdc: {  	v11 =	vadd.f32 v11, v12;
	_ =	sdelay $0x1  }
0xdd: {  	v12 =	vperm.xlane v11, v2;
	_ =	sdelay $0x1  }
0xde: {  	v11 =	vadd.f32 v11, v12;
	_ =	sdelay $0x1  }
0xdf: {  	v12 =	vperm.xlane v11, v3;
	_ =	sdelay $0x1  }
0xe0: {  	v11 =	vadd.f32 v11, v12;
	_ =	sdelay $0x1  }
0xe1: {  	v12 =	vperm.xlane v11, v4;
	_ =	sdelay $0x1  }
0xe2: {  	v11 =	vadd.f32 v11, v12;
	_ =	sdelay $0x1  }
0xe3: {  	v11 =	vmul.f32 $1.767766920e-01, v11;
	_ =	sdelay $0x1  }
.Ltmp2:
0xe4: {  	v11 =	vmul.f32 $1.442695020e+00, v11;
	(pc) =	sbr.rel @p0 .LBB2_7-.Ltmp2, $3  }
0xe5: {  	_ = 	snop  }
0xe6: {  	(erf) = vpow2.f32 v11;
	_ =	sdelay $0x1  }
0xe7: {  	v11 =	vld.idx.msk [tilespmem:v8+s16+$0x20 ss:$0x1], $0xffff  }
0xe8: {  	_ =	sdelay $0x4  }
0xe9: {  	v5 =	vadd.f32 v11, v9  }
0xea: {  	v6 =	vmov s30;
	v7 =	vpop (erf)  }
0xeb: {  	v5 =	vmul.f32 v7, v5  }
0xec: {  	v8 =	vmul.f32 v7, v10  }
0xed: {  	[tilespmem:s16+$0x4120] =	vst v5  }
0xee: {  	s11 =	sshll.u32 s15, $0x6;
	p0 =	slt.u32 s14, $0x188;
	[tilespmem:s16+$0x4130] =	vst v8  }
.Ltmp3:
0xef: {  	s11 =	sor.u32 $0x80, s11;
	[tilespmem:v6+s28+$0x0] =	vst.idx.msk $0x1, v7;
	(pc) =	sbr.rel @p0 .LBB2_4-.Ltmp3, $4  }
0xf0: {  	[spmem:s2] =	stream.indirect.scatter.add.f32 [tilespmem:s29], [sflag:$0x5], $0x20, s11, s25, $0xb8;
	[tilespmem:$0x1EBF0] =	vst v63  }
0xf1: {  	_ = 	snop  }
0xf2: {  	[spmem:s3] =	stream.indirect.scatter.add.f32 [tilespmem:s28], [sflag:$0x6], $0x1, s11, s25, $0xb8;
	[tilespmem:$0x1EBF0] =	vst v63  }
0xf3: {  	s11 =	smov.u32 s14  }
0xf4: {  	s11 =	simm.s32 $0x5  }
0xf5: {  	_ =	swait.ge [sflag:s11], $0x800  }
0xf6: {  	[sflag:s11] =	ssyncset.done $0x0  }
0xf7: {  	s20 =	simm.s32 $0x6;
	[sflag:s11] =	ssyncadd.s32 $0xFFFFF800  }
0xf8: {  	_ =	swait.ge [sflag:s20], $0x40  }
0xf9: {  	[sflag:s20] =	ssyncset.done $0x0  }
0xfa: {  	[sflag:s20] =	ssyncadd.s32 $0xFFFFFFC0  }
0xfb: {  	[bflag:$0x0] =	sbarrier.arrive $0xFFFF  }
0xfc: {  	s20 =	rddreg [dreg:$0xa]  }
0xfd: {  	[tilespmem:s21], [sflag:$0x7] =	stream.linear.gather [spmem:s20], $0xE00, $0x38;
	[tilespmem:$0x1EBF0] =	vst v63  }
0xfe: {  	_ =	swait.ge [sflag:s22], $0xE00  }
0xff: {  	[sflag:s22] =	ssyncset.done $0x0  }
0x100: {  	s24 =	sadd.s32 $0x0, s19;
	[sflag:s22] =	ssyncadd.s32 $0xFFFFF200  }
0x101: {  	[hbm4b:s24+s4] =	stream.linear.scatter [tilespmem:s21], [sflag:$0x7], $0xE00, $0x38;
	[tilespmem:$0x1EBF0] =	vst v63  }
0x102: {  	_ =	swait.ge [sflag:s22], $0xE00  }
0x103: {  	[sflag:s22] =	ssyncset.done $0x0  }
0x104: {  	s30 =	sadd.s32 $0x0, s17;
	[sflag:s22] =	ssyncadd.s32 $0xFFFFF200  }
0x105: {  	[tilespmem:s23], [sflag:$0x7] =	stream.linear.gather [spmem:s30], $0x70, $0x38;
	[tilespmem:$0x1EBF0] =	vst v63  }
0x106: {  	_ =	swait.ge [sflag:s22], $0x70  }
0x107: {  	[sflag:s22] =	ssyncset.done $0x0  }
0x108: {  	s15 =	rddreg [dreg:$0xb];
	[sflag:s22] =	ssyncadd.s32 $0xFFFFFF90  }
0x109: {  	[hbm4b:s15+s4] =	stream.linear.scatter [tilespmem:s23], [sflag:$0x7], $0x70, $0x38;
	[tilespmem:$0x1EBF0] =	vst v63  }
0x10a: {  	_ =	swait.ge [sflag:s22], $0x70  }
0x10b: {  	s11 =	simm.s32 $0x1C0;
	s14 =	smov.u32 s20;
	[sflag:s22] =	ssyncset.done $0x0  }
.LBB2_10:
0x10c: {  	[sflag:s22] =	ssyncadd.s32 $0xFFFFFF90  }
0x10d: {  	s14 =	sadd.s32 $0xE00, s14;
	s15 =	sadd.s32 $0xE, s15;
	s16 =	smov.u32 s11  }
0x10e: {  	[tilespmem:s21], [sflag:$0x7] =	stream.linear.gather [spmem:s14], $0xE00, $0x38;
	[tilespmem:$0x1EBF0] =	vst v63  }
0x10f: {  	p0 =	sne.s32 s11, $0x2F40;
	s11 =	sadd.s32 $0x1C0, s11;
	_ =	swait.ge [sflag:s22], $0xE00  }
0x110: {  	[sflag:s22] =	ssyncset.done $0x0  }
0x111: {  	s18 =	sadd.s32 s16, s19;
	[sflag:s22] =	ssyncadd.s32 $0xFFFFF200  }
0x112: {  	[hbm4b:s18+s4] =	stream.linear.scatter [tilespmem:s21], [sflag:$0x7], $0xE00, $0x38;
	[tilespmem:$0x1EBF0] =	vst v63  }
0x113: {  	_ =	swait.ge [sflag:s22], $0xE00  }
0x114: {  	s16 =	sshra.s32 s16, $0x2;
	[sflag:s22] =	ssyncset.done $0x0  }
0x115: {  	s16 =	sadd.s32 s16, s17;
	[sflag:s22] =	ssyncadd.s32 $0xFFFFF200  }
0x116: {  	[tilespmem:s23], [sflag:$0x7] =	stream.linear.gather [spmem:s16], $0x70, $0x38;
	[tilespmem:$0x1EBF0] =	vst v63  }
0x117: {  	_ =	swait.ge [sflag:s22], $0x70  }
.Ltmp4:
0x118: {  	[sflag:s22] =	ssyncset.done $0x0;
	(pc) =	sbr.rel @p0 .LBB2_10-.Ltmp4, $4  }
0x119: {  	[sflag:s22] =	ssyncadd.s32 $0xFFFFFF90  }
0x11a: {  	[hbm4b:s15+s4] =	stream.linear.scatter [tilespmem:s23], [sflag:$0x7], $0x70, $0x38;
	[tilespmem:$0x1EBF0] =	vst v63  }
0x11b: {  	_ =	swait.ge [sflag:s22], $0x70  }
0x11c: {  	[sflag:s22] =	ssyncset.done $0x0  }
0x11d: {  	s13 =	sadd.s32 $0x1, s13;
	s11 =	rddreg [dreg:$0x9]  }
0x11e: {  	p0 =	sne.s32 s13, s11  }
.Ltmp5:
0x11f: {  	_ = 	snop;
	(pc) =	sbr.rel @p0 .LBB2_1-.Ltmp5, $2  }
0x120: {  	_ =	sdelay $0x2  }
0x121: {  	[sflag:s22] =	ssyncadd.s32 $0xFFFFFF90  }
0x122: {  	_ =	sfence.sel $0x180000  }
0x123: {  	[bflag:$0x0] =	sbarrier.arrive $0xFFFF  }
0x124: {  	_ =	strace $0x90000059  }
0x125: {  	s0 =	stileid.u32;
	[bflag:$0x2] =	sbarrier.arrive $0xFFFF  }
0x126: {  	p0 =	sne.s32 s0, $0x0;
	s0 =	rddreg [dreg:$0x4]  }
0x127: {  	s0 =	sadd.s32 @!p0 $0x100000, s0  }
0x128: {  	[sflag:s0] =	ssyncadd.tile.s32 @!p0 $0x1;
	_ =	shalt  }
.Lfunc_end2:
_tile_overlayer_lowered:
.L_overlay_start_2:
0x129: {  	(tag) =	ssettag $0x2  }
0x12a: {  	s0 =	rddreg [dreg:$0x0];
	s2 =	stileid.u32  }
0x12b: {  	s1 =	rddreg [dreg:$0x1];
	p0 =	sne.s32 s2, $0x0  }
0x12c: {  	s3 =	rddreg [dreg:$0x2];
	[bflag:$0x3] =	sbarrier.arrive $0xFFFF;
	s2 =	simm.s32 @!p0 $0x1C07  }
0x12d: {  	[timem:s3], [sflag:s2] =	dma.local @!p0 [hbm:s0], s1  }
0x12e: {  	s0 =	simm.s32 @!p0 $0x7  }
0x12f: {  	_ =	swait.ge @!p0 [sflag:s0], s1  }
0x130: {  	s1 =	ssub.s32 @!p0 $0x0, s1;
	[sflag:s0] =	ssyncset.done @!p0 $0x0  }
0x131: {  	[sflag:s0] =	ssyncadd.s32 @!p0 s1  }
0x132: {  	[bflag:$0x3] =	sbarrier.arrive $0xFFFF  }
0x133: {  	_ =	shalt  }

// kernel: kernel.8.cloned.1.call-start
scs
__scs_entry_jumppad:
0x0: {  	(pc) =	sbr.rel $0x88, $3  }
0x1: {  	(tag) =	ssettag $0x0;
	lr =	simm.s32 $0x1  }
0x2: {  	[smem:$0x3F74] =	sst lr;
	_ =	strace $0xD0000000  }
0x3: {  	_ = 	snop  }
0x4: {  	_ = 	snop  }
0x5: {  	_ = 	snop  }
0x6: {  	_ = 	snop  }
0x7: {  	_ = 	snop  }
__scs_overlays_trampoline_lowered:
0x8: {  	[smem:$0x3F83] =	sst s0  }
0x9: {  	[smem:$0x3F84] =	sst s1  }
0xa: {  	[smem:$0x3F85] =	sst s2  }
0xb: {  	[smem:$0x3F86] =	sst s3  }
0xc: {  	[smem:$0x3F87] =	sst s4  }
0xd: {  	[smem:$0x3F88] =	sst s5  }
0xe: {  	[smem:$0x3F89] =	sst s6  }
0xf: {  	[smem:$0x3F8A] =	sst s7  }
0x10: {  	[smem:$0x3F8B] =	sst s8  }
0x11: {  	[smem:$0x3F8C] =	sst s9;
	s0 =	simm.s32 @!p0 $0x0  }
0x12: {  	s1 =	sld [smem:$0x3F72];
	s0 =	simm.s32 @p0 $0x1  }
0x13: {  	[smem:$0x3F8D] =	sst s0;
	s0 =	simm.s32 @!p1 $0x0  }
0x14: {  	s2 =	sld [smem:$0x3F71];
	s0 =	simm.s32 @p1 $0x1  }
0x15: {  	[smem:$0x3F8E] =	sst s0;
	s0 =	simm.s32 @!p2 $0x0  }
0x16: {  	s3 =	sld [smem:$0x3FDB];
	s0 =	simm.s32 @p2 $0x1  }
0x17: {  	s4 =	simm.s32 $0x1BF5;
	[smem:$0x3F90] =	sst s0  }
0x18: {  	s0 =	sld [smem:$0x3F73];
	_ =	swait.ge [sflag:s4], $0x0  }
0x19: {  	s7 =	sld [smem:$0x3F74]  }
0x1a: {  	s8 =	sadd.s32 $0xFFFFE003, lr  }
0x1b: {  	s9 =	sadd.s32 $0xFFFFFEF7, lr;
	s5 =	simm.s32 $0xFFFFFFFF;
	p2 =	slt.u32 s8, $0xFFFFF086  }
0x1c: {  	p1 =	slt.u32 s9, $0xF7A;
	s5 =	simm.s32 @!p2 $0x0  }
0x1d: {  	s5 =	simm.s32 @p1 $0x1;
	p0 =	seq.s32 s7, s2  }
0x1e: {  	s7 =	smul.u32 @!p0 $0xF7A, s2;
	p2 =	seq.s32 @!p0 s5, $0x0  }
0x1f: {  	s9 =	smul.u32 $0xF7A, s1;
	s8 =	simm.s32 @!p0 $0x1BF5;
	p2 =	por !p2, p0  }
0x20: {  	[sflag:s8] =	ssyncset.s32 @!p0 $0xFFFFF086;
	s6 =	sadd.s32 @!p0 s3, s7;
	s7 =	simm.s32 @!p0 $0x108  }
0x21: {  	s3 =	sadd.s32 s3, s9;
	s6 =	sadd.s32 @!p0 $0x88, s6;
	s7 =	simm.s32 @p2 $0x1082  }
0x22: {  	[simem:s7], [sflag:s8] =	dma.local @!p0 [hbm:s6], $0xF7A  }
0x23: {  	s9 =	sor.u32 $0xD0000000, s2;
	s6 =	simm.s32 $0x108;
	_ =	swait.ge @!p0 [sflag:s8], $0x0  }
0x24: {  	s3 =	sadd.s32 $0x88, s3;
	s6 =	simm.s32 @!p1 $0x1082;
	[sflag:s4] =	ssyncset.s32 $0xFFFFF086  }
0x25: {  	[simem:s6], [sflag:s4] =	dma.local [hbm:s3], $0xF7A  }
0x26: {  	[smem:$0x3F74] =	sst s1;
	(tag) =	ssettag s2;
	_ =	strace s9  }
0x27: {  	s1 =	sld [smem:$0x3F84]  }
0x28: {  	s2 =	sld [smem:$0x3F85]  }
0x29: {  	s4 =	sld [smem:$0x3F87]  }
0x2a: {  	p0 =	seq.s32 s5, $0x0;
	s5 =	sld [smem:$0x3F88]  }
0x2b: {  	s6 =	sld [smem:$0x3F89]  }
0x2c: {  	s7 =	sld [smem:$0x3F8A]  }
0x2d: {  	s3 =	simm.s32 $0x108;
	s8 =	sld [smem:$0x3F8B]  }
0x2e: {  	s3 =	simm.s32 @!p0 $0x1082;
	s9 =	sld [smem:$0x3F8C]  }
0x2f: {  	lr =	sadd.s32 s0, s3;
	s0 =	sld [smem:$0x3F83]  }
0x30: {  	s3 =	sld [smem:$0x3F86]  }
0x31: {  	[smem:$0x3F8F] =	sst s10  }
0x32: {  	s10 =	sld [smem:$0x3F8D];
	_ =	sdelay $0x3  }
0x33: {  	p0 =	seq.s32 s10, $0x1;
	s10 =	sld [smem:$0x3F8F];
	_ =	sdelay $0x3  }
0x34: {  	[smem:$0x3F8F] =	sst s10  }
0x35: {  	s10 =	sld [smem:$0x3F8E];
	_ =	sdelay $0x3  }
0x36: {  	p1 =	seq.s32 s10, $0x1;
	s10 =	sld [smem:$0x3F8F];
	_ =	sdelay $0x3  }
0x37: {  	[smem:$0x3F8F] =	sst s10  }
0x38: {  	s10 =	sld [smem:$0x3F90]  }
0x39: {  	_ = 	snop;
	(pc) =	sbr.ind lr, $3  }
0x3a: {  	_ = 	snop  }
0x3b: {  	_ = 	snop  }
0x3c: {  	p2 =	seq.s32 s10, $0x1;
	s10 =	sld [smem:$0x3F8F]  }
0x3d: {  	_ =	shalt  }
0x3e: {  	_ =	shalt  }
0x3f: {  	_ =	shalt  }
0x40: {  	_ =	shalt  }
0x41: {  	_ =	shalt  }
0x42: {  	_ =	shalt  }
0x43: {  	_ =	shalt  }
0x44: {  	_ =	shalt  }
0x45: {  	_ =	shalt  }
0x46: {  	_ =	shalt  }
0x47: {  	_ =	shalt  }
0x48: {  	_ =	shalt  }
0x49: {  	_ =	shalt  }
0x4a: {  	_ =	shalt  }
0x4b: {  	_ =	shalt  }
0x4c: {  	_ =	shalt  }
0x4d: {  	_ =	shalt  }
0x4e: {  	_ =	shalt  }
0x4f: {  	_ =	shalt  }
0x50: {  	_ =	shalt  }
0x51: {  	_ =	shalt  }
0x52: {  	_ =	shalt  }
0x53: {  	_ =	shalt  }
0x54: {  	_ =	shalt  }
0x55: {  	_ =	shalt  }
0x56: {  	_ =	shalt  }
0x57: {  	_ =	shalt  }
0x58: {  	_ =	shalt  }
0x59: {  	_ =	shalt  }
0x5a: {  	_ =	shalt  }
0x5b: {  	_ =	shalt  }
0x5c: {  	_ =	shalt  }
0x5d: {  	_ =	shalt  }
0x5e: {  	_ =	shalt  }
0x5f: {  	_ =	shalt  }
0x60: {  	_ =	shalt  }
0x61: {  	_ =	shalt  }
0x62: {  	_ =	shalt  }
0x63: {  	_ =	shalt  }
0x64: {  	_ =	shalt  }
0x65: {  	_ =	shalt  }
0x66: {  	_ =	shalt  }
0x67: {  	_ =	shalt  }
0x68: {  	_ =	shalt  }
0x69: {  	_ =	shalt  }
0x6a: {  	_ =	shalt  }
0x6b: {  	_ =	shalt  }
0x6c: {  	_ =	shalt  }
0x6d: {  	_ =	shalt  }
0x6e: {  	_ =	shalt  }
0x6f: {  	_ =	shalt  }
0x70: {  	_ =	shalt  }
0x71: {  	_ =	shalt  }
0x72: {  	_ =	shalt  }
0x73: {  	_ =	shalt  }
0x74: {  	_ =	shalt  }
0x75: {  	_ =	shalt  }
0x76: {  	_ =	shalt  }
0x77: {  	_ =	shalt  }
0x78: {  	_ =	shalt  }
0x79: {  	_ =	shalt  }
0x7a: {  	_ =	shalt  }
0x7b: {  	_ =	shalt  }
0x7c: {  	_ =	shalt  }
0x7d: {  	_ =	shalt  }
0x7e: {  	_ =	shalt  }
0x7f: {  	_ =	shalt  }
0x80: {  	_ =	shalt  }
0x81: {  	_ =	shalt  }
0x82: {  	_ =	shalt  }
0x83: {  	_ =	shalt  }
0x84: {  	_ =	shalt  }
0x85: {  	_ =	shalt  }
0x86: {  	_ =	shalt  }
0x87: {  	_ =	shalt  }
.Lfunc_end0:
.L_simem_size_0:
called_computation.5_lowered:
.L_overlay_start_0:
0x88: {  	s2 =	sld [smem:$0x3FD9]  }
0x89: {  	s3 =	sld [smem:$0x3FFE];
	_ =	sdelay $0x1  }
0x8a: {  	s1 =	srdreg.scid  }
0x8b: {  	s0 =	sand.u32 $0x1, s1  }
0x8c: {  	s17 =	sshll.u32 s0, $0xA;
	s2 =	sadd.s32 s3, s2  }
0x8d: {  	s2 =	sadd.s32 s2, s17  }
0x8e: {  	[smem:$0x3F9B] =	sst s2  }
0x8f: {  	_ = 	snop  }
0x90: {  	s2 =	sld [smem:$0x3FD0];
	(tm) =	ssettm $0x1  }
0x91: {  	s18 =	sld [smem:$0x3FFB];
	_ =	sdelay $0x3  }
0x92: {  	_ =	strace s18  }
0x93: {  	s3 =	sld [smem:$0x3FFC];
	_ =	sdelay $0x3  }
0x94: {  	_ =	strace s3  }
0x95: {  	s3 =	sld [smem:$0x3FFD];
	_ =	sdelay $0x3  }
0x96: {  	_ =	strace s3  }
0x97: {  	_ =	strace $0x8FFFFFFF  }
0x98: {  	s19 =	sld [smem:$0x3FDB];
	_ =	sdelay $0x1  }
0x99: {  	s4 =	simm.s32 $_scs_section_size  }
0x9a: {  	s5 =	simm.s32 $_size__tile_overlayer_lowered;
	s6 =	simm.s32 $_tile_overlayer_lowered  }
0x9b: {  	s22 =	simm.s32 $0x1BFF;
	s21 =	sshll.u32 s6, $0x1;
	s3 =	sadd.s32 s4, s19  }
0x9c: {  	s7 =	simm.s32 $0x0;
	s20 =	sshll.u32 s5, $0x1;
	s5 =	sadd.s32 s21, s3  }
0x9d: {  	[timem:s7], [sflag:s22] =	dma.local [hbm:s5], s20  }
0x9e: {  	_ =	swait.ge [sflag:s22], s20  }
0x9f: {  	s4 =	ssub.s32 $0x0, s20;
	[sflag:s22] =	ssyncset.done $0x0  }
0xa0: {  	[sflag:s22] =	ssyncadd.s32 s4;
	_ =	sdelay $0x1  }
0xa1: {  	s23 =	simm.s32 $0x1B8B  }
0xa2: {  	_ =	swait.ge [sflag:s23], $0x1  }
0xa3: {  	[sflag:s23] =	ssyncset.done $0x0  }
0xa4: {  	s25 =	simm.s32 $0x1B8E;
	s24 =	sld [smem:$0x3FFE];
	[sflag:s23] =	ssyncadd.s32 $0xFFFFFFFF  }
0xa5: {  	s26 =	simm.s32 $execute0_lowered;
	[smem:$0x3FD2] =	sst s25  }
0xa6: {  	s5 =	sshll.u32 s26, $0x1;
	_ =	strace $0x80000055;
	[dreg:$0x1] =	wrdreg $0xFFFFFFFF  }
0xa7: {  	s28 =	simm.s32 $_size_execute0_lowered;
	s3 =	sadd.s32 s3, s5;
	[dreg:$0x0] =	wrdreg $0x0  }
0xa8: {  	s5 =	sshll.u32 s28, $0x1;
	[dreg:$0x2] =	wrdreg s3  }
0xa9: {  	[dreg:$0x3] =	wrdreg s5  }
0xaa: {  	[dreg:$0x4] =	wrdreg $0xC0  }
0xab: {  	_ =	task [dreg:s7], $0x5FFFF  }
0xac: {  	[dreg:$0x1] =	wrdreg $0xFFFFFFFF  }
0xad: {  	[dreg:$0x0] =	wrdreg $0x60  }
0xae: {  	[dreg:$0x2] =	wrdreg s2  }
0xaf: {  	[dreg:$0x3] =	wrdreg s24  }
0xb0: {  	[dreg:$0x4] =	wrdreg $0x57B00  }
0xb1: {  	[dreg:$0x5] =	wrdreg $0x1DFB00  }
0xb2: {  	[dreg:$0x6] =	wrdreg $0x9  }
0xb3: {  	_ =	task.clear_ibuf [dreg:s7], $0x7FFFF;
	_ =	strace $0x90000055  }
0xb4: {  	s29 =	simm.s32 $0x9;
	_ =	strace $0x80000057  }
0xb5: {  	_ =	swait.ge [sflag:s29], $0x1  }
0xb6: {  	[sflag:s29] =	ssyncadd.s32 $0xFFFFFFFF  }
0xb7: {  	_ =	strace $0x90000057  }
0xb8: {  	_ =	sfence  }
0xb9: {  	s30 =	sld [smem:$0x0];
	_ =	sdelay $0x2  }
0xba: {  	s31 =	sshll.u32 s1, $0xD;
	s1 =	sshrl.u32 s1, $0x2  }
0xbb: {  	s3 =	sand.u32 $0x4000, s31;
	s1 =	sadd.s32 s1, s30  }
0xbc: {  	s0 =	sor.u32 s3, s0;
	s1 =	sshll.u32 s1, $0x11  }
0xbd: {  	s0 =	sor.u32 s1, s0  }
0xbe: {  	s0 =	sadd.s32 $0x8F2B, s0  }
0xbf: {  	[sflag:s0] =	ssyncadd.remote.s32 $0x1  }
0xc0: {  	_ =	sfence.sel $0xFFFF  }
0xc1: {  	[dreg:$0x0] =	wrdreg $0xFFFFFFFF;
	(pc) =	sbr.abs _section_cstart, $3  }
0xc2: {  	[dreg:$0x1] =	wrdreg $0xFFFFFFFF  }
0xc3: {  	_ =	task.clear_ibuf [dreg:s7], $0x2FFFF;
	_ =	strace $0x9FFFFFFF  }
0xc4: {  	(tm) =	ssettm $0x7FFFFFFF  }
0xc5: {  	_ =	shalt  }
tec
execute0_lowered:
.L_overlay_start_1:
0x0: {  	(tag) =	ssettag $0x1  }
0x1: {  	s1 =	rddreg [dreg:$0x0]  }
0x2: {  	s0 =	rddreg [dreg:$0x1]  }
0x3: {  	s2 =	rddreg [dreg:$0x2]  }
0x4: {  	s3 =	rddreg [dreg:$0x3]  }
0x5: {  	s4 =	simm.s32 $0x0;
	s5 =	srdreg.scid;
	s18 =	stileid.u32  }
0x6: {  	s31 =	simm.s32 $0x1;
	s28 =	simm.s32 $0x4900;
	s29 =	simm.s32 $0x4100  }
0x7: {  	[smem:$0x7FF] =	sst s4;
	s6 =	sadd.s32 $0x235200, s0;
	s12 =	smul.u32 $0x18800, s18  }
0x8: {  	s5 =	sand.u32 $0x1, s5;
	s7 =	sadd.s32 $0x1B0200, s0;
	s13 =	smul.u32 $0xC40, s18  }
0x9: {  	s8 =	sadd.s32 $0xD3A00, s0;
	s9 =	sadd.s32 $0x1E1200, s0;
	s22 =	smul.u32 $0x3100, s18  }
0xa: {  	s10 =	sadd.s32 $0xEC200, s0;
	s21 =	sadd.s32 $0x212200, s0;
	s11 =	smul.u32 $0x188000, s5  }
0xb: {  	_ =	strace $0x80000056;
	s14 =	sshll.u32 s5, $0x4;
	s15 =	smul.u32 $0xC400, s5  }
0xc: {  	v0 =	vimm.s32 $0xFEDCBA98;
	v1 =	vimm.s32 $0x76543210;
	[dreg:$0x5] =	wrdreg s21;
	s5 =	ssub.s32 $0x2, s5;
	s21 =	simm.s32 $0x4940  }
0xd: {  	v2 =	vimm.s32 $0xBA98FEDC;
	v3 =	vimm.s32 $0x32107654;
	s14 =	sor.u32 s18, s14;
	s16 =	sshrl.u32 s5, $0x1;
	s18 =	smul.u32 $0x62000, s18  }
0xe: {  	v4 =	vimm.s32 $0xDCFE98BA;
	v5 =	vimm.s32 $0x54761032;
	s26 =	sshrl.u32 s22, $0x2;
	s11 =	sadd.s32 s12, s11;
	s12 =	smul.u32 $0x6200, s14  }
0xf: {  	v6 =	vimm.s32 $0xEFCDAB89;
	v7 =	vimm.s32 $0x67452301;
	s22 =	simm.s32 $0x7;
	s13 =	sadd.s32 s13, s15;
	s14 =	smul.u32 $0x18800, s14  }
0x10: {  	v0 =	vunpack.c.l.s4.s8 v0;
	v1 =	vunpack.c.l.s4.s8 v1;
	v2 =	vunpack.c.l.s4.s8 v2;
	s5 =	ssub.s32 s5, s16;
	s11 =	sshrl.u32 s11, $0x3;
	s13 =	sshrl.u32 s13, $0x3  }
0x11: {  	v3 =	vunpack.c.l.s4.s8 v3;
	v4 =	vunpack.c.l.s4.s8 v4;
	v5 =	vunpack.c.l.s4.s8 v5;
	s5 =	smax.u32 s5, $0x1;
	s30 =	sshrl.u32 s18, $0x2;
	s11 =	sadd.s32 s11, s0  }
0x12: {  	v6 =	vunpack.c.l.s4.s8 v6;
	v7 =	vunpack.c.l.s4.s8 v7;
	v0 =	vunpack.c.0.s8.s32 v0;
	s17 =	sshrl.u32 s12, $0x3;
	s0 =	sadd.s32 s13, s0;
	s25 =	sadd.s32 s6, s14  }
0x13: {  	v2 =	vunpack.c.0.s8.s32 v2;
	v3 =	vunpack.c.0.s8.s32 v3;
	v4 =	vunpack.c.0.s8.s32 v4;
	[dreg:$0x9] =	wrdreg s5;
	s20 =	sadd.s32 s30, s2;
	s5 =	simm.s32 $0x3  }
0x14: {  	v5 =	vunpack.c.0.s8.s32 v5;
	v6 =	vunpack.c.0.s8.s32 v6;
	v7 =	vunpack.c.0.s8.s32 v7;
	s13 =	simm.s32 $0x0;
	s23 =	sadd.s32 s1, s17;
	[dreg:$0x8] =	wrdreg s25  }
0x15: {  	v1 =	vunpack.c.0.s8.s32 v1;
	v2 =	vcombine.low v3, v2;
	s24 =	sadd.s32 s8, s17;
	s17 =	sadd.s32 s26, s3;
	[dreg:$0xa] =	wrdreg s20  }
0x16: {  	v3 =	vcombine.low v5, v4;
	v4 =	vand.u32 $0xF, v0;
	v5 =	vcombine.low v7, v6;
	s19 =	sadd.s32 $0x11D200, s11;
	s0 =	sadd.s32 $0x212400, s0;
	[dreg:$0x6] =	wrdreg s23  }
0x17: {  	v0 =	vimm.f32 $0.0e+00;
	v1 =	vcombine.low v4, v1;
	s25 =	simm.s32 $0x40;
	s26 =	simm.s32 $0x4;
	[dreg:$0x7] =	wrdreg s24  }
0x18: {  	v2 =	vand.u32 $0xF, v2;
	v3 =	vand.u32 $0xF, v3;
	v4 =	vand.u32 $0xF, v5;
	[dreg:$0xb] =	wrdreg s0;
	s23 =	simm.s32 $0x5740;
	s0 =	simm.s32 $0x2  }
.LBB2_1:
0x19: {  	s11 =	rddreg [dreg:$0x5]  }
0x1a: {  	[tilespmem:s21], [sflag:$0x7] =	stream.linear.gather [hbm4b:s11+s4], $0xE00, $0x38;
	[tilespmem:$0x1EBF0] =	vst v63  }
0x1b: {  	_ =	swait.ge [sflag:s22], $0xE00  }
0x1c: {  	[sflag:s22] =	ssyncset.done $0x0  }
0x1d: {  	[sflag:s22] =	ssyncadd.s32 $0xFFFFF200  }
0x1e: {  	[tilespmem:$0x5740] =	vst v0  }
0x1f: {  	[tilespmem:$0x5750] =	vst v0  }
0x20: {  	[tilespmem:$0x5760] =	vst v0  }
0x21: {  	[tilespmem:$0x5770] =	vst v0  }
0x22: {  	[tilespmem:$0x5780] =	vst v0  }
0x23: {  	[tilespmem:$0x5790] =	vst v0  }
0x24: {  	[tilespmem:$0x57A0] =	vst v0  }
0x25: {  	[spmem:s20] =	stream.linear.scatter [tilespmem:s21], [sflag:$0x7], $0xE00, $0x38;
	[tilespmem:$0x1EBF0] =	vst v63  }
0x26: {  	_ =	swait.ge [sflag:s22], $0xE00  }
0x27: {  	[sflag:s22] =	ssyncset.done $0x0  }
0x28: {  	s30 =	sadd.s32 $0x0, s17;
	[sflag:s22] =	ssyncadd.s32 $0xFFFFF200  }
0x29: {  	[spmem:s30] =	stream.linear.scatter [tilespmem:s23], [sflag:$0x7], $0x70, $0x38;
	[tilespmem:$0x1EBF0] =	vst v63  }
0x2a: {  	_ =	swait.ge [sflag:s22], $0x70  }
0x2b: {  	s14 =	smov.u32 s20;
	s11 =	simm.s32 $0x1C0;
	[sflag:s22] =	ssyncset.done $0x0  }
.LBB2_2:
0x2c: {  	p0 =	sne.s32 s11, $0x2F40;
	[sflag:s22] =	ssyncadd.s32 $0xFFFFFF90;
	s14 =	sadd.s32 $0xE00, s14  }
0x2d: {  	[spmem:s14] =	stream.linear.scatter [tilespmem:s21], [sflag:$0x7], $0xE00, $0x38;
	[tilespmem:$0x1EBF0] =	vst v63  }
0x2e: {  	s15 =	smov.u32 s11;
	s11 =	sadd.s32 $0x1C0, s11;
	_ =	swait.ge [sflag:s22], $0xE00  }
.Ltmp0:
0x2f: {  	s15 =	sshra.s32 s15, $0x2;
	[sflag:s22] =	ssyncset.done $0x0;
	(pc) =	sbr.rel @p0 .LBB2_2-.Ltmp0, $4  }
0x30: {  	s15 =	sadd.s32 s15, s17;
	[sflag:s22] =	ssyncadd.s32 $0xFFFFF200  }
0x31: {  	[spmem:s15] =	stream.linear.scatter [tilespmem:s23], [sflag:$0x7], $0x70, $0x38;
	[tilespmem:$0x1EBF0] =	vst v63  }
0x32: {  	_ =	swait.ge [sflag:s22], $0x70  }
0x33: {  	[sflag:s22] =	ssyncset.done $0x0  }
0x34: {  	[sflag:s22] =	ssyncadd.s32 $0xFFFFFF90  }
0x35: {  	[bflag:$0x0] =	sbarrier.arrive $0xFFFF  }
0x36: {  	s11 =	simm.s32 $0x0;
	s14 =	rddreg [dreg:$0x6]  }
0x37: {  	[tilespmem:s11], [sflag:$0x7] =	stream.linear.gather [hbm4b:s14+s11], $0x40, $0x38;
	[tilespmem:$0x1EBF0] =	vst v63  }
0x38: {  	_ =	swait.ge [sflag:s22], $0x40  }
0x39: {  	[sflag:s22] =	ssyncset.done $0x0  }
0x3a: {  	s15 =	simm.s32 $0x80;
	s30 =	rddreg [dreg:$0x7];
	[sflag:s22] =	ssyncadd.s32 $0xFFFFFFC0  }
0x3b: {  	[tilespmem:s15], [sflag:$0x7] =	stream.linear.gather [hbm4b:s30+s11], $0x40, $0x38;
	[tilespmem:$0x1EBF0] =	vst v63  }
0x3c: {  	_ =	swait.ge [sflag:s22], $0x40  }
0x3d: {  	[sflag:s22] =	ssyncset.done $0x0  }
0x3e: {  	s16 =	simm.s32 $0x100;
	[sflag:s22] =	ssyncadd.s32 $0xFFFFFFC0  }
0x3f: {  	[tilespmem:s16], [sflag:$0x1] =	stream.indirect.gather [hbm4b:s7+s25], $0x20, s15, s25, $0xb8;
	[tilespmem:$0x1EBF0] =	vst v63  }
0x40: {  	s18 =	simm.s32 $0x1100  }
0x41: {  	[tilespmem:s18], [sflag:$0x2] =	stream.indirect.gather [hbm4b:s9+s25], $0x20, s11, s25, $0xb8;
	[tilespmem:$0x1EBF0] =	vst v63  }
0x42: {  	s20 =	simm.s32 $0x2100  }
0x43: {  	[tilespmem:s20], [sflag:$0x3] =	stream.indirect.gather [hbm4b:s10+s25], $0x20, s11, s25, $0xb8;
	[tilespmem:$0x1EBF0] =	vst v63  }
0x44: {  	s30 =	simm.s32 $0x3100;
	s24 =	rddreg [dreg:$0x8]  }
0x45: {  	[tilespmem:s30], [sflag:$0x4] =	stream.linear.gather [hbm4b:s24+s11], $0x800, $0x38;
	[tilespmem:$0x1EBF0] =	vst v63  }
.LBB2_4:
0x46: {  	p0 =	seq.s32 s11, $0x0  }
0x47: {  	s14 =	simm.s32 @!p0 $0x5;
	p1 =	seq.s32 @!p0 s11, $0x187  }
0x48: {  	_ =	swait.ge @!p0 [sflag:s14], $0x800;
	p1 =	por p0, !p1  }
.Ltmp1:
0x49: {  	[sflag:s14] =	ssyncset.done @!p0 $0x0;
	(pc) =	sbr.rel @!p1 .LBB2_6-.Ltmp1, $4  }
0x4a: {  	[sflag:s14] =	ssyncadd.s32 @!p0 $0xFFFFF800;
	s14 =	simm.s32 @!p0 $0x6  }
0x4b: {  	_ =	swait.ge @!p0 [sflag:s14], $0x40  }
0x4c: {  	[sflag:s14] =	ssyncset.done @!p0 $0x0  }
0x4d: {  	s15 =	sand.u32 $0x1, s11;
	[sflag:s14] =	ssyncadd.s32 @!p0 $0xFFFFFFC0;
	s14 =	simm.s32 @!p0 $0x188  }
0x4e: {  	s14 =	sadd.s32 @!p0 $0x1, s11  }
0x4f: {  	s14 =	simm.s32 @p0 $0x1  }
0x50: {  	s16 =	sshll.u32 s14, $0x6  }
0x51: {  	s11 =	sadd.s32 s12, s16  }
0x52: {  	s16 =	sxor.u32 $0x1, s15;
	s24 =	sshrl.u32 s11, $0x3  }
0x53: {  	s30 =	sshll.u32 s16, $0x6;
	s20 =	sadd.s32 s1, s24  }
0x54: {  	[tilespmem:s30], [sflag:$0x7] =	stream.linear.gather [hbm4b:s20+s4], $0x40, $0x38;
	[tilespmem:$0x1EBF0] =	vst v63  }
0x55: {  	_ =	swait.ge [sflag:s22], $0x40  }
0x56: {  	[sflag:s22] =	ssyncset.done $0x0  }
0x57: {  	s24 =	sadd.s32 s8, s24;
	s20 =	sor.u32 $0x80, s30;
	[sflag:s22] =	ssyncadd.s32 $0xFFFFFFC0  }
0x58: {  	[tilespmem:s20], [sflag:$0x7] =	stream.linear.gather [hbm4b:s24+s4], $0x40, $0x38;
	[tilespmem:$0x1EBF0] =	vst v63  }
0x59: {  	_ =	swait.ge [sflag:s22], $0x40  }
0x5a: {  	s16 =	sshll.u32 s16, $0xB;
	[sflag:s22] =	ssyncset.done $0x0  }
0x5b: {  	s18 =	sor.u32 $0x100, s16;
	[sflag:s22] =	ssyncadd.s32 $0xFFFFFFC0  }
0x5c: {  	[tilespmem:s18], [sflag:$0x1] =	stream.indirect.gather [hbm4b:s7+s25], $0x20, s20, s25, $0xb8;
	[tilespmem:$0x1EBF0] =	vst v63  }
0x5d: {  	s11 =	sshll.u32 s11, $0x2;
	s18 =	sor.u32 $0x1100, s16  }
0x5e: {  	[tilespmem:s18], [sflag:$0x2] =	stream.indirect.gather [hbm4b:s9+s25], $0x20, s30, s25, $0xb8;
	[tilespmem:$0x1EBF0] =	vst v63  }
0x5f: {  	s11 =	sand.u32 $0x1FFFFF00, s11;
	s24 =	sor.u32 $0x2100, s16  }
0x60: {  	[tilespmem:s24], [sflag:$0x3] =	stream.indirect.gather [hbm4b:s10+s25], $0x20, s30, s25, $0xb8;
	[tilespmem:$0x1EBF0] =	vst v63  }
0x61: {  	s11 =	sadd.s32 s6, s11;
	s16 =	sor.u32 $0x3100, s16  }
0x62: {  	[tilespmem:s16], [sflag:$0x4] =	stream.linear.gather [hbm4b:s11+s4], $0x800, $0x38;
	[tilespmem:$0x1EBF0] =	vst v63  }
.LBB2_6:
0x63: {  	_ =	swait.ge [sflag:s31], $0x800  }
0x64: {  	[sflag:s31] =	ssyncset.done $0x0  }
0x65: {  	[sflag:s31] =	ssyncadd.s32 $0xFFFFF800  }
0x66: {  	_ =	swait.ge [sflag:s0], $0x800  }
0x67: {  	[sflag:s0] =	ssyncset.done $0x0  }
0x68: {  	s11 =	sshll.u32 s15, $0xB;
	[sflag:s0] =	ssyncadd.s32 $0xFFFFF800  }
0x69: {  	s16 =	sor.u32 $0x3100, s11;
	_ =	swait.ge [sflag:s5], $0x800  }
0x6a: {  	v5 =	vmov s16;
	[sflag:s5] =	ssyncset.done $0x0  }
0x6b: {  	s20 =	sor.u32 $0x1100, s11;
	[sflag:s5] =	ssyncadd.s32 $0xFFFFF800  }
0x6c: {  	v6 =	vmov s20;
	_ =	swait.ge [sflag:s26], $0x800  }
0x6d: {  	s24 =	sor.u32 $0x100, s11;
	[sflag:s26] =	ssyncset.done $0x0  }
0x6e: {  	v7 =	vmov s24;
	s16 =	simm.s32 $0x0;
	[sflag:s26] =	ssyncadd.s32 $0xFFFFF800  }
0x6f: {  	v9 =	vld.idx.msk [tilespmem:v5+s16+$0x10 ss:$0x1], $0xffff  }
0x70: {  	v10 =	vld.idx.msk [tilespmem:v5+s16+$0x0 ss:$0x1], $0xffff  }
0x71: {  	v8 =	vld.idx.msk [tilespmem:v6+s16+$0x0 ss:$0x1], $0xffff  }
0x72: {  	v11 =	vld.idx.msk [tilespmem:v6+s16+$0x10 ss:$0x1], $0xffff  }
0x73: {  	v12 =	vld.idx.msk [tilespmem:v7+s16+$0x10 ss:$0x1], $0xffff  }
0x74: {  	v13 =	vld.idx.msk [tilespmem:v7+s16+$0x0 ss:$0x1], $0xffff;
	_ =	sdelay $0x2  }
0x75: {  	v8 =	vadd.f32 v10, v8;
	v11 =	vadd.f32 v9, v11;
	_ =	sdelay $0x1  }
0x76: {  	v8 =	vmul.f32 v8, v13;
	v11 =	vmul.f32 v11, v12;
	_ =	sdelay $0x1  }
0x77: {  	v8 =	vadd.f32 v11, v8;
	_ =	sdelay $0x1  }
0x78: {  	v11 =	vperm.xlane v8, v1;
	_ =	sdelay $0x1  }
0x79: {  	v8 =	vadd.f32 v8, v11;
	_ =	sdelay $0x1  }
0x7a: {  	v11 =	vperm.xlane v8, v2;
	_ =	sdelay $0x1  }
0x7b: {  	v8 =	vadd.f32 v8, v11;
	_ =	sdelay $0x1  }
0x7c: {  	v11 =	vperm.xlane v8, v3;
	_ =	sdelay $0x1  }
0x7d: {  	v8 =	vadd.f32 v8, v11;
	_ =	sdelay $0x1  }
0x7e: {  	v11 =	vperm.xlane v8, v4;
	_ =	sdelay $0x1  }
0x7f: {  	v8 =	vadd.f32 v8, v11;
	_ =	sdelay $0x1  }
0x80: {  	v11 =	vmul.f32 $1.767766920e-01, v8  }
0x81: {  	s11 =	sor.u32 $0x2100, s11  }
0x82: {  	v8 =	vmov s11;
	v11 =	vmul.f32 $1.442695020e+00, v11;
	_ =	sdelay $0x1  }
0x83: {  	(erf) = vpow2.f32 v11;
	_ =	sdelay $0x2  }
0x84: {  	v11 =	vld.idx.msk [tilespmem:v8+s16+$0x0 ss:$0x1], $0xffff  }
0x85: {  	v59 =	vld.idx.msk [tilespmem:v8+s16+$0x10 ss:$0x1], $0xffff  }
0x86: {  	s24 =	simm.s32 $0x0  }
0x87: {  	v60 =	vmov s24  }
0x88: {  	v13 =	vand.u32 $0xFFFFFFFE, v60  }
0x89: {  	v10 =	vadd.f32 v11, v10;
	v11 =	vbroadcast v13, $0x0  }
0x8a: {  	v9 =	vadd.f32 v59, v9;
	v61 =	vpop (erf)  }
0x8b: {  	v10 =	vmul.f32 v61, v10  }
0x8c: {  	v9 =	vmul.f32 v61, v9  }
0x8d: {  	[tilespmem:s16+$0x4100] =	vst v10  }
0x8e: {  	[tilespmem:s16+$0x4110] =	vst v9  }
0x8f: {  	[tilespmem:v11+s28+$0x0] =	vst.idx.msk $0x1, v61  }
0x90: {  	v10 =	vld.idx.msk [tilespmem:v5+s16+$0x30 ss:$0x1], $0xffff  }
0x91: {  	v11 =	vld.idx.msk [tilespmem:v6+s16+$0x30 ss:$0x1], $0xffff  }
0x92: {  	v9 =	vld.idx.msk [tilespmem:v5+s16+$0x20 ss:$0x1], $0xffff  }
0x93: {  	v12 =	vld.idx.msk [tilespmem:v6+s16+$0x20 ss:$0x1], $0xffff  }
0x94: {  	v62 =	vld.idx.msk [tilespmem:v7+s16+$0x30 ss:$0x1], $0xffff  }
0x95: {  	v14 =	vld.idx.msk [tilespmem:v7+s16+$0x20 ss:$0x1], $0xffff;
	_ =	sdelay $0x2  }
0x96: {  	v11 =	vadd.f32 v10, v11;
	v12 =	vadd.f32 v9, v12;
	_ =	sdelay $0x1  }
0x97: {  	v12 =	vmul.f32 v12, v14;
	v11 =	vmul.f32 v11, v62;
	_ =	sdelay $0x1  }
0x98: {  	v11 =	vadd.f32 v11, v12;
	_ =	sdelay $0x1  }
0x99: {  	v12 =	vperm.xlane v11, v1;
	_ =	sdelay $0x1  }
0x9a: {  	v11 =	vadd.f32 v11, v12;
	_ =	sdelay $0x1  }
0x9b: {  	v12 =	vperm.xlane v11, v2;
	_ =	sdelay $0x1  }
0x9c: {  	v11 =	vadd.f32 v11, v12;
	_ =	sdelay $0x1  }
0x9d: {  	v12 =	vperm.xlane v11, v3;
	_ =	sdelay $0x1  }
0x9e: {  	v11 =	vadd.f32 v11, v12;
	_ =	sdelay $0x1  }
0x9f: {  	v12 =	vperm.xlane v11, v4;
	_ =	sdelay $0x1  }
0xa0: {  	v11 =	vadd.f32 v11, v12;
	_ =	sdelay $0x1  }
0xa1: {  	v11 =	vmul.f32 $1.767766920e-01, v11  }
0xa2: {  	v63 =	vld.idx.msk [tilespmem:v8+s16+$0x30 ss:$0x1], $0xffff  }
0xa3: {  	v11 =	vmul.f32 $1.442695020e+00, v11;
	_ =	sdelay $0x1  }
0xa4: {  	(erf) = vpow2.f32 v11;
	_ =	sdelay $0x1  }
0xa5: {  	s30 =	simm.s32 $0x1;
	s11 =	simm.s32 $0x100;
	v10 =	vadd.f32 v63, v10;
	v11 =	vld.idx.msk [tilespmem:v8+s16+$0x20 ss:$0x1], $0xffff  }
.LBB2_7:
0xa6: {  	_ =	sdelay $0x1  }
0xa7: {  	p0 =	sne.s32 s11, $0x1F00  }
0xa8: {  	s24 =	sadd.s32 $0x2, s24;
	s20 =	smov.u32 s11;
	s11 =	sadd.s32 $0x100, s11  }
0xa9: {  	s18 =	sadd.s32 $0x1, s24  }
0xaa: {  	v9 =	vadd.f32 v11, v9;
	v11 =	vmov s30;
	s30 =	smov.u32 s18  }
0xab: {  	v12 =	vpop (erf)  }
0xac: {  	v9 =	vmul.f32 v12, v9;
	v10 =	vmul.f32 v12, v10;
	_ =	sdelay $0x1  }
0xad: {  	[tilespmem:s16+$0x4120] =	vst v9  }
0xae: {  	[tilespmem:s16+$0x4130] =	vst v10  }
0xaf: {  	s16 =	sshra.s32 s20, $0x2;
	[tilespmem:v11+s28+$0x0] =	vst.idx.msk $0x1, v12  }
0xb0: {  	v9 =	vld.idx.msk [tilespmem:v5+s16+$0x10 ss:$0x1], $0xffff  }
0xb1: {  	v10 =	vld.idx.msk [tilespmem:v5+s16+$0x0 ss:$0x1], $0xffff  }
0xb2: {  	v11 =	vld.idx.msk [tilespmem:v6+s16+$0x0 ss:$0x1], $0xffff  }
0xb3: {  	v12 =	vld.idx.msk [tilespmem:v6+s16+$0x10 ss:$0x1], $0xffff  }
0xb4: {  	v13 =	vld.idx.msk [tilespmem:v7+s16+$0x10 ss:$0x1], $0xffff  }
0xb5: {  	v14 =	vld.idx.msk [tilespmem:v7+s16+$0x0 ss:$0x1], $0xffff;
	_ =	sdelay $0x2  }
0xb6: {  	v11 =	vadd.f32 v10, v11  }
0xb7: {  	v12 =	vadd.f32 v9, v12;
	_ =	sdelay $0x1  }
0xb8: {  	v11 =	vmul.f32 v11, v14;
	v12 =	vmul.f32 v12, v13;
	_ =	sdelay $0x1  }
0xb9: {  	v11 =	vadd.f32 v12, v11;
	_ =	sdelay $0x1  }
0xba: {  	v12 =	vperm.xlane v11, v1;
	_ =	sdelay $0x1  }
0xbb: {  	v11 =	vadd.f32 v11, v12;
	_ =	sdelay $0x1  }
0xbc: {  	v12 =	vperm.xlane v11, v2;
	_ =	sdelay $0x1  }
0xbd: {  	v11 =	vadd.f32 v11, v12;
	_ =	sdelay $0x1  }
0xbe: {  	v12 =	vperm.xlane v11, v3;
	_ =	sdelay $0x1  }
0xbf: {  	v11 =	vadd.f32 v11, v12;
	_ =	sdelay $0x1  }
0xc0: {  	v12 =	vperm.xlane v11, v4;
	_ =	sdelay $0x1  }
0xc1: {  	v11 =	vadd.f32 v11, v12;
	_ =	sdelay $0x1  }
0xc2: {  	v11 =	vmul.f32 $1.767766920e-01, v11;
	_ =	sdelay $0x1  }
0xc3: {  	v11 =	vmul.f32 $1.442695020e+00, v11;
	_ =	sdelay $0x1  }
0xc4: {  	(erf) = vpow2.f32 v11  }
0xc5: {  	v11 =	vld.idx.msk [tilespmem:v8+s16+$0x10 ss:$0x1], $0xffff  }
0xc6: {  	v12 =	vld.idx.msk [tilespmem:v8+s16+$0x0 ss:$0x1], $0xffff;
	_ =	sdelay $0x3  }
0xc7: {  	v13 =	vmov s24  }
0xc8: {  	v9 =	vadd.f32 v11, v9;
	v11 =	vand.u32 $0xFFFFFFFE, v13  }
0xc9: {  	v10 =	vadd.f32 v12, v10;
	v11 =	vbroadcast v11, $0x0  }
0xca: {  	v12 =	vpop (erf)  }
0xcb: {  	v10 =	vmul.f32 v12, v10;
	v9 =	vmul.f32 v12, v9;
	_ =	sdelay $0x1  }
0xcc: {  	[tilespmem:s16+$0x4100] =	vst v10  }
0xcd: {  	[tilespmem:s16+$0x4110] =	vst v9  }
0xce: {  	[tilespmem:v11+s28+$0x0] =	vst.idx.msk $0x1, v12  }
0xcf: {  	v10 =	vld.idx.msk [tilespmem:v5+s16+$0x30 ss:$0x1], $0xffff  }
0xd0: {  	v11 =	vld.idx.msk [tilespmem:v6+s16+$0x30 ss:$0x1], $0xffff  }
0xd1: {  	v9 =	vld.idx.msk [tilespmem:v5+s16+$0x20 ss:$0x1], $0xffff  }
0xd2: {  	v12 =	vld.idx.msk [tilespmem:v6+s16+$0x20 ss:$0x1], $0xffff  }
0xd3: {  	v13 =	vld.idx.msk [tilespmem:v7+s16+$0x30 ss:$0x1], $0xffff  }
0xd4: {  	v14 =	vld.idx.msk [tilespmem:v7+s16+$0x20 ss:$0x1], $0xffff  }
0xd5: {  	v15 =	vld.idx.msk [tilespmem:v8+s16+$0x30 ss:$0x1], $0xffff  }
0xd6: {  	v11 =	vadd.f32 v10, v11;
	_ =	sdelay $0x1  }
0xd7: {  	v12 =	vadd.f32 v9, v12;
	_ =	sdelay $0x1  }
0xd8: {  	v11 =	vmul.f32 v11, v13;
	v12 =	vmul.f32 v12, v14  }
0xd9: {  	v10 =	vadd.f32 v15, v10  }
0xda: {  	v11 =	vadd.f32 v11, v12;
	_ =	sdelay $0x1  }
0xdb: {  	v12 =	vperm.xlane v11, v1;
	_ =	sdelay $0x1  }
0xdc: {  	v11 =	vadd.f32 v11, v12;
	_ =	sdelay $0x1  }
0xdd: {  	v12 =	vperm.xlane v11, v2;
	_ =	sdelay $0x1  }
0xde: {  	v11 =	vadd.f32 v11, v12;
	_ =	sdelay $0x1  }
0xdf: {  	v12 =	vperm.xlane v11, v3;
	_ =	sdelay $0x1  }
0xe0: {  	v11 =	vadd.f32 v11, v12;
	_ =	sdelay $0x1  }
0xe1: {  	v12 =	vperm.xlane v11, v4;
	_ =	sdelay $0x1  }
0xe2: {  	v11 =	vadd.f32 v11, v12;
	_ =	sdelay $0x1  }
0xe3: {  	v11 =	vmul.f32 $1.767766920e-01, v11;
	_ =	sdelay $0x1  }
.Ltmp2:
0xe4: {  	v11 =	vmul.f32 $1.442695020e+00, v11;
	(pc) =	sbr.rel @p0 .LBB2_7-.Ltmp2, $3  }
0xe5: {  	_ = 	snop  }
0xe6: {  	(erf) = vpow2.f32 v11;
	_ =	sdelay $0x1  }
0xe7: {  	v11 =	vld.idx.msk [tilespmem:v8+s16+$0x20 ss:$0x1], $0xffff  }
0xe8: {  	_ =	sdelay $0x4  }
0xe9: {  	v5 =	vadd.f32 v11, v9  }
0xea: {  	v6 =	vmov s30;
	v7 =	vpop (erf)  }
0xeb: {  	v5 =	vmul.f32 v7, v5  }
0xec: {  	v8 =	vmul.f32 v7, v10  }
0xed: {  	[tilespmem:s16+$0x4120] =	vst v5  }
0xee: {  	s11 =	sshll.u32 s15, $0x6;
	p0 =	slt.u32 s14, $0x188;
	[tilespmem:s16+$0x4130] =	vst v8  }
.Ltmp3:
0xef: {  	s11 =	sor.u32 $0x80, s11;
	[tilespmem:v6+s28+$0x0] =	vst.idx.msk $0x1, v7;
	(pc) =	sbr.rel @p0 .LBB2_4-.Ltmp3, $4  }
0xf0: {  	[spmem:s2] =	stream.indirect.scatter.add.f32 [tilespmem:s29], [sflag:$0x5], $0x20, s11, s25, $0xb8;
	[tilespmem:$0x1EBF0] =	vst v63  }
0xf1: {  	_ = 	snop  }
0xf2: {  	[spmem:s3] =	stream.indirect.scatter.add.f32 [tilespmem:s28], [sflag:$0x6], $0x1, s11, s25, $0xb8;
	[tilespmem:$0x1EBF0] =	vst v63  }
0xf3: {  	s11 =	smov.u32 s14  }
0xf4: {  	s11 =	simm.s32 $0x5  }
0xf5: {  	_ =	swait.ge [sflag:s11], $0x800  }
0xf6: {  	[sflag:s11] =	ssyncset.done $0x0  }
0xf7: {  	s20 =	simm.s32 $0x6;
	[sflag:s11] =	ssyncadd.s32 $0xFFFFF800  }
0xf8: {  	_ =	swait.ge [sflag:s20], $0x40  }
0xf9: {  	[sflag:s20] =	ssyncset.done $0x0  }
0xfa: {  	[sflag:s20] =	ssyncadd.s32 $0xFFFFFFC0  }
0xfb: {  	[bflag:$0x0] =	sbarrier.arrive $0xFFFF  }
0xfc: {  	s20 =	rddreg [dreg:$0xa]  }
0xfd: {  	[tilespmem:s21], [sflag:$0x7] =	stream.linear.gather [spmem:s20], $0xE00, $0x38;
	[tilespmem:$0x1EBF0] =	vst v63  }
0xfe: {  	_ =	swait.ge [sflag:s22], $0xE00  }
0xff: {  	[sflag:s22] =	ssyncset.done $0x0  }
0x100: {  	s24 =	sadd.s32 $0x0, s19;
	[sflag:s22] =	ssyncadd.s32 $0xFFFFF200  }
0x101: {  	[hbm4b:s24+s4] =	stream.linear.scatter [tilespmem:s21], [sflag:$0x7], $0xE00, $0x38;
	[tilespmem:$0x1EBF0] =	vst v63  }
0x102: {  	_ =	swait.ge [sflag:s22], $0xE00  }
0x103: {  	[sflag:s22] =	ssyncset.done $0x0  }
0x104: {  	s30 =	sadd.s32 $0x0, s17;
	[sflag:s22] =	ssyncadd.s32 $0xFFFFF200  }
0x105: {  	[tilespmem:s23], [sflag:$0x7] =	stream.linear.gather [spmem:s30], $0x70, $0x38;
	[tilespmem:$0x1EBF0] =	vst v63  }
0x106: {  	_ =	swait.ge [sflag:s22], $0x70  }
0x107: {  	[sflag:s22] =	ssyncset.done $0x0  }
0x108: {  	s15 =	rddreg [dreg:$0xb];
	[sflag:s22] =	ssyncadd.s32 $0xFFFFFF90  }
0x109: {  	[hbm4b:s15+s4] =	stream.linear.scatter [tilespmem:s23], [sflag:$0x7], $0x70, $0x38;
	[tilespmem:$0x1EBF0] =	vst v63  }
0x10a: {  	_ =	swait.ge [sflag:s22], $0x70  }
0x10b: {  	s11 =	simm.s32 $0x1C0;
	s14 =	smov.u32 s20;
	[sflag:s22] =	ssyncset.done $0x0  }
.LBB2_10:
0x10c: {  	[sflag:s22] =	ssyncadd.s32 $0xFFFFFF90  }
0x10d: {  	s14 =	sadd.s32 $0xE00, s14;
	s15 =	sadd.s32 $0xE, s15;
	s16 =	smov.u32 s11  }
0x10e: {  	[tilespmem:s21], [sflag:$0x7] =	stream.linear.gather [spmem:s14], $0xE00, $0x38;
	[tilespmem:$0x1EBF0] =	vst v63  }
0x10f: {  	p0 =	sne.s32 s11, $0x2F40;
	s11 =	sadd.s32 $0x1C0, s11;
	_ =	swait.ge [sflag:s22], $0xE00  }
0x110: {  	[sflag:s22] =	ssyncset.done $0x0  }
0x111: {  	s18 =	sadd.s32 s16, s19;
	[sflag:s22] =	ssyncadd.s32 $0xFFFFF200  }
0x112: {  	[hbm4b:s18+s4] =	stream.linear.scatter [tilespmem:s21], [sflag:$0x7], $0xE00, $0x38;
	[tilespmem:$0x1EBF0] =	vst v63  }
0x113: {  	_ =	swait.ge [sflag:s22], $0xE00  }
0x114: {  	s16 =	sshra.s32 s16, $0x2;
	[sflag:s22] =	ssyncset.done $0x0  }
0x115: {  	s16 =	sadd.s32 s16, s17;
	[sflag:s22] =	ssyncadd.s32 $0xFFFFF200  }
0x116: {  	[tilespmem:s23], [sflag:$0x7] =	stream.linear.gather [spmem:s16], $0x70, $0x38;
	[tilespmem:$0x1EBF0] =	vst v63  }
0x117: {  	_ =	swait.ge [sflag:s22], $0x70  }
.Ltmp4:
0x118: {  	[sflag:s22] =	ssyncset.done $0x0;
	(pc) =	sbr.rel @p0 .LBB2_10-.Ltmp4, $4  }
0x119: {  	[sflag:s22] =	ssyncadd.s32 $0xFFFFFF90  }
0x11a: {  	[hbm4b:s15+s4] =	stream.linear.scatter [tilespmem:s23], [sflag:$0x7], $0x70, $0x38;
	[tilespmem:$0x1EBF0] =	vst v63  }
0x11b: {  	_ =	swait.ge [sflag:s22], $0x70  }
0x11c: {  	[sflag:s22] =	ssyncset.done $0x0  }
0x11d: {  	s13 =	sadd.s32 $0x1, s13;
	s11 =	rddreg [dreg:$0x9]  }
0x11e: {  	p0 =	sne.s32 s13, s11  }
.Ltmp5:
0x11f: {  	_ = 	snop;
	(pc) =	sbr.rel @p0 .LBB2_1-.Ltmp5, $2  }
0x120: {  	_ =	sdelay $0x2  }
0x121: {  	[sflag:s22] =	ssyncadd.s32 $0xFFFFFF90  }
0x122: {  	_ =	sfence.sel $0x180000  }
0x123: {  	[bflag:$0x0] =	sbarrier.arrive $0xFFFF  }
0x124: {  	_ =	strace $0x90000056  }
0x125: {  	s0 =	stileid.u32;
	[bflag:$0x2] =	sbarrier.arrive $0xFFFF  }
0x126: {  	p0 =	sne.s32 s0, $0x0;
	s0 =	rddreg [dreg:$0x4]  }
0x127: {  	s0 =	sadd.s32 @!p0 $0x100000, s0  }
0x128: {  	[sflag:s0] =	ssyncadd.tile.s32 @!p0 $0x1;
	_ =	shalt  }
.Lfunc_end2:
_tile_overlayer_lowered:
.L_overlay_start_2:
0x129: {  	(tag) =	ssettag $0x2  }
0x12a: {  	s0 =	rddreg [dreg:$0x0];
	s2 =	stileid.u32  }
0x12b: {  	s1 =	rddreg [dreg:$0x1];
	p0 =	sne.s32 s2, $0x0  }
0x12c: {  	s3 =	rddreg [dreg:$0x2];
	[bflag:$0x3] =	sbarrier.arrive $0xFFFF;
	s2 =	simm.s32 @!p0 $0x1C07  }
0x12d: {  	[timem:s3], [sflag:s2] =	dma.local @!p0 [hbm:s0], s1  }
0x12e: {  	s0 =	simm.s32 @!p0 $0x7  }
0x12f: {  	_ =	swait.ge @!p0 [sflag:s0], s1  }
0x130: {  	s1 =	ssub.s32 @!p0 $0x0, s1;
	[sflag:s0] =	ssyncset.done @!p0 $0x0  }
0x131: {  	[sflag:s0] =	ssyncadd.s32 @!p0 s1  }
0x132: {  	[bflag:$0x3] =	sbarrier.arrive $0xFFFF  }
0x133: {  	_ =	shalt  }

// kernel: scatter_offload_async_start
scs
__scs_entry_jumppad:
0x0: {  	(pc) =	sbr.rel $0x88, $3  }
0x1: {  	(tag) =	ssettag $0x0;
	lr =	simm.s32 $0x1  }
0x2: {  	[smem:$0x3F74] =	sst lr;
	_ =	strace $0xD0000000  }
0x3: {  	_ = 	snop  }
0x4: {  	_ = 	snop  }
0x5: {  	_ = 	snop  }
0x6: {  	_ = 	snop  }
0x7: {  	_ = 	snop  }
__scs_overlays_trampoline_lowered:
0x8: {  	[smem:$0x3F83] =	sst s0  }
0x9: {  	[smem:$0x3F84] =	sst s1  }
0xa: {  	[smem:$0x3F85] =	sst s2  }
0xb: {  	[smem:$0x3F86] =	sst s3  }
0xc: {  	[smem:$0x3F87] =	sst s4  }
0xd: {  	[smem:$0x3F88] =	sst s5  }
0xe: {  	[smem:$0x3F89] =	sst s6  }
0xf: {  	[smem:$0x3F8A] =	sst s7  }
0x10: {  	[smem:$0x3F8B] =	sst s8  }
0x11: {  	[smem:$0x3F8C] =	sst s9;
	s0 =	simm.s32 @!p0 $0x0  }
0x12: {  	s1 =	sld [smem:$0x3F72];
	s0 =	simm.s32 @p0 $0x1  }
0x13: {  	[smem:$0x3F8D] =	sst s0;
	s0 =	simm.s32 @!p1 $0x0  }
0x14: {  	s2 =	sld [smem:$0x3F71];
	s0 =	simm.s32 @p1 $0x1  }
0x15: {  	[smem:$0x3F8E] =	sst s0;
	s0 =	simm.s32 @!p2 $0x0  }
0x16: {  	s3 =	sld [smem:$0x3FDB];
	s0 =	simm.s32 @p2 $0x1  }
0x17: {  	s4 =	simm.s32 $0x1BF5;
	[smem:$0x3F90] =	sst s0  }
0x18: {  	s0 =	sld [smem:$0x3F73];
	_ =	swait.ge [sflag:s4], $0x0  }
0x19: {  	s7 =	sld [smem:$0x3F74]  }
0x1a: {  	s8 =	sadd.s32 $0xFFFFE003, lr  }
0x1b: {  	s9 =	sadd.s32 $0xFFFFFEF7, lr;
	s5 =	simm.s32 $0xFFFFFFFF;
	p2 =	slt.u32 s8, $0xFFFFF086  }
0x1c: {  	p1 =	slt.u32 s9, $0xF7A;
	s5 =	simm.s32 @!p2 $0x0  }
0x1d: {  	s5 =	simm.s32 @p1 $0x1;
	p0 =	seq.s32 s7, s2  }
0x1e: {  	s7 =	smul.u32 @!p0 $0xF7A, s2;
	p2 =	seq.s32 @!p0 s5, $0x0  }
0x1f: {  	s9 =	smul.u32 $0xF7A, s1;
	s8 =	simm.s32 @!p0 $0x1BF5;
	p2 =	por !p2, p0  }
0x20: {  	[sflag:s8] =	ssyncset.s32 @!p0 $0xFFFFF086;
	s6 =	sadd.s32 @!p0 s3, s7;
	s7 =	simm.s32 @!p0 $0x108  }
0x21: {  	s3 =	sadd.s32 s3, s9;
	s6 =	sadd.s32 @!p0 $0x88, s6;
	s7 =	simm.s32 @p2 $0x1082  }
0x22: {  	[simem:s7], [sflag:s8] =	dma.local @!p0 [hbm:s6], $0xF7A  }
0x23: {  	s9 =	sor.u32 $0xD0000000, s2;
	s6 =	simm.s32 $0x108;
	_ =	swait.ge @!p0 [sflag:s8], $0x0  }
0x24: {  	s3 =	sadd.s32 $0x88, s3;
	s6 =	simm.s32 @!p1 $0x1082;
	[sflag:s4] =	ssyncset.s32 $0xFFFFF086  }
0x25: {  	[simem:s6], [sflag:s4] =	dma.local [hbm:s3], $0xF7A  }
0x26: {  	[smem:$0x3F74] =	sst s1;
	(tag) =	ssettag s2;
	_ =	strace s9  }
0x27: {  	s1 =	sld [smem:$0x3F84]  }
0x28: {  	s2 =	sld [smem:$0x3F85]  }
0x29: {  	s4 =	sld [smem:$0x3F87]  }
0x2a: {  	p0 =	seq.s32 s5, $0x0;
	s5 =	sld [smem:$0x3F88]  }
0x2b: {  	s6 =	sld [smem:$0x3F89]  }
0x2c: {  	s7 =	sld [smem:$0x3F8A]  }
0x2d: {  	s3 =	simm.s32 $0x108;
	s8 =	sld [smem:$0x3F8B]  }
0x2e: {  	s3 =	simm.s32 @!p0 $0x1082;
	s9 =	sld [smem:$0x3F8C]  }
0x2f: {  	lr =	sadd.s32 s0, s3;
	s0 =	sld [smem:$0x3F83]  }
0x30: {  	s3 =	sld [smem:$0x3F86]  }
0x31: {  	[smem:$0x3F8F] =	sst s10  }
0x32: {  	s10 =	sld [smem:$0x3F8D];
	_ =	sdelay $0x3  }
0x33: {  	p0 =	seq.s32 s10, $0x1;
	s10 =	sld [smem:$0x3F8F];
	_ =	sdelay $0x3  }
0x34: {  	[smem:$0x3F8F] =	sst s10  }
0x35: {  	s10 =	sld [smem:$0x3F8E];
	_ =	sdelay $0x3  }
0x36: {  	p1 =	seq.s32 s10, $0x1;
	s10 =	sld [smem:$0x3F8F];
	_ =	sdelay $0x3  }
0x37: {  	[smem:$0x3F8F] =	sst s10  }
0x38: {  	s10 =	sld [smem:$0x3F90]  }
0x39: {  	_ = 	snop;
	(pc) =	sbr.ind lr, $3  }
0x3a: {  	_ = 	snop  }
0x3b: {  	_ = 	snop  }
0x3c: {  	p2 =	seq.s32 s10, $0x1;
	s10 =	sld [smem:$0x3F8F]  }
0x3d: {  	_ =	shalt  }
0x3e: {  	_ =	shalt  }
0x3f: {  	_ =	shalt  }
0x40: {  	_ =	shalt  }
0x41: {  	_ =	shalt  }
0x42: {  	_ =	shalt  }
0x43: {  	_ =	shalt  }
0x44: {  	_ =	shalt  }
0x45: {  	_ =	shalt  }
0x46: {  	_ =	shalt  }
0x47: {  	_ =	shalt  }
0x48: {  	_ =	shalt  }
0x49: {  	_ =	shalt  }
0x4a: {  	_ =	shalt  }
0x4b: {  	_ =	shalt  }
0x4c: {  	_ =	shalt  }
0x4d: {  	_ =	shalt  }
0x4e: {  	_ =	shalt  }
0x4f: {  	_ =	shalt  }
0x50: {  	_ =	shalt  }
0x51: {  	_ =	shalt  }
0x52: {  	_ =	shalt  }
0x53: {  	_ =	shalt  }
0x54: {  	_ =	shalt  }
0x55: {  	_ =	shalt  }
0x56: {  	_ =	shalt  }
0x57: {  	_ =	shalt  }
0x58: {  	_ =	shalt  }
0x59: {  	_ =	shalt  }
0x5a: {  	_ =	shalt  }
0x5b: {  	_ =	shalt  }
0x5c: {  	_ =	shalt  }
0x5d: {  	_ =	shalt  }
0x5e: {  	_ =	shalt  }
0x5f: {  	_ =	shalt  }
0x60: {  	_ =	shalt  }
0x61: {  	_ =	shalt  }
0x62: {  	_ =	shalt  }
0x63: {  	_ =	shalt  }
0x64: {  	_ =	shalt  }
0x65: {  	_ =	shalt  }
0x66: {  	_ =	shalt  }
0x67: {  	_ =	shalt  }
0x68: {  	_ =	shalt  }
0x69: {  	_ =	shalt  }
0x6a: {  	_ =	shalt  }
0x6b: {  	_ =	shalt  }
0x6c: {  	_ =	shalt  }
0x6d: {  	_ =	shalt  }
0x6e: {  	_ =	shalt  }
0x6f: {  	_ =	shalt  }
0x70: {  	_ =	shalt  }
0x71: {  	_ =	shalt  }
0x72: {  	_ =	shalt  }
0x73: {  	_ =	shalt  }
0x74: {  	_ =	shalt  }
0x75: {  	_ =	shalt  }
0x76: {  	_ =	shalt  }
0x77: {  	_ =	shalt  }
0x78: {  	_ =	shalt  }
0x79: {  	_ =	shalt  }
0x7a: {  	_ =	shalt  }
0x7b: {  	_ =	shalt  }
0x7c: {  	_ =	shalt  }
0x7d: {  	_ =	shalt  }
0x7e: {  	_ =	shalt  }
0x7f: {  	_ =	shalt  }
0x80: {  	_ =	shalt  }
0x81: {  	_ =	shalt  }
0x82: {  	_ =	shalt  }
0x83: {  	_ =	shalt  }
0x84: {  	_ =	shalt  }
0x85: {  	_ =	shalt  }
0x86: {  	_ =	shalt  }
0x87: {  	_ =	shalt  }
.Lfunc_end0:
.L_simem_size_0:
called_computation_lowered:
.L_overlay_start_0:
0x88: {  	s0 =	sld [smem:$0x3FD9]  }
0x89: {  	s1 =	sld [smem:$0x3FFE];
	_ =	sdelay $0x3  }
0x8a: {  	s0 =	sadd.s32 s1, s0  }
0x8b: {  	[smem:$0x3F9B] =	sst s0  }
0x8c: {  	_ = 	snop  }
0x8d: {  	(tm) =	ssettm $0x1  }
0x8e: {  	s15 =	sld [smem:$0x3FFB];
	_ =	sdelay $0x3  }
0x8f: {  	_ =	strace s15  }
0x90: {  	s0 =	sld [smem:$0x3FFC];
	_ =	sdelay $0x3  }
0x91: {  	_ =	strace s0  }
0x92: {  	s0 =	sld [smem:$0x3FFD];
	_ =	sdelay $0x3  }
0x93: {  	_ =	strace s0  }
0x94: {  	_ =	strace $0x8FFFFFFF  }
0x95: {  	s16 =	sld [smem:$0x3FDB];
	_ =	sdelay $0x1  }
0x96: {  	s17 =	simm.s32 $_scs_section_size  }
0x97: {  	s2 =	simm.s32 $_size__tile_overlayer_lowered;
	s3 =	simm.s32 $_tile_overlayer_lowered  }
0x98: {  	s20 =	simm.s32 $0x1BFF;
	s19 =	sshll.u32 s3, $0x1;
	s0 =	sadd.s32 s17, s16  }
0x99: {  	s4 =	simm.s32 $0x0;
	s18 =	sshll.u32 s2, $0x1;
	s2 =	sadd.s32 s19, s0  }
0x9a: {  	[timem:s4], [sflag:s20] =	dma.local [hbm:s2], s18  }
0x9b: {  	_ =	swait.ge [sflag:s20], s18  }
0x9c: {  	s1 =	ssub.s32 $0x0, s18;
	[sflag:s20] =	ssyncset.done $0x0  }
0x9d: {  	[sflag:s20] =	ssyncadd.s32 s1;
	_ =	sdelay $0x1  }
0x9e: {  	s21 =	simm.s32 $0x1B8B  }
0x9f: {  	_ =	swait.ge [sflag:s21], $0x1  }
0xa0: {  	[sflag:s21] =	ssyncset.done $0x0  }
0xa1: {  	s23 =	simm.s32 $0x1B8E;
	s22 =	sld [smem:$0x3FFE];
	[sflag:s21] =	ssyncadd.s32 $0xFFFFFFFF  }
0xa2: {  	s24 =	simm.s32 $execute0_lowered;
	[smem:$0x3FD2] =	sst s23  }
0xa3: {  	s2 =	sshll.u32 s24, $0x1;
	_ =	strace $0x80000052;
	[dreg:$0x1] =	wrdreg $0xFFFFFFFF  }
0xa4: {  	s25 =	simm.s32 $_size_execute0_lowered;
	s0 =	sadd.s32 s0, s2;
	[dreg:$0x0] =	wrdreg $0x0  }
0xa5: {  	s2 =	sshll.u32 s25, $0x1;
	[dreg:$0x2] =	wrdreg s0  }
0xa6: {  	[dreg:$0x3] =	wrdreg s2  }
0xa7: {  	[dreg:$0x4] =	wrdreg $0xC0  }
0xa8: {  	_ =	task [dreg:s4], $0x5FFFF  }
0xa9: {  	[dreg:$0x1] =	wrdreg $0xFFFFFFFF  }
0xaa: {  	[dreg:$0x0] =	wrdreg $0x60  }
0xab: {  	[dreg:$0x2] =	wrdreg s22  }
0xac: {  	[dreg:$0x3] =	wrdreg $0x9  }
0xad: {  	_ =	task.clear_ibuf [dreg:s4], $0x4FFFF;
	_ =	strace $0x90000052  }
0xae: {  	s26 =	simm.s32 $0x9;
	_ =	strace $0x80000054  }
0xaf: {  	_ =	swait.ge [sflag:s26], $0x1  }
0xb0: {  	[sflag:s26] =	ssyncadd.s32 $0xFFFFFFFF  }
0xb1: {  	_ =	strace $0x90000054  }
0xb2: {  	_ =	sfence  }
0xb3: {  	s28 =	sld [smem:$0x0];
	_ =	sdelay $0x1  }
0xb4: {  	s29 =	srdreg.scid  }
0xb5: {  	s30 =	sshll.u32 s29, $0xD;
	s31 =	sshrl.u32 s29, $0x2  }
0xb6: {  	s1 =	sand.u32 $0x1, s29;
	s2 =	sand.u32 $0x4000, s30;
	s0 =	sadd.s32 s31, s28  }
0xb7: {  	s1 =	sor.u32 s2, s1;
	s0 =	sshll.u32 s0, $0x11  }
0xb8: {  	s0 =	sor.u32 s0, s1  }
0xb9: {  	s0 =	sadd.s32 $0x8F2B, s0  }
0xba: {  	[sflag:s0] =	ssyncadd.remote.s32 $0x1  }
0xbb: {  	_ =	sfence.sel $0xFFFF  }
0xbc: {  	[dreg:$0x0] =	wrdreg $0xFFFFFFFF;
	(pc) =	sbr.abs _section_cstart, $3  }
0xbd: {  	[dreg:$0x1] =	wrdreg $0xFFFFFFFF  }
0xbe: {  	_ =	task.clear_ibuf [dreg:s4], $0x2FFFF;
	_ =	strace $0x9FFFFFFF  }
0xbf: {  	(tm) =	ssettm $0x7FFFFFFF  }
tec
execute0_lowered:
.L_overlay_start_1:
0x0: {  	(tag) =	ssettag $0x1  }
0x1: {  	s2 =	rddreg [dreg:$0x0];
	_ =	strace $0x80000053;
	s1 =	simm.s32 $0x1  }
0x2: {  	v0 =	vimm.s32 $0x0;
	[sflag:s1] =	ssyncpa.u1 $0x0  }
0x3: {  	[tilespmem:$0xC8] =	vst v0  }
0x4: {  	[tilespmem:$0xD8] =	vst v0  }
0x5: {  	[tilespmem:$0xE8] =	vst v0  }
0x6: {  	[tilespmem:$0xF8] =	vst v0  }
0x7: {  	[tilespmem:$0x108] =	vst v0  }
0x8: {  	[tilespmem:$0x118] =	vst v0  }
0x9: {  	[tilespmem:$0x128] =	vst v0  }
0xa: {  	[tilespmem:$0x138] =	vst v0  }
0xb: {  	[tilespmem:$0x148] =	vst v0  }
0xc: {  	[tilespmem:$0x158] =	vst v0  }
0xd: {  	[tilespmem:$0x168] =	vst v0  }
0xe: {  	[tilespmem:$0x178] =	vst v0  }
0xf: {  	[tilespmem:$0x188] =	vst v0  }
0x10: {  	[tilespmem:$0x198] =	vst v0  }
0x11: {  	[tilespmem:$0x1A8] =	vst v0  }
0x12: {  	[tilespmem:$0x1B8] =	vst v0  }
0x13: {  	[tilespmem:$0x1C8] =	vst v0  }
0x14: {  	[tilespmem:$0x1D8] =	vst v0  }
0x15: {  	[tilespmem:$0x1E8] =	vst v0  }
0x16: {  	[tilespmem:$0x1F8] =	vst v0  }
0x17: {  	[tilespmem:$0x208] =	vst v0  }
0x18: {  	[tilespmem:$0x218] =	vst v0  }
0x19: {  	[tilespmem:$0x228] =	vst v0  }
0x1a: {  	[tilespmem:$0x238] =	vst v0  }
0x1b: {  	[tilespmem:$0x248] =	vst v0  }
0x1c: {  	[tilespmem:$0x258] =	vst v0  }
0x1d: {  	[tilespmem:$0x268] =	vst v0  }
0x1e: {  	[tilespmem:$0x278] =	vst v0  }
0x1f: {  	[tilespmem:$0x288] =	vst v0  }
0x20: {  	[tilespmem:$0x298] =	vst v0  }
0x21: {  	[tilespmem:$0x2A8] =	vst v0  }
0x22: {  	[tilespmem:$0x2B8] =	vst v0  }
0x23: {  	[tilespmem:$0x2C8] =	vst v0  }
0x24: {  	[tilespmem:$0x2D8] =	vst v0  }
0x25: {  	[tilespmem:$0x2E8] =	vst v0  }
0x26: {  	[tilespmem:$0x2F8] =	vst v0  }
0x27: {  	[tilespmem:$0x308] =	vst v0  }
0x28: {  	[tilespmem:$0x318] =	vst v0  }
0x29: {  	[tilespmem:$0x328] =	vst v0  }
0x2a: {  	[tilespmem:$0x338] =	vst v0  }
0x2b: {  	[tilespmem:$0x348] =	vst v0  }
0x2c: {  	[tilespmem:$0x358] =	vst v0  }
0x2d: {  	[tilespmem:$0x368] =	vst v0  }
0x2e: {  	[tilespmem:$0x378] =	vst v0  }
0x2f: {  	[tilespmem:$0x388] =	vst v0  }
0x30: {  	[tilespmem:$0x398] =	vst v0  }
0x31: {  	[tilespmem:$0x3A8] =	vst v0  }
0x32: {  	[tilespmem:$0x3B8] =	vst v0  }
0x33: {  	[tilespmem:$0x3C8] =	vst v0  }
0x34: {  	[tilespmem:$0x3D8] =	vst v0  }
0x35: {  	[tilespmem:$0x3E8] =	vst v0  }
0x36: {  	[tilespmem:$0x3F8] =	vst v0  }
0x37: {  	[tilespmem:$0x408] =	vst v0  }
0x38: {  	[tilespmem:$0x418] =	vst v0  }
0x39: {  	[tilespmem:$0x428] =	vst v0  }
0x3a: {  	[tilespmem:$0x438] =	vst v0  }
0x3b: {  	[tilespmem:$0x448] =	vst v0  }
0x3c: {  	[tilespmem:$0x458] =	vst v0  }
0x3d: {  	[tilespmem:$0x468] =	vst v0  }
0x3e: {  	[tilespmem:$0x478] =	vst v0  }
0x3f: {  	[tilespmem:$0x488] =	vst v0  }
0x40: {  	[tilespmem:$0x498] =	vst v0  }
0x41: {  	[tilespmem:$0x4A8] =	vst v0  }
0x42: {  	[tilespmem:$0x4B8] =	vst v0  }
0x43: {  	[tilespmem:$0x4C8] =	vst v0  }
0x44: {  	[tilespmem:$0x4D8] =	vst v0  }
0x45: {  	[tilespmem:$0x4E8] =	vst v0  }
0x46: {  	[tilespmem:$0x4F8] =	vst v0  }
0x47: {  	[tilespmem:$0x508] =	vst v0  }
0x48: {  	[tilespmem:$0x518] =	vst v0  }
0x49: {  	[tilespmem:$0x528] =	vst v0  }
0x4a: {  	[tilespmem:$0x538] =	vst v0  }
0x4b: {  	[tilespmem:$0x548] =	vst v0  }
0x4c: {  	[tilespmem:$0x558] =	vst v0  }
0x4d: {  	[tilespmem:$0x568] =	vst v0  }
0x4e: {  	[tilespmem:$0x578] =	vst v0  }
0x4f: {  	[tilespmem:$0x588] =	vst v0  }
0x50: {  	[tilespmem:$0x598] =	vst v0  }
0x51: {  	[tilespmem:$0x5A8] =	vst v0  }
0x52: {  	[tilespmem:$0x5B8] =	vst v0  }
0x53: {  	[tilespmem:$0x5C8] =	vst v0  }
0x54: {  	[tilespmem:$0x5D8] =	vst v0  }
0x55: {  	[tilespmem:$0x5E8] =	vst v0  }
0x56: {  	[tilespmem:$0x5F8] =	vst v0  }
0x57: {  	[tilespmem:$0x608] =	vst v0  }
0x58: {  	[tilespmem:$0x618] =	vst v0  }
0x59: {  	[tilespmem:$0x628] =	vst v0  }
0x5a: {  	[tilespmem:$0x638] =	vst v0  }
0x5b: {  	[tilespmem:$0x648] =	vst v0  }
0x5c: {  	[tilespmem:$0x658] =	vst v0  }
0x5d: {  	[tilespmem:$0x668] =	vst v0  }
0x5e: {  	[tilespmem:$0x678] =	vst v0  }
0x5f: {  	[tilespmem:$0x688] =	vst v0  }
0x60: {  	[tilespmem:$0x698] =	vst v0  }
0x61: {  	[tilespmem:$0x6A8] =	vst v0  }
0x62: {  	[tilespmem:$0x6B8] =	vst v0  }
0x63: {  	[tilespmem:$0x6C8] =	vst v0  }
0x64: {  	[tilespmem:$0x6D8] =	vst v0  }
0x65: {  	[tilespmem:$0x6E8] =	vst v0  }
0x66: {  	[tilespmem:$0x6F8] =	vst v0  }
0x67: {  	[tilespmem:$0x708] =	vst v0  }
0x68: {  	[tilespmem:$0x718] =	vst v0  }
0x69: {  	[tilespmem:$0x728] =	vst v0  }
0x6a: {  	[tilespmem:$0x738] =	vst v0  }
0x6b: {  	[tilespmem:$0x748] =	vst v0  }
0x6c: {  	[tilespmem:$0x758] =	vst v0  }
0x6d: {  	[tilespmem:$0x768] =	vst v0  }
0x6e: {  	[tilespmem:$0x778] =	vst v0  }
0x6f: {  	[tilespmem:$0x788] =	vst v0  }
0x70: {  	[tilespmem:$0x798] =	vst v0  }
0x71: {  	[tilespmem:$0x7A8] =	vst v0  }
0x72: {  	[tilespmem:$0x7B8] =	vst v0  }
0x73: {  	[tilespmem:$0x7C8] =	vst v0  }
0x74: {  	[tilespmem:$0x7D8] =	vst v0  }
0x75: {  	[tilespmem:$0x7E8] =	vst v0  }
0x76: {  	[tilespmem:$0x7F8] =	vst v0  }
0x77: {  	[tilespmem:$0x808] =	vst v0  }
0x78: {  	[tilespmem:$0x818] =	vst v0  }
0x79: {  	[tilespmem:$0x828] =	vst v0  }
0x7a: {  	[tilespmem:$0x838] =	vst v0  }
0x7b: {  	[tilespmem:$0x848] =	vst v0  }
0x7c: {  	[tilespmem:$0x858] =	vst v0  }
0x7d: {  	[tilespmem:$0x868] =	vst v0  }
0x7e: {  	[tilespmem:$0x878] =	vst v0  }
0x7f: {  	[tilespmem:$0x888] =	vst v0  }
0x80: {  	[tilespmem:$0x898] =	vst v0  }
0x81: {  	[tilespmem:$0x8A8] =	vst v0  }
0x82: {  	[tilespmem:$0x8B8] =	vst v0  }
0x83: {  	[tilespmem:$0x8C8] =	vst v0  }
0x84: {  	[tilespmem:$0x8D8] =	vst v0  }
0x85: {  	[tilespmem:$0x8E8] =	vst v0  }
0x86: {  	[tilespmem:$0x8F8] =	vst v0  }
0x87: {  	[tilespmem:$0x908] =	vst v0  }
0x88: {  	[tilespmem:$0x918] =	vst v0  }
0x89: {  	[tilespmem:$0x928] =	vst v0  }
0x8a: {  	[tilespmem:$0x938] =	vst v0  }
0x8b: {  	[tilespmem:$0x948] =	vst v0  }
0x8c: {  	[tilespmem:$0x958] =	vst v0  }
0x8d: {  	[tilespmem:$0x968] =	vst v0  }
0x8e: {  	[tilespmem:$0x978] =	vst v0  }
0x8f: {  	[tilespmem:$0x988] =	vst v0  }
0x90: {  	[tilespmem:$0x998] =	vst v0  }
0x91: {  	[tilespmem:$0x9A8] =	vst v0  }
0x92: {  	[tilespmem:$0x9B8] =	vst v0  }
0x93: {  	[tilespmem:$0x9C8] =	vst v0  }
0x94: {  	[tilespmem:$0x9D8] =	vst v0  }
0x95: {  	[tilespmem:$0x9E8] =	vst v0  }
0x96: {  	[tilespmem:$0x9F8] =	vst v0  }
0x97: {  	[tilespmem:$0xA08] =	vst v0  }
0x98: {  	[tilespmem:$0xA18] =	vst v0  }
0x99: {  	[tilespmem:$0xA28] =	vst v0  }
0x9a: {  	[tilespmem:$0xA38] =	vst v0  }
0x9b: {  	[tilespmem:$0xA48] =	vst v0  }
0x9c: {  	[tilespmem:$0xA58] =	vst v0  }
0x9d: {  	[tilespmem:$0xA68] =	vst v0  }
0x9e: {  	[tilespmem:$0xA78] =	vst v0  }
0x9f: {  	[tilespmem:$0xA88] =	vst v0  }
0xa0: {  	[tilespmem:$0xA98] =	vst v0  }
0xa1: {  	[tilespmem:$0xAA8] =	vst v0  }
0xa2: {  	[tilespmem:$0xAB8] =	vst v0  }
0xa3: {  	[tilespmem:$0xAC8] =	vst v0  }
0xa4: {  	[tilespmem:$0xAD8] =	vst v0  }
0xa5: {  	[tilespmem:$0xAE8] =	vst v0  }
0xa6: {  	[tilespmem:$0xAF8] =	vst v0  }
0xa7: {  	[tilespmem:$0xB08] =	vst v0  }
0xa8: {  	[tilespmem:$0xB18] =	vst v0  }
0xa9: {  	[tilespmem:$0xB28] =	vst v0  }
0xaa: {  	[tilespmem:$0xB38] =	vst v0  }
0xab: {  	[tilespmem:$0xB48] =	vst v0  }
0xac: {  	[tilespmem:$0xB58] =	vst v0  }
0xad: {  	[tilespmem:$0xB68] =	vst v0  }
0xae: {  	[tilespmem:$0xB78] =	vst v0  }
0xaf: {  	[tilespmem:$0xB88] =	vst v0  }
0xb0: {  	[tilespmem:$0xB98] =	vst v0  }
0xb1: {  	[tilespmem:$0xBA8] =	vst v0  }
0xb2: {  	[tilespmem:$0xBB8] =	vst v0  }
0xb3: {  	[tilespmem:$0xBC8] =	vst v0  }
0xb4: {  	[tilespmem:$0xBD8] =	vst v0  }
0xb5: {  	[tilespmem:$0xBE8] =	vst v0  }
0xb6: {  	[tilespmem:$0xBF8] =	vst v0  }
0xb7: {  	[tilespmem:$0xC08] =	vst v0  }
0xb8: {  	[tilespmem:$0xC18] =	vst v0  }
0xb9: {  	[tilespmem:$0xC28] =	vst v0  }
0xba: {  	[tilespmem:$0xC38] =	vst v0  }
0xbb: {  	[tilespmem:$0xC48] =	vst v0  }
0xbc: {  	[tilespmem:$0xC58] =	vst v0  }
0xbd: {  	[tilespmem:$0xC68] =	vst v0  }
0xbe: {  	[tilespmem:$0xC78] =	vst v0  }
0xbf: {  	[tilespmem:$0xC88] =	vst v0  }
0xc0: {  	[tilespmem:$0xC98] =	vst v0  }
0xc1: {  	[tilespmem:$0xCA8] =	vst v0  }
0xc2: {  	[tilespmem:$0xCB8] =	vst v0  }
0xc3: {  	[tilespmem:$0xCC8] =	vst v0  }
0xc4: {  	[tilespmem:$0xCD8] =	vst v0  }
0xc5: {  	[tilespmem:$0xCE8] =	vst v0  }
0xc6: {  	[tilespmem:$0xCF8] =	vst v0  }
0xc7: {  	[tilespmem:$0xD08] =	vst v0  }
0xc8: {  	[tilespmem:$0xD18] =	vst v0  }
0xc9: {  	[tilespmem:$0xD28] =	vst v0  }
0xca: {  	[tilespmem:$0xD38] =	vst v0  }
0xcb: {  	[tilespmem:$0xD48] =	vst v0  }
0xcc: {  	[tilespmem:$0xD58] =	vst v0  }
0xcd: {  	[tilespmem:$0xD68] =	vst v0  }
0xce: {  	[tilespmem:$0xD78] =	vst v0  }
0xcf: {  	[tilespmem:$0xD88] =	vst v0  }
0xd0: {  	[tilespmem:$0xD98] =	vst v0  }
0xd1: {  	[tilespmem:$0xDA8] =	vst v0  }
0xd2: {  	[tilespmem:$0xDB8] =	vst v0  }
0xd3: {  	[tilespmem:$0xDC8] =	vst v0  }
0xd4: {  	[tilespmem:$0xDD8] =	vst v0  }
0xd5: {  	[tilespmem:$0xDE8] =	vst v0  }
0xd6: {  	[tilespmem:$0xDF8] =	vst v0  }
0xd7: {  	[tilespmem:$0xE08] =	vst v0  }
0xd8: {  	[tilespmem:$0xE18] =	vst v0  }
0xd9: {  	[tilespmem:$0xE28] =	vst v0  }
0xda: {  	[tilespmem:$0xE38] =	vst v0  }
0xdb: {  	[tilespmem:$0xE48] =	vst v0  }
0xdc: {  	[tilespmem:$0xE58] =	vst v0  }
0xdd: {  	[tilespmem:$0xE68] =	vst v0  }
0xde: {  	[tilespmem:$0xE78] =	vst v0  }
0xdf: {  	[tilespmem:$0xE88] =	vst v0  }
0xe0: {  	[tilespmem:$0xE98] =	vst v0  }
0xe1: {  	[tilespmem:$0xEA8] =	vst v0  }
0xe2: {  	[tilespmem:$0xEB8] =	vst v0  }
0xe3: {  	[tilespmem:$0xEC8] =	vst v0  }
0xe4: {  	[tilespmem:$0xED8] =	vst v0  }
0xe5: {  	[tilespmem:$0xEE8] =	vst v0  }
0xe6: {  	[tilespmem:$0xEF8] =	vst v0  }
0xe7: {  	[tilespmem:$0xF08] =	vst v0  }
0xe8: {  	[tilespmem:$0xF18] =	vst v0  }
0xe9: {  	[tilespmem:$0xF28] =	vst v0  }
0xea: {  	[tilespmem:$0xF38] =	vst v0  }
0xeb: {  	[tilespmem:$0xF48] =	vst v0  }
0xec: {  	[tilespmem:$0xF58] =	vst v0  }
0xed: {  	[tilespmem:$0xF68] =	vst v0  }
0xee: {  	[tilespmem:$0xF78] =	vst v0  }
0xef: {  	[tilespmem:$0xF88] =	vst v0  }
0xf0: {  	[tilespmem:$0xF98] =	vst v0  }
0xf1: {  	[tilespmem:$0xFA8] =	vst v0  }
0xf2: {  	[tilespmem:$0xFB8] =	vst v0  }
0xf3: {  	[tilespmem:$0xFC8] =	vst v0  }
0xf4: {  	[tilespmem:$0xFD8] =	vst v0  }
0xf5: {  	[tilespmem:$0xFE8] =	vst v0  }
0xf6: {  	[tilespmem:$0xFF8] =	vst v0  }
0xf7: {  	[tilespmem:$0x1008] =	vst v0  }
0xf8: {  	[tilespmem:$0x1018] =	vst v0  }
0xf9: {  	[tilespmem:$0x1028] =	vst v0  }
0xfa: {  	[tilespmem:$0x1038] =	vst v0  }
0xfb: {  	[tilespmem:$0x1048] =	vst v0  }
0xfc: {  	[tilespmem:$0x1058] =	vst v0  }
0xfd: {  	[tilespmem:$0x1068] =	vst v0  }
0xfe: {  	[tilespmem:$0x1078] =	vst v0  }
0xff: {  	[tilespmem:$0x1088] =	vst v0  }
0x100: {  	[tilespmem:$0x1098] =	vst v0  }
0x101: {  	[tilespmem:$0x10A8] =	vst v0  }
0x102: {  	[tilespmem:$0x10B8] =	vst v0  }
0x103: {  	[tilespmem:$0x10C8] =	vst v0  }
0x104: {  	[tilespmem:$0x10D8] =	vst v0  }
0x105: {  	[tilespmem:$0x10E8] =	vst v0  }
0x106: {  	[tilespmem:$0x10F8] =	vst v0  }
0x107: {  	[tilespmem:$0x1108] =	vst v0  }
0x108: {  	[tilespmem:$0x1118] =	vst v0  }
0x109: {  	[tilespmem:$0x1128] =	vst v0  }
0x10a: {  	[tilespmem:$0x1138] =	vst v0  }
0x10b: {  	[tilespmem:$0x1148] =	vst v0  }
0x10c: {  	[tilespmem:$0x1158] =	vst v0  }
0x10d: {  	[tilespmem:$0x1168] =	vst v0  }
0x10e: {  	[tilespmem:$0x1178] =	vst v0  }
0x10f: {  	[tilespmem:$0x1188] =	vst v0  }
0x110: {  	[tilespmem:$0x1198] =	vst v0  }
0x111: {  	[tilespmem:$0x11A8] =	vst v0  }
0x112: {  	[tilespmem:$0x11B8] =	vst v0  }
0x113: {  	[tilespmem:$0x11C8] =	vst v0  }
0x114: {  	[tilespmem:$0x11D8] =	vst v0  }
0x115: {  	[tilespmem:$0x11E8] =	vst v0  }
0x116: {  	[tilespmem:$0x11F8] =	vst v0  }
0x117: {  	[tilespmem:$0x1208] =	vst v0  }
0x118: {  	[tilespmem:$0x1218] =	vst v0  }
0x119: {  	[tilespmem:$0x1228] =	vst v0  }
0x11a: {  	[tilespmem:$0x1238] =	vst v0  }
0x11b: {  	[tilespmem:$0x1248] =	vst v0  }
0x11c: {  	[tilespmem:$0x1258] =	vst v0  }
0x11d: {  	[tilespmem:$0x1268] =	vst v0  }
0x11e: {  	[tilespmem:$0x1278] =	vst v0  }
0x11f: {  	[tilespmem:$0x1288] =	vst v0  }
0x120: {  	[tilespmem:$0x1298] =	vst v0  }
0x121: {  	[tilespmem:$0x12A8] =	vst v0  }
0x122: {  	[tilespmem:$0x12B8] =	vst v0  }
0x123: {  	[tilespmem:$0x12C8] =	vst v0  }
0x124: {  	[tilespmem:$0x12D8] =	vst v0  }
0x125: {  	[tilespmem:$0x12E8] =	vst v0  }
0x126: {  	[tilespmem:$0x12F8] =	vst v0  }
0x127: {  	[tilespmem:$0x1308] =	vst v0  }
0x128: {  	[tilespmem:$0x1318] =	vst v0  }
0x129: {  	[tilespmem:$0x1328] =	vst v0  }
0x12a: {  	[tilespmem:$0x1338] =	vst v0  }
0x12b: {  	[tilespmem:$0x1348] =	vst v0  }
0x12c: {  	[tilespmem:$0x1358] =	vst v0  }
0x12d: {  	[tilespmem:$0x1368] =	vst v0  }
0x12e: {  	[tilespmem:$0x1378] =	vst v0  }
0x12f: {  	[tilespmem:$0x1388] =	vst v0  }
0x130: {  	[tilespmem:$0x1398] =	vst v0  }
0x131: {  	[tilespmem:$0x13A8] =	vst v0  }
0x132: {  	[tilespmem:$0x13B8] =	vst v0  }
0x133: {  	[tilespmem:$0x13C8] =	vst v0  }
0x134: {  	[tilespmem:$0x13D8] =	vst v0  }
0x135: {  	[tilespmem:$0x13E8] =	vst v0  }
0x136: {  	[tilespmem:$0x13F8] =	vst v0  }
0x137: {  	[tilespmem:$0x1408] =	vst v0  }
0x138: {  	[tilespmem:$0x1418] =	vst v0  }
0x139: {  	[tilespmem:$0x1428] =	vst v0  }
0x13a: {  	[tilespmem:$0x1438] =	vst v0  }
0x13b: {  	[tilespmem:$0x1448] =	vst v0  }
0x13c: {  	[tilespmem:$0x1458] =	vst v0  }
0x13d: {  	[tilespmem:$0x1468] =	vst v0  }
0x13e: {  	[tilespmem:$0x1478] =	vst v0  }
0x13f: {  	[tilespmem:$0x1488] =	vst v0  }
0x140: {  	[tilespmem:$0x1498] =	vst v0  }
0x141: {  	[tilespmem:$0x14A8] =	vst v0  }
0x142: {  	[tilespmem:$0x14B8] =	vst v0  }
0x143: {  	[tilespmem:$0x14C8] =	vst v0  }
0x144: {  	[tilespmem:$0x14D8] =	vst v0  }
0x145: {  	[tilespmem:$0x14E8] =	vst v0  }
0x146: {  	[tilespmem:$0x14F8] =	vst v0  }
0x147: {  	[tilespmem:$0x1508] =	vst v0  }
0x148: {  	[tilespmem:$0x1518] =	vst v0  }
0x149: {  	[tilespmem:$0x1528] =	vst v0  }
0x14a: {  	[tilespmem:$0x1538] =	vst v0  }
0x14b: {  	[tilespmem:$0x1548] =	vst v0  }
0x14c: {  	[tilespmem:$0x1558] =	vst v0  }
0x14d: {  	[tilespmem:$0x1568] =	vst v0  }
0x14e: {  	[tilespmem:$0x1578] =	vst v0  }
0x14f: {  	[tilespmem:$0x1588] =	vst v0  }
0x150: {  	[tilespmem:$0x1598] =	vst v0  }
0x151: {  	[tilespmem:$0x15A8] =	vst v0  }
0x152: {  	[tilespmem:$0x15B8] =	vst v0  }
0x153: {  	[tilespmem:$0x15C8] =	vst v0  }
0x154: {  	[tilespmem:$0x15D8] =	vst v0  }
0x155: {  	[tilespmem:$0x15E8] =	vst v0  }
0x156: {  	[tilespmem:$0x15F8] =	vst v0  }
0x157: {  	[tilespmem:$0x1608] =	vst v0  }
0x158: {  	[tilespmem:$0x1618] =	vst v0  }
0x159: {  	[tilespmem:$0x1628] =	vst v0  }
0x15a: {  	[tilespmem:$0x1638] =	vst v0  }
0x15b: {  	[tilespmem:$0x1648] =	vst v0  }
0x15c: {  	[tilespmem:$0x1658] =	vst v0  }
0x15d: {  	[tilespmem:$0x1668] =	vst v0  }
0x15e: {  	[tilespmem:$0x1678] =	vst v0  }
0x15f: {  	[tilespmem:$0x1688] =	vst v0  }
0x160: {  	[tilespmem:$0x1698] =	vst v0  }
0x161: {  	[tilespmem:$0x16A8] =	vst v0  }
0x162: {  	[tilespmem:$0x16B8] =	vst v0  }
0x163: {  	[tilespmem:$0x16C8] =	vst v0  }
0x164: {  	[tilespmem:$0x16D8] =	vst v0  }
0x165: {  	[tilespmem:$0x16E8] =	vst v0  }
0x166: {  	[tilespmem:$0x16F8] =	vst v0  }
0x167: {  	[tilespmem:$0x1708] =	vst v0  }
0x168: {  	[tilespmem:$0x1718] =	vst v0  }
0x169: {  	[tilespmem:$0x1728] =	vst v0  }
0x16a: {  	[tilespmem:$0x1738] =	vst v0  }
0x16b: {  	[tilespmem:$0x1748] =	vst v0  }
0x16c: {  	[tilespmem:$0x1758] =	vst v0  }
0x16d: {  	[tilespmem:$0x1768] =	vst v0  }
0x16e: {  	[tilespmem:$0x1778] =	vst v0  }
0x16f: {  	[tilespmem:$0x1788] =	vst v0  }
0x170: {  	[tilespmem:$0x1798] =	vst v0  }
0x171: {  	[tilespmem:$0x17A8] =	vst v0  }
0x172: {  	[tilespmem:$0x17B8] =	vst v0  }
0x173: {  	[tilespmem:$0x17C8] =	vst v0  }
0x174: {  	[tilespmem:$0x17D8] =	vst v0  }
0x175: {  	[tilespmem:$0x17E8] =	vst v0  }
0x176: {  	[tilespmem:$0x17F8] =	vst v0  }
0x177: {  	[tilespmem:$0x1808] =	vst v0  }
0x178: {  	[tilespmem:$0x1818] =	vst v0  }
0x179: {  	[tilespmem:$0x1828] =	vst v0  }
0x17a: {  	[tilespmem:$0x1838] =	vst v0  }
0x17b: {  	[tilespmem:$0x1848] =	vst v0  }
0x17c: {  	[tilespmem:$0x1858] =	vst v0  }
0x17d: {  	[tilespmem:$0x1868] =	vst v0  }
0x17e: {  	[tilespmem:$0x1878] =	vst v0  }
0x17f: {  	[tilespmem:$0x1888] =	vst v0  }
0x180: {  	[tilespmem:$0x1898] =	vst v0  }
0x181: {  	[tilespmem:$0x18A8] =	vst v0  }
0x182: {  	[tilespmem:$0x18B8] =	vst v0  }
0x183: {  	[tilespmem:$0x18C8] =	vst v0  }
0x184: {  	[tilespmem:$0x18D8] =	vst v0  }
0x185: {  	[tilespmem:$0x18E8] =	vst v0  }
0x186: {  	[tilespmem:$0x18F8] =	vst v0  }
0x187: {  	[tilespmem:$0x1908] =	vst v0  }
0x188: {  	[tilespmem:$0x1918] =	vst v0  }
0x189: {  	[tilespmem:$0x1928] =	vst v0  }
0x18a: {  	[tilespmem:$0x1938] =	vst v0  }
0x18b: {  	[tilespmem:$0x1948] =	vst v0  }
0x18c: {  	[tilespmem:$0x1958] =	vst v0  }
0x18d: {  	[tilespmem:$0x1968] =	vst v0  }
0x18e: {  	[tilespmem:$0x1978] =	vst v0  }
0x18f: {  	[tilespmem:$0x1988] =	vst v0  }
0x190: {  	[tilespmem:$0x1998] =	vst v0  }
0x191: {  	[tilespmem:$0x19A8] =	vst v0  }
0x192: {  	[tilespmem:$0x19B8] =	vst v0  }
0x193: {  	[tilespmem:$0x19C8] =	vst v0  }
0x194: {  	[tilespmem:$0x19D8] =	vst v0  }
0x195: {  	[tilespmem:$0x19E8] =	vst v0  }
0x196: {  	[tilespmem:$0x19F8] =	vst v0  }
0x197: {  	[tilespmem:$0x1A08] =	vst v0  }
0x198: {  	[tilespmem:$0x1A18] =	vst v0  }
0x199: {  	[tilespmem:$0x1A28] =	vst v0  }
0x19a: {  	[tilespmem:$0x1A38] =	vst v0  }
0x19b: {  	[tilespmem:$0x1A48] =	vst v0  }
0x19c: {  	[tilespmem:$0x1A58] =	vst v0  }
0x19d: {  	[tilespmem:$0x1A68] =	vst v0  }
0x19e: {  	[tilespmem:$0x1A78] =	vst v0  }
0x19f: {  	[tilespmem:$0x1A88] =	vst v0  }
0x1a0: {  	[tilespmem:$0x1A98] =	vst v0  }
0x1a1: {  	[tilespmem:$0x1AA8] =	vst v0  }
0x1a2: {  	[tilespmem:$0x1AB8] =	vst v0  }
0x1a3: {  	[tilespmem:$0x1AC8] =	vst v0  }
0x1a4: {  	[tilespmem:$0x1AD8] =	vst v0  }
0x1a5: {  	[tilespmem:$0x1AE8] =	vst v0  }
0x1a6: {  	[tilespmem:$0x1AF8] =	vst v0  }
0x1a7: {  	[tilespmem:$0x1B08] =	vst v0  }
0x1a8: {  	[tilespmem:$0x1B18] =	vst v0  }
0x1a9: {  	[tilespmem:$0x1B28] =	vst v0  }
0x1aa: {  	[tilespmem:$0x1B38] =	vst v0  }
0x1ab: {  	[tilespmem:$0x1B48] =	vst v0  }
0x1ac: {  	[tilespmem:$0x1B58] =	vst v0  }
0x1ad: {  	[tilespmem:$0x1B68] =	vst v0  }
0x1ae: {  	[tilespmem:$0x1B78] =	vst v0  }
0x1af: {  	[tilespmem:$0x1B88] =	vst v0  }
0x1b0: {  	[tilespmem:$0x1B98] =	vst v0  }
0x1b1: {  	[tilespmem:$0x1BA8] =	vst v0  }
0x1b2: {  	[tilespmem:$0x1BB8] =	vst v0  }
0x1b3: {  	[tilespmem:$0x1BC8] =	vst v0  }
0x1b4: {  	[tilespmem:$0x1BD8] =	vst v0  }
0x1b5: {  	[tilespmem:$0x1BE8] =	vst v0  }
0x1b6: {  	[tilespmem:$0x1BF8] =	vst v0  }
0x1b7: {  	[tilespmem:$0x1C08] =	vst v0  }
0x1b8: {  	[tilespmem:$0x1C18] =	vst v0  }
0x1b9: {  	[tilespmem:$0x1C28] =	vst v0  }
0x1ba: {  	[tilespmem:$0x1C38] =	vst v0  }
0x1bb: {  	[tilespmem:$0x1C48] =	vst v0  }
0x1bc: {  	[tilespmem:$0x1C58] =	vst v0  }
0x1bd: {  	[tilespmem:$0x1C68] =	vst v0  }
0x1be: {  	[tilespmem:$0x1C78] =	vst v0  }
0x1bf: {  	[tilespmem:$0x1C88] =	vst v0  }
0x1c0: {  	[tilespmem:$0x1C98] =	vst v0  }
0x1c1: {  	[tilespmem:$0x1CA8] =	vst v0  }
0x1c2: {  	[tilespmem:$0x1CB8] =	vst v0  }
0x1c3: {  	[tilespmem:$0x1CC8] =	vst v0  }
0x1c4: {  	[tilespmem:$0x1CD8] =	vst v0  }
0x1c5: {  	[tilespmem:$0x1CE8] =	vst v0  }
0x1c6: {  	[tilespmem:$0x1CF8] =	vst v0  }
0x1c7: {  	[tilespmem:$0x1D08] =	vst v0  }
0x1c8: {  	[tilespmem:$0x1D18] =	vst v0  }
0x1c9: {  	[tilespmem:$0x1D28] =	vst v0  }
0x1ca: {  	[tilespmem:$0x1D38] =	vst v0  }
0x1cb: {  	[tilespmem:$0x1D48] =	vst v0  }
0x1cc: {  	[tilespmem:$0x1D58] =	vst v0  }
0x1cd: {  	[tilespmem:$0x1D68] =	vst v0  }
0x1ce: {  	[tilespmem:$0x1D78] =	vst v0  }
0x1cf: {  	[tilespmem:$0x1D88] =	vst v0  }
0x1d0: {  	[tilespmem:$0x1D98] =	vst v0  }
0x1d1: {  	[tilespmem:$0x1DA8] =	vst v0  }
0x1d2: {  	[tilespmem:$0x1DB8] =	vst v0  }
0x1d3: {  	[tilespmem:$0x1DC8] =	vst v0  }
0x1d4: {  	[tilespmem:$0x1DD8] =	vst v0  }
0x1d5: {  	[tilespmem:$0x1DE8] =	vst v0  }
0x1d6: {  	[tilespmem:$0x1DF8] =	vst v0  }
0x1d7: {  	[tilespmem:$0x1E08] =	vst v0  }
0x1d8: {  	[tilespmem:$0x1E18] =	vst v0  }
0x1d9: {  	[tilespmem:$0x1E28] =	vst v0  }
0x1da: {  	[tilespmem:$0x1E38] =	vst v0  }
0x1db: {  	[tilespmem:$0x1E48] =	vst v0  }
0x1dc: {  	[tilespmem:$0x1E58] =	vst v0  }
0x1dd: {  	[tilespmem:$0x1E68] =	vst v0  }
0x1de: {  	[tilespmem:$0x1E78] =	vst v0  }
0x1df: {  	[tilespmem:$0x1E88] =	vst v0  }
0x1e0: {  	[tilespmem:$0x1E98] =	vst v0  }
0x1e1: {  	[tilespmem:$0x1EA8] =	vst v0  }
0x1e2: {  	[tilespmem:$0x1EB8] =	vst v0  }
0x1e3: {  	[tilespmem:$0x1EC8] =	vst v0  }
0x1e4: {  	[tilespmem:$0x1ED8] =	vst v0  }
0x1e5: {  	[tilespmem:$0x1EE8] =	vst v0  }
0x1e6: {  	[tilespmem:$0x1EF8] =	vst v0  }
0x1e7: {  	[tilespmem:$0x1F08] =	vst v0  }
0x1e8: {  	[tilespmem:$0x1F18] =	vst v0  }
0x1e9: {  	[tilespmem:$0x1F28] =	vst v0  }
0x1ea: {  	[tilespmem:$0x1F38] =	vst v0  }
0x1eb: {  	[tilespmem:$0x1F48] =	vst v0  }
0x1ec: {  	[tilespmem:$0x1F58] =	vst v0  }
0x1ed: {  	[tilespmem:$0x1F68] =	vst v0  }
0x1ee: {  	[tilespmem:$0x1F78] =	vst v0  }
0x1ef: {  	[tilespmem:$0x1F88] =	vst v0  }
0x1f0: {  	[tilespmem:$0x1F98] =	vst v0  }
0x1f1: {  	[tilespmem:$0x1FA8] =	vst v0  }
0x1f2: {  	[tilespmem:$0x1FB8] =	vst v0  }
0x1f3: {  	[tilespmem:$0x1FC8] =	vst v0  }
0x1f4: {  	[tilespmem:$0x1FD8] =	vst v0  }
0x1f5: {  	[tilespmem:$0x1FE8] =	vst v0  }
0x1f6: {  	[tilespmem:$0x1FF8] =	vst v0  }
0x1f7: {  	[tilespmem:$0x2008] =	vst v0  }
0x1f8: {  	[tilespmem:$0x2018] =	vst v0  }
0x1f9: {  	[tilespmem:$0x2028] =	vst v0  }
0x1fa: {  	[tilespmem:$0x2038] =	vst v0  }
0x1fb: {  	[tilespmem:$0x2048] =	vst v0  }
0x1fc: {  	[tilespmem:$0x2058] =	vst v0  }
0x1fd: {  	[tilespmem:$0x2068] =	vst v0  }
0x1fe: {  	[tilespmem:$0x2078] =	vst v0  }
0x1ff: {  	[tilespmem:$0x2088] =	vst v0  }
0x200: {  	[tilespmem:$0x2098] =	vst v0  }
0x201: {  	[tilespmem:$0x20A8] =	vst v0  }
0x202: {  	[tilespmem:$0x20B8] =	vst v0  }
0x203: {  	[tilespmem:$0x20C8] =	vst v0  }
0x204: {  	[tilespmem:$0x20D8] =	vst v0  }
0x205: {  	[tilespmem:$0x20E8] =	vst v0  }
0x206: {  	[tilespmem:$0x20F8] =	vst v0  }
0x207: {  	[tilespmem:$0x2108] =	vst v0  }
0x208: {  	[tilespmem:$0x2118] =	vst v0  }
0x209: {  	[tilespmem:$0x2128] =	vst v0  }
0x20a: {  	[tilespmem:$0x2138] =	vst v0  }
0x20b: {  	[tilespmem:$0x2148] =	vst v0  }
0x20c: {  	[tilespmem:$0x2158] =	vst v0  }
0x20d: {  	[tilespmem:$0x2168] =	vst v0  }
0x20e: {  	[tilespmem:$0x2178] =	vst v0  }
0x20f: {  	[tilespmem:$0x2188] =	vst v0  }
0x210: {  	[tilespmem:$0x2198] =	vst v0  }
0x211: {  	[tilespmem:$0x21A8] =	vst v0  }
0x212: {  	[tilespmem:$0x21B8] =	vst v0  }
0x213: {  	[tilespmem:$0x21C8] =	vst v0  }
0x214: {  	[tilespmem:$0x21D8] =	vst v0  }
0x215: {  	[tilespmem:$0x21E8] =	vst v0  }
0x216: {  	[tilespmem:$0x21F8] =	vst v0  }
0x217: {  	[tilespmem:$0x2208] =	vst v0  }
0x218: {  	[tilespmem:$0x2218] =	vst v0  }
0x219: {  	[tilespmem:$0x2228] =	vst v0  }
0x21a: {  	[tilespmem:$0x2238] =	vst v0  }
0x21b: {  	[tilespmem:$0x2248] =	vst v0  }
0x21c: {  	[tilespmem:$0x2258] =	vst v0  }
0x21d: {  	[tilespmem:$0x2268] =	vst v0  }
0x21e: {  	[tilespmem:$0x2278] =	vst v0  }
0x21f: {  	[tilespmem:$0x2288] =	vst v0  }
0x220: {  	[tilespmem:$0x2298] =	vst v0  }
0x221: {  	[tilespmem:$0x22A8] =	vst v0  }
0x222: {  	[tilespmem:$0x22B8] =	vst v0  }
0x223: {  	[tilespmem:$0x22C8] =	vst v0  }
0x224: {  	[tilespmem:$0x22D8] =	vst v0  }
0x225: {  	[tilespmem:$0x22E8] =	vst v0  }
0x226: {  	[tilespmem:$0x22F8] =	vst v0  }
0x227: {  	[tilespmem:$0x2308] =	vst v0  }
0x228: {  	[tilespmem:$0x2318] =	vst v0  }
0x229: {  	[tilespmem:$0x2328] =	vst v0  }
0x22a: {  	[tilespmem:$0x2338] =	vst v0  }
0x22b: {  	[tilespmem:$0x2348] =	vst v0  }
0x22c: {  	[tilespmem:$0x2358] =	vst v0  }
0x22d: {  	[tilespmem:$0x2368] =	vst v0  }
0x22e: {  	[tilespmem:$0x2378] =	vst v0  }
0x22f: {  	[tilespmem:$0x2388] =	vst v0  }
0x230: {  	[tilespmem:$0x2398] =	vst v0  }
0x231: {  	[tilespmem:$0x23A8] =	vst v0  }
0x232: {  	[tilespmem:$0x23B8] =	vst v0  }
0x233: {  	[tilespmem:$0x23C8] =	vst v0  }
0x234: {  	[tilespmem:$0x23D8] =	vst v0  }
0x235: {  	[tilespmem:$0x23E8] =	vst v0  }
0x236: {  	[tilespmem:$0x23F8] =	vst v0  }
0x237: {  	[tilespmem:$0x2408] =	vst v0  }
0x238: {  	[tilespmem:$0x2418] =	vst v0  }
0x239: {  	[tilespmem:$0x2428] =	vst v0  }
0x23a: {  	[tilespmem:$0x2438] =	vst v0  }
0x23b: {  	[tilespmem:$0x2448] =	vst v0  }
0x23c: {  	[tilespmem:$0x2458] =	vst v0  }
0x23d: {  	[tilespmem:$0x2468] =	vst v0  }
0x23e: {  	[tilespmem:$0x2478] =	vst v0  }
0x23f: {  	[tilespmem:$0x2488] =	vst v0  }
0x240: {  	[tilespmem:$0x2498] =	vst v0  }
0x241: {  	[tilespmem:$0x24A8] =	vst v0  }
0x242: {  	[tilespmem:$0x24B8] =	vst v0  }
0x243: {  	[tilespmem:$0x24C8] =	vst v0  }
0x244: {  	[tilespmem:$0x24D8] =	vst v0  }
0x245: {  	[tilespmem:$0x24E8] =	vst v0  }
0x246: {  	[tilespmem:$0x24F8] =	vst v0  }
0x247: {  	[tilespmem:$0x2508] =	vst v0  }
0x248: {  	[tilespmem:$0x2518] =	vst v0  }
0x249: {  	[tilespmem:$0x2528] =	vst v0  }
0x24a: {  	[tilespmem:$0x2538] =	vst v0  }
0x24b: {  	[tilespmem:$0x2548] =	vst v0  }
0x24c: {  	[tilespmem:$0x2558] =	vst v0  }
0x24d: {  	[tilespmem:$0x2568] =	vst v0  }
0x24e: {  	[tilespmem:$0x2578] =	vst v0  }
0x24f: {  	[tilespmem:$0x2588] =	vst v0  }
0x250: {  	[tilespmem:$0x2598] =	vst v0  }
0x251: {  	[tilespmem:$0x25A8] =	vst v0  }
0x252: {  	[tilespmem:$0x25B8] =	vst v0  }
0x253: {  	[tilespmem:$0x25C8] =	vst v0  }
0x254: {  	[tilespmem:$0x25D8] =	vst v0  }
0x255: {  	[tilespmem:$0x25E8] =	vst v0  }
0x256: {  	[tilespmem:$0x25F8] =	vst v0  }
0x257: {  	[tilespmem:$0x2608] =	vst v0  }
0x258: {  	[tilespmem:$0x2618] =	vst v0  }
0x259: {  	[tilespmem:$0x2628] =	vst v0  }
0x25a: {  	[tilespmem:$0x2638] =	vst v0  }
0x25b: {  	[tilespmem:$0x2648] =	vst v0  }
0x25c: {  	[tilespmem:$0x2658] =	vst v0  }
0x25d: {  	[tilespmem:$0x2668] =	vst v0  }
0x25e: {  	[tilespmem:$0x2678] =	vst v0  }
0x25f: {  	[tilespmem:$0x2688] =	vst v0  }
0x260: {  	[tilespmem:$0x2698] =	vst v0  }
0x261: {  	[tilespmem:$0x26A8] =	vst v0  }
0x262: {  	[tilespmem:$0x26B8] =	vst v0  }
0x263: {  	[tilespmem:$0x26C8] =	vst v0  }
0x264: {  	[tilespmem:$0x26D8] =	vst v0  }
0x265: {  	[tilespmem:$0x26E8] =	vst v0  }
0x266: {  	[tilespmem:$0x26F8] =	vst v0  }
0x267: {  	[tilespmem:$0x2708] =	vst v0  }
0x268: {  	[tilespmem:$0x2718] =	vst v0  }
0x269: {  	[tilespmem:$0x2728] =	vst v0  }
0x26a: {  	[tilespmem:$0x2738] =	vst v0  }
0x26b: {  	[tilespmem:$0x2748] =	vst v0  }
0x26c: {  	[tilespmem:$0x2758] =	vst v0  }
0x26d: {  	[tilespmem:$0x2768] =	vst v0  }
0x26e: {  	[tilespmem:$0x2778] =	vst v0  }
0x26f: {  	[tilespmem:$0x2788] =	vst v0  }
0x270: {  	[tilespmem:$0x2798] =	vst v0  }
0x271: {  	[tilespmem:$0x27A8] =	vst v0  }
0x272: {  	[tilespmem:$0x27B8] =	vst v0  }
0x273: {  	[tilespmem:$0x27C8] =	vst v0  }
0x274: {  	[tilespmem:$0x27D8] =	vst v0  }
0x275: {  	[tilespmem:$0x27E8] =	vst v0  }
0x276: {  	[tilespmem:$0x27F8] =	vst v0  }
0x277: {  	[tilespmem:$0x2808] =	vst v0  }
0x278: {  	[tilespmem:$0x2818] =	vst v0  }
0x279: {  	[tilespmem:$0x2828] =	vst v0  }
0x27a: {  	[tilespmem:$0x2838] =	vst v0  }
0x27b: {  	[tilespmem:$0x2848] =	vst v0  }
0x27c: {  	[tilespmem:$0x2858] =	vst v0  }
0x27d: {  	[tilespmem:$0x2868] =	vst v0  }
0x27e: {  	[tilespmem:$0x2878] =	vst v0  }
0x27f: {  	[tilespmem:$0x2888] =	vst v0  }
0x280: {  	[tilespmem:$0x2898] =	vst v0  }
0x281: {  	[tilespmem:$0x28A8] =	vst v0  }
0x282: {  	[tilespmem:$0x28B8] =	vst v0  }
0x283: {  	[tilespmem:$0x28C8] =	vst v0  }
0x284: {  	[tilespmem:$0x28D8] =	vst v0  }
0x285: {  	[tilespmem:$0x28E8] =	vst v0  }
0x286: {  	[tilespmem:$0x28F8] =	vst v0  }
0x287: {  	[tilespmem:$0x2908] =	vst v0  }
0x288: {  	[tilespmem:$0x2918] =	vst v0  }
0x289: {  	[tilespmem:$0x2928] =	vst v0  }
0x28a: {  	[tilespmem:$0x2938] =	vst v0  }
0x28b: {  	[tilespmem:$0x2948] =	vst v0  }
0x28c: {  	[tilespmem:$0x2958] =	vst v0  }
0x28d: {  	[tilespmem:$0x2968] =	vst v0  }
0x28e: {  	[tilespmem:$0x2978] =	vst v0  }
0x28f: {  	[tilespmem:$0x2988] =	vst v0  }
0x290: {  	[tilespmem:$0x2998] =	vst v0  }
0x291: {  	[tilespmem:$0x29A8] =	vst v0  }
0x292: {  	[tilespmem:$0x29B8] =	vst v0  }
0x293: {  	[tilespmem:$0x29C8] =	vst v0  }
0x294: {  	[tilespmem:$0x29D8] =	vst v0  }
0x295: {  	[tilespmem:$0x29E8] =	vst v0  }
0x296: {  	[tilespmem:$0x29F8] =	vst v0  }
0x297: {  	[tilespmem:$0x2A08] =	vst v0  }
0x298: {  	[tilespmem:$0x2A18] =	vst v0  }
0x299: {  	[tilespmem:$0x2A28] =	vst v0  }
0x29a: {  	[tilespmem:$0x2A38] =	vst v0  }
0x29b: {  	[tilespmem:$0x2A48] =	vst v0  }
0x29c: {  	[tilespmem:$0x2A58] =	vst v0  }
0x29d: {  	[tilespmem:$0x2A68] =	vst v0  }
0x29e: {  	[tilespmem:$0x2A78] =	vst v0  }
0x29f: {  	[tilespmem:$0x2A88] =	vst v0  }
0x2a0: {  	[tilespmem:$0x2A98] =	vst v0  }
0x2a1: {  	[tilespmem:$0x2AA8] =	vst v0  }
0x2a2: {  	[tilespmem:$0x2AB8] =	vst v0  }
0x2a3: {  	[tilespmem:$0x2AC8] =	vst v0  }
0x2a4: {  	[tilespmem:$0x2AD8] =	vst v0  }
0x2a5: {  	[tilespmem:$0x2AE8] =	vst v0  }
0x2a6: {  	[tilespmem:$0x2AF8] =	vst v0  }
0x2a7: {  	[tilespmem:$0x2B08] =	vst v0  }
0x2a8: {  	[tilespmem:$0x2B18] =	vst v0  }
0x2a9: {  	[tilespmem:$0x2B28] =	vst v0  }
0x2aa: {  	[tilespmem:$0x2B38] =	vst v0  }
0x2ab: {  	[tilespmem:$0x2B48] =	vst v0  }
0x2ac: {  	[tilespmem:$0x2B58] =	vst v0  }
0x2ad: {  	[tilespmem:$0x2B68] =	vst v0  }
0x2ae: {  	[tilespmem:$0x2B78] =	vst v0  }
0x2af: {  	[tilespmem:$0x2B88] =	vst v0  }
0x2b0: {  	[tilespmem:$0x2B98] =	vst v0  }
0x2b1: {  	[tilespmem:$0x2BA8] =	vst v0  }
0x2b2: {  	[tilespmem:$0x2BB8] =	vst v0  }
0x2b3: {  	[tilespmem:$0x2BC8] =	vst v0  }
0x2b4: {  	[tilespmem:$0x2BD8] =	vst v0  }
0x2b5: {  	[tilespmem:$0x2BE8] =	vst v0  }
0x2b6: {  	[tilespmem:$0x2BF8] =	vst v0  }
0x2b7: {  	[tilespmem:$0x2C08] =	vst v0  }
0x2b8: {  	[tilespmem:$0x2C18] =	vst v0  }
0x2b9: {  	[tilespmem:$0x2C28] =	vst v0  }
0x2ba: {  	[tilespmem:$0x2C38] =	vst v0  }
0x2bb: {  	[tilespmem:$0x2C48] =	vst v0  }
0x2bc: {  	[tilespmem:$0x2C58] =	vst v0  }
0x2bd: {  	[tilespmem:$0x2C68] =	vst v0  }
0x2be: {  	[tilespmem:$0x2C78] =	vst v0  }
0x2bf: {  	[tilespmem:$0x2C88] =	vst v0  }
0x2c0: {  	[tilespmem:$0x2C98] =	vst v0  }
0x2c1: {  	[tilespmem:$0x2CA8] =	vst v0  }
0x2c2: {  	[tilespmem:$0x2CB8] =	vst v0  }
0x2c3: {  	[tilespmem:$0x2CC8] =	vst v0  }
0x2c4: {  	[tilespmem:$0x2CD8] =	vst v0  }
0x2c5: {  	[tilespmem:$0x2CE8] =	vst v0  }
0x2c6: {  	[tilespmem:$0x2CF8] =	vst v0  }
0x2c7: {  	[tilespmem:$0x2D08] =	vst v0  }
0x2c8: {  	[tilespmem:$0x2D18] =	vst v0  }
0x2c9: {  	[tilespmem:$0x2D28] =	vst v0  }
0x2ca: {  	[tilespmem:$0x2D38] =	vst v0  }
0x2cb: {  	[tilespmem:$0x2D48] =	vst v0  }
0x2cc: {  	[tilespmem:$0x2D58] =	vst v0  }
0x2cd: {  	[tilespmem:$0x2D68] =	vst v0  }
0x2ce: {  	[tilespmem:$0x2D78] =	vst v0  }
0x2cf: {  	[tilespmem:$0x2D88] =	vst v0  }
0x2d0: {  	[tilespmem:$0x2D98] =	vst v0  }
0x2d1: {  	[tilespmem:$0x2DA8] =	vst v0  }
0x2d2: {  	[tilespmem:$0x2DB8] =	vst v0  }
0x2d3: {  	[tilespmem:$0x2DC8] =	vst v0  }
0x2d4: {  	[tilespmem:$0x2DD8] =	vst v0  }
0x2d5: {  	[tilespmem:$0x2DE8] =	vst v0  }
0x2d6: {  	[tilespmem:$0x2DF8] =	vst v0  }
0x2d7: {  	[tilespmem:$0x2E08] =	vst v0  }
0x2d8: {  	[tilespmem:$0x2E18] =	vst v0  }
0x2d9: {  	[tilespmem:$0x2E28] =	vst v0  }
0x2da: {  	[tilespmem:$0x2E38] =	vst v0  }
0x2db: {  	[tilespmem:$0x2E48] =	vst v0  }
0x2dc: {  	[tilespmem:$0x2E58] =	vst v0  }
0x2dd: {  	[tilespmem:$0x2E68] =	vst v0  }
0x2de: {  	[tilespmem:$0x2E78] =	vst v0  }
0x2df: {  	[tilespmem:$0x2E88] =	vst v0  }
0x2e0: {  	[tilespmem:$0x2E98] =	vst v0  }
0x2e1: {  	[tilespmem:$0x2EA8] =	vst v0  }
0x2e2: {  	[tilespmem:$0x2EB8] =	vst v0  }
0x2e3: {  	[tilespmem:$0x2EC8] =	vst v0  }
0x2e4: {  	[tilespmem:$0x2ED8] =	vst v0  }
0x2e5: {  	[tilespmem:$0x2EE8] =	vst v0  }
0x2e6: {  	[tilespmem:$0x2EF8] =	vst v0  }
0x2e7: {  	[tilespmem:$0x2F08] =	vst v0  }
0x2e8: {  	[tilespmem:$0x2F18] =	vst v0  }
0x2e9: {  	[tilespmem:$0x2F28] =	vst v0  }
0x2ea: {  	[tilespmem:$0x2F38] =	vst v0  }
0x2eb: {  	[tilespmem:$0x2F48] =	vst v0  }
0x2ec: {  	[tilespmem:$0x2F58] =	vst v0  }
0x2ed: {  	[tilespmem:$0x2F68] =	vst v0  }
0x2ee: {  	[tilespmem:$0x2F78] =	vst v0  }
0x2ef: {  	[tilespmem:$0x2F88] =	vst v0  }
0x2f0: {  	[tilespmem:$0x2F98] =	vst v0  }
0x2f1: {  	[tilespmem:$0x2FA8] =	vst v0  }
0x2f2: {  	[tilespmem:$0x2FB8] =	vst v0  }
0x2f3: {  	[tilespmem:$0x2FC8] =	vst v0  }
0x2f4: {  	[tilespmem:$0x2FD8] =	vst v0  }
0x2f5: {  	[tilespmem:$0x2FE8] =	vst v0  }
0x2f6: {  	[tilespmem:$0x2FF8] =	vst v0  }
0x2f7: {  	[tilespmem:$0x3008] =	vst v0  }
0x2f8: {  	[tilespmem:$0x3018] =	vst v0  }
0x2f9: {  	[tilespmem:$0x3028] =	vst v0  }
0x2fa: {  	[tilespmem:$0x3038] =	vst v0  }
0x2fb: {  	[tilespmem:$0x3048] =	vst v0  }
0x2fc: {  	[tilespmem:$0x3058] =	vst v0  }
0x2fd: {  	[tilespmem:$0x3068] =	vst v0  }
0x2fe: {  	[tilespmem:$0x3078] =	vst v0  }
0x2ff: {  	[tilespmem:$0x3088] =	vst v0  }
0x300: {  	[tilespmem:$0x3098] =	vst v0  }
0x301: {  	[tilespmem:$0x30A8] =	vst v0  }
0x302: {  	[tilespmem:$0x30B8] =	vst v0  }
0x303: {  	[tilespmem:$0x30C8] =	vst v0  }
0x304: {  	[tilespmem:$0x30D8] =	vst v0  }
0x305: {  	[tilespmem:$0x30E8] =	vst v0  }
0x306: {  	[tilespmem:$0x30F8] =	vst v0  }
0x307: {  	[tilespmem:$0x3108] =	vst v0  }
0x308: {  	[tilespmem:$0x3118] =	vst v0  }
0x309: {  	[tilespmem:$0x3128] =	vst v0  }
0x30a: {  	[tilespmem:$0x3138] =	vst v0  }
0x30b: {  	[tilespmem:$0x3148] =	vst v0  }
0x30c: {  	[tilespmem:$0x3158] =	vst v0  }
0x30d: {  	[tilespmem:$0x3168] =	vst v0  }
0x30e: {  	[tilespmem:$0x3178] =	vst v0  }
0x30f: {  	[tilespmem:$0x3188] =	vst v0  }
0x310: {  	[tilespmem:$0x3198] =	vst v0  }
0x311: {  	[tilespmem:$0x31A8] =	vst v0  }
0x312: {  	[tilespmem:$0x31B8] =	vst v0  }
0x313: {  	[tilespmem:$0x31C8] =	vst v0  }
0x314: {  	[tilespmem:$0x31D8] =	vst v0  }
0x315: {  	[tilespmem:$0x31E8] =	vst v0  }
0x316: {  	[tilespmem:$0x31F8] =	vst v0  }
0x317: {  	[tilespmem:$0x3208] =	vst v0  }
0x318: {  	[tilespmem:$0x3218] =	vst v0  }
0x319: {  	[tilespmem:$0x3228] =	vst v0  }
0x31a: {  	[tilespmem:$0x3238] =	vst v0  }
0x31b: {  	[tilespmem:$0x3248] =	vst v0  }
0x31c: {  	[tilespmem:$0x3258] =	vst v0  }
0x31d: {  	[tilespmem:$0x3268] =	vst v0  }
0x31e: {  	[tilespmem:$0x3278] =	vst v0  }
0x31f: {  	[tilespmem:$0x3288] =	vst v0  }
0x320: {  	[tilespmem:$0x3298] =	vst v0  }
0x321: {  	[tilespmem:$0x32A8] =	vst v0  }
0x322: {  	[tilespmem:$0x32B8] =	vst v0  }
0x323: {  	[tilespmem:$0x32C8] =	vst v0  }
0x324: {  	[tilespmem:$0x32D8] =	vst v0  }
0x325: {  	[tilespmem:$0x32E8] =	vst v0  }
0x326: {  	[tilespmem:$0x32F8] =	vst v0  }
0x327: {  	[tilespmem:$0x3308] =	vst v0  }
0x328: {  	[tilespmem:$0x3318] =	vst v0  }
0x329: {  	[tilespmem:$0x3328] =	vst v0  }
0x32a: {  	[tilespmem:$0x3338] =	vst v0  }
0x32b: {  	[tilespmem:$0x3348] =	vst v0  }
0x32c: {  	[tilespmem:$0x3358] =	vst v0  }
0x32d: {  	[tilespmem:$0x3368] =	vst v0  }
0x32e: {  	[tilespmem:$0x3378] =	vst v0  }
0x32f: {  	[tilespmem:$0x3388] =	vst v0  }
0x330: {  	[tilespmem:$0x3398] =	vst v0  }
0x331: {  	[tilespmem:$0x33A8] =	vst v0  }
0x332: {  	[tilespmem:$0x33B8] =	vst v0  }
0x333: {  	[tilespmem:$0x33C8] =	vst v0  }
0x334: {  	[tilespmem:$0x33D8] =	vst v0  }
0x335: {  	[tilespmem:$0x33E8] =	vst v0  }
0x336: {  	[tilespmem:$0x33F8] =	vst v0  }
0x337: {  	[tilespmem:$0x3408] =	vst v0  }
0x338: {  	[tilespmem:$0x3418] =	vst v0  }
0x339: {  	[tilespmem:$0x3428] =	vst v0  }
0x33a: {  	[tilespmem:$0x3438] =	vst v0  }
0x33b: {  	[tilespmem:$0x3448] =	vst v0  }
0x33c: {  	[tilespmem:$0x3458] =	vst v0  }
0x33d: {  	[tilespmem:$0x3468] =	vst v0  }
0x33e: {  	[tilespmem:$0x3478] =	vst v0  }
0x33f: {  	[tilespmem:$0x3488] =	vst v0  }
0x340: {  	[tilespmem:$0x3498] =	vst v0  }
0x341: {  	[tilespmem:$0x34A8] =	vst v0  }
0x342: {  	[tilespmem:$0x34B8] =	vst v0  }
0x343: {  	[tilespmem:$0x34C8] =	vst v0  }
0x344: {  	[tilespmem:$0x34D8] =	vst v0  }
0x345: {  	[tilespmem:$0x34E8] =	vst v0  }
0x346: {  	[tilespmem:$0x34F8] =	vst v0  }
0x347: {  	[tilespmem:$0x3508] =	vst v0  }
0x348: {  	[tilespmem:$0x3518] =	vst v0  }
0x349: {  	[tilespmem:$0x3528] =	vst v0  }
0x34a: {  	[tilespmem:$0x3538] =	vst v0  }
0x34b: {  	[tilespmem:$0x3548] =	vst v0  }
0x34c: {  	[tilespmem:$0x3558] =	vst v0  }
0x34d: {  	[tilespmem:$0x3568] =	vst v0  }
0x34e: {  	[tilespmem:$0x3578] =	vst v0  }
0x34f: {  	[tilespmem:$0x3588] =	vst v0  }
0x350: {  	[tilespmem:$0x3598] =	vst v0  }
0x351: {  	[tilespmem:$0x35A8] =	vst v0  }
0x352: {  	[tilespmem:$0x35B8] =	vst v0  }
0x353: {  	[tilespmem:$0x35C8] =	vst v0  }
0x354: {  	[tilespmem:$0x35D8] =	vst v0  }
0x355: {  	[tilespmem:$0x35E8] =	vst v0  }
0x356: {  	[tilespmem:$0x35F8] =	vst v0  }
0x357: {  	[tilespmem:$0x3608] =	vst v0  }
0x358: {  	[tilespmem:$0x3618] =	vst v0  }
0x359: {  	[tilespmem:$0x3628] =	vst v0  }
0x35a: {  	[tilespmem:$0x3638] =	vst v0  }
0x35b: {  	[tilespmem:$0x3648] =	vst v0  }
0x35c: {  	[tilespmem:$0x3658] =	vst v0  }
0x35d: {  	[tilespmem:$0x3668] =	vst v0  }
0x35e: {  	[tilespmem:$0x3678] =	vst v0  }
0x35f: {  	[tilespmem:$0x3688] =	vst v0  }
0x360: {  	[tilespmem:$0x3698] =	vst v0  }
0x361: {  	[tilespmem:$0x36A8] =	vst v0  }
0x362: {  	[tilespmem:$0x36B8] =	vst v0  }
0x363: {  	[tilespmem:$0x36C8] =	vst v0  }
0x364: {  	[tilespmem:$0x36D8] =	vst v0  }
0x365: {  	[tilespmem:$0x36E8] =	vst v0  }
0x366: {  	[tilespmem:$0x36F8] =	vst v0  }
0x367: {  	[tilespmem:$0x3708] =	vst v0  }
0x368: {  	[tilespmem:$0x3718] =	vst v0  }
0x369: {  	[tilespmem:$0x3728] =	vst v0  }
0x36a: {  	[tilespmem:$0x3738] =	vst v0  }
0x36b: {  	[tilespmem:$0x3748] =	vst v0  }
0x36c: {  	[tilespmem:$0x3758] =	vst v0  }
0x36d: {  	[tilespmem:$0x3768] =	vst v0  }
0x36e: {  	[tilespmem:$0x3778] =	vst v0  }
0x36f: {  	[tilespmem:$0x3788] =	vst v0  }
0x370: {  	[tilespmem:$0x3798] =	vst v0  }
0x371: {  	[tilespmem:$0x37A8] =	vst v0  }
0x372: {  	[tilespmem:$0x37B8] =	vst v0  }
0x373: {  	[tilespmem:$0x37C8] =	vst v0  }
0x374: {  	[tilespmem:$0x37D8] =	vst v0  }
0x375: {  	[tilespmem:$0x37E8] =	vst v0  }
0x376: {  	[tilespmem:$0x37F8] =	vst v0  }
0x377: {  	[tilespmem:$0x3808] =	vst v0  }
0x378: {  	[tilespmem:$0x3818] =	vst v0  }
0x379: {  	[tilespmem:$0x3828] =	vst v0  }
0x37a: {  	[tilespmem:$0x3838] =	vst v0  }
0x37b: {  	[tilespmem:$0x3848] =	vst v0  }
0x37c: {  	[tilespmem:$0x3858] =	vst v0  }
0x37d: {  	[tilespmem:$0x3868] =	vst v0  }
0x37e: {  	[tilespmem:$0x3878] =	vst v0  }
0x37f: {  	[tilespmem:$0x3888] =	vst v0  }
0x380: {  	[tilespmem:$0x3898] =	vst v0  }
0x381: {  	[tilespmem:$0x38A8] =	vst v0  }
0x382: {  	[tilespmem:$0x38B8] =	vst v0  }
0x383: {  	[tilespmem:$0x38C8] =	vst v0  }
0x384: {  	[tilespmem:$0x38D8] =	vst v0  }
0x385: {  	[tilespmem:$0x38E8] =	vst v0  }
0x386: {  	[tilespmem:$0x38F8] =	vst v0  }
0x387: {  	[tilespmem:$0x3908] =	vst v0  }
0x388: {  	[tilespmem:$0x3918] =	vst v0  }
0x389: {  	[tilespmem:$0x3928] =	vst v0  }
0x38a: {  	[tilespmem:$0x3938] =	vst v0  }
0x38b: {  	[tilespmem:$0x3948] =	vst v0  }
0x38c: {  	[tilespmem:$0x3958] =	vst v0  }
0x38d: {  	[tilespmem:$0x3968] =	vst v0  }
0x38e: {  	[tilespmem:$0x3978] =	vst v0  }
0x38f: {  	[tilespmem:$0x3988] =	vst v0  }
0x390: {  	[tilespmem:$0x3998] =	vst v0  }
0x391: {  	[tilespmem:$0x39A8] =	vst v0  }
0x392: {  	[tilespmem:$0x39B8] =	vst v0  }
0x393: {  	[tilespmem:$0x39C8] =	vst v0  }
0x394: {  	[tilespmem:$0x39D8] =	vst v0  }
0x395: {  	[tilespmem:$0x39E8] =	vst v0  }
0x396: {  	[tilespmem:$0x39F8] =	vst v0  }
0x397: {  	[tilespmem:$0x3A08] =	vst v0  }
0x398: {  	[tilespmem:$0x3A18] =	vst v0  }
0x399: {  	[tilespmem:$0x3A28] =	vst v0  }
0x39a: {  	[tilespmem:$0x3A38] =	vst v0  }
0x39b: {  	[tilespmem:$0x3A48] =	vst v0  }
0x39c: {  	[tilespmem:$0x3A58] =	vst v0  }
0x39d: {  	[tilespmem:$0x3A68] =	vst v0  }
0x39e: {  	[tilespmem:$0x3A78] =	vst v0  }
0x39f: {  	[tilespmem:$0x3A88] =	vst v0  }
0x3a0: {  	[tilespmem:$0x3A98] =	vst v0  }
0x3a1: {  	[tilespmem:$0x3AA8] =	vst v0  }
0x3a2: {  	[tilespmem:$0x3AB8] =	vst v0  }
0x3a3: {  	[tilespmem:$0x3AC8] =	vst v0  }
0x3a4: {  	[tilespmem:$0x3AD8] =	vst v0  }
0x3a5: {  	[tilespmem:$0x3AE8] =	vst v0  }
0x3a6: {  	[tilespmem:$0x3AF8] =	vst v0  }
0x3a7: {  	[tilespmem:$0x3B08] =	vst v0  }
0x3a8: {  	[tilespmem:$0x3B18] =	vst v0  }
0x3a9: {  	[tilespmem:$0x3B28] =	vst v0  }
0x3aa: {  	[tilespmem:$0x3B38] =	vst v0  }
0x3ab: {  	[tilespmem:$0x3B48] =	vst v0  }
0x3ac: {  	[tilespmem:$0x3B58] =	vst v0  }
0x3ad: {  	[tilespmem:$0x3B68] =	vst v0  }
0x3ae: {  	[tilespmem:$0x3B78] =	vst v0  }
0x3af: {  	[tilespmem:$0x3B88] =	vst v0  }
0x3b0: {  	[tilespmem:$0x3B98] =	vst v0  }
0x3b1: {  	[tilespmem:$0x3BA8] =	vst v0  }
0x3b2: {  	[tilespmem:$0x3BB8] =	vst v0  }
0x3b3: {  	[tilespmem:$0x3BC8] =	vst v0  }
0x3b4: {  	[tilespmem:$0x3BD8] =	vst v0  }
0x3b5: {  	[tilespmem:$0x3BE8] =	vst v0  }
0x3b6: {  	[tilespmem:$0x3BF8] =	vst v0  }
0x3b7: {  	[tilespmem:$0x3C08] =	vst v0  }
0x3b8: {  	[tilespmem:$0x3C18] =	vst v0  }
0x3b9: {  	[tilespmem:$0x3C28] =	vst v0  }
0x3ba: {  	[tilespmem:$0x3C38] =	vst v0  }
0x3bb: {  	[tilespmem:$0x3C48] =	vst v0  }
0x3bc: {  	[tilespmem:$0x3C58] =	vst v0  }
0x3bd: {  	[tilespmem:$0x3C68] =	vst v0  }
0x3be: {  	[tilespmem:$0x3C78] =	vst v0  }
0x3bf: {  	[tilespmem:$0x3C88] =	vst v0  }
0x3c0: {  	[tilespmem:$0x3C98] =	vst v0  }
0x3c1: {  	[tilespmem:$0x3CA8] =	vst v0  }
0x3c2: {  	[tilespmem:$0x3CB8] =	vst v0  }
0x3c3: {  	[tilespmem:$0x3CC8] =	vst v0  }
0x3c4: {  	[tilespmem:$0x3CD8] =	vst v0  }
0x3c5: {  	[tilespmem:$0x3CE8] =	vst v0  }
0x3c6: {  	[tilespmem:$0x3CF8] =	vst v0  }
0x3c7: {  	[tilespmem:$0x3D08] =	vst v0  }
0x3c8: {  	[tilespmem:$0x3D18] =	vst v0  }
0x3c9: {  	[tilespmem:$0x3D28] =	vst v0  }
0x3ca: {  	[tilespmem:$0x3D38] =	vst v0  }
0x3cb: {  	[tilespmem:$0x3D48] =	vst v0  }
0x3cc: {  	[tilespmem:$0x3D58] =	vst v0  }
0x3cd: {  	[tilespmem:$0x3D68] =	vst v0  }
0x3ce: {  	[tilespmem:$0x3D78] =	vst v0  }
0x3cf: {  	[tilespmem:$0x3D88] =	vst v0  }
0x3d0: {  	[tilespmem:$0x3D98] =	vst v0  }
0x3d1: {  	[tilespmem:$0x3DA8] =	vst v0  }
0x3d2: {  	[tilespmem:$0x3DB8] =	vst v0  }
0x3d3: {  	[tilespmem:$0x3DC8] =	vst v0  }
0x3d4: {  	[tilespmem:$0x3DD8] =	vst v0  }
0x3d5: {  	[tilespmem:$0x3DE8] =	vst v0  }
0x3d6: {  	[tilespmem:$0x3DF8] =	vst v0  }
0x3d7: {  	[tilespmem:$0x3E08] =	vst v0  }
0x3d8: {  	[tilespmem:$0x3E18] =	vst v0  }
0x3d9: {  	[tilespmem:$0x3E28] =	vst v0  }
0x3da: {  	[tilespmem:$0x3E38] =	vst v0  }
0x3db: {  	[tilespmem:$0x3E48] =	vst v0  }
0x3dc: {  	[tilespmem:$0x3E58] =	vst v0  }
0x3dd: {  	[tilespmem:$0x3E68] =	vst v0  }
0x3de: {  	[tilespmem:$0x3E78] =	vst v0  }
0x3df: {  	[tilespmem:$0x3E88] =	vst v0  }
0x3e0: {  	[tilespmem:$0x3E98] =	vst v0  }
0x3e1: {  	[tilespmem:$0x3EA8] =	vst v0  }
0x3e2: {  	[tilespmem:$0x3EB8] =	vst v0  }
0x3e3: {  	[tilespmem:$0x3EC8] =	vst v0  }
0x3e4: {  	[tilespmem:$0x3ED8] =	vst v0  }
0x3e5: {  	[tilespmem:$0x3EE8] =	vst v0  }
0x3e6: {  	[tilespmem:$0x3EF8] =	vst v0  }
0x3e7: {  	[tilespmem:$0x3F08] =	vst v0  }
0x3e8: {  	[tilespmem:$0x3F18] =	vst v0  }
0x3e9: {  	[tilespmem:$0x3F28] =	vst v0  }
0x3ea: {  	[tilespmem:$0x3F38] =	vst v0  }
0x3eb: {  	[tilespmem:$0x3F48] =	vst v0  }
0x3ec: {  	[tilespmem:$0x3F58] =	vst v0  }
0x3ed: {  	[tilespmem:$0x3F68] =	vst v0  }
0x3ee: {  	[tilespmem:$0x3F78] =	vst v0  }
0x3ef: {  	[tilespmem:$0x3F88] =	vst v0  }
0x3f0: {  	[tilespmem:$0x3F98] =	vst v0  }
0x3f1: {  	[tilespmem:$0x3FA8] =	vst v0  }
0x3f2: {  	[tilespmem:$0x3FB8] =	vst v0  }
0x3f3: {  	[tilespmem:$0x3FC8] =	vst v0  }
0x3f4: {  	[tilespmem:$0x3FD8] =	vst v0  }
0x3f5: {  	[tilespmem:$0x3FE8] =	vst v0  }
0x3f6: {  	[tilespmem:$0x3FF8] =	vst v0  }
0x3f7: {  	[tilespmem:$0x4008] =	vst v0  }
0x3f8: {  	[tilespmem:$0x4018] =	vst v0  }
0x3f9: {  	[tilespmem:$0x4028] =	vst v0  }
0x3fa: {  	[tilespmem:$0x4038] =	vst v0  }
0x3fb: {  	[tilespmem:$0x4048] =	vst v0  }
0x3fc: {  	[tilespmem:$0x4058] =	vst v0  }
0x3fd: {  	[tilespmem:$0x4068] =	vst v0  }
0x3fe: {  	[tilespmem:$0x4078] =	vst v0  }
0x3ff: {  	[tilespmem:$0x4088] =	vst v0  }
0x400: {  	[tilespmem:$0x4098] =	vst v0  }
0x401: {  	[tilespmem:$0x40A8] =	vst v0  }
0x402: {  	[tilespmem:$0x40B8] =	vst v0  }
0x403: {  	[tilespmem:$0x40C8] =	vst v0  }
0x404: {  	[tilespmem:$0x40D8] =	vst v0  }
0x405: {  	[tilespmem:$0x40E8] =	vst v0  }
0x406: {  	[tilespmem:$0x40F8] =	vst v0  }
0x407: {  	[tilespmem:$0x4108] =	vst v0  }
0x408: {  	[tilespmem:$0x4118] =	vst v0  }
0x409: {  	[tilespmem:$0x4128] =	vst v0  }
0x40a: {  	[tilespmem:$0x4138] =	vst v0  }
0x40b: {  	[tilespmem:$0x4148] =	vst v0  }
0x40c: {  	[tilespmem:$0x4158] =	vst v0  }
0x40d: {  	[tilespmem:$0x4168] =	vst v0  }
0x40e: {  	[tilespmem:$0x4178] =	vst v0  }
0x40f: {  	[tilespmem:$0x4188] =	vst v0  }
0x410: {  	[tilespmem:$0x4198] =	vst v0  }
0x411: {  	[tilespmem:$0x41A8] =	vst v0  }
0x412: {  	[tilespmem:$0x41B8] =	vst v0  }
0x413: {  	[tilespmem:$0x41C8] =	vst v0  }
0x414: {  	[tilespmem:$0x41D8] =	vst v0  }
0x415: {  	[tilespmem:$0x41E8] =	vst v0  }
0x416: {  	[tilespmem:$0x41F8] =	vst v0  }
0x417: {  	[tilespmem:$0x4208] =	vst v0  }
0x418: {  	[tilespmem:$0x4218] =	vst v0  }
0x419: {  	[tilespmem:$0x4228] =	vst v0  }
0x41a: {  	[tilespmem:$0x4238] =	vst v0  }
0x41b: {  	[tilespmem:$0x4248] =	vst v0  }
0x41c: {  	[tilespmem:$0x4258] =	vst v0  }
0x41d: {  	[tilespmem:$0x4268] =	vst v0  }
0x41e: {  	[tilespmem:$0x4278] =	vst v0  }
0x41f: {  	[tilespmem:$0x4288] =	vst v0  }
0x420: {  	[tilespmem:$0x4298] =	vst v0  }
0x421: {  	[tilespmem:$0x42A8] =	vst v0  }
0x422: {  	[tilespmem:$0x42B8] =	vst v0  }
0x423: {  	[tilespmem:$0x42C8] =	vst v0  }
0x424: {  	[tilespmem:$0x42D8] =	vst v0  }
0x425: {  	[tilespmem:$0x42E8] =	vst v0  }
0x426: {  	[tilespmem:$0x42F8] =	vst v0  }
0x427: {  	[tilespmem:$0x4308] =	vst v0  }
0x428: {  	[tilespmem:$0x4318] =	vst v0  }
0x429: {  	[tilespmem:$0x4328] =	vst v0  }
0x42a: {  	[tilespmem:$0x4338] =	vst v0  }
0x42b: {  	[tilespmem:$0x4348] =	vst v0  }
0x42c: {  	[tilespmem:$0x4358] =	vst v0  }
0x42d: {  	[tilespmem:$0x4368] =	vst v0  }
0x42e: {  	[tilespmem:$0x4378] =	vst v0  }
0x42f: {  	[tilespmem:$0x4388] =	vst v0  }
0x430: {  	[tilespmem:$0x4398] =	vst v0  }
0x431: {  	[tilespmem:$0x43A8] =	vst v0  }
0x432: {  	[tilespmem:$0x43B8] =	vst v0  }
0x433: {  	[tilespmem:$0x43C8] =	vst v0  }
0x434: {  	[tilespmem:$0x43D8] =	vst v0  }
0x435: {  	[tilespmem:$0x43E8] =	vst v0  }
0x436: {  	[tilespmem:$0x43F8] =	vst v0  }
0x437: {  	[tilespmem:$0x4408] =	vst v0  }
0x438: {  	[tilespmem:$0x4418] =	vst v0  }
0x439: {  	[tilespmem:$0x4428] =	vst v0  }
0x43a: {  	[tilespmem:$0x4438] =	vst v0  }
0x43b: {  	[tilespmem:$0x4448] =	vst v0  }
0x43c: {  	[tilespmem:$0x4458] =	vst v0  }
0x43d: {  	[tilespmem:$0x4468] =	vst v0  }
0x43e: {  	[tilespmem:$0x4478] =	vst v0  }
0x43f: {  	[tilespmem:$0x4488] =	vst v0  }
0x440: {  	[tilespmem:$0x4498] =	vst v0  }
0x441: {  	[tilespmem:$0x44A8] =	vst v0  }
0x442: {  	[tilespmem:$0x44B8] =	vst v0  }
0x443: {  	[tilespmem:$0x44C8] =	vst v0  }
0x444: {  	[tilespmem:$0x44D8] =	vst v0  }
0x445: {  	[tilespmem:$0x44E8] =	vst v0  }
0x446: {  	[tilespmem:$0x44F8] =	vst v0  }
0x447: {  	[tilespmem:$0x4508] =	vst v0  }
0x448: {  	[tilespmem:$0x4518] =	vst v0  }
0x449: {  	[tilespmem:$0x4528] =	vst v0  }
0x44a: {  	[tilespmem:$0x4538] =	vst v0  }
0x44b: {  	[tilespmem:$0x4548] =	vst v0  }
0x44c: {  	[tilespmem:$0x4558] =	vst v0  }
0x44d: {  	[tilespmem:$0x4568] =	vst v0  }
0x44e: {  	[tilespmem:$0x4578] =	vst v0  }
0x44f: {  	[tilespmem:$0x4588] =	vst v0  }
0x450: {  	[tilespmem:$0x4598] =	vst v0  }
0x451: {  	[tilespmem:$0x45A8] =	vst v0  }
0x452: {  	[tilespmem:$0x45B8] =	vst v0  }
0x453: {  	[tilespmem:$0x45C8] =	vst v0  }
0x454: {  	[tilespmem:$0x45D8] =	vst v0  }
0x455: {  	[tilespmem:$0x45E8] =	vst v0  }
0x456: {  	[tilespmem:$0x45F8] =	vst v0  }
0x457: {  	[tilespmem:$0x4608] =	vst v0  }
0x458: {  	[tilespmem:$0x4618] =	vst v0  }
0x459: {  	[tilespmem:$0x4628] =	vst v0  }
0x45a: {  	[tilespmem:$0x4638] =	vst v0  }
0x45b: {  	[tilespmem:$0x4648] =	vst v0  }
0x45c: {  	[tilespmem:$0x4658] =	vst v0  }
0x45d: {  	[tilespmem:$0x4668] =	vst v0  }
0x45e: {  	[tilespmem:$0x4678] =	vst v0  }
0x45f: {  	[tilespmem:$0x4688] =	vst v0  }
0x460: {  	[tilespmem:$0x4698] =	vst v0  }
0x461: {  	[tilespmem:$0x46A8] =	vst v0  }
0x462: {  	[tilespmem:$0x46B8] =	vst v0  }
0x463: {  	[tilespmem:$0x46C8] =	vst v0  }
0x464: {  	[tilespmem:$0x46D8] =	vst v0  }
0x465: {  	[tilespmem:$0x46E8] =	vst v0  }
0x466: {  	[tilespmem:$0x46F8] =	vst v0  }
0x467: {  	[tilespmem:$0x4708] =	vst v0  }
0x468: {  	[tilespmem:$0x4718] =	vst v0  }
0x469: {  	[tilespmem:$0x4728] =	vst v0  }
0x46a: {  	[tilespmem:$0x4738] =	vst v0  }
0x46b: {  	[tilespmem:$0x4748] =	vst v0  }
0x46c: {  	[tilespmem:$0x4758] =	vst v0  }
0x46d: {  	[tilespmem:$0x4768] =	vst v0  }
0x46e: {  	[tilespmem:$0x4778] =	vst v0  }
0x46f: {  	[tilespmem:$0x4788] =	vst v0  }
0x470: {  	[tilespmem:$0x4798] =	vst v0  }
0x471: {  	[tilespmem:$0x47A8] =	vst v0  }
0x472: {  	[tilespmem:$0x47B8] =	vst v0  }
0x473: {  	[tilespmem:$0x47C8] =	vst v0  }
0x474: {  	[tilespmem:$0x47D8] =	vst v0  }
0x475: {  	[tilespmem:$0x47E8] =	vst v0  }
0x476: {  	[tilespmem:$0x47F8] =	vst v0  }
0x477: {  	[tilespmem:$0x4808] =	vst v0  }
0x478: {  	[tilespmem:$0x4818] =	vst v0  }
0x479: {  	[tilespmem:$0x4828] =	vst v0  }
0x47a: {  	[tilespmem:$0x4838] =	vst v0  }
0x47b: {  	[tilespmem:$0x4848] =	vst v0  }
0x47c: {  	[tilespmem:$0x4858] =	vst v0  }
0x47d: {  	[tilespmem:$0x4868] =	vst v0  }
0x47e: {  	[tilespmem:$0x4878] =	vst v0  }
0x47f: {  	[tilespmem:$0x4888] =	vst v0  }
0x480: {  	[tilespmem:$0x4898] =	vst v0  }
0x481: {  	[tilespmem:$0x48A8] =	vst v0  }
0x482: {  	[tilespmem:$0x48B8] =	vst v0  }
0x483: {  	[tilespmem:$0x48C8] =	vst v0  }
0x484: {  	[tilespmem:$0x48D8] =	vst v0  }
0x485: {  	[tilespmem:$0x48E8] =	vst v0  }
0x486: {  	[tilespmem:$0x48F8] =	vst v0  }
0x487: {  	[tilespmem:$0x4908] =	vst v0  }
0x488: {  	[tilespmem:$0x4918] =	vst v0  }
0x489: {  	[tilespmem:$0x4928] =	vst v0  }
0x48a: {  	[tilespmem:$0x4938] =	vst v0  }
0x48b: {  	[tilespmem:$0x4948] =	vst v0  }
0x48c: {  	[tilespmem:$0x4958] =	vst v0  }
0x48d: {  	[tilespmem:$0x4968] =	vst v0  }
0x48e: {  	[tilespmem:$0x4978] =	vst v0  }
0x48f: {  	[tilespmem:$0x4988] =	vst v0  }
0x490: {  	[tilespmem:$0x4998] =	vst v0  }
0x491: {  	[tilespmem:$0x49A8] =	vst v0  }
0x492: {  	[tilespmem:$0x49B8] =	vst v0  }
0x493: {  	[tilespmem:$0x49C8] =	vst v0  }
0x494: {  	[tilespmem:$0x49D8] =	vst v0  }
0x495: {  	[tilespmem:$0x49E8] =	vst v0  }
0x496: {  	[tilespmem:$0x49F8] =	vst v0  }
0x497: {  	[tilespmem:$0x4A08] =	vst v0  }
0x498: {  	[tilespmem:$0x4A18] =	vst v0  }
0x499: {  	[tilespmem:$0x4A28] =	vst v0  }
0x49a: {  	[tilespmem:$0x4A38] =	vst v0  }
0x49b: {  	[tilespmem:$0x4A48] =	vst v0  }
0x49c: {  	[tilespmem:$0x4A58] =	vst v0  }
0x49d: {  	[tilespmem:$0x4A68] =	vst v0  }
0x49e: {  	[tilespmem:$0x4A78] =	vst v0  }
0x49f: {  	[tilespmem:$0x4A88] =	vst v0  }
0x4a0: {  	[tilespmem:$0x4A98] =	vst v0  }
0x4a1: {  	[tilespmem:$0x4AA8] =	vst v0  }
0x4a2: {  	[tilespmem:$0x4AB8] =	vst v0  }
0x4a3: {  	[tilespmem:$0x4AC8] =	vst v0  }
0x4a4: {  	[tilespmem:$0x4AD8] =	vst v0  }
0x4a5: {  	[tilespmem:$0x4AE8] =	vst v0  }
0x4a6: {  	[tilespmem:$0x4AF8] =	vst v0  }
0x4a7: {  	[tilespmem:$0x4B08] =	vst v0  }
0x4a8: {  	[tilespmem:$0x4B18] =	vst v0  }
0x4a9: {  	[tilespmem:$0x4B28] =	vst v0  }
0x4aa: {  	[tilespmem:$0x4B38] =	vst v0  }
0x4ab: {  	[tilespmem:$0x4B48] =	vst v0  }
0x4ac: {  	[tilespmem:$0x4B58] =	vst v0  }
0x4ad: {  	[tilespmem:$0x4B68] =	vst v0  }
0x4ae: {  	[tilespmem:$0x4B78] =	vst v0  }
0x4af: {  	[tilespmem:$0x4B88] =	vst v0  }
0x4b0: {  	[tilespmem:$0x4B98] =	vst v0  }
0x4b1: {  	[tilespmem:$0x4BA8] =	vst v0  }
0x4b2: {  	[tilespmem:$0x4BB8] =	vst v0  }
0x4b3: {  	[tilespmem:$0x4BC8] =	vst v0  }
0x4b4: {  	[tilespmem:$0x4BD8] =	vst v0  }
0x4b5: {  	[tilespmem:$0x4BE8] =	vst v0  }
0x4b6: {  	[tilespmem:$0x4BF8] =	vst v0  }
0x4b7: {  	[tilespmem:$0x4C08] =	vst v0  }
0x4b8: {  	[tilespmem:$0x4C18] =	vst v0  }
0x4b9: {  	[tilespmem:$0x4C28] =	vst v0  }
0x4ba: {  	[tilespmem:$0x4C38] =	vst v0  }
0x4bb: {  	[tilespmem:$0x4C48] =	vst v0  }
0x4bc: {  	[tilespmem:$0x4C58] =	vst v0  }
0x4bd: {  	[tilespmem:$0x4C68] =	vst v0  }
0x4be: {  	[tilespmem:$0x4C78] =	vst v0  }
0x4bf: {  	[tilespmem:$0x4C88] =	vst v0  }
0x4c0: {  	[tilespmem:$0x4C98] =	vst v0  }
0x4c1: {  	[tilespmem:$0x4CA8] =	vst v0  }
0x4c2: {  	[tilespmem:$0x4CB8] =	vst v0  }
0x4c3: {  	[tilespmem:$0x4CC8] =	vst v0  }
0x4c4: {  	[tilespmem:$0x4CD8] =	vst v0  }
0x4c5: {  	[tilespmem:$0x4CE8] =	vst v0  }
0x4c6: {  	[tilespmem:$0x4CF8] =	vst v0  }
0x4c7: {  	[tilespmem:$0x4D08] =	vst v0  }
0x4c8: {  	[tilespmem:$0x4D18] =	vst v0  }
0x4c9: {  	[tilespmem:$0x4D28] =	vst v0  }
0x4ca: {  	[tilespmem:$0x4D38] =	vst v0  }
0x4cb: {  	[tilespmem:$0x4D48] =	vst v0  }
0x4cc: {  	[tilespmem:$0x4D58] =	vst v0  }
0x4cd: {  	[tilespmem:$0x4D68] =	vst v0  }
0x4ce: {  	[tilespmem:$0x4D78] =	vst v0  }
0x4cf: {  	[tilespmem:$0x4D88] =	vst v0  }
0x4d0: {  	[tilespmem:$0x4D98] =	vst v0  }
0x4d1: {  	[tilespmem:$0x4DA8] =	vst v0  }
0x4d2: {  	[tilespmem:$0x4DB8] =	vst v0  }
0x4d3: {  	[tilespmem:$0x4DC8] =	vst v0  }
0x4d4: {  	[tilespmem:$0x4DD8] =	vst v0  }
0x4d5: {  	[tilespmem:$0x4DE8] =	vst v0  }
0x4d6: {  	[tilespmem:$0x4DF8] =	vst v0  }
0x4d7: {  	[tilespmem:$0x4E08] =	vst v0  }
0x4d8: {  	[tilespmem:$0x4E18] =	vst v0  }
0x4d9: {  	[tilespmem:$0x4E28] =	vst v0  }
0x4da: {  	[tilespmem:$0x4E38] =	vst v0  }
0x4db: {  	[tilespmem:$0x4E48] =	vst v0  }
0x4dc: {  	[tilespmem:$0x4E58] =	vst v0  }
0x4dd: {  	[tilespmem:$0x4E68] =	vst v0  }
0x4de: {  	[tilespmem:$0x4E78] =	vst v0  }
0x4df: {  	[tilespmem:$0x4E88] =	vst v0  }
0x4e0: {  	[tilespmem:$0x4E98] =	vst v0  }
0x4e1: {  	[tilespmem:$0x4EA8] =	vst v0  }
0x4e2: {  	[tilespmem:$0x4EB8] =	vst v0  }
0x4e3: {  	[tilespmem:$0x4EC8] =	vst v0  }
0x4e4: {  	[tilespmem:$0x4ED8] =	vst v0  }
0x4e5: {  	[tilespmem:$0x4EE8] =	vst v0  }
0x4e6: {  	[tilespmem:$0x4EF8] =	vst v0  }
0x4e7: {  	[tilespmem:$0x4F08] =	vst v0  }
0x4e8: {  	[tilespmem:$0x4F18] =	vst v0  }
0x4e9: {  	[tilespmem:$0x4F28] =	vst v0  }
0x4ea: {  	[tilespmem:$0x4F38] =	vst v0  }
0x4eb: {  	[tilespmem:$0x4F48] =	vst v0  }
0x4ec: {  	[tilespmem:$0x4F58] =	vst v0  }
0x4ed: {  	[tilespmem:$0x4F68] =	vst v0  }
0x4ee: {  	[tilespmem:$0x4F78] =	vst v0  }
0x4ef: {  	[tilespmem:$0x4F88] =	vst v0  }
0x4f0: {  	[tilespmem:$0x4F98] =	vst v0  }
0x4f1: {  	[tilespmem:$0x4FA8] =	vst v0  }
0x4f2: {  	[tilespmem:$0x4FB8] =	vst v0  }
0x4f3: {  	[tilespmem:$0x4FC8] =	vst v0  }
0x4f4: {  	[tilespmem:$0x4FD8] =	vst v0  }
0x4f5: {  	[tilespmem:$0x4FE8] =	vst v0  }
0x4f6: {  	[tilespmem:$0x4FF8] =	vst v0  }
0x4f7: {  	[tilespmem:$0x5008] =	vst v0  }
0x4f8: {  	[tilespmem:$0x5018] =	vst v0  }
0x4f9: {  	[tilespmem:$0x5028] =	vst v0  }
0x4fa: {  	[tilespmem:$0x5038] =	vst v0  }
0x4fb: {  	[tilespmem:$0x5048] =	vst v0  }
0x4fc: {  	[tilespmem:$0x5058] =	vst v0  }
0x4fd: {  	[tilespmem:$0x5068] =	vst v0  }
0x4fe: {  	[tilespmem:$0x5078] =	vst v0  }
0x4ff: {  	[tilespmem:$0x5088] =	vst v0  }
0x500: {  	[tilespmem:$0x5098] =	vst v0  }
0x501: {  	[tilespmem:$0x50A8] =	vst v0  }
0x502: {  	[tilespmem:$0x50B8] =	vst v0  }
0x503: {  	[tilespmem:$0x50C8] =	vst v0  }
0x504: {  	[tilespmem:$0x50D8] =	vst v0  }
0x505: {  	[tilespmem:$0x50E8] =	vst v0  }
0x506: {  	[tilespmem:$0x50F8] =	vst v0  }
0x507: {  	[tilespmem:$0x5108] =	vst v0  }
0x508: {  	[tilespmem:$0x5118] =	vst v0  }
0x509: {  	[tilespmem:$0x5128] =	vst v0  }
0x50a: {  	[tilespmem:$0x5138] =	vst v0  }
0x50b: {  	[tilespmem:$0x5148] =	vst v0  }
0x50c: {  	[tilespmem:$0x5158] =	vst v0  }
0x50d: {  	[tilespmem:$0x5168] =	vst v0  }
0x50e: {  	[tilespmem:$0x5178] =	vst v0  }
0x50f: {  	[tilespmem:$0x5188] =	vst v0  }
0x510: {  	[tilespmem:$0x5198] =	vst v0  }
0x511: {  	[tilespmem:$0x51A8] =	vst v0  }
0x512: {  	[tilespmem:$0x51B8] =	vst v0  }
0x513: {  	[tilespmem:$0x51C8] =	vst v0  }
0x514: {  	[tilespmem:$0x51D8] =	vst v0  }
0x515: {  	[tilespmem:$0x51E8] =	vst v0  }
0x516: {  	[tilespmem:$0x51F8] =	vst v0  }
0x517: {  	[tilespmem:$0x5208] =	vst v0  }
0x518: {  	[tilespmem:$0x5218] =	vst v0  }
0x519: {  	[tilespmem:$0x5228] =	vst v0  }
0x51a: {  	[tilespmem:$0x5238] =	vst v0  }
0x51b: {  	[tilespmem:$0x5248] =	vst v0  }
0x51c: {  	[tilespmem:$0x5258] =	vst v0  }
0x51d: {  	[tilespmem:$0x5268] =	vst v0  }
0x51e: {  	[tilespmem:$0x5278] =	vst v0  }
0x51f: {  	[tilespmem:$0x5288] =	vst v0  }
0x520: {  	[tilespmem:$0x5298] =	vst v0  }
0x521: {  	[tilespmem:$0x52A8] =	vst v0  }
0x522: {  	[tilespmem:$0x52B8] =	vst v0  }
0x523: {  	[tilespmem:$0x52C8] =	vst v0  }
0x524: {  	[tilespmem:$0x52D8] =	vst v0  }
0x525: {  	[tilespmem:$0x52E8] =	vst v0  }
0x526: {  	[tilespmem:$0x52F8] =	vst v0  }
0x527: {  	[tilespmem:$0x5308] =	vst v0  }
0x528: {  	[tilespmem:$0x5318] =	vst v0  }
0x529: {  	[tilespmem:$0x5328] =	vst v0  }
0x52a: {  	[tilespmem:$0x5338] =	vst v0  }
0x52b: {  	[tilespmem:$0x5348] =	vst v0  }
0x52c: {  	[tilespmem:$0x5358] =	vst v0  }
0x52d: {  	[tilespmem:$0x5368] =	vst v0  }
0x52e: {  	[tilespmem:$0x5378] =	vst v0  }
0x52f: {  	[tilespmem:$0x5388] =	vst v0  }
0x530: {  	[tilespmem:$0x5398] =	vst v0  }
0x531: {  	[tilespmem:$0x53A8] =	vst v0  }
0x532: {  	[tilespmem:$0x53B8] =	vst v0  }
0x533: {  	[tilespmem:$0x53C8] =	vst v0  }
0x534: {  	[tilespmem:$0x53D8] =	vst v0  }
0x535: {  	[tilespmem:$0x53E8] =	vst v0  }
0x536: {  	[tilespmem:$0x53F8] =	vst v0  }
0x537: {  	[tilespmem:$0x5408] =	vst v0  }
0x538: {  	[tilespmem:$0x5418] =	vst v0  }
0x539: {  	[tilespmem:$0x5428] =	vst v0  }
0x53a: {  	[tilespmem:$0x5438] =	vst v0  }
0x53b: {  	[tilespmem:$0x5448] =	vst v0  }
0x53c: {  	[tilespmem:$0x5458] =	vst v0  }
0x53d: {  	[tilespmem:$0x5468] =	vst v0  }
0x53e: {  	[tilespmem:$0x5478] =	vst v0  }
0x53f: {  	[tilespmem:$0x5488] =	vst v0  }
0x540: {  	[tilespmem:$0x5498] =	vst v0  }
0x541: {  	[tilespmem:$0x54A8] =	vst v0  }
0x542: {  	[tilespmem:$0x54B8] =	vst v0  }
0x543: {  	[tilespmem:$0x54C8] =	vst v0  }
0x544: {  	[tilespmem:$0x54D8] =	vst v0  }
0x545: {  	[tilespmem:$0x54E8] =	vst v0  }
0x546: {  	[tilespmem:$0x54F8] =	vst v0  }
0x547: {  	[tilespmem:$0x5508] =	vst v0  }
0x548: {  	[tilespmem:$0x5518] =	vst v0  }
0x549: {  	[tilespmem:$0x5528] =	vst v0  }
0x54a: {  	[tilespmem:$0x5538] =	vst v0  }
0x54b: {  	[tilespmem:$0x5548] =	vst v0  }
0x54c: {  	[tilespmem:$0x5558] =	vst v0  }
0x54d: {  	[tilespmem:$0x5568] =	vst v0  }
0x54e: {  	[tilespmem:$0x5578] =	vst v0  }
0x54f: {  	[tilespmem:$0x5588] =	vst v0  }
0x550: {  	[tilespmem:$0x5598] =	vst v0  }
0x551: {  	[tilespmem:$0x55A8] =	vst v0  }
0x552: {  	[tilespmem:$0x55B8] =	vst v0  }
0x553: {  	[tilespmem:$0x55C8] =	vst v0  }
0x554: {  	[tilespmem:$0x55D8] =	vst v0  }
0x555: {  	[tilespmem:$0x55E8] =	vst v0  }
0x556: {  	[tilespmem:$0x55F8] =	vst v0  }
0x557: {  	[tilespmem:$0x5608] =	vst v0  }
0x558: {  	[tilespmem:$0x5618] =	vst v0  }
0x559: {  	[tilespmem:$0x5628] =	vst v0  }
0x55a: {  	[tilespmem:$0x5638] =	vst v0  }
0x55b: {  	[tilespmem:$0x5648] =	vst v0  }
0x55c: {  	[tilespmem:$0x5658] =	vst v0  }
0x55d: {  	[tilespmem:$0x5668] =	vst v0  }
0x55e: {  	[tilespmem:$0x5678] =	vst v0  }
0x55f: {  	[tilespmem:$0x5688] =	vst v0  }
0x560: {  	[tilespmem:$0x5698] =	vst v0  }
0x561: {  	[tilespmem:$0x56A8] =	vst v0  }
0x562: {  	[tilespmem:$0x56B8] =	vst v0  }
0x563: {  	[tilespmem:$0x56C8] =	vst v0  }
0x564: {  	[tilespmem:$0x56D8] =	vst v0  }
0x565: {  	[tilespmem:$0x56E8] =	vst v0  }
0x566: {  	[tilespmem:$0x56F8] =	vst v0  }
0x567: {  	[tilespmem:$0x5708] =	vst v0  }
0x568: {  	[tilespmem:$0x5718] =	vst v0  }
0x569: {  	[tilespmem:$0x5728] =	vst v0  }
0x56a: {  	[tilespmem:$0x5738] =	vst v0  }
0x56b: {  	[tilespmem:$0x5748] =	vst v0  }
0x56c: {  	[tilespmem:$0x5758] =	vst v0  }
0x56d: {  	[tilespmem:$0x5768] =	vst v0  }
0x56e: {  	[tilespmem:$0x5778] =	vst v0  }
0x56f: {  	[tilespmem:$0x5788] =	vst v0  }
0x570: {  	[tilespmem:$0x5798] =	vst v0  }
0x571: {  	[tilespmem:$0x57A8] =	vst v0  }
0x572: {  	[tilespmem:$0x57B8] =	vst v0  }
0x573: {  	[tilespmem:$0x57C8] =	vst v0  }
0x574: {  	[tilespmem:$0x57D8] =	vst v0  }
0x575: {  	[tilespmem:$0x57E8] =	vst v0  }
0x576: {  	[tilespmem:$0x57F8] =	vst v0  }
0x577: {  	[tilespmem:$0x5808] =	vst v0  }
0x578: {  	[tilespmem:$0x5818] =	vst v0  }
0x579: {  	[tilespmem:$0x5828] =	vst v0  }
0x57a: {  	[tilespmem:$0x58B8] =	vst v0  }
0x57b: {  	[tilespmem:$0x6718] =	vst v0  }
0x57c: {  	[tilespmem:$0x6708] =	vst v0  }
0x57d: {  	[tilespmem:$0x66F8] =	vst v0  }
0x57e: {  	[tilespmem:$0x66E8] =	vst v0  }
0x57f: {  	[tilespmem:$0x66D8] =	vst v0  }
0x580: {  	[tilespmem:$0x66C8] =	vst v0  }
0x581: {  	[tilespmem:$0x66B8] =	vst v0  }
0x582: {  	[tilespmem:$0x66A8] =	vst v0  }
0x583: {  	[tilespmem:$0x6698] =	vst v0  }
0x584: {  	[tilespmem:$0x6688] =	vst v0  }
0x585: {  	[tilespmem:$0x6678] =	vst v0  }
0x586: {  	[tilespmem:$0x6668] =	vst v0  }
0x587: {  	[tilespmem:$0x6658] =	vst v0  }
0x588: {  	[tilespmem:$0x6648] =	vst v0  }
0x589: {  	[tilespmem:$0x6638] =	vst v0  }
0x58a: {  	[tilespmem:$0x6628] =	vst v0  }
0x58b: {  	[tilespmem:$0x6618] =	vst v0  }
0x58c: {  	[tilespmem:$0x6608] =	vst v0  }
0x58d: {  	[tilespmem:$0x65F8] =	vst v0  }
0x58e: {  	[tilespmem:$0x65E8] =	vst v0  }
0x58f: {  	[tilespmem:$0x65D8] =	vst v0  }
0x590: {  	[tilespmem:$0x65C8] =	vst v0  }
0x591: {  	[tilespmem:$0x65B8] =	vst v0  }
0x592: {  	[tilespmem:$0x65A8] =	vst v0  }
0x593: {  	[tilespmem:$0x6598] =	vst v0  }
0x594: {  	[tilespmem:$0x6588] =	vst v0  }
0x595: {  	[tilespmem:$0x6578] =	vst v0  }
0x596: {  	[tilespmem:$0x6568] =	vst v0  }
0x597: {  	[tilespmem:$0x6558] =	vst v0  }
0x598: {  	[tilespmem:$0x6548] =	vst v0  }
0x599: {  	[tilespmem:$0x6538] =	vst v0  }
0x59a: {  	[tilespmem:$0x6528] =	vst v0  }
0x59b: {  	[tilespmem:$0x6518] =	vst v0  }
0x59c: {  	[tilespmem:$0x6508] =	vst v0  }
0x59d: {  	[tilespmem:$0x64F8] =	vst v0  }
0x59e: {  	[tilespmem:$0x64E8] =	vst v0  }
0x59f: {  	[tilespmem:$0x64D8] =	vst v0  }
0x5a0: {  	[tilespmem:$0x64C8] =	vst v0  }
0x5a1: {  	[tilespmem:$0x64B8] =	vst v0  }
0x5a2: {  	[tilespmem:$0x64A8] =	vst v0  }
0x5a3: {  	[tilespmem:$0x6498] =	vst v0  }
0x5a4: {  	[tilespmem:$0x6488] =	vst v0  }
0x5a5: {  	[tilespmem:$0x6478] =	vst v0  }
0x5a6: {  	[tilespmem:$0x6468] =	vst v0  }
0x5a7: {  	[tilespmem:$0x6458] =	vst v0  }
0x5a8: {  	[tilespmem:$0x6448] =	vst v0  }
0x5a9: {  	[tilespmem:$0x6438] =	vst v0  }
0x5aa: {  	[tilespmem:$0x6428] =	vst v0  }
0x5ab: {  	[tilespmem:$0x6418] =	vst v0  }
0x5ac: {  	[tilespmem:$0x6408] =	vst v0  }
0x5ad: {  	[tilespmem:$0x63F8] =	vst v0  }
0x5ae: {  	[tilespmem:$0x63E8] =	vst v0  }
0x5af: {  	[tilespmem:$0x63D8] =	vst v0  }
0x5b0: {  	[tilespmem:$0x63C8] =	vst v0  }
0x5b1: {  	[tilespmem:$0x63B8] =	vst v0  }
0x5b2: {  	[tilespmem:$0x63A8] =	vst v0  }
0x5b3: {  	[tilespmem:$0x6398] =	vst v0  }
0x5b4: {  	[tilespmem:$0x6388] =	vst v0  }
0x5b5: {  	[tilespmem:$0x6378] =	vst v0  }
0x5b6: {  	[tilespmem:$0x6368] =	vst v0  }
0x5b7: {  	[tilespmem:$0x6358] =	vst v0  }
0x5b8: {  	[tilespmem:$0x6348] =	vst v0  }
0x5b9: {  	[tilespmem:$0x6338] =	vst v0  }
0x5ba: {  	[tilespmem:$0x6328] =	vst v0  }
0x5bb: {  	[tilespmem:$0x6318] =	vst v0  }
0x5bc: {  	[tilespmem:$0x6308] =	vst v0  }
0x5bd: {  	[tilespmem:$0x62F8] =	vst v0  }
0x5be: {  	[tilespmem:$0x62E8] =	vst v0  }
0x5bf: {  	[tilespmem:$0x62D8] =	vst v0  }
0x5c0: {  	[tilespmem:$0x62C8] =	vst v0  }
0x5c1: {  	[tilespmem:$0x62B8] =	vst v0  }
0x5c2: {  	[tilespmem:$0x62A8] =	vst v0  }
0x5c3: {  	[tilespmem:$0x6298] =	vst v0  }
0x5c4: {  	[tilespmem:$0x6288] =	vst v0  }
0x5c5: {  	[tilespmem:$0x6278] =	vst v0  }
0x5c6: {  	[tilespmem:$0x6268] =	vst v0  }
0x5c7: {  	[tilespmem:$0x6258] =	vst v0  }
0x5c8: {  	[tilespmem:$0x6248] =	vst v0  }
0x5c9: {  	[tilespmem:$0x6238] =	vst v0  }
0x5ca: {  	[tilespmem:$0x6228] =	vst v0  }
0x5cb: {  	[tilespmem:$0x6218] =	vst v0  }
0x5cc: {  	[tilespmem:$0x6208] =	vst v0  }
0x5cd: {  	[tilespmem:$0x61F8] =	vst v0  }
0x5ce: {  	[tilespmem:$0x61E8] =	vst v0  }
0x5cf: {  	[tilespmem:$0x61D8] =	vst v0  }
0x5d0: {  	[tilespmem:$0x61C8] =	vst v0  }
0x5d1: {  	[tilespmem:$0x61B8] =	vst v0  }
0x5d2: {  	[tilespmem:$0x61A8] =	vst v0  }
0x5d3: {  	[tilespmem:$0x6198] =	vst v0  }
0x5d4: {  	[tilespmem:$0x6188] =	vst v0  }
0x5d5: {  	[tilespmem:$0x6178] =	vst v0  }
0x5d6: {  	[tilespmem:$0x6168] =	vst v0  }
0x5d7: {  	[tilespmem:$0x6158] =	vst v0  }
0x5d8: {  	[tilespmem:$0x6148] =	vst v0  }
0x5d9: {  	[tilespmem:$0x6138] =	vst v0  }
0x5da: {  	[tilespmem:$0x6128] =	vst v0  }
0x5db: {  	[tilespmem:$0x6118] =	vst v0  }
0x5dc: {  	[tilespmem:$0x6108] =	vst v0  }
0x5dd: {  	[tilespmem:$0x60F8] =	vst v0  }
0x5de: {  	[tilespmem:$0x60E8] =	vst v0  }
0x5df: {  	[tilespmem:$0x60D8] =	vst v0  }
0x5e0: {  	[tilespmem:$0x60C8] =	vst v0  }
0x5e1: {  	[tilespmem:$0x60B8] =	vst v0  }
0x5e2: {  	[tilespmem:$0x60A8] =	vst v0  }
0x5e3: {  	[tilespmem:$0x6098] =	vst v0  }
0x5e4: {  	[tilespmem:$0x6088] =	vst v0  }
0x5e5: {  	[tilespmem:$0x6078] =	vst v0  }
0x5e6: {  	[tilespmem:$0x6068] =	vst v0  }
0x5e7: {  	[tilespmem:$0x6058] =	vst v0  }
0x5e8: {  	[tilespmem:$0x6048] =	vst v0  }
0x5e9: {  	[tilespmem:$0x6038] =	vst v0  }
0x5ea: {  	[tilespmem:$0x6028] =	vst v0  }
0x5eb: {  	[tilespmem:$0x6018] =	vst v0  }
0x5ec: {  	[tilespmem:$0x6008] =	vst v0  }
0x5ed: {  	[tilespmem:$0x5FF8] =	vst v0  }
0x5ee: {  	[tilespmem:$0x5FE8] =	vst v0  }
0x5ef: {  	[tilespmem:$0x5FD8] =	vst v0  }
0x5f0: {  	[tilespmem:$0x5FC8] =	vst v0  }
0x5f1: {  	[tilespmem:$0x5FB8] =	vst v0  }
0x5f2: {  	[tilespmem:$0x5FA8] =	vst v0  }
0x5f3: {  	[tilespmem:$0x5F98] =	vst v0  }
0x5f4: {  	[tilespmem:$0x5F88] =	vst v0  }
0x5f5: {  	[tilespmem:$0x5F78] =	vst v0  }
0x5f6: {  	[tilespmem:$0x5F68] =	vst v0  }
0x5f7: {  	[tilespmem:$0x5F58] =	vst v0  }
0x5f8: {  	[tilespmem:$0x5F48] =	vst v0  }
0x5f9: {  	[tilespmem:$0x5F38] =	vst v0  }
0x5fa: {  	[tilespmem:$0x5F28] =	vst v0  }
0x5fb: {  	[tilespmem:$0x5F18] =	vst v0  }
0x5fc: {  	[tilespmem:$0x5F08] =	vst v0  }
0x5fd: {  	[tilespmem:$0x5EF8] =	vst v0  }
0x5fe: {  	[tilespmem:$0x5EE8] =	vst v0  }
0x5ff: {  	[tilespmem:$0x5ED8] =	vst v0  }
0x600: {  	[tilespmem:$0x5EC8] =	vst v0  }
0x601: {  	[tilespmem:$0x5EB8] =	vst v0  }
0x602: {  	[tilespmem:$0x5EA8] =	vst v0  }
0x603: {  	[tilespmem:$0x5E98] =	vst v0  }
0x604: {  	[tilespmem:$0x5E88] =	vst v0  }
0x605: {  	[tilespmem:$0x5E78] =	vst v0  }
0x606: {  	[tilespmem:$0x5E68] =	vst v0  }
0x607: {  	[tilespmem:$0x5E58] =	vst v0  }
0x608: {  	[tilespmem:$0x5E48] =	vst v0  }
0x609: {  	[tilespmem:$0x5E38] =	vst v0  }
0x60a: {  	[tilespmem:$0x5E28] =	vst v0  }
0x60b: {  	[tilespmem:$0x5E18] =	vst v0  }
0x60c: {  	[tilespmem:$0x5E08] =	vst v0  }
0x60d: {  	[tilespmem:$0x5DF8] =	vst v0  }
0x60e: {  	[tilespmem:$0x5DE8] =	vst v0  }
0x60f: {  	[tilespmem:$0x5DD8] =	vst v0  }
0x610: {  	[tilespmem:$0x5DC8] =	vst v0  }
0x611: {  	[tilespmem:$0x5DB8] =	vst v0  }
0x612: {  	[tilespmem:$0x5DA8] =	vst v0  }
0x613: {  	[tilespmem:$0x5D98] =	vst v0  }
0x614: {  	[tilespmem:$0x5D88] =	vst v0  }
0x615: {  	[tilespmem:$0x5D78] =	vst v0  }
0x616: {  	[tilespmem:$0x5D68] =	vst v0  }
0x617: {  	[tilespmem:$0x5D58] =	vst v0  }
0x618: {  	[tilespmem:$0x5D48] =	vst v0  }
0x619: {  	[tilespmem:$0x5D38] =	vst v0  }
0x61a: {  	[tilespmem:$0x5D28] =	vst v0  }
0x61b: {  	[tilespmem:$0x5D18] =	vst v0  }
0x61c: {  	[tilespmem:$0x5D08] =	vst v0  }
0x61d: {  	[tilespmem:$0x5CF8] =	vst v0  }
0x61e: {  	[tilespmem:$0x5CE8] =	vst v0  }
0x61f: {  	[tilespmem:$0x5CD8] =	vst v0  }
0x620: {  	[tilespmem:$0x5CC8] =	vst v0  }
0x621: {  	[tilespmem:$0x5CB8] =	vst v0  }
0x622: {  	[tilespmem:$0x5CA8] =	vst v0  }
0x623: {  	[tilespmem:$0x5C98] =	vst v0  }
0x624: {  	[tilespmem:$0x5C88] =	vst v0  }
0x625: {  	[tilespmem:$0x5C78] =	vst v0  }
0x626: {  	[tilespmem:$0x5C68] =	vst v0  }
0x627: {  	[tilespmem:$0x5C58] =	vst v0  }
0x628: {  	[tilespmem:$0x5C48] =	vst v0  }
0x629: {  	[tilespmem:$0x5C38] =	vst v0  }
0x62a: {  	[tilespmem:$0x5C28] =	vst v0  }
0x62b: {  	[tilespmem:$0x5C18] =	vst v0  }
0x62c: {  	[tilespmem:$0x5C08] =	vst v0  }
0x62d: {  	[tilespmem:$0x5BF8] =	vst v0  }
0x62e: {  	[tilespmem:$0x5BE8] =	vst v0  }
0x62f: {  	[tilespmem:$0x5BD8] =	vst v0  }
0x630: {  	[tilespmem:$0x5BC8] =	vst v0  }
0x631: {  	[tilespmem:$0x5BB8] =	vst v0  }
0x632: {  	[tilespmem:$0x5BA8] =	vst v0  }
0x633: {  	[tilespmem:$0x5B98] =	vst v0  }
0x634: {  	[tilespmem:$0x5B88] =	vst v0  }
0x635: {  	[tilespmem:$0x5B78] =	vst v0  }
0x636: {  	[tilespmem:$0x5B68] =	vst v0  }
0x637: {  	[tilespmem:$0x5B58] =	vst v0  }
0x638: {  	[tilespmem:$0x5B48] =	vst v0  }
0x639: {  	[tilespmem:$0x5B38] =	vst v0  }
0x63a: {  	[tilespmem:$0x5B28] =	vst v0  }
0x63b: {  	[tilespmem:$0x5B18] =	vst v0  }
0x63c: {  	[tilespmem:$0x5B08] =	vst v0  }
0x63d: {  	[tilespmem:$0x5AF8] =	vst v0  }
0x63e: {  	[tilespmem:$0x5AE8] =	vst v0  }
0x63f: {  	[tilespmem:$0x5AD8] =	vst v0  }
0x640: {  	[tilespmem:$0x5AC8] =	vst v0  }
0x641: {  	[tilespmem:$0x5AB8] =	vst v0  }
0x642: {  	[tilespmem:$0x5AA8] =	vst v0  }
0x643: {  	[tilespmem:$0x5A98] =	vst v0  }
0x644: {  	[tilespmem:$0x5A88] =	vst v0  }
0x645: {  	[tilespmem:$0x5A78] =	vst v0  }
0x646: {  	[tilespmem:$0x5A68] =	vst v0  }
0x647: {  	[tilespmem:$0x5A58] =	vst v0  }
0x648: {  	[tilespmem:$0x5A48] =	vst v0  }
0x649: {  	[tilespmem:$0x5A38] =	vst v0  }
0x64a: {  	[tilespmem:$0x5A28] =	vst v0  }
0x64b: {  	[tilespmem:$0x5A18] =	vst v0  }
0x64c: {  	[tilespmem:$0x5A08] =	vst v0  }
0x64d: {  	[tilespmem:$0x59F8] =	vst v0  }
0x64e: {  	[tilespmem:$0x59E8] =	vst v0  }
0x64f: {  	[tilespmem:$0x59D8] =	vst v0  }
0x650: {  	[tilespmem:$0x59C8] =	vst v0  }
0x651: {  	[tilespmem:$0x59B8] =	vst v0  }
0x652: {  	[tilespmem:$0x59A8] =	vst v0  }
0x653: {  	[tilespmem:$0x5998] =	vst v0  }
0x654: {  	[tilespmem:$0x5988] =	vst v0  }
0x655: {  	[tilespmem:$0x5978] =	vst v0  }
0x656: {  	[tilespmem:$0x5968] =	vst v0  }
0x657: {  	[tilespmem:$0x5958] =	vst v0  }
0x658: {  	[tilespmem:$0x5948] =	vst v0  }
0x659: {  	[tilespmem:$0x5938] =	vst v0  }
0x65a: {  	[tilespmem:$0x5928] =	vst v0  }
0x65b: {  	[tilespmem:$0x5918] =	vst v0  }
0x65c: {  	s9 =	stileid.u32;
	[tilespmem:$0x5908] =	vst v0  }
0x65d: {  	s0 =	simm.s32 $0x660;
	s5 =	smul.u32 $0x770, s9;
	p0 =	seq.s32 s9, $0xF;
	[tilespmem:$0x58F8] =	vst v0  }
0x65e: {  	s0 =	simm.s32 @!p0 $0x770;
	[tilespmem:$0x58E8] =	vst v0  }
0x65f: {  	[tilespmem:$0x58D8] =	vst v0;
	s0 =	sadd.s32 s5, s0  }
0x660: {  	[tilespmem:$0x58C8] =	vst v0;
	s6 =	smin.u32 s0, $0x7530  }
0x661: {  	[tilespmem:$0x5848] =	vst v0;
	s0 =	ssub.s32 s6, s5  }
0x662: {  	s7 =	simm.s32 $0x2;
	s11 =	simm.s32 $0x7;
	[tilespmem:$0x58A8] =	vst v0;
	p0 =	sgt.s32 s0, $0x0  }
0x663: {  	s30 =	simm.s32 $0x8;
	s15 =	simm.s32 $0x0;
	[tilespmem:$0x5898] =	vst v0;
	s0 =	simm.s32 @!p0 $0x0  }
0x664: {  	p1 =	por $0x0, $0x0;
	s16 =	simm.s32 $0xA;
	[tilespmem:$0x5888] =	vst v0;
	s4 =	smul.u32 $0xF0F1, s0  }
0x665: {  	s20 =	simm.s32 $0x0;
	s17 =	simm.s32 $0x0;
	s19 =	simm.s32 $0x0;
	[tilespmem:$0x5878] =	vst v0  }
0x666: {  	s3 =	sadd.s32 $0x171C00, s2;
	s31 =	smul.u32 $0x300, s9;
	s4 =	sshrl.u32 s4, $0x18;
	[tilespmem:$0x5868] =	vst v0  }
0x667: {  	s8 =	sadd.s32 $0xFA800, s2;
	s10 =	sadd.s32 $0xFC800, s2;
	s29 =	smul.u32 $0x110, s4;
	[tilespmem:$0x5858] =	vst v0  }
.Ltmp0:
0x668: {  	s2 =	sadd.s32 $0xFB800, s2;
	[tilespmem:$0x5838] =	vst v0;
	[sflag:s7] =	ssyncpa.u1 $0x0;
	v0 =	vimm.s32 $0xFFFFFFFF;
	(pc) =	sbr.rel .LBB2_1-.Ltmp0, $4  }
0x669: {  	[tilespmem:$0xCD88] =	vst v0;
	[sflag:s11] =	ssyncpa.u1 $0x0;
	p0 =	sne.s32 s0, s29;
	s0 =	simm.s32 $0x1  }
0x66a: {  	s11 =	simm.s32 $0x9;
	s13 =	sshrl.u32 s31, $0x2;
	s0 =	simm.s32 @!p0 $0x0  }
0x66b: {  	s18 =	smov.u32 s5;
	[sflag:s30] =	ssyncpa.u1 $0x0;
	s12 =	sadd.s32 s4, s0  }
0x66c: {  	v0 =	vlaneseq.u32;
	[sflag:s11] =	ssyncpa.u1 $0x0;
	p0 =	por $0x1, $0x1;
	s14 =	sadd.s32 $0x1, s12  }
.LBB2_22:
0x66d: {  	s0 =	sshrl.u32 s29, $0x2  }
.LBB2_24:
0x66e: {  	_ =	swait.ge [sflag:s16], s0  }
0x66f: {  	s31 =	ssub.s32 $0x0, s0;
	v1 =	vmov s22;
	vm0 =	veq.s32 v0, $0x0;
	[sflag:s16] =	ssyncset.done $0x0  }
0x670: {  	vm15 =	veq.s32 v0, $0x2;
	v1 =	vsel vm0, s28, v1;
	[sflag:s16] =	ssyncadd.s32 s31  }
0x671: {  	v1 =	vsel vm15, s20, v1;
	[sflag:s16] =	ssyncpa.u1 $0x1  }
0x672: {  	[tilespmem:$0xCD88] =	vst v1  }
.LBB2_25:
0x673: {  	s0 =	sadd.s32 $0x110, s18  }
0x674: {  	s4 =	smov.u32 s5;
	p2 =	slt.s32 s0, s6  }
0x675: {  	s4 =	smov.u32 @p2 s0;
	p2 =	sne.s32 s19, s14  }
.Ltmp1:
0x676: {  	_ = 	snop;
	(pc) =	sbr.rel @!p2 .LBB2_26-.Ltmp1, $4  }
0x677: {  	_ = 	snop  }
0x678: {  	s20 =	smov.u32 s17  }
0x679: {  	s31 =	sadd.s32 $0x1, s19;
	s17 =	smov.u32 s18;
	p0 =	por !p0, !p0  }
0x67a: {  	p1 =	por !p1, !p1;
	s19 =	smov.u32 s31;
	s18 =	smov.u32 s4  }
.LBB2_1:
0x67b: {  	p2 =	sge.u32 s19, s12  }
0x67c: {  	s0 =	smulhi.u32 @!p2 $0xAAAAAAAB, s19  }
0x67d: {  	s4 =	smov.u32 s18;
	p3 =	sgt.s32 @!p2 s18, $0x7420  }
0x67e: {  	s7 =	sshra.s32 @!p2 s18, $0x1F;
	p3 =	por !p3, p2;
	s0 =	sshrl.u32 @!p2 s0, $0x1  }
0x67f: {  	s7 =	sand.u32 @!p2 s7, s18;
	s4 =	simm.s32 @p3 $0x7420;
	s0 =	smul.u32 @!p2 $0x3, s0  }
0x680: {  	s4 =	ssub.s32 @!p2 s4, s7  }
0x681: {  	s22 =	sadd.s32 $0xFFFFFFFF, s19;
	s4 =	sadd.s32 @!p2 $0xFFFF8BE0, s4;
	s0 =	ssub.s32 @!p2 s19, s0  }
0x682: {  	s7 =	sshll.u32 @!p2 s4, $0x2;
	p3 =	sgt.s32 @!p2 s4, $0x10F;
	s0 =	smul.u32 @!p2 $0x440, s0  }
0x683: {  	s21 =	sand.u32 @!p2 $0x7, s18;
	s4 =	ssub.s32 @!p2 $0x440, s7;
	p3 =	por !p3, p2  }
0x684: {  	s7 =	sshrl.u32 @!p2 s18, $0x3;
	s4 =	sshrl.u32 @!p2 s4, $0x2;
	s0 =	sshrl.u32 @!p2 s0, $0x2  }
0x685: {  	s7 =	sadd.s32 @!p2 s2, s7;
	s4 =	simm.s32 @!p3 $0x0;
	s0 =	sadd.s32 @!p2 $0xD9B8, s0  }
0x686: {  	[tilespmem:s0], [sflag:$0x8] =	stream.linear.gather @!p2 [hbm4b:s7+s21], s4, $0x38;
	[tilespmem:$0x1EF08] =	vst v63  }
0x687: {  	p2 =	sge.u32 s22, s12  }
0x688: {  	p3 =	sgt.s32 @!p2 s17, $0x7420  }
0x689: {  	s0 =	smov.u32 s17;
	s4 =	sshra.s32 @!p2 s17, $0x1F;
	p3 =	por !p3, p2  }
0x68a: {  	s4 =	sand.u32 @!p2 s4, s17;
	s0 =	simm.s32 @p3 $0x7420  }
0x68b: {  	s0 =	ssub.s32 @!p2 s0, s4  }
0x68c: {  	s0 =	sadd.s32 @!p2 $0xFFFF8BE0, s0  }
0x68d: {  	s4 =	sshll.u32 @!p2 s0, $0x2  }
0x68e: {  	p3 =	sgt.s32 @!p2 s0, $0x10F;
	s0 =	ssub.s32 @!p2 $0x440, s4  }
0x68f: {  	p3 =	por !p3, p2;
	s0 =	sshrl.u32 @!p2 s0, $0x2  }
0x690: {  	s7 =	simm.s32 @!p2 $0x8;
	s4 =	sand.u32 @!p2 $0x1, s22;
	s0 =	simm.s32 @!p3 $0x0  }
0x691: {  	s4 =	smul.u32 @!p2 $0x440, s4;
	_ =	swait.ge @!p2 [sflag:s7], s0  }
0x692: {  	s21 =	ssub.s32 @!p2 $0x0, s0;
	[sflag:s7] =	ssyncset.done @!p2 $0x0  }
0x693: {  	s4 =	sshrl.u32 @!p2 s4, $0x2;
	[sflag:s7] =	ssyncadd.s32 @!p2 s21;
	s7 =	sshrl.u32 @!p2 s17, $0x3  }
0x694: {  	s4 =	sadd.s32 @!p2 $0xDCE8, s4;
	s21 =	sand.u32 @!p2 $0x7, s17;
	s7 =	sadd.s32 @!p2 s8, s7  }
0x695: {  	[tilespmem:s4], [sflag:$0x9] =	stream.linear.gather @!p2 [hbm4b:s7+s21], s0, $0x38;
	[tilespmem:$0x1EF08] =	vst v63  }
0x696: {  	s21 =	ssub.s32 @!p2 $0x7530, s17  }
0x697: {  	p3 =	slt.s32 @!p2 s21, $0x1  }
0x698: {  	p3 =	por p2, p3  }
.Ltmp2:
0x699: {  	_ = 	snop;
	(pc) =	sbr.rel @p3 .LBB2_7-.Ltmp2, $1  }
0x69a: {  	_ =	sdelay $0x3  }
0x69b: {  	s0 =	smulhi.u32 $0xAAAAAAAB, s22;
	_ =	sdelay $0x1  }
0x69c: {  	s0 =	sshrl.u32 s0, $0x1  }
0x69d: {  	s0 =	smul.u32 $0x3, s0;
	_ =	sdelay $0x1  }
0x69e: {  	s0 =	ssub.s32 s22, s0  }
0x69f: {  	s4 =	simm.s32 $0x1;
	s0 =	smul.u32 $0x440, s0  }
.Ltmp3:
0x6a0: {  	s4 =	simm.s32 @!p0 $0x0;
	(pc) =	sbr.rel .LBB2_4-.Ltmp3, $4  }
0x6a1: {  	s4 =	smul.u32 $0x22000, s4  }
0x6a2: {  	p3 =	slt.s32 @!p2 s21, $0x110;
	s0 =	sshrl.u32 s0, $0x2  }
0x6a3: {  	p2 =	por !p3, p2;
	s4 =	sshrl.u32 s4, $0x2;
	s0 =	sadd.s32 $0xD9B8, s0  }
0x6a4: {  	s23 =	simm.s32 $0x0;
	s21 =	simm.s32 @p2 $0x110;
	s22 =	sadd.s32 $0xDF08, s4;
	v1 =	vmov s0  }
.LBB2_3:
0x6a5: {  	p2 =	sge.s32 s23, s21  }
.Ltmp4:
0x6a6: {  	_ = 	snop;
	(pc) =	sbr.rel @p2 .LBB2_7-.Ltmp4, $2  }
0x6a7: {  	_ =	sdelay $0x2  }
0x6a8: {  	s22 =	sadd.s32 $0x800, s22  }
.LBB2_4:
0x6a9: {  	p2 =	sle.s32 s21, s23  }
.Ltmp5:
0x6aa: {  	_ = 	snop;
	(pc) =	sbr.rel @p2 .LBB2_3-.Ltmp5, $2  }
0x6ab: {  	_ =	sdelay $0x2  }
0x6ac: {  	s24 =	smov.u32 s23;
	s23 =	sadd.s32 $0x10, s23  }
0x6ad: {  	s0 =	ssub.s32 s21, s24  }
0x6ae: {  	p2 =	slt.s32 s0, $0x10  }
0x6af: {  	s0 =	simm.s32 @!p2 $0x10  }
0x6b0: {  	v2 =	vmov s0  }
0x6b1: {  	vm0 =	vgt.s32 v2, v0;
	_ =	sdelay $0x5  }
0x6b2: {  	v2 =	vld.idx.msk [tilespmem:v1+s24+$0x0 ss:$0x1], vm0;
	_ =	sdelay $0x2  }
0x6b3: {  	p2 =	slt.s32 s23, s21;
	s0 =	smov.u32 s21  }
0x6b4: {  	s4 =	smov.u32 s22;
	s25 =	simm.s32 $0x0;
	s0 =	smov.u32 @p2 s23  }
.LBB2_6:
0x6b5: {  	(v2sf) =	vpush v2, s25;
	_ =	sdelay $0xc  }
0x6b6: {  	s25 =	sadd.s32 $0x1, s25  }
0x6b7: {  	s31 =	sadd.s32 s25, s24  }
0x6b8: {  	p2 =	slt.s32 s31, s0;
	s7 =	spop (v2sf)  }
.Ltmp6:
0x6b9: {  	s7 =	sshll.u32 s7, $0x4;
	(pc) =	sbr.rel @p2 .LBB2_6-.Ltmp6, $4  }
0x6ba: {  	s7 =	sand.u32 $0x1FFFFFF0, s7  }
0x6bb: {  	s7 =	sadd.s32 s10, s7  }
0x6bc: {  	[tilespmem:s4], [sflag:$0x7] =	stream.linear.gather [hbm4b:s7+s15], $0x58, $0x38;
	[tilespmem:$0x1EF08] =	vst v63  }
0x6bd: {  	s4 =	sadd.s32 $0x80, s4  }
.Ltmp7:
0x6be: {  	_ = 	snop;
	(pc) =	sbr.rel .LBB2_3-.Ltmp7, $1  }
0x6bf: {  	_ =	sdelay $0x3  }
.LBB2_7:
0x6c0: {  	p2 =	slt.u32 s19, $0x2  }
.Ltmp8:
0x6c1: {  	_ = 	snop;
	(pc) =	sbr.rel @p2 .LBB2_25-.Ltmp8, $1  }
0x6c2: {  	_ =	sdelay $0x3  }
0x6c3: {  	s0 =	ssub.s32 $0x7530, s20;
	p2 =	sgt.s32 s20, $0x7420;
	s4 =	smov.u32 s20  }
0x6c4: {  	s7 =	sshra.s32 s20, $0x1F;
	p3 =	slt.s32 s0, $0x110;
	s21 =	smov.u32 s0  }
0x6c5: {  	s4 =	simm.s32 @!p2 $0x7420;
	s7 =	sand.u32 s7, s20;
	s21 =	simm.s32 @!p3 $0x110  }
0x6c6: {  	s4 =	ssub.s32 s4, s7;
	s25 =	smul.u32 $0x160, s21  }
0x6c7: {  	s4 =	sadd.s32 $0xFFFF8BE0, s4  }
0x6c8: {  	s9 =	simm.s32 $0x7;
	s26 =	sshll.u32 s4, $0x2;
	s7 =	sshrl.u32 s25, $0x2  }
0x6c9: {  	p2 =	sgt.s32 s4, $0x10F;
	s29 =	ssub.s32 $0x440, s26;
	_ =	swait.ge [sflag:s9], s7  }
0x6ca: {  	s7 =	ssub.s32 $0x0, s7;
	s4 =	sshrl.u32 s29, $0x2;
	[sflag:s9] =	ssyncset.done $0x0  }
0x6cb: {  	s4 =	simm.s32 @p2 $0x0;
	[sflag:s9] =	ssyncadd.s32 s7  }
0x6cc: {  	_ =	swait.ge [sflag:s11], s4  }
0x6cd: {  	s4 =	ssub.s32 $0x0, s4;
	[sflag:s11] =	ssyncset.done $0x0  }
0x6ce: {  	[sflag:s11] =	ssyncadd.s32 s4  }
0x6cf: {  	v1 =	vld [tilespmem:$0xCD88];
	_ =	sdelay $0x4  }
0x6d0: {  	(v2sf) =	vpush v1, $0x0  }
0x6d1: {  	(v2sf) =	vpush v1, $0x1  }
0x6d2: {  	(v2sf) =	vpush v1, $0x2;
	_ =	sdelay $0x3  }
0x6d3: {  	s4 =	sadd.s32 $0x110, s20  }
0x6d4: {  	p2 =	slt.s32 s6, s4  }
0x6d5: {  	s4 =	smov.u32 @p2 s6;
	p2 =	sgt.s32 s0, $0x0  }
0x6d6: {  	s23 =	ssub.s32 s4, s20;
	s0 =	simm.s32 @!p2 $0x0  }
0x6d7: {  	p2 =	slt.s32 s0, s23  }
0x6d8: {  	s23 =	smov.u32 @p2 s0  }
0x6d9: {  	s24 =	simm.s32 $0x1;
	p2 =	slt.s32 s23, $0x1  }
.Ltmp9:
0x6da: {  	s24 =	simm.s32 @!p1 $0x0;
	(pc) =	sbr.rel @p2 .LBB2_12-.Ltmp9, $4  }
0x6db: {  	s30 =	smul.u32 $0x440, s24  }
0x6dc: {  	s25 =	spop (v2sf)  }
0x6dd: {  	s31 =	sshrl.u32 s30, $0x2;
	s28 =	spop (v2sf)  }
0x6de: {  	s21 =	sadd.s32 $0xDCE8, s31;
	s20 =	spop (v2sf)  }
0x6df: {  	s0 =	smin.u32 s23, $0x10  }
0x6e0: {  	v1 =	vmov s0  }
0x6e1: {  	p3 =	sgt.s32 s23, $0x10;
	vm1 =	vgt.u32 v1, v0  }
.Ltmp10:
0x6e2: {  	_ = 	snop;
	(pc) =	sbr.rel @!p3 .LBB2_11-.Ltmp10, $2  }
0x6e3: {  	_ =	sdelay $0x2  }
0x6e4: {  	s26 =	simm.s32 $0x10;
	s29 =	sadd.s32 $0xFFFFFFF0, s23;
	s22 =	smov.u32 s21;
	vm0 =	vmmov vm1  }
.LBB2_10:
0x6e5: {  	s0 =	smin.u32 s29, $0x10;
	s26 =	sadd.s32 $0x10, s26;
	v1 =	vld.msk [tilespmem:s22+$0x0 ss:$0x1], vm1  }
0x6e6: {  	v2 =	vmov s0;
	p3 =	slt.s32 s26, s23  }
0x6e7: {  	vm1 =	vgt.u32 v2, v0  }
.Ltmp11:
0x6e8: {  	(pc) =	sbr.rel @p3 .LBB2_10-.Ltmp11, $3  }
0x6e9: {  	_ =	sdelay $0x1  }
0x6ea: {  	v1 =	vshll.u32 v1, $0x4  }
0x6eb: {  	s29 =	sadd.s32 $0xFFFFFFF0, s29;
	[tilespmem:s22+$0x0] =	vst.msk vm0, v1;
	s22 =	sadd.s32 $0x10, s22;
	vm0 =	vmmov vm1  }
.LBB2_11:
0x6ec: {  	_ =	sdelay $0x4  }
0x6ed: {  	v1 =	vld.msk [tilespmem:s22+$0x0 ss:$0x1], vm1;
	_ =	sdelay $0x4  }
0x6ee: {  	v1 =	vshll.u32 v1, $0x4  }
0x6ef: {  	[tilespmem:s22+$0x0] =	vst.msk vm0, v1  }
.LBB2_12:
0x6f0: {  	s0 =	sand.u32 $0x1, s19  }
0x6f1: {  	s0 =	smul.u32 $0x110, s0  }
0x6f2: {  	p3 =	sne.s32 s28, $0xFFFFFFFF  }
0x6f3: {  	v1 =	vld.msk @!p3 [tilespmem:s0+$0xDCE8], $0x1;
	_ =	sdelay $0x4  }
0x6f4: {  	(v2sf) =	vpush @!p3 v1, $0x0;
	_ =	sdelay $0xc  }
.Ltmp12:
0x6f5: {  	_ = 	snop;
	(pc) =	sbr.rel @p2 .LBB2_23-.Ltmp12, $4  }
0x6f6: {  	_ = 	snop  }
0x6f7: {  	s26 =	spop @!p3 (v2sf)  }
0x6f8: {  	s20 =	simm.s32 @!p3 $0x0;
	s22 =	smov.u32 s26  }
0x6f9: {  	[sflag:s16] =	ssyncpa.u1 $0x0;
	s26 =	smov.u32 @p3 s25;
	s22 =	smov.u32 @p3 s28  }
0x6fa: {  	v1 =	vld.msk [tilespmem:s21+$0x0], $0x1;
	_ =	sdelay $0x4  }
0x6fb: {  	(v2sf) =	vpush v1, $0x0;
	_ =	sdelay $0xd  }
0x6fc: {  	s0 =	smul.u32 $0x22000, s24  }
0x6fd: {  	s23 =	ssub.s32 $0x0, s23;
	s24 =	simm.s32 $0x0;
	s30 =	spop (v2sf)  }
0x6fe: {  	s7 =	smov.u32 s26;
	s28 =	sadd.s32 $0x1, s23;
	p2 =	seq.s32 s26, s30  }
0x6ff: {  	p4 =	seq.s32 s28, $0x0;
	p3 =	sgt.s32 @!p2 s26, $0x0;
	s4 =	smul.u32 @!p2 $0x180, s24  }
.Ltmp13:
0x700: {  	s0 =	sshrl.u32 s0, $0x2;
	p3 =	por !p3, p2;
	(pc) =	sbr.rel @p4 .LBB2_15-.Ltmp13, $4  }
0x701: {  	s25 =	sadd.s32 $0xDF38, s0;
	s7 =	simm.s32 @p3 $0x0  }
0x702: {  	s31 =	simm.s32 @!p2 $0x1;
	s0 =	sshra.s32 @!p2 s4, $0x2;
	s4 =	smin.u32 @!p2 s7, $0xC34F5  }
0x703: {  	s29 =	sadd.s32 $0x1, s21;
	s31 =	smov.u32 @p2 s24;
	s7 =	sand.u32 @!p2 $0xFFFF8, s4  }
0x704: {  	s0 =	sadd.s32 @!p2 $0x6728, s0;
	s4 =	sand.u32 @!p2 $0x7, s4;
	s7 =	sadd.s32 @!p2 s3, s7  }
.LBB2_14:
0x705: {  	s9 =	smov.u32 s31  }
0x706: {  	[tilespmem:s0], [sflag:$0x2] =	stream.linear.gather @!p2 [hbm4b:s7+s4], $0x58, $0x38;
	[tilespmem:$0x1EF08] =	vst v63  }
0x707: {  	s28 =	sadd.s32 $0x1, s28;
	s0 =	smov.u32 s30;
	v1 =	vld.msk [tilespmem:s29+$0x0], $0x1  }
0x708: {  	p3 =	seq.s32 s28, $0x0;
	_ =	sdelay $0x3  }
0x709: {  	(v2sf) =	vpush v1, $0x0;
	_ =	sdelay $0xe  }
0x70a: {  	s30 =	spop (v2sf)  }
0x70b: {  	p2 =	seq.s32 s0, s30  }
0x70c: {  	p4 =	sgt.s32 @!p2 s0, $0x0;
	s4 =	smul.u32 @!p2 $0x180, s31;
	s31 =	sadd.s32 @!p2 $0x1, s31  }
.Ltmp14:
0x70d: {  	p4 =	por !p4, p2;
	s31 =	smov.u32 @p2 s9;
	(pc) =	sbr.rel @!p3 .LBB2_14-.Ltmp14, $4  }
0x70e: {  	s0 =	simm.s32 @p4 $0x0;
	s4 =	sshra.s32 @!p2 s4, $0x2  }
0x70f: {  	s7 =	smin.u32 @!p2 s0, $0xC34F5;
	s0 =	sadd.s32 @!p2 $0x6728, s4  }
0x710: {  	s9 =	sand.u32 @!p2 $0xFFFF8, s7;
	s4 =	sand.u32 @!p2 $0x7, s7  }
0x711: {  	s29 =	sadd.s32 $0x1, s29;
	s7 =	sadd.s32 @!p2 s3, s9  }
.LBB2_15:
0x712: {  	s9 =	smul.u32 $0x160, s31  }
0x713: {  	[tilespmem:s0], [sflag:$0x2] =	stream.linear.gather @!p2 [hbm4b:s7+s4], $0x58, $0x38;
	[tilespmem:$0x1EF08] =	vst v63  }
.Ltmp15:
0x714: {  	_ = 	snop;
	(pc) =	sbr.rel .LBB2_16-.Ltmp15, $4  }
0x715: {  	s31 =	simm.s32 $0x2;
	s30 =	sshrl.u32 s9, $0x2  }
0x716: {  	_ =	swait.ge [sflag:s31], s30  }
0x717: {  	s0 =	ssub.s32 $0x0, s30;
	[sflag:s31] =	ssyncset.done $0x0  }
0x718: {  	s29 =	simm.s32 $0x0;
	[sflag:s31] =	ssyncadd.s32 s0  }
.LBB2_17:
0x719: {  	v1 =	vld [tilespmem:s25+$0xFFFFFFD0];
	_ =	sdelay $0x4  }
0x71a: {  	[tilespmem:s30+$0xC8] =	vst.add.f32.msk $0xffff, v1  }
0x71b: {  	v1 =	vld [tilespmem:s25+$0xFFFFFFE0];
	_ =	sdelay $0x4  }
0x71c: {  	[tilespmem:s30+$0xD8] =	vst.add.f32.msk $0xffff, v1  }
0x71d: {  	v1 =	vld [tilespmem:s25+$0xFFFFFFF0];
	_ =	sdelay $0x4  }
0x71e: {  	[tilespmem:s30+$0xE8] =	vst.add.f32.msk $0xffff, v1  }
0x71f: {  	v1 =	vld [tilespmem:s25+$0x0];
	_ =	sdelay $0x4  }
0x720: {  	[tilespmem:s30+$0xF8] =	vst.add.f32.msk $0xffff, v1  }
0x721: {  	v1 =	vld [tilespmem:s25+$0x10];
	_ =	sdelay $0x4  }
0x722: {  	[tilespmem:s30+$0x108] =	vst.add.f32.msk $0xffff, v1  }
0x723: {  	v1 =	vld.msk [tilespmem:s25+$0x20], $0xff;
	_ =	sdelay $0x4  }
0x724: {  	[tilespmem:s30+$0x118] =	vst.add.f32.msk $0xff, v1  }
.LBB2_21:
0x725: {  	s23 =	sadd.s32 $0x1, s23  }
0x726: {  	p2 =	seq.s32 s23, $0x0  }
.Ltmp16:
0x727: {  	_ = 	snop;
	(pc) =	sbr.rel @p2 .LBB2_22-.Ltmp16, $2  }
0x728: {  	_ =	sdelay $0x2  }
0x729: {  	s21 =	sadd.s32 $0x1, s21;
	s25 =	sadd.s32 $0x80, s25;
	s26 =	smov.u32 s28  }
.LBB2_16:
0x72a: {  	v1 =	vld.msk [tilespmem:s21+$0x0], $0x1;
	_ =	sdelay $0x4  }
0x72b: {  	(v2sf) =	vpush v1, $0x0;
	_ =	sdelay $0xe  }
0x72c: {  	s28 =	spop (v2sf)  }
0x72d: {  	p2 =	sne.s32 s26, s28  }
.Ltmp17:
0x72e: {  	_ = 	snop;
	(pc) =	sbr.rel @!p2 .LBB2_17-.Ltmp17, $3  }
0x72f: {  	_ = 	snop  }
0x730: {  	s0 =	smul.u32 $0x180, s20;
	_ =	sdelay $0x1  }
0x731: {  	s30 =	sshra.s32 s0, $0x2  }
0x732: {  	p2 =	seq.s32 s26, s22  }
.Ltmp18:
0x733: {  	_ = 	snop;
	(pc) =	sbr.rel @!p2 .LBB2_19-.Ltmp18, $1  }
0x734: {  	_ =	sdelay $0x3  }
.Ltmp19:
0x735: {  	s0 =	sadd.s32 $0xC8, s30;
	(pc) =	sbr.rel .LBB2_20-.Ltmp19, $4  }
0x736: {  	[spmem:s13] =	stream.linear.scatter [tilespmem:s0], [sflag:$0x1], $0x58, $0x38;
	[tilespmem:$0x1EF08] =	vst v63  }
0x737: {  	_ =	swait.ge [sflag:s1], $0x58  }
0x738: {  	[sflag:s1] =	ssyncset.done $0x0  }
0x739: {  	[sflag:s1] =	ssyncadd.s32 $0xFFFFFFA8  }
.LBB2_19:
0x73a: {  	s0 =	smul.u32 $0x180, s24;
	_ =	sdelay $0x1  }
0x73b: {  	s0 =	sshra.s32 s0, $0x2  }
0x73c: {  	v1 =	vld [tilespmem:s0+$0x6728];
	_ =	sdelay $0x4  }
0x73d: {  	[tilespmem:s30+$0xC8] =	vst.add.f32.msk $0xffff, v1  }
0x73e: {  	v1 =	vld [tilespmem:s0+$0x6738];
	_ =	sdelay $0x4  }
0x73f: {  	[tilespmem:s30+$0xD8] =	vst.add.f32.msk $0xffff, v1  }
0x740: {  	v1 =	vld [tilespmem:s0+$0x6748];
	_ =	sdelay $0x4  }
0x741: {  	[tilespmem:s30+$0xE8] =	vst.add.f32.msk $0xffff, v1  }
0x742: {  	v1 =	vld [tilespmem:s0+$0x6758];
	_ =	sdelay $0x4  }
0x743: {  	[tilespmem:s30+$0xF8] =	vst.add.f32.msk $0xffff, v1  }
0x744: {  	v1 =	vld [tilespmem:s0+$0x6768];
	_ =	sdelay $0x4  }
0x745: {  	[tilespmem:s30+$0x108] =	vst.add.f32.msk $0xffff, v1  }
0x746: {  	v1 =	vld.msk [tilespmem:s0+$0x6778], $0xff;
	_ =	sdelay $0x2  }
0x747: {  	p2 =	sgt.u32 s26, $0xC34F5  }
0x748: {  	s0 =	sand.u32 @!p2 $0xFFFF8, s26  }
0x749: {  	s4 =	sadd.s32 $0xC8, s30;
	s7 =	sand.u32 @!p2 $0x7, s26;
	s0 =	sadd.s32 @!p2 s3, s0;
	[tilespmem:s30+$0x118] =	vst.add.f32.msk $0xff, v1  }
0x74a: {  	[hbm4b:s0+s7] =	stream.linear.scatter @!p2 [tilespmem:s4], [sflag:$0xA], $0x58, $0x38;
	[tilespmem:$0x1EF08] =	vst v63  }
0x74b: {  	s0 =	simm.s32 $0x0  }
0x74c: {  	s0 =	simm.s32 @!p2 $0x160  }
0x74d: {  	s29 =	sadd.s32 s0, s29  }
.LBB2_20:
0x74e: {  	s0 =	sadd.s32 $0x1, s20  }
0x74f: {  	s4 =	smulhi.u32 $0xF0F0F0F1, s0;
	_ =	sdelay $0x1  }
0x750: {  	s4 =	sshrl.u32 s4, $0x8  }
0x751: {  	s4 =	smul.u32 $0x110, s4  }
0x752: {  	v1 =	vld [tilespmem:s25+$0xFFFFFFD0]  }
0x753: {  	s20 =	ssub.s32 s0, s4  }
0x754: {  	s0 =	smul.u32 $0x180, s20;
	_ =	sdelay $0x1  }
0x755: {  	s0 =	sshrl.u32 s0, $0x2  }
0x756: {  	[tilespmem:s0+$0xC8] =	vst v1  }
0x757: {  	v1 =	vld [tilespmem:s25+$0xFFFFFFE0];
	_ =	sdelay $0x4  }
0x758: {  	[tilespmem:s0+$0xD8] =	vst v1  }
0x759: {  	v1 =	vld [tilespmem:s25+$0xFFFFFFF0];
	_ =	sdelay $0x4  }
0x75a: {  	[tilespmem:s0+$0xE8] =	vst v1  }
0x75b: {  	v1 =	vld [tilespmem:s25+$0x0];
	_ =	sdelay $0x4  }
0x75c: {  	[tilespmem:s0+$0xF8] =	vst v1  }
0x75d: {  	v1 =	vld [tilespmem:s25+$0x10];
	_ =	sdelay $0x4  }
0x75e: {  	[tilespmem:s0+$0x108] =	vst v1  }
0x75f: {  	v1 =	vld.msk [tilespmem:s25+$0x20], $0xff  }
.Ltmp20:
0x760: {  	_ = 	snop;
	(pc) =	sbr.rel .LBB2_21-.Ltmp20, $2  }
0x761: {  	_ =	sdelay $0x2  }
0x762: {  	s24 =	sadd.s32 $0x1, s24;
	[tilespmem:s0+$0x118] =	vst.msk $0xff, v1  }
.LBB2_23:
.Ltmp21:
0x763: {  	(pc) =	sbr.rel .LBB2_24-.Ltmp21, $4  }
0x764: {  	_ = 	snop  }
0x765: {  	s0 =	simm.s32 $0x2  }
0x766: {  	_ =	swait.ge [sflag:s0], $0x0  }
0x767: {  	s28 =	smov.u32 s26;
	[sflag:s0] =	ssyncset.done $0x0;
	s0 =	simm.s32 $0x0  }
.LBB2_26:
0x768: {  	_ =	sfence.sel $0x180000  }
0x769: {  	s0 =	simm.s32 $0x7;
	[bflag:$0x0] =	sbarrier.arrive $0xFFFF  }
0x76a: {  	s25 =	simm.s32 $0x8;
	[sflag:s0] =	ssyncpa.u1 $0x1  }
0x76b: {  	s26 =	simm.s32 $0x9;
	[sflag:s25] =	ssyncpa.u1 $0x1  }
0x76c: {  	s28 =	simm.s32 $0x2;
	[sflag:s26] =	ssyncpa.u1 $0x1  }
0x76d: {  	[sflag:s28] =	ssyncpa.u1 $0x1  }
0x76e: {  	v0 =	vld [tilespmem:$0xCD88];
	_ =	sdelay $0x4  }
0x76f: {  	(v2sf) =	vpush v0, $0x0  }
0x770: {  	(v2sf) =	vpush v0, $0x1  }
0x771: {  	(v2sf) =	vpush v0, $0x2;
	_ =	sdelay $0xc  }
0x772: {  	s0 =	spop (v2sf)  }
0x773: {  	s1 =	spop (v2sf)  }
0x774: {  	s2 =	smov.u32 s0;
	p0 =	sne.s32 s0, s1;
	s4 =	spop (v2sf)  }
0x775: {  	s2 =	simm.s32 @!p0 $0xFFFFFFFF;
	p0 =	seq.s32 s4, $0xFFFFFFFF  }
0x776: {  	v2 =	vimm.s32 $0x1;
	v3 =	vlaneseq.u32;
	v1 =	vmov s2;
	p1 =	sne.s32 @!p0 s0, s1  }
0x777: {  	s7 =	stileid.u32;
	v0 =	vperm.xlane v0, v2;
	s0 =	simm.s32 @!p0 $0x1;
	v1 =	vperm.xlane v1, v3;
	p1 =	por !p1, p0  }
0x778: {  	vm0 =	vcmask $0x3F04;
	s2 =	sshll.u32 s7, $0x1;
	s1 =	smul.u32 @!p0 $0x180, s4;
	s0 =	simm.s32 @p1 $0x0  }
0x779: {  	s6 =	simm.s32 $0xCD88;
	v0 =	vsel vm0, v1, v0;
	s0 =	sor.u32 @!p0 s0, s2  }
0x77a: {  	s5 =	sor.u32 $0xC00, s2;
	s1 =	sshra.s32 @!p0 s1, $0x2;
	[tilespmem:$0xCD88] =	vst v0;
	s0 =	smul.u32 @!p0 $0x180, s0  }
0x77b: {  	[spmem:s5] =	stream.linear.scatter [tilespmem:s6], [sflag:$0x1], $0x2, $0x38;
	[tilespmem:$0x1EF08] =	vst v63  }
0x77c: {  	s1 =	sadd.s32 @!p0 $0xC8, s1;
	s0 =	sshrl.u32 @!p0 s0, $0x2  }
0x77d: {  	[spmem:s0] =	stream.linear.scatter @!p0 [tilespmem:s1], [sflag:$0x1], $0x60, $0x38;
	[tilespmem:$0x1EF08] =	vst v63  }
0x77e: {  	s1 =	simm.s32 @!p0 $0x62  }
0x77f: {  	s0 =	simm.s32 $0x1;
	s1 =	simm.s32 @p0 $0x2  }
0x780: {  	_ =	swait.ge [sflag:s0], s1  }
0x781: {  	s1 =	ssub.s32 $0x0, s1;
	[sflag:s0] =	ssyncset.done $0x0  }
0x782: {  	[sflag:s0] =	ssyncadd.s32 s1  }
0x783: {  	_ =	sfence.stream.spmem  }
0x784: {  	s29 =	simm.s32 $0x3;
	[bflag:$0x0] =	sbarrier.arrive $0xFFFF  }
0x785: {  	s30 =	simm.s32 $0x4;
	[sflag:s29] =	ssyncpa.u1 $0x1  }
0x786: {  	s31 =	simm.s32 $0x3C;
	[sflag:s30] =	ssyncpa.u1 $0x1  }
0x787: {  	p0 =	sne.s32 s7, $0x0;
	[sflag:s31] =	ssyncpa.u1 $0x1  }
0x788: {  	_ =	sfence @p0  }
0x789: {  	[sflag:s0] =	ssyncpa.u1 @p0 $0x1  }
0x78a: {  	_ =	strace @p0 $0x90000053  }
0x78b: {  	[bflag:$0x2] =	sbarrier.arrive @p0 $0xFFFF  }
0x78c: {  	_ =	shalt @p0  }
.LBB2_27:
0x78d: {  	_ =	sfence.stream.spmem;
	s0 =	simm.s32 $0x5  }
0x78e: {  	s1 =	simm.s32 $0xC00;
	s2 =	simm.s32 $0xCD98;
	[sflag:s0] =	ssyncpa.u1 $0x0  }
0x78f: {  	[tilespmem:s2], [sflag:$0x5] =	stream.linear.gather [spmem:s1], $0x20, $0x38;
	[tilespmem:$0x1EF08] =	vst v63  }
0x790: {  	s30 =	simm.s32 $0xCDB8;
	s1 =	simm.s32 $0x0  }
0x791: {  	[tilespmem:s30], [sflag:$0x5] =	stream.linear.gather [spmem:s1], $0xC00, $0x38;
	[tilespmem:$0x1EF08] =	vst v63  }
.Ltmp22:
0x792: {  	_ = 	snop;
	(pc) =	sbr.rel .LBB2_28-.Ltmp22, $4  }
0x793: {  	_ =	swait.ge [sflag:s0], $0xC20  }
0x794: {  	[sflag:s0] =	ssyncset.done $0x0  }
0x795: {  	s31 =	simm.s32 $0x6;
	[sflag:s0] =	ssyncadd.s32 $0xFFFFF3E0  }
0x796: {  	s2 =	simm.s32 $0x0;
	[sflag:s31] =	ssyncpa.u1 $0x0  }
.LBB2_34:
0x797: {  	p0 =	slt.u32 s4, $0xC34F6  }
0x798: {  	s0 =	sand.u32 @p0 $0xFFFF8, s4  }
0x799: {  	s4 =	sand.u32 @p0 $0x7, s4;
	s5 =	simm.s32 @p0 $0xCD28;
	s0 =	sadd.s32 @p0 s3, s0  }
0x79a: {  	[tilespmem:s5], [sflag:$0x6] =	stream.linear.gather @p0 [hbm4b:s0+s4], $0x58, $0x38;
	[tilespmem:$0x1EF08] =	vst v63  }
0x79b: {  	s0 =	simm.s32 @p0 $0x6  }
0x79c: {  	_ =	swait.ge @p0 [sflag:s0], $0x58  }
0x79d: {  	[sflag:s0] =	ssyncset.done @p0 $0x0  }
0x79e: {  	[sflag:s0] =	ssyncadd.s32 @p0 $0xFFFFFFA8  }
0x79f: {  	v1 =	vld @p0 [tilespmem:$0xCD28];
	_ =	sdelay $0x1  }
0x7a0: {  	s0 =	smul.u32 @p0 $0x180, s2;
	_ =	sdelay $0x1  }
0x7a1: {  	s4 =	sshra.s32 @p0 s0, $0x2  }
0x7a2: {  	[tilespmem:s4+$0xCDB8] =	vst.add.f32.msk @p0 $0xffff, v1  }
0x7a3: {  	v1 =	vld @p0 [tilespmem:$0xCD38];
	_ =	sdelay $0x4  }
0x7a4: {  	[tilespmem:s4+$0xCDC8] =	vst.add.f32.msk @p0 $0xffff, v1  }
0x7a5: {  	v1 =	vld @p0 [tilespmem:$0xCD48];
	_ =	sdelay $0x4  }
0x7a6: {  	[tilespmem:s4+$0xCDD8] =	vst.add.f32.msk @p0 $0xffff, v1  }
0x7a7: {  	v1 =	vld @p0 [tilespmem:$0xCD58];
	_ =	sdelay $0x4  }
0x7a8: {  	[tilespmem:s4+$0xCDE8] =	vst.add.f32.msk @p0 $0xffff, v1  }
0x7a9: {  	v1 =	vld @p0 [tilespmem:$0xCD68];
	_ =	sdelay $0x4  }
0x7aa: {  	[tilespmem:s4+$0xCDF8] =	vst.add.f32.msk @p0 $0xffff, v1  }
0x7ab: {  	v1 =	vld @p0 [tilespmem:$0xCD78];
	_ =	sdelay $0x2  }
0x7ac: {  	s5 =	smul.u32 @!p0 $0x180, s2;
	_ =	sdelay $0x1  }
0x7ad: {  	s5 =	smov.u32 @p0 s0;
	[tilespmem:s4+$0xCE08] =	vst.add.f32.msk @p0 $0xffff, v1  }
0x7ae: {  	s0 =	sshra.s32 s5, $0x2;
	[tilespmem:s1+$0xCD98] =	vst.msk $0x1, v0  }
0x7af: {  	v0 =	vld [tilespmem:s0+$0xCDB8];
	_ =	sdelay $0x1  }
0x7b0: {  	s31 =	smul.u32 $0x180, s1;
	_ =	sdelay $0x1  }
0x7b1: {  	s4 =	sshra.s32 s31, $0x2  }
0x7b2: {  	[tilespmem:s4+$0xCDB8] =	vst v0  }
0x7b3: {  	v0 =	vld [tilespmem:s0+$0xCDC8];
	_ =	sdelay $0x4  }
0x7b4: {  	[tilespmem:s4+$0xCDC8] =	vst v0  }
0x7b5: {  	v0 =	vld [tilespmem:s0+$0xCDD8];
	_ =	sdelay $0x4  }
0x7b6: {  	[tilespmem:s4+$0xCDD8] =	vst v0  }
0x7b7: {  	v0 =	vld [tilespmem:s0+$0xCDE8];
	_ =	sdelay $0x4  }
0x7b8: {  	[tilespmem:s4+$0xCDE8] =	vst v0  }
0x7b9: {  	v0 =	vld [tilespmem:s0+$0xCDF8];
	_ =	sdelay $0x4  }
0x7ba: {  	[tilespmem:s4+$0xCDF8] =	vst v0  }
0x7bb: {  	v0 =	vld [tilespmem:s0+$0xCE08];
	_ =	sdelay $0x4  }
0x7bc: {  	s1 =	sadd.s32 $0x1, s1;
	[tilespmem:s4+$0xCE08] =	vst v0  }
.LBB2_35:
0x7bd: {  	s2 =	sadd.s32 $0x1, s2  }
0x7be: {  	p0 =	sne.s32 s2, $0x20  }
.Ltmp23:
0x7bf: {  	_ = 	snop;
	(pc) =	sbr.rel @!p0 .LBB2_36-.Ltmp23, $1  }
0x7c0: {  	_ =	sdelay $0x3  }
.LBB2_28:
0x7c1: {  	v0 =	vld.msk [tilespmem:s2+$0xCD98], $0x1;
	_ =	sdelay $0x4  }
0x7c2: {  	(v2sf) =	vpush v0, $0x0;
	_ =	sdelay $0xe  }
0x7c3: {  	s4 =	spop (v2sf)  }
0x7c4: {  	p0 =	seq.s32 s4, $0xFFFFFFFF  }
.Ltmp24:
0x7c5: {  	_ = 	snop;
	(pc) =	sbr.rel @p0 .LBB2_35-.Ltmp24, $1  }
0x7c6: {  	_ =	sdelay $0x3  }
0x7c7: {  	p0 =	slt.s32 s1, $0x1  }
.Ltmp25:
0x7c8: {  	_ = 	snop;
	(pc) =	sbr.rel @p0 .LBB2_34-.Ltmp25, $1  }
0x7c9: {  	_ =	sdelay $0x3  }
0x7ca: {  	s5 =	simm.s32 $0xCD98;
	p0 =	por $0x0, $0x0  }
0x7cb: {  	v1 =	vld.msk @!p0 [tilespmem:s5+$0x0], $0x1;
	_ =	sdelay $0x4  }
0x7cc: {  	(v2sf) =	vpush @!p0 v1, $0x0;
	_ =	sdelay $0xd  }
0x7cd: {  	p2 =	sne.s32 s1, $0x1  }
.Ltmp26:
0x7ce: {  	s0 =	spop @!p0 (v2sf);
	(pc) =	sbr.rel @!p2 .LBB2_32-.Ltmp26, $4  }
0x7cf: {  	p1 =	seq.s32 @!p0 s4, s0  }
0x7d0: {  	s6 =	simm.s32 $0x0;
	p1 =	por !p1, p0  }
0x7d1: {  	s0 =	simm.s32 $0xFFFFFFFF;
	s6 =	simm.s32 @p1 $0xFFFFFFFF  }
0x7d2: {  	s7 =	simm.s32 $0x1;
	s6 =	smov.u32 @p0 s0  }
.LBB2_31:
0x7d3: {  	s0 =	smov.u32 s6;
	p0 =	sne.s32 s6, $0xFFFFFFFF  }
0x7d4: {  	s5 =	sadd.s32 $0x1, s5;
	s6 =	smov.u32 s7;
	s7 =	sadd.s32 $0x1, s7  }
0x7d5: {  	p1 =	sne.s32 s1, s7;
	v1 =	vld.msk @!p0 [tilespmem:s5+$0x0], $0x1;
	_ =	sdelay $0x4  }
0x7d6: {  	(v2sf) =	vpush @!p0 v1, $0x0;
	_ =	sdelay $0xe  }
.Ltmp27:
0x7d7: {  	s8 =	spop @!p0 (v2sf);
	(pc) =	sbr.rel @p1 .LBB2_31-.Ltmp27, $4  }
0x7d8: {  	p2 =	seq.s32 @!p0 s4, s8  }
0x7d9: {  	p2 =	por !p2, p0  }
0x7da: {  	s6 =	simm.s32 @p2 $0xFFFFFFFF  }
0x7db: {  	s6 =	smov.u32 @p0 s0  }
.LBB2_32:
0x7dc: {  	p0 =	seq.s32 s6, $0xFFFFFFFF  }
.Ltmp28:
0x7dd: {  	_ = 	snop;
	(pc) =	sbr.rel @p0 .LBB2_34-.Ltmp28, $1  }
0x7de: {  	_ =	sdelay $0x3  }
0x7df: {  	s0 =	smul.u32 $0x180, s2;
	_ =	sdelay $0x1  }
0x7e0: {  	s0 =	sshra.s32 s0, $0x2  }
0x7e1: {  	v0 =	vld [tilespmem:s0+$0xCDB8];
	_ =	sdelay $0x1  }
0x7e2: {  	s4 =	smul.u32 $0x180, s6;
	_ =	sdelay $0x1  }
0x7e3: {  	s4 =	sshra.s32 s4, $0x2  }
0x7e4: {  	[tilespmem:s4+$0xCDB8] =	vst.add.f32.msk $0xffff, v0  }
0x7e5: {  	v0 =	vld [tilespmem:s0+$0xCDC8];
	_ =	sdelay $0x4  }
0x7e6: {  	[tilespmem:s4+$0xCDC8] =	vst.add.f32.msk $0xffff, v0  }
0x7e7: {  	v0 =	vld [tilespmem:s0+$0xCDD8];
	_ =	sdelay $0x4  }
0x7e8: {  	[tilespmem:s4+$0xCDD8] =	vst.add.f32.msk $0xffff, v0  }
0x7e9: {  	v0 =	vld [tilespmem:s0+$0xCDE8];
	_ =	sdelay $0x4  }
0x7ea: {  	[tilespmem:s4+$0xCDE8] =	vst.add.f32.msk $0xffff, v0  }
0x7eb: {  	v0 =	vld [tilespmem:s0+$0xCDF8];
	_ =	sdelay $0x4  }
0x7ec: {  	[tilespmem:s4+$0xCDF8] =	vst.add.f32.msk $0xffff, v0  }
0x7ed: {  	v0 =	vld [tilespmem:s0+$0xCE08]  }
.Ltmp29:
0x7ee: {  	_ = 	snop;
	(pc) =	sbr.rel .LBB2_35-.Ltmp29, $2  }
0x7ef: {  	_ =	sdelay $0x2  }
0x7f0: {  	[tilespmem:s4+$0xCE08] =	vst.add.f32.msk $0xffff, v0  }
.LBB2_36:
0x7f1: {  	p0 =	slt.s32 s1, $0x1  }
.Ltmp30:
0x7f2: {  	_ = 	snop;
	(pc) =	sbr.rel @p0 .LBB2_40-.Ltmp30, $3  }
0x7f3: {  	_ =	sdelay $0x1  }
0x7f4: {  	s0 =	simm.s32 $0x6  }
0x7f5: {  	s2 =	simm.s32 $0x0;
	[sflag:s0] =	ssyncpa.u1 $0x1  }
0x7f6: {  	s0 =	simm.s32 $0xCD98  }
0x7f7: {  	v0 =	vld.msk [tilespmem:s0+$0x0], $0x1;
	_ =	sdelay $0x4  }
0x7f8: {  	(v2sf) =	vpush v0, $0x0;
	_ =	sdelay $0xd  }
0x7f9: {  	s1 =	sadd.s32 $0xFFFFFFFF, s1  }
0x7fa: {  	p1 =	sne.s32 s1, $0x0;
	s0 =	spop (v2sf)  }
.Ltmp31:
0x7fb: {  	p0 =	sgt.u32 s0, $0xC34F5;
	(pc) =	sbr.rel @!p1 .LBB2_39-.Ltmp31, $4  }
0x7fc: {  	s4 =	simm.s32 $0xCDB8;
	s5 =	sand.u32 @!p0 $0xFFFF8, s0  }
0x7fd: {  	s6 =	simm.s32 $0x0;
	s0 =	sand.u32 @!p0 $0x7, s0;
	s5 =	sadd.s32 @!p0 s3, s5  }
0x7fe: {  	[hbm4b:s5+s0] =	stream.linear.scatter @!p0 [tilespmem:s4], [sflag:$0x5], $0x58, $0x38;
	[tilespmem:$0x1EF08] =	vst v63  }
0x7ff: {  	s6 =	simm.s32 @!p0 $0x160;
	s5 =	simm.s32 $0xCD99  }
.LBB2_38:
0x800: {  	v0 =	vld.msk [tilespmem:s5+$0x0], $0x1;
	s1 =	sadd.s32 $0xFFFFFFFF, s1;
	s2 =	sadd.s32 s2, s6  }
0x801: {  	p0 =	sne.s32 s1, $0x0;
	_ =	sdelay $0x3  }
0x802: {  	(v2sf) =	vpush v0, $0x0;
	_ =	sdelay $0xe  }
.Ltmp32:
0x803: {  	s0 =	spop (v2sf);
	(pc) =	sbr.rel @p0 .LBB2_38-.Ltmp32, $4  }
0x804: {  	s6 =	simm.s32 $0x0;
	p1 =	sgt.u32 s0, $0xC34F5  }
0x805: {  	s4 =	sadd.s32 $0x60, s4;
	s6 =	simm.s32 @!p1 $0x160;
	s7 =	sand.u32 @!p1 $0xFFFF8, s0  }
0x806: {  	s5 =	sadd.s32 $0x1, s5;
	s0 =	sand.u32 @!p1 $0x7, s0;
	s7 =	sadd.s32 @!p1 s3, s7  }
0x807: {  	[hbm4b:s7+s0] =	stream.linear.scatter @!p1 [tilespmem:s4], [sflag:$0x5], $0x58, $0x38;
	[tilespmem:$0x1EF08] =	vst v63  }
.LBB2_39:
0x808: {  	s0 =	sadd.s32 s2, s6  }
0x809: {  	s2 =	sshrl.u32 s0, $0x2  }
.LBB2_40:
0x80a: {  	s0 =	simm.s32 $0x5  }
0x80b: {  	_ =	swait.ge [sflag:s0], s2  }
0x80c: {  	s1 =	ssub.s32 $0x0, s2;
	[sflag:s0] =	ssyncset.done $0x0  }
0x80d: {  	[sflag:s0] =	ssyncadd.s32 s1  }
0x80e: {  	[sflag:s0] =	ssyncpa.u1 $0x1  }
0x80f: {  	s30 =	simm.s32 $0x1;
	_ =	sfence  }
0x810: {  	[sflag:s30] =	ssyncpa.u1 $0x1  }
0x811: {  	_ =	strace $0x90000053  }
0x812: {  	[bflag:$0x2] =	sbarrier.arrive $0xFFFF  }
0x813: {  	s31 =	rddreg [dreg:$0x1]  }
0x814: {  	s0 =	sadd.s32 $0x100000, s31  }
0x815: {  	[sflag:s0] =	ssyncadd.tile.s32 $0x1;
	_ =	shalt  }
.Lfunc_end2:
_tile_overlayer_lowered:
.L_overlay_start_2:
0x816: {  	(tag) =	ssettag $0x2  }
0x817: {  	s0 =	rddreg [dreg:$0x0];
	s2 =	stileid.u32  }
0x818: {  	s1 =	rddreg [dreg:$0x1];
	p0 =	sne.s32 s2, $0x0  }
0x819: {  	s3 =	rddreg [dreg:$0x2];
	[bflag:$0x3] =	sbarrier.arrive $0xFFFF;
	s2 =	simm.s32 @!p0 $0x1C01  }
0x81a: {  	[timem:s3], [sflag:s2] =	dma.local @!p0 [hbm:s0], s1  }
0x81b: {  	s0 =	simm.s32 @!p0 $0x1  }
0x81c: {  	_ =	swait.ge @!p0 [sflag:s0], s1  }
0x81d: {  	s1 =	ssub.s32 @!p0 $0x0, s1;
	[sflag:s0] =	ssyncset.done @!p0 $0x0  }
0x81e: {  	[sflag:s0] =	ssyncadd.s32 @!p0 s1  }
0x81f: {  	[bflag:$0x3] =	sbarrier.arrive $0xFFFF  }
0x820: {  	_ =	shalt  }

</sc_bundles>
